<compile_context>
chip_gen: v7x
topology: tpu7x:2x2x1
jax: 0.10.2.dev20260603
libtpu: 0.0.44.dev20260713+nightly
codegen_flags: <defaults>
</compile_context>

<pallas_src>
import functools

import jax
import jax.numpy as jnp
from jax import lax
from jax.experimental import pallas as pl
from jax.experimental.pallas import tpu as pltpu
from jax.experimental.pallas import tpu_sc as plsc

NC = 2
NS = 16
L = 16
C = 128
NW = NC * NS


def _chunk_layout(e, kb_max):
    assert e % C == 0
    n_chunks = e // C
    full = n_chunks // NW
    extra = n_chunks - full * NW
    kb = 1
    for cand in range(kb_max, 1, -1):
        if full % cand == 0:
            kb = cand
            break
    return full, extra, kb


def _pad_rows(n):
    return -(-n // (NS * 8)) * (NS * 8)


def _mesh():
    return plsc.VectorSubcoreMesh(core_axis_name="c", subcore_axis_name="s")


def _zero_rows(zsrc, accs, row0, rpt):
    zrows = zsrc.shape[0]
    done = 0
    while done < rpt:
        nrows = min(zrows, rpt - done)
        for acc in accs:
            pltpu.sync_copy(zsrc.at[pl.ds(0, nrows)],
                            acc.at[pl.ds(row0 + done, nrows)])
        done += nrows


def _sc_xscatter_build(n, e, d):
    full, extra, kb = _chunk_layout(e, 26)
    nblk = full // kb
    npad = _pad_rows(n)
    rpt = npad // NS

    @functools.partial(
        pl.kernel,
        out_type=jax.ShapeDtypeStruct((NC, npad, d), jnp.float32),
        mesh=_mesh(),
        scratch_types=(
            pltpu.VMEM_SHARED((npad, d), jnp.float32),
            pltpu.VMEM((C, d), jnp.float32),
            pltpu.VMEM((C, d), jnp.float32),
            pltpu.VMEM((kb * C,), jnp.int32),
            pltpu.VMEM((kb, C), jnp.int32),
            pltpu.VMEM((C,), jnp.int32),
            pltpu.VMEM((C,), jnp.int32),
            pltpu.SemaphoreType.DMA,
            pltpu.SemaphoreType.DMA,
            pltpu.SemaphoreType.DMA,
        ),
    )
    def sc_kernel(x_hbm, ei_hbm, xp_hbm,
                  acc_x, xbuf0, xbuf1, sblk, dblk, sx1, dx1,
                  sem0, sem1, isem):
        c = lax.axis_index("c")
        s = lax.axis_index("s")
        w = c * NS + s
        xbufs = (xbuf0, xbuf1)
        sems = (sem0, sem1)
        base_e = (full * w + jnp.minimum(w, extra)) * C

        def zrow(r, _):
            def zcol(j, _):
                xbuf0[r, pl.ds(j * L, L)] = jnp.zeros((L,), jnp.float32)
                return 0
            return lax.fori_loop(0, d // L, zcol, 0)
        lax.fori_loop(0, C, zrow, 0)
        _zero_rows(xbuf0, (acc_x,), s * rpt, rpt)
        plsc.subcore_barrier()

        def gather(jj, b):
            pltpu.async_copy(x_hbm.at[sblk.at[pl.ds(jj * C, C)]],
                             xbufs[b], sems[b])

        def wait(jj, b):
            pltpu.make_async_copy(x_hbm.at[sblk.at[pl.ds(jj * C, C)]],
                                  xbufs[b], sems[b]).wait()

        def scatter(jj, b):
            pltpu.sync_copy(xbufs[b], acc_x.at[dblk.at[jj]], add=True)

        def block(blk, _):
            e0 = base_e + kb * C * blk
            pltpu.sync_copy(ei_hbm.at[pl.ds(e0, kb * C)], sblk)
            for jj in range(kb):
                pltpu.async_copy(ei_hbm.at[pl.ds(e + e0 + jj * C, C)],
                                 dblk.at[jj], isem)
            for jj in range(kb):
                pltpu.make_async_copy(ei_hbm.at[pl.ds(e + e0 + jj * C, C)],
                                      dblk.at[jj], isem).wait()
            gather(0, 0)

            def body(jj2, _):
                jj = 2 * jj2
                wait(jj, 0)
                @pl.when(jj + 1 < kb)
                def _():
                    gather(jj + 1, 1)
                scatter(jj, 0)
                @pl.when(jj + 1 < kb)
                def _():
                    wait(jj + 1, 1)
                    @pl.when(jj + 2 < kb)
                    def _():
                        gather(jj + 2, 0)
                    scatter(jj + 1, 1)
                return 0
            lax.fori_loop(0, (kb + 1) // 2, body, 0)
            return 0
        lax.fori_loop(0, nblk, block, 0)

        if extra:
            @pl.when(w < extra)
            def _():
                e0 = base_e + full * C
                pltpu.sync_copy(ei_hbm.at[pl.ds(e0, C)], sx1)
                pltpu.sync_copy(ei_hbm.at[pl.ds(e + e0, C)], dx1)
                pltpu.async_copy(x_hbm.at[sx1], xbuf0, sem0).wait()
                pltpu.sync_copy(xbuf0, acc_x.at[dx1], add=True)

        plsc.subcore_barrier()
        row0 = s * rpt
        pltpu.sync_copy(acc_x.at[pl.ds(row0, rpt)], xp_hbm.at[c, pl.ds(row0, rpt)])

    return sc_kernel


def _sc_aux_build(n, e, ed, d):
    full, extra, kb = _chunk_layout(e, 26)
    nblk = full // kb
    npad = _pad_rows(n)
    rpt = npad // NS

    @functools.partial(
        pl.kernel,
        out_type=jax.ShapeDtypeStruct((NC, npad, d), jnp.float32),
        mesh=_mesh(),
        scratch_types=(
            pltpu.VMEM_SHARED((npad, d), jnp.float32),
            pltpu.VMEM((C, d), jnp.float32),
            pltpu.VMEM((C, d), jnp.float32),
            pltpu.VMEM((C * ed,), jnp.float32),
            pltpu.VMEM((C * ed,), jnp.float32),
            pltpu.VMEM((kb, C), jnp.int32),
            pltpu.VMEM((C,), jnp.int32),
            pltpu.SemaphoreType.DMA,
            pltpu.SemaphoreType.DMA,
            pltpu.SemaphoreType.DMA,
            pltpu.SemaphoreType.DMA,
            pltpu.SemaphoreType.DMA,
        ),
    )
    def sc_kernel(eaflat_hbm, ei_hbm, ep_hbm,
                  acc_ec, src0, src1, pack0, pack1, dblk, dx1,
                  psem0, psem1, ssem0, ssem1, isem):
        c = lax.axis_index("c")
        s = lax.axis_index("s")
        w = c * NS + s
        srcs = (src0, src1)
        packs = (pack0, pack1)
        psems = (psem0, psem1)
        ssems = (ssem0, ssem1)
        base_e = (full * w + jnp.minimum(w, extra)) * C

        def zrow(r, _):
            def zcol(j, _):
                src0[r, pl.ds(j * L, L)] = jnp.zeros((L,), jnp.float32)
                src1[r, pl.ds(j * L, L)] = jnp.zeros((L,), jnp.float32)
                return 0
            return lax.fori_loop(0, d // L, zcol, 0)
        lax.fori_loop(0, C, zrow, 0)
        _zero_rows(src0, (acc_ec,), s * rpt, rpt)

        def orow(r, _):
            src0[r, pl.ds(ed, L)] = jnp.ones((L,), jnp.float32)
            src1[r, pl.ds(ed, L)] = jnp.ones((L,), jnp.float32)
            return 0
        lax.fori_loop(0, C, orow, 0)
        plsc.subcore_barrier()

        def pack_start(e0, jj, b):
            pltpu.async_copy(eaflat_hbm.at[pl.ds((e0 + jj * C) * ed, C * ed)],
                             packs[b], psems[b])

        def pack_wait(e0, jj, b):
            pltpu.make_async_copy(
                eaflat_hbm.at[pl.ds((e0 + jj * C) * ed, C * ed)],
                packs[b], psems[b]).wait()

        def expand(b):
            def erow(g, _):
                srcs[b][g, pl.ds(0, ed)] = packs[b][pl.ds(g * ed, ed)]
                return 0
            lax.fori_loop(0, C, erow, 0, unroll=8)

        def scat_start(jj, b):
            pltpu.async_copy(srcs[b], acc_ec.at[dblk.at[jj]],
                             ssems[b], add=True)

        def scat_wait(b):
            pltpu.make_async_copy(srcs[b], acc_ec.at[dblk.at[0]],
                                  ssems[b]).wait()

        def block(blk, _):
            e0 = base_e + kb * C * blk
            for jj in range(kb):
                pltpu.async_copy(ei_hbm.at[pl.ds(e + e0 + jj * C, C)],
                                 dblk.at[jj], isem)
            for jj in range(kb):
                pltpu.make_async_copy(ei_hbm.at[pl.ds(e + e0 + jj * C, C)],
                                      dblk.at[jj], isem).wait()
            pack_start(e0, 0, 0)

            def body(jj2, _):
                jj = 2 * jj2
                pack_wait(e0, jj, 0)
                @pl.when(jj + 1 < kb)
                def _():
                    pack_start(e0, jj + 1, 1)
                @pl.when(jj2 > 0)
                def _():
                    scat_wait(0)
                expand(0)
                scat_start(jj, 0)
                @pl.when(jj + 1 < kb)
                def _():
                    pack_wait(e0, jj + 1, 1)
                    @pl.when(jj + 2 < kb)
                    def _():
                        pack_start(e0, jj + 2, 0)
                    @pl.when(jj2 > 0)
                    def _():
                        scat_wait(1)
                    expand(1)
                    scat_start(jj + 1, 1)
                return 0
            lax.fori_loop(0, (kb + 1) // 2, body, 0)
            scat_wait(0)
            if kb > 1:
                scat_wait(1)
            return 0
        lax.fori_loop(0, nblk, block, 0)

        if extra:
            @pl.when(w < extra)
            def _():
                e0 = base_e + full * C
                pltpu.sync_copy(ei_hbm.at[pl.ds(e + e0, C)], dx1)
                pltpu.sync_copy(eaflat_hbm.at[pl.ds(e0 * ed, C * ed)], pack0)
                expand(0)
                pltpu.sync_copy(src0, acc_ec.at[dx1], add=True)

        plsc.subcore_barrier()
        row0 = s * rpt
        pltpu.sync_copy(acc_ec.at[pl.ds(row0, rpt)], ep_hbm.at[c, pl.ds(row0, rpt)])

    return sc_kernel


def _tc_dense(xparts, ecparts, x, W_edge, b_edge, W_l, b_l, W_r):
    n, d = x.shape
    ed = W_edge.shape[0]
    bn = 1000
    assert n % bn == 0

    def body(xp, ep, x_ref, we, be, wl, bl, wr, o_ref):
        sx = xp[0] + xp[1]
        ec = ep[0] + ep[1]
        se = ec[:, 0:ed]
        cnt = ec[:, ed:ed + 1]
        summed = sx + jnp.dot(se, we[...], preferred_element_type=jnp.float32)
        summed = summed + cnt * be[...]
        agg = summed / jnp.maximum(cnt, 1.0)
        o_ref[...] = (
            jnp.dot(agg, wl[...], preferred_element_type=jnp.float32)
            + bl[...]
            + jnp.dot(x_ref[...], wr[...], preferred_element_type=jnp.float32)
        )

    return pl.pallas_call(
        body,
        grid=(n // bn,),
        in_specs=[
            pl.BlockSpec((NC, bn, d), lambda i: (0, i, 0)),
            pl.BlockSpec((NC, bn, d), lambda i: (0, i, 0)),
            pl.BlockSpec((bn, d), lambda i: (i, 0)),
            pl.BlockSpec((ed, d), lambda i: (0, 0)),
            pl.BlockSpec((1, d), lambda i: (0, 0)),
            pl.BlockSpec((d, d), lambda i: (0, 0)),
            pl.BlockSpec((1, d), lambda i: (0, 0)),
            pl.BlockSpec((d, d), lambda i: (0, 0)),
        ],
        out_specs=pl.BlockSpec((bn, d), lambda i: (i, 0)),
        out_shape=jax.ShapeDtypeStruct((n, d), jnp.float32),
    )(xparts, ecparts, x, W_edge, b_edge, W_l, b_l, W_r)


def kernel(x, edge_index, edge_attr, W_edge, b_edge, W_l, b_l, W_r):
    n, d = x.shape
    e, ed = edge_attr.shape
    assert ed == L and d % L == 0
    ei_flat = edge_index.astype(jnp.int32).reshape(-1)
    xparts = _sc_xscatter_build(n, e, d)(x, ei_flat)
    ecparts = _sc_aux_build(n, e, ed, d)(edge_attr.reshape(-1), ei_flat)
    return _tc_dense(xparts, ecparts, x, W_edge,
                     b_edge.reshape(1, d), W_l, b_l.reshape(1, d), W_r)

# --- scband reference (transcript-rebuilt; emitter-appended) ---
"""Pipeline reference for scband-layer-edge-sageconv-24996709662725 (READ-ONLY COPY).

The authoritative reference and input builder live on the scoring server;
editing this copy changes nothing except your own understanding.
"""

import jax, jax.numpy as jnp
import numpy as np

N = 10000
E = 320000
D = 128
ED = 16

def setup_inputs(seed: int = 0) -> dict:
    key = jax.random.key(seed)
    ks = jax.random.split(key, 8)
    x = jax.random.normal(ks[0], (N, D), dtype=jnp.float32)
    edge_index = jax.random.randint(ks[1], (2, E), 0, N).astype(jnp.int64)
    edge_attr = jax.random.normal(ks[2], (E, ED), dtype=jnp.float32)
    # learned params (EdgeSAGEConv with edge_agg='add', edge_dim=16 != in_channels=128)
    W_edge = jax.random.normal(ks[3], (ED, D), dtype=jnp.float32) * (1.0 / np.sqrt(ED))
    b_edge = jnp.zeros((D,), dtype=jnp.float32)
    W_l = jax.random.normal(ks[4], (D, D), dtype=jnp.float32) * (1.0 / np.sqrt(D))
    b_l = jnp.zeros((D,), dtype=jnp.float32)
    W_r = jax.random.normal(ks[5], (D, D), dtype=jnp.float32) * (1.0 / np.sqrt(D))
    return {"x": x, "edge_index": edge_index, "edge_attr": edge_attr,
            "W_edge": W_edge, "b_edge": b_edge, "W_l": W_l, "b_l": b_l, "W_r": W_r}

def reference(x, edge_index, edge_attr, W_edge, b_edge, W_l, b_l, W_r):
    n = x.shape[0]
    src = edge_index[0]  # x_j (source / neighbor)
    dst = edge_index[1]  # x_i (target, aggregation index)
    # message: x_j + map_edges(edge_attr)  (edge_agg='add')
    mapped = edge_attr @ W_edge + b_edge
    msg = jnp.take(x, src, axis=0) + mapped
    # aggr='mean': segment_sum / count
    summed = jax.ops.segment_sum(msg, dst, num_segments=n)
    cnt = jax.ops.segment_sum(jnp.ones((msg.shape[0], 1), dtype=x.dtype), dst, num_segments=n)
    agg = summed / jnp.maximum(cnt, 1.0)
    # out = lin_l(agg) + lin_r(x)
    out = agg @ W_l + b_l + x @ W_r
    return out

if __name__ == "__main__":
    import jax
    _d = setup_inputs()
    print(jax.jit(kernel)(*tuple(_d.values())))

</pallas_src>

<mosaic_0001>
#map = affine_map<(d0, d1) -> (0, 0)>
#map1 = affine_map<(d0, d1) -> (0)>
#map2 = affine_map<(d0, d1) -> (0, 0, 0)>
module attributes {stable_mosaic.version = 14 : i64} {
  func.func @sc_kernel(%arg0: i32, %arg1: i32, %arg2: memref<10000x128xf32, #tpu.memory_space<hbm>>, %arg3: memref<640000xi32, #tpu.memory_space<hbm>>, %arg4: memref<2x10112x128xf32, #tpu.memory_space<hbm>>, %arg5: memref<10112x128xf32, #tpu.memory_space<vmem_shared>>, %arg6: memref<128x128xf32, #tpu.memory_space<vmem>>, %arg7: memref<128x128xf32, #tpu.memory_space<vmem>>, %arg8: memref<3328xi32, #tpu.memory_space<vmem>>, %arg9: memref<26x128xi32, #tpu.memory_space<vmem>>, %arg10: memref<128xi32, #tpu.memory_space<vmem>>, %arg11: memref<128xi32, #tpu.memory_space<vmem>>, %arg12: memref<!tpu.dma_semaphore, #tpu.memory_space<semaphore_mem>>, %arg13: memref<!tpu.dma_semaphore, #tpu.memory_space<semaphore_mem>>, %arg14: memref<!tpu.dma_semaphore, #tpu.memory_space<semaphore_mem>>) attributes {dimension_semantics = [#tpu.dimension_semantics<core_parallel>, #tpu.dimension_semantics<subcore_parallel>], iteration_bounds = array<i64: 2, 16>, scalar_prefetch = 0 : i64, scratch_operands = 10 : i64, tpu.core_type = #tpu.core_type<sc_vector_subcore>, window_params = [{transform_indices = #map}, {transform_indices = #map1}, {transform_indices = #map2}]} {
    %mul3A = arith.constant 16 : i32
    %mul3A_0 = arith.muli %arg0, %mul3A : i32
    %add3A = arith.addi %mul3A_0, %arg1 : i32
    %mul3A_1 = arith.constant 78 : i32
    %mul3A_2 = arith.muli %mul3A_1, %add3A : i32
    %min3A = arith.constant 4 : i32
    %min3A_3 = arith.minsi %add3A, %min3A : i32
    %add3A_4 = arith.addi %mul3A_2, %min3A_3 : i32
    %mul3A_5 = arith.constant 128 : i32
    %mul3A_6 = arith.muli %add3A_4, %mul3A_5 : i32
    %scan3A = arith.constant 0 : i32
    %scan3A_7 = arith.constant 0 : i32
    %scan3A_8 = arith.constant 128 : i32
    %scan3A_9 = arith.addi %scan3A_7, %scan3A_8 : i32
    %scan3A_10 = arith.constant 1 : i32
    %scan3A_11 = scf.for %scan3A_37 = %scan3A_7 to %scan3A_9 step %scan3A_10 iter_args(%scan3A_38 = %scan3A) -> (i32)  : i32 {
      %scan3A_39 = arith.constant 0 : i32
      %scan3A_40 = arith.constant 0 : i32
      %scan3A_41 = arith.constant 8 : i32
      %scan3A_42 = arith.addi %scan3A_40, %scan3A_41 : i32
      %scan3A_43 = arith.constant 1 : i32
      %scan3A_44 = scf.for %scan3A_46 = %scan3A_40 to %scan3A_42 step %scan3A_43 iter_args(%scan3A_47 = %scan3A_39) -> (i32)  : i32 {
        %broadcast_in_dim3A = arith.constant 0.000000e+00 : f32
        %broadcast_in_dim3A_48 = vector.broadcast %broadcast_in_dim3A : f32 to vector<16xf32>
        %mul3A_49 = arith.constant 16 : i32
        %mul3A_50 = arith.muli %scan3A_46, %mul3A_49 : i32
        %swap3A = arith.index_cast %scan3A_37 : i32 to index
        %swap3A_51 = arith.index_cast %mul3A_50 : i32 to index
        %swap3A_52 = tpu.vector_load %arg6[%swap3A, %swap3A_51] {strides = array<i32>} : memref<128x128xf32, #tpu.memory_space<vmem>>, vector<1x16xf32>,
        %swap3A_53 = vector.shape_cast %swap3A_52 : vector<1x16xf32> to vector<16xf32>
        %swap3A_54 = vector.shape_cast %broadcast_in_dim3A_48 : vector<16xf32> to vector<1x16xf32>
        tpu.vector_store %arg6[%swap3A, %swap3A_51], %swap3A_54 {strides = array<i32>} : memref<128x128xf32, #tpu.memory_space<vmem>>, vector<1x16xf32>,
        %scan3A_55 = arith.constant 0 : i32
        scf.yield %scan3A_55 : i32
      }
      %scan3A_45 = arith.constant 8 : i32
      scf.yield %scan3A_44 : i32
    }
    %scan3A_12 = arith.constant 128 : i32
    %mul3A_13 = arith.constant 632 : i32
    %mul3A_14 = arith.muli %arg1, %mul3A_13 : i32
    %add3A_15 = arith.constant 0 : i32
    %add3A_16 = arith.addi %mul3A_14, %add3A_15 : i32
    "tpu.region"() ({
      %run_scoped3A = tpu.sem_alloc : memref<!tpu.dma_semaphore, #tpu.memory_space<semaphore_mem>>
      %dma_start3A = arith.constant 0 : i32
      %dma_start3A_37 = arith.constant 0 : i32
      %dma_start3A_38 = tpu.memref_slice %arg6[%dma_start3A, %dma_start3A_37] : memref<128x128xf32, #tpu.memory_space<vmem>> -> memref<128x128xf32, #tpu.memory_space<vmem>>
      %dma_start3A_39 = arith.constant 0 : i32
      %dma_start3A_40 = tpu.memref_slice %arg5[%add3A_16, %dma_start3A_39] : memref<10112x128xf32, #tpu.memory_space<vmem_shared>> -> memref<128x128xf32, #tpu.memory_space<vmem_shared>>
      %dma_start3A_41 = arith.constant 0 : i32
      %dma_start3A_42 = tpu.memref_slice %arg5[%add3A_16, %dma_start3A_41] : memref<10112x128xf32, #tpu.memory_space<vmem_shared>> -> memref<128x128xf32, #tpu.memory_space<vmem_shared>>
      %dma_start3A_43 = arith.constant 0 : i32
      %dma_start3A_44 = arith.constant 0 : i32
      %dma_start3A_45 = tpu.memref_slice %arg6[%dma_start3A_43, %dma_start3A_44] : memref<128x128xf32, #tpu.memory_space<vmem>> -> memref<128x128xf32, #tpu.memory_space<vmem>>
      tpu.enqueue_dma source(%dma_start3A_45 : memref<128x128xf32, #tpu.memory_space<vmem>>) target(%dma_start3A_42 : memref<128x128xf32, #tpu.memory_space<vmem_shared>>) target_semaphore(%run_scoped3A : memref<!tpu.dma_semaphore, #tpu.memory_space<semaphore_mem>>)
      %dma_wait3A = arith.constant 0 : i32
      %dma_wait3A_46 = arith.constant 0 : i32
      %dma_wait3A_47 = tpu.memref_slice %arg6[%dma_wait3A, %dma_wait3A_46] : memref<128x128xf32, #tpu.memory_space<vmem>> -> memref<128x128xf32, #tpu.memory_space<vmem>>
      %dma_wait3A_48 = arith.constant 0 : i32
      %dma_wait3A_49 = tpu.memref_slice %arg5[%add3A_16, %dma_wait3A_48] : memref<10112x128xf32, #tpu.memory_space<vmem_shared>> -> memref<128x128xf32, #tpu.memory_space<vmem_shared>>
      %dma_wait3A_50 = arith.constant 0 : i32
      %dma_wait3A_51 = tpu.memref_slice %arg5[%add3A_16, %dma_wait3A_50] : memref<10112x128xf32, #tpu.memory_space<vmem_shared>> -> memref<128x128xf32, #tpu.memory_space<vmem_shared>>
      %dma_wait3A_52 = arith.constant 0 : i32
      %dma_wait3A_53 = arith.constant 0 : i32
      %dma_wait3A_54 = tpu.memref_slice %arg6[%dma_wait3A_52, %dma_wait3A_53] : memref<128x128xf32, #tpu.memory_space<vmem>> -> memref<128x128xf32, #tpu.memory_space<vmem>>
      tpu.wait_dma2 semaphore(%run_scoped3A : memref<!tpu.dma_semaphore, #tpu.memory_space<semaphore_mem>>) src(%dma_wait3A_54 : memref<128x128xf32, #tpu.memory_space<vmem>>) dst(%dma_wait3A_51 : memref<128x128xf32, #tpu.memory_space<vmem_shared>>)
      tpu.yield
    }) : () -> ()
    %add3A_17 = arith.constant 128 : i32
    %add3A_18 = arith.addi %mul3A_14, %add3A_17 : i32
    "tpu.region"() ({
      %run_scoped3A = tpu.sem_alloc : memref<!tpu.dma_semaphore, #tpu.memory_space<semaphore_mem>>
      %dma_start3A = arith.constant 0 : i32
      %dma_start3A_37 = arith.constant 0 : i32
      %dma_start3A_38 = tpu.memref_slice %arg6[%dma_start3A, %dma_start3A_37] : memref<128x128xf32, #tpu.memory_space<vmem>> -> memref<128x128xf32, #tpu.memory_space<vmem>>
      %dma_start3A_39 = arith.constant 0 : i32
      %dma_start3A_40 = tpu.memref_slice %arg5[%add3A_18, %dma_start3A_39] : memref<10112x128xf32, #tpu.memory_space<vmem_shared>> -> memref<128x128xf32, #tpu.memory_space<vmem_shared>>
      %dma_start3A_41 = arith.constant 0 : i32
      %dma_start3A_42 = tpu.memref_slice %arg5[%add3A_18, %dma_start3A_41] : memref<10112x128xf32, #tpu.memory_space<vmem_shared>> -> memref<128x128xf32, #tpu.memory_space<vmem_shared>>
      %dma_start3A_43 = arith.constant 0 : i32
      %dma_start3A_44 = arith.constant 0 : i32
      %dma_start3A_45 = tpu.memref_slice %arg6[%dma_start3A_43, %dma_start3A_44] : memref<128x128xf32, #tpu.memory_space<vmem>> -> memref<128x128xf32, #tpu.memory_space<vmem>>
      tpu.enqueue_dma source(%dma_start3A_45 : memref<128x128xf32, #tpu.memory_space<vmem>>) target(%dma_start3A_42 : memref<128x128xf32, #tpu.memory_space<vmem_shared>>) target_semaphore(%run_scoped3A : memref<!tpu.dma_semaphore, #tpu.memory_space<semaphore_mem>>)
      %dma_wait3A = arith.constant 0 : i32
      %dma_wait3A_46 = arith.constant 0 : i32
      %dma_wait3A_47 = tpu.memref_slice %arg6[%dma_wait3A, %dma_wait3A_46] : memref<128x128xf32, #tpu.memory_space<vmem>> -> memref<128x128xf32, #tpu.memory_space<vmem>>
      %dma_wait3A_48 = arith.constant 0 : i32
      %dma_wait3A_49 = tpu.memref_slice %arg5[%add3A_18, %dma_wait3A_48] : memref<10112x128xf32, #tpu.memory_space<vmem_shared>> -> memref<128x128xf32, #tpu.memory_space<vmem_shared>>
      %dma_wait3A_50 = arith.constant 0 : i32
      %dma_wait3A_51 = tpu.memref_slice %arg5[%add3A_18, %dma_wait3A_50] : memref<10112x128xf32, #tpu.memory_space<vmem_shared>> -> memref<128x128xf32, #tpu.memory_space<vmem_shared>>
      %dma_wait3A_52 = arith.constant 0 : i32
      %dma_wait3A_53 = arith.constant 0 : i32
      %dma_wait3A_54 = tpu.memref_slice %arg6[%dma_wait3A_52, %dma_wait3A_53] : memref<128x128xf32, #tpu.memory_space<vmem>> -> memref<128x128xf32, #tpu.memory_space<vmem>>
      tpu.wait_dma2 semaphore(%run_scoped3A : memref<!tpu.dma_semaphore, #tpu.memory_space<semaphore_mem>>) src(%dma_wait3A_54 : memref<128x128xf32, #tpu.memory_space<vmem>>) dst(%dma_wait3A_51 : memref<128x128xf32, #tpu.memory_space<vmem_shared>>)
      tpu.yield
    }) : () -> ()
    %add3A_19 = arith.constant 256 : i32
    %add3A_20 = arith.addi %mul3A_14, %add3A_19 : i32
    "tpu.region"() ({
      %run_scoped3A = tpu.sem_alloc : memref<!tpu.dma_semaphore, #tpu.memory_space<semaphore_mem>>
      %dma_start3A = arith.constant 0 : i32
      %dma_start3A_37 = arith.constant 0 : i32
      %dma_start3A_38 = tpu.memref_slice %arg6[%dma_start3A, %dma_start3A_37] : memref<128x128xf32, #tpu.memory_space<vmem>> -> memref<128x128xf32, #tpu.memory_space<vmem>>
      %dma_start3A_39 = arith.constant 0 : i32
      %dma_start3A_40 = tpu.memref_slice %arg5[%add3A_20, %dma_start3A_39] : memref<10112x128xf32, #tpu.memory_space<vmem_shared>> -> memref<128x128xf32, #tpu.memory_space<vmem_shared>>
      %dma_start3A_41 = arith.constant 0 : i32
      %dma_start3A_42 = tpu.memref_slice %arg5[%add3A_20, %dma_start3A_41] : memref<10112x128xf32, #tpu.memory_space<vmem_shared>> -> memref<128x128xf32, #tpu.memory_space<vmem_shared>>
      %dma_start3A_43 = arith.constant 0 : i32
      %dma_start3A_44 = arith.constant 0 : i32
      %dma_start3A_45 = tpu.memref_slice %arg6[%dma_start3A_43, %dma_start3A_44] : memref<128x128xf32, #tpu.memory_space<vmem>> -> memref<128x128xf32, #tpu.memory_space<vmem>>
      tpu.enqueue_dma source(%dma_start3A_45 : memref<128x128xf32, #tpu.memory_space<vmem>>) target(%dma_start3A_42 : memref<128x128xf32, #tpu.memory_space<vmem_shared>>) target_semaphore(%run_scoped3A : memref<!tpu.dma_semaphore, #tpu.memory_space<semaphore_mem>>)
      %dma_wait3A = arith.constant 0 : i32
      %dma_wait3A_46 = arith.constant 0 : i32
      %dma_wait3A_47 = tpu.memref_slice %arg6[%dma_wait3A, %dma_wait3A_46] : memref<128x128xf32, #tpu.memory_space<vmem>> -> memref<128x128xf32, #tpu.memory_space<vmem>>
      %dma_wait3A_48 = arith.constant 0 : i32
      %dma_wait3A_49 = tpu.memref_slice %arg5[%add3A_20, %dma_wait3A_48] : memref<10112x128xf32, #tpu.memory_space<vmem_shared>> -> memref<128x128xf32, #tpu.memory_space<vmem_shared>>
      %dma_wait3A_50 = arith.constant 0 : i32
      %dma_wait3A_51 = tpu.memref_slice %arg5[%add3A_20, %dma_wait3A_50] : memref<10112x128xf32, #tpu.memory_space<vmem_shared>> -> memref<128x128xf32, #tpu.memory_space<vmem_shared>>
      %dma_wait3A_52 = arith.constant 0 : i32
      %dma_wait3A_53 = arith.constant 0 : i32
      %dma_wait3A_54 = tpu.memref_slice %arg6[%dma_wait3A_52, %dma_wait3A_53] : memref<128x128xf32, #tpu.memory_space<vmem>> -> memref<128x128xf32, #tpu.memory_space<vmem>>
      tpu.wait_dma2 semaphore(%run_scoped3A : memref<!tpu.dma_semaphore, #tpu.memory_space<semaphore_mem>>) src(%dma_wait3A_54 : memref<128x128xf32, #tpu.memory_space<vmem>>) dst(%dma_wait3A_51 : memref<128x128xf32, #tpu.memory_space<vmem_shared>>)
      tpu.yield
    }) : () -> ()
    %add3A_21 = arith.constant 384 : i32
    %add3A_22 = arith.addi %mul3A_14, %add3A_21 : i32
    "tpu.region"() ({
      %run_scoped3A = tpu.sem_alloc : memref<!tpu.dma_semaphore, #tpu.memory_space<semaphore_mem>>
      %dma_start3A = arith.constant 0 : i32
      %dma_start3A_37 = arith.constant 0 : i32
      %dma_start3A_38 = tpu.memref_slice %arg6[%dma_start3A, %dma_start3A_37] : memref<128x128xf32, #tpu.memory_space<vmem>> -> memref<128x128xf32, #tpu.memory_space<vmem>>
      %dma_start3A_39 = arith.constant 0 : i32
      %dma_start3A_40 = tpu.memref_slice %arg5[%add3A_22, %dma_start3A_39] : memref<10112x128xf32, #tpu.memory_space<vmem_shared>> -> memref<128x128xf32, #tpu.memory_space<vmem_shared>>
      %dma_start3A_41 = arith.constant 0 : i32
      %dma_start3A_42 = tpu.memref_slice %arg5[%add3A_22, %dma_start3A_41] : memref<10112x128xf32, #tpu.memory_space<vmem_shared>> -> memref<128x128xf32, #tpu.memory_space<vmem_shared>>
      %dma_start3A_43 = arith.constant 0 : i32
      %dma_start3A_44 = arith.constant 0 : i32
      %dma_start3A_45 = tpu.memref_slice %arg6[%dma_start3A_43, %dma_start3A_44] : memref<128x128xf32, #tpu.memory_space<vmem>> -> memref<128x128xf32, #tpu.memory_space<vmem>>
      tpu.enqueue_dma source(%dma_start3A_45 : memref<128x128xf32, #tpu.memory_space<vmem>>) target(%dma_start3A_42 : memref<128x128xf32, #tpu.memory_space<vmem_shared>>) target_semaphore(%run_scoped3A : memref<!tpu.dma_semaphore, #tpu.memory_space<semaphore_mem>>)
      %dma_wait3A = arith.constant 0 : i32
      %dma_wait3A_46 = arith.constant 0 : i32
      %dma_wait3A_47 = tpu.memref_slice %arg6[%dma_wait3A, %dma_wait3A_46] : memref<128x128xf32, #tpu.memory_space<vmem>> -> memref<128x128xf32, #tpu.memory_space<vmem>>
      %dma_wait3A_48 = arith.constant 0 : i32
      %dma_wait3A_49 = tpu.memref_slice %arg5[%add3A_22, %dma_wait3A_48] : memref<10112x128xf32, #tpu.memory_space<vmem_shared>> -> memref<128x128xf32, #tpu.memory_space<vmem_shared>>
      %dma_wait3A_50 = arith.constant 0 : i32
      %dma_wait3A_51 = tpu.memref_slice %arg5[%add3A_22, %dma_wait3A_50] : memref<10112x128xf32, #tpu.memory_space<vmem_shared>> -> memref<128x128xf32, #tpu.memory_space<vmem_shared>>
      %dma_wait3A_52 = arith.constant 0 : i32
      %dma_wait3A_53 = arith.constant 0 : i32
      %dma_wait3A_54 = tpu.memref_slice %arg6[%dma_wait3A_52, %dma_wait3A_53] : memref<128x128xf32, #tpu.memory_space<vmem>> -> memref<128x128xf32, #tpu.memory_space<vmem>>
      tpu.wait_dma2 semaphore(%run_scoped3A : memref<!tpu.dma_semaphore, #tpu.memory_space<semaphore_mem>>) src(%dma_wait3A_54 : memref<128x128xf32, #tpu.memory_space<vmem>>) dst(%dma_wait3A_51 : memref<128x128xf32, #tpu.memory_space<vmem_shared>>)
      tpu.yield
    }) : () -> ()
    %add3A_23 = arith.constant 512 : i32
    %add3A_24 = arith.addi %mul3A_14, %add3A_23 : i32
    "tpu.region"() ({
      %run_scoped3A = tpu.sem_alloc : memref<!tpu.dma_semaphore, #tpu.memory_space<semaphore_mem>>
      %dma_start3A = arith.constant 0 : i32
      %dma_start3A_37 = arith.constant 0 : i32
      %dma_start3A_38 = tpu.memref_slice %arg6[%dma_start3A, %dma_start3A_37] : memref<128x128xf32, #tpu.memory_space<vmem>> -> memref<120x128xf32, #tpu.memory_space<vmem>>
      %dma_start3A_39 = arith.constant 0 : i32
      %dma_start3A_40 = tpu.memref_slice %arg5[%add3A_24, %dma_start3A_39] : memref<10112x128xf32, #tpu.memory_space<vmem_shared>> -> memref<120x128xf32, #tpu.memory_space<vmem_shared>>
      %dma_start3A_41 = arith.constant 0 : i32
      %dma_start3A_42 = tpu.memref_slice %arg5[%add3A_24, %dma_start3A_41] : memref<10112x128xf32, #tpu.memory_space<vmem_shared>> -> memref<120x128xf32, #tpu.memory_space<vmem_shared>>
      %dma_start3A_43 = arith.constant 0 : i32
      %dma_start3A_44 = arith.constant 0 : i32
      %dma_start3A_45 = tpu.memref_slice %arg6[%dma_start3A_43, %dma_start3A_44] : memref<128x128xf32, #tpu.memory_space<vmem>> -> memref<120x128xf32, #tpu.memory_space<vmem>>
      tpu.enqueue_dma source(%dma_start3A_45 : memref<120x128xf32, #tpu.memory_space<vmem>>) target(%dma_start3A_42 : memref<120x128xf32, #tpu.memory_space<vmem_shared>>) target_semaphore(%run_scoped3A : memref<!tpu.dma_semaphore, #tpu.memory_space<semaphore_mem>>)
      %dma_wait3A = arith.constant 0 : i32
      %dma_wait3A_46 = arith.constant 0 : i32
      %dma_wait3A_47 = tpu.memref_slice %arg6[%dma_wait3A, %dma_wait3A_46] : memref<128x128xf32, #tpu.memory_space<vmem>> -> memref<120x128xf32, #tpu.memory_space<vmem>>
      %dma_wait3A_48 = arith.constant 0 : i32
      %dma_wait3A_49 = tpu.memref_slice %arg5[%add3A_24, %dma_wait3A_48] : memref<10112x128xf32, #tpu.memory_space<vmem_shared>> -> memref<120x128xf32, #tpu.memory_space<vmem_shared>>
      %dma_wait3A_50 = arith.constant 0 : i32
      %dma_wait3A_51 = tpu.memref_slice %arg5[%add3A_24, %dma_wait3A_50] : memref<10112x128xf32, #tpu.memory_space<vmem_shared>> -> memref<120x128xf32, #tpu.memory_space<vmem_shared>>
      %dma_wait3A_52 = arith.constant 0 : i32
      %dma_wait3A_53 = arith.constant 0 : i32
      %dma_wait3A_54 = tpu.memref_slice %arg6[%dma_wait3A_52, %dma_wait3A_53] : memref<128x128xf32, #tpu.memory_space<vmem>> -> memref<120x128xf32, #tpu.memory_space<vmem>>
      tpu.wait_dma2 semaphore(%run_scoped3A : memref<!tpu.dma_semaphore, #tpu.memory_space<semaphore_mem>>) src(%dma_wait3A_54 : memref<120x128xf32, #tpu.memory_space<vmem>>) dst(%dma_wait3A_51 : memref<120x128xf32, #tpu.memory_space<vmem_shared>>)
      tpu.yield
    }) : () -> ()
    %barrier3A = arith.constant 0 : index
    tpu.barrier barrier_id(%barrier3A)
    %scan3A_25 = arith.constant 0 : i32
    %scan3A_26 = arith.constant 0 : i32
    %scan3A_27 = arith.constant 3 : i32
    %scan3A_28 = arith.addi %scan3A_26, %scan3A_27 : i32
    %scan3A_29 = arith.constant 1 : i32
    %scan3A_30 = scf.for %scan3A_37 = %scan3A_26 to %scan3A_28 step %scan3A_29 iter_args(%scan3A_38 = %scan3A_25) -> (i32)  : i32 {
      %mul3A_39 = arith.constant 3328 : i32
      %mul3A_40 = arith.muli %mul3A_39, %scan3A_37 : i32
      %add3A_41 = arith.addi %mul3A_6, %mul3A_40 : i32
      "tpu.region"() ({
        %run_scoped3A = tpu.sem_alloc : memref<!tpu.dma_semaphore, #tpu.memory_space<semaphore_mem>>
        %dma_start3A_729 = tpu.memref_slice %arg3[%add3A_41] : memref<640000xi32, #tpu.memory_space<hbm>> -> memref<3328xi32, #tpu.memory_space<hbm>>
        %dma_start3A_730 = tpu.memref_slice %arg3[%add3A_41] : memref<640000xi32, #tpu.memory_space<hbm>> -> memref<3328xi32, #tpu.memory_space<hbm>>
        tpu.enqueue_dma source(%dma_start3A_730 : memref<3328xi32, #tpu.memory_space<hbm>>) target(%arg8 : memref<3328xi32, #tpu.memory_space<vmem>>) target_semaphore(%run_scoped3A : memref<!tpu.dma_semaphore, #tpu.memory_space<semaphore_mem>>)
        %dma_wait3A_731 = tpu.memref_slice %arg3[%add3A_41] : memref<640000xi32, #tpu.memory_space<hbm>> -> memref<3328xi32, #tpu.memory_space<hbm>>
        %dma_wait3A_732 = tpu.memref_slice %arg3[%add3A_41] : memref<640000xi32, #tpu.memory_space<hbm>> -> memref<3328xi32, #tpu.memory_space<hbm>>
        tpu.wait_dma2 semaphore(%run_scoped3A : memref<!tpu.dma_semaphore, #tpu.memory_space<semaphore_mem>>) src(%dma_wait3A_732 : memref<3328xi32, #tpu.memory_space<hbm>>) dst(%arg8 : memref<3328xi32, #tpu.memory_space<vmem>>)
        tpu.yield
      }) : () -> ()
      %add3A_42 = arith.constant 320000 : i32
      %add3A_43 = arith.addi %add3A_42, %add3A_41 : i32
      %add3A_44 = arith.constant 0 : i32
      %add3A_45 = arith.addi %add3A_43, %add3A_44 : i32
      %dma_start3A = arith.constant 0 : i32
      %dma_start3A_46 = arith.constant 0 : i32
      %dma_start3A_47 = tpu.memref_slice %arg9[%dma_start3A, %dma_start3A_46] : memref<26x128xi32, #tpu.memory_space<vmem>> -> memref<1x128xi32, #tpu.memory_space<vmem>>
      %dma_start3A_48 = tpu.memref_squeeze %dma_start3A_47 : memref<1x128xi32, #tpu.memory_space<vmem>> -> memref<128xi32, #tpu.memory_space<vmem>>
      %dma_start3A_49 = tpu.memref_slice %arg3[%add3A_45] : memref<640000xi32, #tpu.memory_space<hbm>> -> memref<128xi32, #tpu.memory_space<hbm>>
      %dma_start3A_50 = arith.constant 0 : i32
      %dma_start3A_51 = tpu.memref_slice %arg9[%dma_start3A, %dma_start3A_50] : memref<26x128xi32, #tpu.memory_space<vmem>> -> memref<1x128xi32, #tpu.memory_space<vmem>>
      %dma_start3A_52 = tpu.memref_squeeze %dma_start3A_51 : memref<1x128xi32, #tpu.memory_space<vmem>> -> memref<128xi32, #tpu.memory_space<vmem>>
      %dma_start3A_53 = tpu.memref_slice %arg3[%add3A_45] : memref<640000xi32, #tpu.memory_space<hbm>> -> memref<128xi32, #tpu.memory_space<hbm>>
      tpu.enqueue_dma source(%dma_start3A_53 : memref<128xi32, #tpu.memory_space<hbm>>) target(%dma_start3A_52 : memref<128xi32, #tpu.memory_space<vmem>>) target_semaphore(%arg14 : memref<!tpu.dma_semaphore, #tpu.memory_space<semaphore_mem>>)
      %add3A_54 = arith.constant 320000 : i32
      %add3A_55 = arith.addi %add3A_54, %add3A_41 : i32
      %add3A_56 = arith.constant 128 : i32
      %add3A_57 = arith.addi %add3A_55, %add3A_56 : i32
      %dma_start3A_58 = arith.constant 1 : i32
      %dma_start3A_59 = arith.constant 0 : i32
      %dma_start3A_60 = tpu.memref_slice %arg9[%dma_start3A_58, %dma_start3A_59] : memref<26x128xi32, #tpu.memory_space<vmem>> -> memref<1x128xi32, #tpu.memory_space<vmem>>
      %dma_start3A_61 = tpu.memref_squeeze %dma_start3A_60 : memref<1x128xi32, #tpu.memory_space<vmem>> -> memref<128xi32, #tpu.memory_space<vmem>>
      %dma_start3A_62 = tpu.memref_slice %arg3[%add3A_57] : memref<640000xi32, #tpu.memory_space<hbm>> -> memref<128xi32, #tpu.memory_space<hbm>>
      %dma_start3A_63 = arith.constant 0 : i32
      %dma_start3A_64 = tpu.memref_slice %arg9[%dma_start3A_58, %dma_start3A_63] : memref<26x128xi32, #tpu.memory_space<vmem>> -> memref<1x128xi32, #tpu.memory_space<vmem>>
      %dma_start3A_65 = tpu.memref_squeeze %dma_start3A_64 : memref<1x128xi32, #tpu.memory_space<vmem>> -> memref<128xi32, #tpu.memory_space<vmem>>
      %dma_start3A_66 = tpu.memref_slice %arg3[%add3A_57] : memref<640000xi32, #tpu.memory_space<hbm>> -> memref<128xi32, #tpu.memory_space<hbm>>
      tpu.enqueue_dma source(%dma_start3A_66 : memref<128xi32, #tpu.memory_space<hbm>>) target(%dma_start3A_65 : memref<128xi32, #tpu.memory_space<vmem>>) target_semaphore(%arg14 : memref<!tpu.dma_semaphore, #tpu.memory_space<semaphore_mem>>)
      %add3A_67 = arith.constant 320000 : i32
      %add3A_68 = arith.addi %add3A_67, %add3A_41 : i32
      %add3A_69 = arith.constant 256 : i32
      %add3A_70 = arith.addi %add3A_68, %add3A_69 : i32
      %dma_start3A_71 = arith.constant 2 : i32
      %dma_start3A_72 = arith.constant 0 : i32
      %dma_start3A_73 = tpu.memref_slice %arg9[%dma_start3A_71, %dma_start3A_72] : memref<26x128xi32, #tpu.memory_space<vmem>> -> memref<1x128xi32, #tpu.memory_space<vmem>>
      %dma_start3A_74 = tpu.memref_squeeze %dma_start3A_73 : memref<1x128xi32, #tpu.memory_space<vmem>> -> memref<128xi32, #tpu.memory_space<vmem>>
      %dma_start3A_75 = tpu.memref_slice %arg3[%add3A_70] : memref<640000xi32, #tpu.memory_space<hbm>> -> memref<128xi32, #tpu.memory_space<hbm>>
      %dma_start3A_76 = arith.constant 0 : i32
      %dma_start3A_77 = tpu.memref_slice %arg9[%dma_start3A_71, %dma_start3A_76] : memref<26x128xi32, #tpu.memory_space<vmem>> -> memref<1x128xi32, #tpu.memory_space<vmem>>
      %dma_start3A_78 = tpu.memref_squeeze %dma_start3A_77 : memref<1x128xi32, #tpu.memory_space<vmem>> -> memref<128xi32, #tpu.memory_space<vmem>>
      %dma_start3A_79 = tpu.memref_slice %arg3[%add3A_70] : memref<640000xi32, #tpu.memory_space<hbm>> -> memref<128xi32, #tpu.memory_space<hbm>>
      tpu.enqueue_dma source(%dma_start3A_79 : memref<128xi32, #tpu.memory_space<hbm>>) target(%dma_start3A_78 : memref<128xi32, #tpu.memory_space<vmem>>) target_semaphore(%arg14 : memref<!tpu.dma_semaphore, #tpu.memory_space<semaphore_mem>>)
      %add3A_80 = arith.constant 320000 : i32
      %add3A_81 = arith.addi %add3A_80, %add3A_41 : i32
      %add3A_82 = arith.constant 384 : i32
      %add3A_83 = arith.addi %add3A_81, %add3A_82 : i32
      %dma_start3A_84 = arith.constant 3 : i32
      %dma_start3A_85 = arith.constant 0 : i32
      %dma_start3A_86 = tpu.memref_slice %arg9[%dma_start3A_84, %dma_start3A_85] : memref<26x128xi32, #tpu.memory_space<vmem>> -> memref<1x128xi32, #tpu.memory_space<vmem>>
      %dma_start3A_87 = tpu.memref_squeeze %dma_start3A_86 : memref<1x128xi32, #tpu.memory_space<vmem>> -> memref<128xi32, #tpu.memory_space<vmem>>
      %dma_start3A_88 = tpu.memref_slice %arg3[%add3A_83] : memref<640000xi32, #tpu.memory_space<hbm>> -> memref<128xi32, #tpu.memory_space<hbm>>
      %dma_start3A_89 = arith.constant 0 : i32
      %dma_start3A_90 = tpu.memref_slice %arg9[%dma_start3A_84, %dma_start3A_89] : memref<26x128xi32, #tpu.memory_space<vmem>> -> memref<1x128xi32, #tpu.memory_space<vmem>>
      %dma_start3A_91 = tpu.memref_squeeze %dma_start3A_90 : memref<1x128xi32, #tpu.memory_space<vmem>> -> memref<128xi32, #tpu.memory_space<vmem>>
      %dma_start3A_92 = tpu.memref_slice %arg3[%add3A_83] : memref<640000xi32, #tpu.memory_space<hbm>> -> memref<128xi32, #tpu.memory_space<hbm>>
      tpu.enqueue_dma source(%dma_start3A_92 : memref<128xi32, #tpu.memory_space<hbm>>) target(%dma_start3A_91 : memref<128xi32, #tpu.memory_space<vmem>>) target_semaphore(%arg14 : memref<!tpu.dma_semaphore, #tpu.memory_space<semaphore_mem>>)
      %add3A_93 = arith.constant 320000 : i32
      %add3A_94 = arith.addi %add3A_93, %add3A_41 : i32
      %add3A_95 = arith.constant 512 : i32
      %add3A_96 = arith.addi %add3A_94, %add3A_95 : i32
      %dma_start3A_97 = arith.constant 4 : i32
      %dma_start3A_98 = arith.constant 0 : i32
      %dma_start3A_99 = tpu.memref_slice %arg9[%dma_start3A_97, %dma_start3A_98] : memref<26x128xi32, #tpu.memory_space<vmem>> -> memref<1x128xi32, #tpu.memory_space<vmem>>
      %dma_start3A_100 = tpu.memref_squeeze %dma_start3A_99 : memref<1x128xi32, #tpu.memory_space<vmem>> -> memref<128xi32, #tpu.memory_space<vmem>>
      %dma_start3A_101 = tpu.memref_slice %arg3[%add3A_96] : memref<640000xi32, #tpu.memory_space<hbm>> -> memref<128xi32, #tpu.memory_space<hbm>>
      %dma_start3A_102 = arith.constant 0 : i32
      %dma_start3A_103 = tpu.memref_slice %arg9[%dma_start3A_97, %dma_start3A_102] : memref<26x128xi32, #tpu.memory_space<vmem>> -> memref<1x128xi32, #tpu.memory_space<vmem>>
      %dma_start3A_104 = tpu.memref_squeeze %dma_start3A_103 : memref<1x128xi32, #tpu.memory_space<vmem>> -> memref<128xi32, #tpu.memory_space<vmem>>
      %dma_start3A_105 = tpu.memref_slice %arg3[%add3A_96] : memref<640000xi32, #tpu.memory_space<hbm>> -> memref<128xi32, #tpu.memory_space<hbm>>
      tpu.enqueue_dma source(%dma_start3A_105 : memref<128xi32, #tpu.memory_space<hbm>>) target(%dma_start3A_104 : memref<128xi32, #tpu.memory_space<vmem>>) target_semaphore(%arg14 : memref<!tpu.dma_semaphore, #tpu.memory_space<semaphore_mem>>)
      %add3A_106 = arith.constant 320000 : i32
      %add3A_107 = arith.addi %add3A_106, %add3A_41 : i32
      %add3A_108 = arith.constant 640 : i32
      %add3A_109 = arith.addi %add3A_107, %add3A_108 : i32
      %dma_start3A_110 = arith.constant 5 : i32
      %dma_start3A_111 = arith.constant 0 : i32
      %dma_start3A_112 = tpu.memref_slice %arg9[%dma_start3A_110, %dma_start3A_111] : memref<26x128xi32, #tpu.memory_space<vmem>> -> memref<1x128xi32, #tpu.memory_space<vmem>>
      %dma_start3A_113 = tpu.memref_squeeze %dma_start3A_112 : memref<1x128xi32, #tpu.memory_space<vmem>> -> memref<128xi32, #tpu.memory_space<vmem>>
      %dma_start3A_114 = tpu.memref_slice %arg3[%add3A_109] : memref<640000xi32, #tpu.memory_space<hbm>> -> memref<128xi32, #tpu.memory_space<hbm>>
      %dma_start3A_115 = arith.constant 0 : i32
      %dma_start3A_116 = tpu.memref_slice %arg9[%dma_start3A_110, %dma_start3A_115] : memref<26x128xi32, #tpu.memory_space<vmem>> -> memref<1x128xi32, #tpu.memory_space<vmem>>
      %dma_start3A_117 = tpu.memref_squeeze %dma_start3A_116 : memref<1x128xi32, #tpu.memory_space<vmem>> -> memref<128xi32, #tpu.memory_space<vmem>>
      %dma_start3A_118 = tpu.memref_slice %arg3[%add3A_109] : memref<640000xi32, #tpu.memory_space<hbm>> -> memref<128xi32, #tpu.memory_space<hbm>>
      tpu.enqueue_dma source(%dma_start3A_118 : memref<128xi32, #tpu.memory_space<hbm>>) target(%dma_start3A_117 : memref<128xi32, #tpu.memory_space<vmem>>) target_semaphore(%arg14 : memref<!tpu.dma_semaphore, #tpu.memory_space<semaphore_mem>>)
      %add3A_119 = arith.constant 320000 : i32
      %add3A_120 = arith.addi %add3A_119, %add3A_41 : i32
      %add3A_121 = arith.constant 768 : i32
      %add3A_122 = arith.addi %add3A_120, %add3A_121 : i32
      %dma_start3A_123 = arith.constant 6 : i32
      %dma_start3A_124 = arith.constant 0 : i32
      %dma_start3A_125 = tpu.memref_slice %arg9[%dma_start3A_123, %dma_start3A_124] : memref<26x128xi32, #tpu.memory_space<vmem>> -> memref<1x128xi32, #tpu.memory_space<vmem>>
      %dma_start3A_126 = tpu.memref_squeeze %dma_start3A_125 : memref<1x128xi32, #tpu.memory_space<vmem>> -> memref<128xi32, #tpu.memory_space<vmem>>
      %dma_start3A_127 = tpu.memref_slice %arg3[%add3A_122] : memref<640000xi32, #tpu.memory_space<hbm>> -> memref<128xi32, #tpu.memory_space<hbm>>
      %dma_start3A_128 = arith.constant 0 : i32
      %dma_start3A_129 = tpu.memref_slice %arg9[%dma_start3A_123, %dma_start3A_128] : memref<26x128xi32, #tpu.memory_space<vmem>> -> memref<1x128xi32, #tpu.memory_space<vmem>>
      %dma_start3A_130 = tpu.memref_squeeze %dma_start3A_129 : memref<1x128xi32, #tpu.memory_space<vmem>> -> memref<128xi32, #tpu.memory_space<vmem>>
      %dma_start3A_131 = tpu.memref_slice %arg3[%add3A_122] : memref<640000xi32, #tpu.memory_space<hbm>> -> memref<128xi32, #tpu.memory_space<hbm>>
      tpu.enqueue_dma source(%dma_start3A_131 : memref<128xi32, #tpu.memory_space<hbm>>) target(%dma_start3A_130 : memref<128xi32, #tpu.memory_space<vmem>>) target_semaphore(%arg14 : memref<!tpu.dma_semaphore, #tpu.memory_space<semaphore_mem>>)
      %add3A_132 = arith.constant 320000 : i32
      %add3A_133 = arith.addi %add3A_132, %add3A_41 : i32
      %add3A_134 = arith.constant 896 : i32
      %add3A_135 = arith.addi %add3A_133, %add3A_134 : i32
      %dma_start3A_136 = arith.constant 7 : i32
      %dma_start3A_137 = arith.constant 0 : i32
      %dma_start3A_138 = tpu.memref_slice %arg9[%dma_start3A_136, %dma_start3A_137] : memref<26x128xi32, #tpu.memory_space<vmem>> -> memref<1x128xi32, #tpu.memory_space<vmem>>
      %dma_start3A_139 = tpu.memref_squeeze %dma_start3A_138 : memref<1x128xi32, #tpu.memory_space<vmem>> -> memref<128xi32, #tpu.memory_space<vmem>>
      %dma_start3A_140 = tpu.memref_slice %arg3[%add3A_135] : memref<640000xi32, #tpu.memory_space<hbm>> -> memref<128xi32, #tpu.memory_space<hbm>>
      %dma_start3A_141 = arith.constant 0 : i32
      %dma_start3A_142 = tpu.memref_slice %arg9[%dma_start3A_136, %dma_start3A_141] : memref<26x128xi32, #tpu.memory_space<vmem>> -> memref<1x128xi32, #tpu.memory_space<vmem>>
      %dma_start3A_143 = tpu.memref_squeeze %dma_start3A_142 : memref<1x128xi32, #tpu.memory_space<vmem>> -> memref<128xi32, #tpu.memory_space<vmem>>
      %dma_start3A_144 = tpu.memref_slice %arg3[%add3A_135] : memref<640000xi32, #tpu.memory_space<hbm>> -> memref<128xi32, #tpu.memory_space<hbm>>
      tpu.enqueue_dma source(%dma_start3A_144 : memref<128xi32, #tpu.memory_space<hbm>>) target(%dma_start3A_143 : memref<128xi32, #tpu.memory_space<vmem>>) target_semaphore(%arg14 : memref<!tpu.dma_semaphore, #tpu.memory_space<semaphore_mem>>)
      %add3A_145 = arith.constant 320000 : i32
      %add3A_146 = arith.addi %add3A_145, %add3A_41 : i32
      %add3A_147 = arith.constant 1024 : i32
      %add3A_148 = arith.addi %add3A_146, %add3A_147 : i32
      %dma_start3A_149 = arith.constant 8 : i32
      %dma_start3A_150 = arith.constant 0 : i32
      %dma_start3A_151 = tpu.memref_slice %arg9[%dma_start3A_149, %dma_start3A_150] : memref<26x128xi32, #tpu.memory_space<vmem>> -> memref<1x128xi32, #tpu.memory_space<vmem>>
      %dma_start3A_152 = tpu.memref_squeeze %dma_start3A_151 : memref<1x128xi32, #tpu.memory_space<vmem>> -> memref<128xi32, #tpu.memory_space<vmem>>
      %dma_start3A_153 = tpu.memref_slice %arg3[%add3A_148] : memref<640000xi32, #tpu.memory_space<hbm>> -> memref<128xi32, #tpu.memory_space<hbm>>
      %dma_start3A_154 = arith.constant 0 : i32
      %dma_start3A_155 = tpu.memref_slice %arg9[%dma_start3A_149, %dma_start3A_154] : memref<26x128xi32, #tpu.memory_space<vmem>> -> memref<1x128xi32, #tpu.memory_space<vmem>>
      %dma_start3A_156 = tpu.memref_squeeze %dma_start3A_155 : memref<1x128xi32, #tpu.memory_space<vmem>> -> memref<128xi32, #tpu.memory_space<vmem>>
      %dma_start3A_157 = tpu.memref_slice %arg3[%add3A_148] : memref<640000xi32, #tpu.memory_space<hbm>> -> memref<128xi32, #tpu.memory_space<hbm>>
      tpu.enqueue_dma source(%dma_start3A_157 : memref<128xi32, #tpu.memory_space<hbm>>) target(%dma_start3A_156 : memref<128xi32, #tpu.memory_space<vmem>>) target_semaphore(%arg14 : memref<!tpu.dma_semaphore, #tpu.memory_space<semaphore_mem>>)
      %add3A_158 = arith.constant 320000 : i32
      %add3A_159 = arith.addi %add3A_158, %add3A_41 : i32
      %add3A_160 = arith.constant 1152 : i32
      %add3A_161 = arith.addi %add3A_159, %add3A_160 : i32
      %dma_start3A_162 = arith.constant 9 : i32
      %dma_start3A_163 = arith.constant 0 : i32
      %dma_start3A_164 = tpu.memref_slice %arg9[%dma_start3A_162, %dma_start3A_163] : memref<26x128xi32, #tpu.memory_space<vmem>> -> memref<1x128xi32, #tpu.memory_space<vmem>>
      %dma_start3A_165 = tpu.memref_squeeze %dma_start3A_164 : memref<1x128xi32, #tpu.memory_space<vmem>> -> memref<128xi32, #tpu.memory_space<vmem>>
      %dma_start3A_166 = tpu.memref_slice %arg3[%add3A_161] : memref<640000xi32, #tpu.memory_space<hbm>> -> memref<128xi32, #tpu.memory_space<hbm>>
      %dma_start3A_167 = arith.constant 0 : i32
      %dma_start3A_168 = tpu.memref_slice %arg9[%dma_start3A_162, %dma_start3A_167] : memref<26x128xi32, #tpu.memory_space<vmem>> -> memref<1x128xi32, #tpu.memory_space<vmem>>
      %dma_start3A_169 = tpu.memref_squeeze %dma_start3A_168 : memref<1x128xi32, #tpu.memory_space<vmem>> -> memref<128xi32, #tpu.memory_space<vmem>>
      %dma_start3A_170 = tpu.memref_slice %arg3[%add3A_161] : memref<640000xi32, #tpu.memory_space<hbm>> -> memref<128xi32, #tpu.memory_space<hbm>>
      tpu.enqueue_dma source(%dma_start3A_170 : memref<128xi32, #tpu.memory_space<hbm>>) target(%dma_start3A_169 : memref<128xi32, #tpu.memory_space<vmem>>) target_semaphore(%arg14 : memref<!tpu.dma_semaphore, #tpu.memory_space<semaphore_mem>>)
      %add3A_171 = arith.constant 320000 : i32
      %add3A_172 = arith.addi %add3A_171, %add3A_41 : i32
      %add3A_173 = arith.constant 1280 : i32
      %add3A_174 = arith.addi %add3A_172, %add3A_173 : i32
      %dma_start3A_175 = arith.constant 10 : i32
      %dma_start3A_176 = arith.constant 0 : i32
      %dma_start3A_177 = tpu.memref_slice %arg9[%dma_start3A_175, %dma_start3A_176] : memref<26x128xi32, #tpu.memory_space<vmem>> -> memref<1x128xi32, #tpu.memory_space<vmem>>
      %dma_start3A_178 = tpu.memref_squeeze %dma_start3A_177 : memref<1x128xi32, #tpu.memory_space<vmem>> -> memref<128xi32, #tpu.memory_space<vmem>>
      %dma_start3A_179 = tpu.memref_slice %arg3[%add3A_174] : memref<640000xi32, #tpu.memory_space<hbm>> -> memref<128xi32, #tpu.memory_space<hbm>>
      %dma_start3A_180 = arith.constant 0 : i32
      %dma_start3A_181 = tpu.memref_slice %arg9[%dma_start3A_175, %dma_start3A_180] : memref<26x128xi32, #tpu.memory_space<vmem>> -> memref<1x128xi32, #tpu.memory_space<vmem>>
      %dma_start3A_182 = tpu.memref_squeeze %dma_start3A_181 : memref<1x128xi32, #tpu.memory_space<vmem>> -> memref<128xi32, #tpu.memory_space<vmem>>
      %dma_start3A_183 = tpu.memref_slice %arg3[%add3A_174] : memref<640000xi32, #tpu.memory_space<hbm>> -> memref<128xi32, #tpu.memory_space<hbm>>
      tpu.enqueue_dma source(%dma_start3A_183 : memref<128xi32, #tpu.memory_space<hbm>>) target(%dma_start3A_182 : memref<128xi32, #tpu.memory_space<vmem>>) target_semaphore(%arg14 : memref<!tpu.dma_semaphore, #tpu.memory_space<semaphore_mem>>)
      %add3A_184 = arith.constant 320000 : i32
      %add3A_185 = arith.addi %add3A_184, %add3A_41 : i32
      %add3A_186 = arith.constant 1408 : i32
      %add3A_187 = arith.addi %add3A_185, %add3A_186 : i32
      %dma_start3A_188 = arith.constant 11 : i32
      %dma_start3A_189 = arith.constant 0 : i32
      %dma_start3A_190 = tpu.memref_slice %arg9[%dma_start3A_188, %dma_start3A_189] : memref<26x128xi32, #tpu.memory_space<vmem>> -> memref<1x128xi32, #tpu.memory_space<vmem>>
      %dma_start3A_191 = tpu.memref_squeeze %dma_start3A_190 : memref<1x128xi32, #tpu.memory_space<vmem>> -> memref<128xi32, #tpu.memory_space<vmem>>
      %dma_start3A_192 = tpu.memref_slice %arg3[%add3A_187] : memref<640000xi32, #tpu.memory_space<hbm>> -> memref<128xi32, #tpu.memory_space<hbm>>
      %dma_start3A_193 = arith.constant 0 : i32
      %dma_start3A_194 = tpu.memref_slice %arg9[%dma_start3A_188, %dma_start3A_193] : memref<26x128xi32, #tpu.memory_space<vmem>> -> memref<1x128xi32, #tpu.memory_space<vmem>>
      %dma_start3A_195 = tpu.memref_squeeze %dma_start3A_194 : memref<1x128xi32, #tpu.memory_space<vmem>> -> memref<128xi32, #tpu.memory_space<vmem>>
      %dma_start3A_196 = tpu.memref_slice %arg3[%add3A_187] : memref<640000xi32, #tpu.memory_space<hbm>> -> memref<128xi32, #tpu.memory_space<hbm>>
      tpu.enqueue_dma source(%dma_start3A_196 : memref<128xi32, #tpu.memory_space<hbm>>) target(%dma_start3A_195 : memref<128xi32, #tpu.memory_space<vmem>>) target_semaphore(%arg14 : memref<!tpu.dma_semaphore, #tpu.memory_space<semaphore_mem>>)
      %add3A_197 = arith.constant 320000 : i32
      %add3A_198 = arith.addi %add3A_197, %add3A_41 : i32
      %add3A_199 = arith.constant 1536 : i32
      %add3A_200 = arith.addi %add3A_198, %add3A_199 : i32
      %dma_start3A_201 = arith.constant 12 : i32
      %dma_start3A_202 = arith.constant 0 : i32
      %dma_start3A_203 = tpu.memref_slice %arg9[%dma_start3A_201, %dma_start3A_202] : memref<26x128xi32, #tpu.memory_space<vmem>> -> memref<1x128xi32, #tpu.memory_space<vmem>>
      %dma_start3A_204 = tpu.memref_squeeze %dma_start3A_203 : memref<1x128xi32, #tpu.memory_space<vmem>> -> memref<128xi32, #tpu.memory_space<vmem>>
      %dma_start3A_205 = tpu.memref_slice %arg3[%add3A_200] : memref<640000xi32, #tpu.memory_space<hbm>> -> memref<128xi32, #tpu.memory_space<hbm>>
      %dma_start3A_206 = arith.constant 0 : i32
      %dma_start3A_207 = tpu.memref_slice %arg9[%dma_start3A_201, %dma_start3A_206] : memref<26x128xi32, #tpu.memory_space<vmem>> -> memref<1x128xi32, #tpu.memory_space<vmem>>
      %dma_start3A_208 = tpu.memref_squeeze %dma_start3A_207 : memref<1x128xi32, #tpu.memory_space<vmem>> -> memref<128xi32, #tpu.memory_space<vmem>>
      %dma_start3A_209 = tpu.memref_slice %arg3[%add3A_200] : memref<640000xi32, #tpu.memory_space<hbm>> -> memref<128xi32, #tpu.memory_space<hbm>>
      tpu.enqueue_dma source(%dma_start3A_209 : memref<128xi32, #tpu.memory_space<hbm>>) target(%dma_start3A_208 : memref<128xi32, #tpu.memory_space<vmem>>) target_semaphore(%arg14 : memref<!tpu.dma_semaphore, #tpu.memory_space<semaphore_mem>>)
      %add3A_210 = arith.constant 320000 : i32
      %add3A_211 = arith.addi %add3A_210, %add3A_41 : i32
      %add3A_212 = arith.constant 1664 : i32
      %add3A_213 = arith.addi %add3A_211, %add3A_212 : i32
      %dma_start3A_214 = arith.constant 13 : i32
      %dma_start3A_215 = arith.constant 0 : i32
      %dma_start3A_216 = tpu.memref_slice %arg9[%dma_start3A_214, %dma_start3A_215] : memref<26x128xi32, #tpu.memory_space<vmem>> -> memref<1x128xi32, #tpu.memory_space<vmem>>
      %dma_start3A_217 = tpu.memref_squeeze %dma_start3A_216 : memref<1x128xi32, #tpu.memory_space<vmem>> -> memref<128xi32, #tpu.memory_space<vmem>>
      %dma_start3A_218 = tpu.memref_slice %arg3[%add3A_213] : memref<640000xi32, #tpu.memory_space<hbm>> -> memref<128xi32, #tpu.memory_space<hbm>>
      %dma_start3A_219 = arith.constant 0 : i32
      %dma_start3A_220 = tpu.memref_slice %arg9[%dma_start3A_214, %dma_start3A_219] : memref<26x128xi32, #tpu.memory_space<vmem>> -> memref<1x128xi32, #tpu.memory_space<vmem>>
      %dma_start3A_221 = tpu.memref_squeeze %dma_start3A_220 : memref<1x128xi32, #tpu.memory_space<vmem>> -> memref<128xi32, #tpu.memory_space<vmem>>
      %dma_start3A_222 = tpu.memref_slice %arg3[%add3A_213] : memref<640000xi32, #tpu.memory_space<hbm>> -> memref<128xi32, #tpu.memory_space<hbm>>
      tpu.enqueue_dma source(%dma_start3A_222 : memref<128xi32, #tpu.memory_space<hbm>>) target(%dma_start3A_221 : memref<128xi32, #tpu.memory_space<vmem>>) target_semaphore(%arg14 : memref<!tpu.dma_semaphore, #tpu.memory_space<semaphore_mem>>)
      %add3A_223 = arith.constant 320000 : i32
      %add3A_224 = arith.addi %add3A_223, %add3A_41 : i32
      %add3A_225 = arith.constant 1792 : i32
      %add3A_226 = arith.addi %add3A_224, %add3A_225 : i32
      %dma_start3A_227 = arith.constant 14 : i32
      %dma_start3A_228 = arith.constant 0 : i32
      %dma_start3A_229 = tpu.memref_slice %arg9[%dma_start3A_227, %dma_start3A_228] : memref<26x128xi32, #tpu.memory_space<vmem>> -> memref<1x128xi32, #tpu.memory_space<vmem>>
      %dma_start3A_230 = tpu.memref_squeeze %dma_start3A_229 : memref<1x128xi32, #tpu.memory_space<vmem>> -> memref<128xi32, #tpu.memory_space<vmem>>
      %dma_start3A_231 = tpu.memref_slice %arg3[%add3A_226] : memref<640000xi32, #tpu.memory_space<hbm>> -> memref<128xi32, #tpu.memory_space<hbm>>
      %dma_start3A_232 = arith.constant 0 : i32
      %dma_start3A_233 = tpu.memref_slice %arg9[%dma_start3A_227, %dma_start3A_232] : memref<26x128xi32, #tpu.memory_space<vmem>> -> memref<1x128xi32, #tpu.memory_space<vmem>>
      %dma_start3A_234 = tpu.memref_squeeze %dma_start3A_233 : memref<1x128xi32, #tpu.memory_space<vmem>> -> memref<128xi32, #tpu.memory_space<vmem>>
      %dma_start3A_235 = tpu.memref_slice %arg3[%add3A_226] : memref<640000xi32, #tpu.memory_space<hbm>> -> memref<128xi32, #tpu.memory_space<hbm>>
      tpu.enqueue_dma source(%dma_start3A_235 : memref<128xi32, #tpu.memory_space<hbm>>) target(%dma_start3A_234 : memref<128xi32, #tpu.memory_space<vmem>>) target_semaphore(%arg14 : memref<!tpu.dma_semaphore, #tpu.memory_space<semaphore_mem>>)
      %add3A_236 = arith.constant 320000 : i32
      %add3A_237 = arith.addi %add3A_236, %add3A_41 : i32
      %add3A_238 = arith.constant 1920 : i32
      %add3A_239 = arith.addi %add3A_237, %add3A_238 : i32
      %dma_start3A_240 = arith.constant 15 : i32
      %dma_start3A_241 = arith.constant 0 : i32
      %dma_start3A_242 = tpu.memref_slice %arg9[%dma_start3A_240, %dma_start3A_241] : memref<26x128xi32, #tpu.memory_space<vmem>> -> memref<1x128xi32, #tpu.memory_space<vmem>>
      %dma_start3A_243 = tpu.memref_squeeze %dma_start3A_242 : memref<1x128xi32, #tpu.memory_space<vmem>> -> memref<128xi32, #tpu.memory_space<vmem>>
      %dma_start3A_244 = tpu.memref_slice %arg3[%add3A_239] : memref<640000xi32, #tpu.memory_space<hbm>> -> memref<128xi32, #tpu.memory_space<hbm>>
      %dma_start3A_245 = arith.constant 0 : i32
      %dma_start3A_246 = tpu.memref_slice %arg9[%dma_start3A_240, %dma_start3A_245] : memref<26x128xi32, #tpu.memory_space<vmem>> -> memref<1x128xi32, #tpu.memory_space<vmem>>
      %dma_start3A_247 = tpu.memref_squeeze %dma_start3A_246 : memref<1x128xi32, #tpu.memory_space<vmem>> -> memref<128xi32, #tpu.memory_space<vmem>>
      %dma_start3A_248 = tpu.memref_slice %arg3[%add3A_239] : memref<640000xi32, #tpu.memory_space<hbm>> -> memref<128xi32, #tpu.memory_space<hbm>>
      tpu.enqueue_dma source(%dma_start3A_248 : memref<128xi32, #tpu.memory_space<hbm>>) target(%dma_start3A_247 : memref<128xi32, #tpu.memory_space<vmem>>) target_semaphore(%arg14 : memref<!tpu.dma_semaphore, #tpu.memory_space<semaphore_mem>>)
      %add3A_249 = arith.constant 320000 : i32
      %add3A_250 = arith.addi %add3A_249, %add3A_41 : i32
      %add3A_251 = arith.constant 2048 : i32
      %add3A_252 = arith.addi %add3A_250, %add3A_251 : i32
      %dma_start3A_253 = arith.constant 16 : i32
      %dma_start3A_254 = arith.constant 0 : i32
      %dma_start3A_255 = tpu.memref_slice %arg9[%dma_start3A_253, %dma_start3A_254] : memref<26x128xi32, #tpu.memory_space<vmem>> -> memref<1x128xi32, #tpu.memory_space<vmem>>
      %dma_start3A_256 = tpu.memref_squeeze %dma_start3A_255 : memref<1x128xi32, #tpu.memory_space<vmem>> -> memref<128xi32, #tpu.memory_space<vmem>>
      %dma_start3A_257 = tpu.memref_slice %arg3[%add3A_252] : memref<640000xi32, #tpu.memory_space<hbm>> -> memref<128xi32, #tpu.memory_space<hbm>>
      %dma_start3A_258 = arith.constant 0 : i32
      %dma_start3A_259 = tpu.memref_slice %arg9[%dma_start3A_253, %dma_start3A_258] : memref<26x128xi32, #tpu.memory_space<vmem>> -> memref<1x128xi32, #tpu.memory_space<vmem>>
      %dma_start3A_260 = tpu.memref_squeeze %dma_start3A_259 : memref<1x128xi32, #tpu.memory_space<vmem>> -> memref<128xi32, #tpu.memory_space<vmem>>
      %dma_start3A_261 = tpu.memref_slice %arg3[%add3A_252] : memref<640000xi32, #tpu.memory_space<hbm>> -> memref<128xi32, #tpu.memory_space<hbm>>
      tpu.enqueue_dma source(%dma_start3A_261 : memref<128xi32, #tpu.memory_space<hbm>>) target(%dma_start3A_260 : memref<128xi32, #tpu.memory_space<vmem>>) target_semaphore(%arg14 : memref<!tpu.dma_semaphore, #tpu.memory_space<semaphore_mem>>)
      %add3A_262 = arith.constant 320000 : i32
      %add3A_263 = arith.addi %add3A_262, %add3A_41 : i32
      %add3A_264 = arith.constant 2176 : i32
      %add3A_265 = arith.addi %add3A_263, %add3A_264 : i32
      %dma_start3A_266 = arith.constant 17 : i32
      %dma_start3A_267 = arith.constant 0 : i32
      %dma_start3A_268 = tpu.memref_slice %arg9[%dma_start3A_266, %dma_start3A_267] : memref<26x128xi32, #tpu.memory_space<vmem>> -> memref<1x128xi32, #tpu.memory_space<vmem>>
      %dma_start3A_269 = tpu.memref_squeeze %dma_start3A_268 : memref<1x128xi32, #tpu.memory_space<vmem>> -> memref<128xi32, #tpu.memory_space<vmem>>
      %dma_start3A_270 = tpu.memref_slice %arg3[%add3A_265] : memref<640000xi32, #tpu.memory_space<hbm>> -> memref<128xi32, #tpu.memory_space<hbm>>
      %dma_start3A_271 = arith.constant 0 : i32
      %dma_start3A_272 = tpu.memref_slice %arg9[%dma_start3A_266, %dma_start3A_271] : memref<26x128xi32, #tpu.memory_space<vmem>> -> memref<1x128xi32, #tpu.memory_space<vmem>>
      %dma_start3A_273 = tpu.memref_squeeze %dma_start3A_272 : memref<1x128xi32, #tpu.memory_space<vmem>> -> memref<128xi32, #tpu.memory_space<vmem>>
      %dma_start3A_274 = tpu.memref_slice %arg3[%add3A_265] : memref<640000xi32, #tpu.memory_space<hbm>> -> memref<128xi32, #tpu.memory_space<hbm>>
      tpu.enqueue_dma source(%dma_start3A_274 : memref<128xi32, #tpu.memory_space<hbm>>) target(%dma_start3A_273 : memref<128xi32, #tpu.memory_space<vmem>>) target_semaphore(%arg14 : memref<!tpu.dma_semaphore, #tpu.memory_space<semaphore_mem>>)
      %add3A_275 = arith.constant 320000 : i32
      %add3A_276 = arith.addi %add3A_275, %add3A_41 : i32
      %add3A_277 = arith.constant 2304 : i32
      %add3A_278 = arith.addi %add3A_276, %add3A_277 : i32
      %dma_start3A_279 = arith.constant 18 : i32
      %dma_start3A_280 = arith.constant 0 : i32
      %dma_start3A_281 = tpu.memref_slice %arg9[%dma_start3A_279, %dma_start3A_280] : memref<26x128xi32, #tpu.memory_space<vmem>> -> memref<1x128xi32, #tpu.memory_space<vmem>>
      %dma_start3A_282 = tpu.memref_squeeze %dma_start3A_281 : memref<1x128xi32, #tpu.memory_space<vmem>> -> memref<128xi32, #tpu.memory_space<vmem>>
      %dma_start3A_283 = tpu.memref_slice %arg3[%add3A_278] : memref<640000xi32, #tpu.memory_space<hbm>> -> memref<128xi32, #tpu.memory_space<hbm>>
      %dma_start3A_284 = arith.constant 0 : i32
      %dma_start3A_285 = tpu.memref_slice %arg9[%dma_start3A_279, %dma_start3A_284] : memref<26x128xi32, #tpu.memory_space<vmem>> -> memref<1x128xi32, #tpu.memory_space<vmem>>
      %dma_start3A_286 = tpu.memref_squeeze %dma_start3A_285 : memref<1x128xi32, #tpu.memory_space<vmem>> -> memref<128xi32, #tpu.memory_space<vmem>>
      %dma_start3A_287 = tpu.memref_slice %arg3[%add3A_278] : memref<640000xi32, #tpu.memory_space<hbm>> -> memref<128xi32, #tpu.memory_space<hbm>>
      tpu.enqueue_dma source(%dma_start3A_287 : memref<128xi32, #tpu.memory_space<hbm>>) target(%dma_start3A_286 : memref<128xi32, #tpu.memory_space<vmem>>) target_semaphore(%arg14 : memref<!tpu.dma_semaphore, #tpu.memory_space<semaphore_mem>>)
      %add3A_288 = arith.constant 320000 : i32
      %add3A_289 = arith.addi %add3A_288, %add3A_41 : i32
      %add3A_290 = arith.constant 2432 : i32
      %add3A_291 = arith.addi %add3A_289, %add3A_290 : i32
      %dma_start3A_292 = arith.constant 19 : i32
      %dma_start3A_293 = arith.constant 0 : i32
      %dma_start3A_294 = tpu.memref_slice %arg9[%dma_start3A_292, %dma_start3A_293] : memref<26x128xi32, #tpu.memory_space<vmem>> -> memref<1x128xi32, #tpu.memory_space<vmem>>
      %dma_start3A_295 = tpu.memref_squeeze %dma_start3A_294 : memref<1x128xi32, #tpu.memory_space<vmem>> -> memref<128xi32, #tpu.memory_space<vmem>>
      %dma_start3A_296 = tpu.memref_slice %arg3[%add3A_291] : memref<640000xi32, #tpu.memory_space<hbm>> -> memref<128xi32, #tpu.memory_space<hbm>>
      %dma_start3A_297 = arith.constant 0 : i32
      %dma_start3A_298 = tpu.memref_slice %arg9[%dma_start3A_292, %dma_start3A_297] : memref<26x128xi32, #tpu.memory_space<vmem>> -> memref<1x128xi32, #tpu.memory_space<vmem>>
      %dma_start3A_299 = tpu.memref_squeeze %dma_start3A_298 : memref<1x128xi32, #tpu.memory_space<vmem>> -> memref<128xi32, #tpu.memory_space<vmem>>
      %dma_start3A_300 = tpu.memref_slice %arg3[%add3A_291] : memref<640000xi32, #tpu.memory_space<hbm>> -> memref<128xi32, #tpu.memory_space<hbm>>
      tpu.enqueue_dma source(%dma_start3A_300 : memref<128xi32, #tpu.memory_space<hbm>>) target(%dma_start3A_299 : memref<128xi32, #tpu.memory_space<vmem>>) target_semaphore(%arg14 : memref<!tpu.dma_semaphore, #tpu.memory_space<semaphore_mem>>)
      %add3A_301 = arith.constant 320000 : i32
      %add3A_302 = arith.addi %add3A_301, %add3A_41 : i32
      %add3A_303 = arith.constant 2560 : i32
      %add3A_304 = arith.addi %add3A_302, %add3A_303 : i32
      %dma_start3A_305 = arith.constant 20 : i32
      %dma_start3A_306 = arith.constant 0 : i32
      %dma_start3A_307 = tpu.memref_slice %arg9[%dma_start3A_305, %dma_start3A_306] : memref<26x128xi32, #tpu.memory_space<vmem>> -> memref<1x128xi32, #tpu.memory_space<vmem>>
      %dma_start3A_308 = tpu.memref_squeeze %dma_start3A_307 : memref<1x128xi32, #tpu.memory_space<vmem>> -> memref<128xi32, #tpu.memory_space<vmem>>
      %dma_start3A_309 = tpu.memref_slice %arg3[%add3A_304] : memref<640000xi32, #tpu.memory_space<hbm>> -> memref<128xi32, #tpu.memory_space<hbm>>
      %dma_start3A_310 = arith.constant 0 : i32
      %dma_start3A_311 = tpu.memref_slice %arg9[%dma_start3A_305, %dma_start3A_310] : memref<26x128xi32, #tpu.memory_space<vmem>> -> memref<1x128xi32, #tpu.memory_space<vmem>>
      %dma_start3A_312 = tpu.memref_squeeze %dma_start3A_311 : memref<1x128xi32, #tpu.memory_space<vmem>> -> memref<128xi32, #tpu.memory_space<vmem>>
      %dma_start3A_313 = tpu.memref_slice %arg3[%add3A_304] : memref<640000xi32, #tpu.memory_space<hbm>> -> memref<128xi32, #tpu.memory_space<hbm>>
      tpu.enqueue_dma source(%dma_start3A_313 : memref<128xi32, #tpu.memory_space<hbm>>) target(%dma_start3A_312 : memref<128xi32, #tpu.memory_space<vmem>>) target_semaphore(%arg14 : memref<!tpu.dma_semaphore, #tpu.memory_space<semaphore_mem>>)
      %add3A_314 = arith.constant 320000 : i32
      %add3A_315 = arith.addi %add3A_314, %add3A_41 : i32
      %add3A_316 = arith.constant 2688 : i32
      %add3A_317 = arith.addi %add3A_315, %add3A_316 : i32
      %dma_start3A_318 = arith.constant 21 : i32
      %dma_start3A_319 = arith.constant 0 : i32
      %dma_start3A_320 = tpu.memref_slice %arg9[%dma_start3A_318, %dma_start3A_319] : memref<26x128xi32, #tpu.memory_space<vmem>> -> memref<1x128xi32, #tpu.memory_space<vmem>>
      %dma_start3A_321 = tpu.memref_squeeze %dma_start3A_320 : memref<1x128xi32, #tpu.memory_space<vmem>> -> memref<128xi32, #tpu.memory_space<vmem>>
      %dma_start3A_322 = tpu.memref_slice %arg3[%add3A_317] : memref<640000xi32, #tpu.memory_space<hbm>> -> memref<128xi32, #tpu.memory_space<hbm>>
      %dma_start3A_323 = arith.constant 0 : i32
      %dma_start3A_324 = tpu.memref_slice %arg9[%dma_start3A_318, %dma_start3A_323] : memref<26x128xi32, #tpu.memory_space<vmem>> -> memref<1x128xi32, #tpu.memory_space<vmem>>
      %dma_start3A_325 = tpu.memref_squeeze %dma_start3A_324 : memref<1x128xi32, #tpu.memory_space<vmem>> -> memref<128xi32, #tpu.memory_space<vmem>>
      %dma_start3A_326 = tpu.memref_slice %arg3[%add3A_317] : memref<640000xi32, #tpu.memory_space<hbm>> -> memref<128xi32, #tpu.memory_space<hbm>>
      tpu.enqueue_dma source(%dma_start3A_326 : memref<128xi32, #tpu.memory_space<hbm>>) target(%dma_start3A_325 : memref<128xi32, #tpu.memory_space<vmem>>) target_semaphore(%arg14 : memref<!tpu.dma_semaphore, #tpu.memory_space<semaphore_mem>>)
      %add3A_327 = arith.constant 320000 : i32
      %add3A_328 = arith.addi %add3A_327, %add3A_41 : i32
      %add3A_329 = arith.constant 2816 : i32
      %add3A_330 = arith.addi %add3A_328, %add3A_329 : i32
      %dma_start3A_331 = arith.constant 22 : i32
      %dma_start3A_332 = arith.constant 0 : i32
      %dma_start3A_333 = tpu.memref_slice %arg9[%dma_start3A_331, %dma_start3A_332] : memref<26x128xi32, #tpu.memory_space<vmem>> -> memref<1x128xi32, #tpu.memory_space<vmem>>
      %dma_start3A_334 = tpu.memref_squeeze %dma_start3A_333 : memref<1x128xi32, #tpu.memory_space<vmem>> -> memref<128xi32, #tpu.memory_space<vmem>>
      %dma_start3A_335 = tpu.memref_slice %arg3[%add3A_330] : memref<640000xi32, #tpu.memory_space<hbm>> -> memref<128xi32, #tpu.memory_space<hbm>>
      %dma_start3A_336 = arith.constant 0 : i32
      %dma_start3A_337 = tpu.memref_slice %arg9[%dma_start3A_331, %dma_start3A_336] : memref<26x128xi32, #tpu.memory_space<vmem>> -> memref<1x128xi32, #tpu.memory_space<vmem>>
      %dma_start3A_338 = tpu.memref_squeeze %dma_start3A_337 : memref<1x128xi32, #tpu.memory_space<vmem>> -> memref<128xi32, #tpu.memory_space<vmem>>
      %dma_start3A_339 = tpu.memref_slice %arg3[%add3A_330] : memref<640000xi32, #tpu.memory_space<hbm>> -> memref<128xi32, #tpu.memory_space<hbm>>
      tpu.enqueue_dma source(%dma_start3A_339 : memref<128xi32, #tpu.memory_space<hbm>>) target(%dma_start3A_338 : memref<128xi32, #tpu.memory_space<vmem>>) target_semaphore(%arg14 : memref<!tpu.dma_semaphore, #tpu.memory_space<semaphore_mem>>)
      %add3A_340 = arith.constant 320000 : i32
      %add3A_341 = arith.addi %add3A_340, %add3A_41 : i32
      %add3A_342 = arith.constant 2944 : i32
      %add3A_343 = arith.addi %add3A_341, %add3A_342 : i32
      %dma_start3A_344 = arith.constant 23 : i32
      %dma_start3A_345 = arith.constant 0 : i32
      %dma_start3A_346 = tpu.memref_slice %arg9[%dma_start3A_344, %dma_start3A_345] : memref<26x128xi32, #tpu.memory_space<vmem>> -> memref<1x128xi32, #tpu.memory_space<vmem>>
      %dma_start3A_347 = tpu.memref_squeeze %dma_start3A_346 : memref<1x128xi32, #tpu.memory_space<vmem>> -> memref<128xi32, #tpu.memory_space<vmem>>
      %dma_start3A_348 = tpu.memref_slice %arg3[%add3A_343] : memref<640000xi32, #tpu.memory_space<hbm>> -> memref<128xi32, #tpu.memory_space<hbm>>
      %dma_start3A_349 = arith.constant 0 : i32
      %dma_start3A_350 = tpu.memref_slice %arg9[%dma_start3A_344, %dma_start3A_349] : memref<26x128xi32, #tpu.memory_space<vmem>> -> memref<1x128xi32, #tpu.memory_space<vmem>>
      %dma_start3A_351 = tpu.memref_squeeze %dma_start3A_350 : memref<1x128xi32, #tpu.memory_space<vmem>> -> memref<128xi32, #tpu.memory_space<vmem>>
      %dma_start3A_352 = tpu.memref_slice %arg3[%add3A_343] : memref<640000xi32, #tpu.memory_space<hbm>> -> memref<128xi32, #tpu.memory_space<hbm>>
      tpu.enqueue_dma source(%dma_start3A_352 : memref<128xi32, #tpu.memory_space<hbm>>) target(%dma_start3A_351 : memref<128xi32, #tpu.memory_space<vmem>>) target_semaphore(%arg14 : memref<!tpu.dma_semaphore, #tpu.memory_space<semaphore_mem>>)
      %add3A_353 = arith.constant 320000 : i32
      %add3A_354 = arith.addi %add3A_353, %add3A_41 : i32
      %add3A_355 = arith.constant 3072 : i32
      %add3A_356 = arith.addi %add3A_354, %add3A_355 : i32
      %dma_start3A_357 = arith.constant 24 : i32
      %dma_start3A_358 = arith.constant 0 : i32
      %dma_start3A_359 = tpu.memref_slice %arg9[%dma_start3A_357, %dma_start3A_358] : memref<26x128xi32, #tpu.memory_space<vmem>> -> memref<1x128xi32, #tpu.memory_space<vmem>>
      %dma_start3A_360 = tpu.memref_squeeze %dma_start3A_359 : memref<1x128xi32, #tpu.memory_space<vmem>> -> memref<128xi32, #tpu.memory_space<vmem>>
      %dma_start3A_361 = tpu.memref_slice %arg3[%add3A_356] : memref<640000xi32, #tpu.memory_space<hbm>> -> memref<128xi32, #tpu.memory_space<hbm>>
      %dma_start3A_362 = arith.constant 0 : i32
      %dma_start3A_363 = tpu.memref_slice %arg9[%dma_start3A_357, %dma_start3A_362] : memref<26x128xi32, #tpu.memory_space<vmem>> -> memref<1x128xi32, #tpu.memory_space<vmem>>
      %dma_start3A_364 = tpu.memref_squeeze %dma_start3A_363 : memref<1x128xi32, #tpu.memory_space<vmem>> -> memref<128xi32, #tpu.memory_space<vmem>>
      %dma_start3A_365 = tpu.memref_slice %arg3[%add3A_356] : memref<640000xi32, #tpu.memory_space<hbm>> -> memref<128xi32, #tpu.memory_space<hbm>>
      tpu.enqueue_dma source(%dma_start3A_365 : memref<128xi32, #tpu.memory_space<hbm>>) target(%dma_start3A_364 : memref<128xi32, #tpu.memory_space<vmem>>) target_semaphore(%arg14 : memref<!tpu.dma_semaphore, #tpu.memory_space<semaphore_mem>>)
      %add3A_366 = arith.constant 320000 : i32
      %add3A_367 = arith.addi %add3A_366, %add3A_41 : i32
      %add3A_368 = arith.constant 3200 : i32
      %add3A_369 = arith.addi %add3A_367, %add3A_368 : i32
      %dma_start3A_370 = arith.constant 25 : i32
      %dma_start3A_371 = arith.constant 0 : i32
      %dma_start3A_372 = tpu.memref_slice %arg9[%dma_start3A_370, %dma_start3A_371] : memref<26x128xi32, #tpu.memory_space<vmem>> -> memref<1x128xi32, #tpu.memory_space<vmem>>
      %dma_start3A_373 = tpu.memref_squeeze %dma_start3A_372 : memref<1x128xi32, #tpu.memory_space<vmem>> -> memref<128xi32, #tpu.memory_space<vmem>>
      %dma_start3A_374 = tpu.memref_slice %arg3[%add3A_369] : memref<640000xi32, #tpu.memory_space<hbm>> -> memref<128xi32, #tpu.memory_space<hbm>>
      %dma_start3A_375 = arith.constant 0 : i32
      %dma_start3A_376 = tpu.memref_slice %arg9[%dma_start3A_370, %dma_start3A_375] : memref<26x128xi32, #tpu.memory_space<vmem>> -> memref<1x128xi32, #tpu.memory_space<vmem>>
      %dma_start3A_377 = tpu.memref_squeeze %dma_start3A_376 : memref<1x128xi32, #tpu.memory_space<vmem>> -> memref<128xi32, #tpu.memory_space<vmem>>
      %dma_start3A_378 = tpu.memref_slice %arg3[%add3A_369] : memref<640000xi32, #tpu.memory_space<hbm>> -> memref<128xi32, #tpu.memory_space<hbm>>
      tpu.enqueue_dma source(%dma_start3A_378 : memref<128xi32, #tpu.memory_space<hbm>>) target(%dma_start3A_377 : memref<128xi32, #tpu.memory_space<vmem>>) target_semaphore(%arg14 : memref<!tpu.dma_semaphore, #tpu.memory_space<semaphore_mem>>)
      %add3A_379 = arith.constant 320000 : i32
      %add3A_380 = arith.addi %add3A_379, %add3A_41 : i32
      %add3A_381 = arith.constant 0 : i32
      %add3A_382 = arith.addi %add3A_380, %add3A_381 : i32
      %dma_wait3A = arith.constant 0 : i32
      %dma_wait3A_383 = arith.constant 0 : i32
      %dma_wait3A_384 = tpu.memref_slice %arg9[%dma_wait3A, %dma_wait3A_383] : memref<26x128xi32, #tpu.memory_space<vmem>> -> memref<1x128xi32, #tpu.memory_space<vmem>>
      %dma_wait3A_385 = tpu.memref_squeeze %dma_wait3A_384 : memref<1x128xi32, #tpu.memory_space<vmem>> -> memref<128xi32, #tpu.memory_space<vmem>>
      %dma_wait3A_386 = tpu.memref_slice %arg3[%add3A_382] : memref<640000xi32, #tpu.memory_space<hbm>> -> memref<128xi32, #tpu.memory_space<hbm>>
      %dma_wait3A_387 = arith.constant 0 : i32
      %dma_wait3A_388 = tpu.memref_slice %arg9[%dma_wait3A, %dma_wait3A_387] : memref<26x128xi32, #tpu.memory_space<vmem>> -> memref<1x128xi32, #tpu.memory_space<vmem>>
      %dma_wait3A_389 = tpu.memref_squeeze %dma_wait3A_388 : memref<1x128xi32, #tpu.memory_space<vmem>> -> memref<128xi32, #tpu.memory_space<vmem>>
      %dma_wait3A_390 = tpu.memref_slice %arg3[%add3A_382] : memref<640000xi32, #tpu.memory_space<hbm>> -> memref<128xi32, #tpu.memory_space<hbm>>
      tpu.wait_dma2 semaphore(%arg14 : memref<!tpu.dma_semaphore, #tpu.memory_space<semaphore_mem>>) src(%dma_wait3A_390 : memref<128xi32, #tpu.memory_space<hbm>>) dst(%dma_wait3A_389 : memref<128xi32, #tpu.memory_space<vmem>>)
      %add3A_391 = arith.constant 320000 : i32
      %add3A_392 = arith.addi %add3A_391, %add3A_41 : i32
      %add3A_393 = arith.constant 128 : i32
      %add3A_394 = arith.addi %add3A_392, %add3A_393 : i32
      %dma_wait3A_395 = arith.constant 1 : i32
      %dma_wait3A_396 = arith.constant 0 : i32
      %dma_wait3A_397 = tpu.memref_slice %arg9[%dma_wait3A_395, %dma_wait3A_396] : memref<26x128xi32, #tpu.memory_space<vmem>> -> memref<1x128xi32, #tpu.memory_space<vmem>>
      %dma_wait3A_398 = tpu.memref_squeeze %dma_wait3A_397 : memref<1x128xi32, #tpu.memory_space<vmem>> -> memref<128xi32, #tpu.memory_space<vmem>>
      %dma_wait3A_399 = tpu.memref_slice %arg3[%add3A_394] : memref<640000xi32, #tpu.memory_space<hbm>> -> memref<128xi32, #tpu.memory_space<hbm>>
      %dma_wait3A_400 = arith.constant 0 : i32
      %dma_wait3A_401 = tpu.memref_slice %arg9[%dma_wait3A_395, %dma_wait3A_400] : memref<26x128xi32, #tpu.memory_space<vmem>> -> memref<1x128xi32, #tpu.memory_space<vmem>>
      %dma_wait3A_402 = tpu.memref_squeeze %dma_wait3A_401 : memref<1x128xi32, #tpu.memory_space<vmem>> -> memref<128xi32, #tpu.memory_space<vmem>>
      %dma_wait3A_403 = tpu.memref_slice %arg3[%add3A_394] : memref<640000xi32, #tpu.memory_space<hbm>> -> memref<128xi32, #tpu.memory_space<hbm>>
      tpu.wait_dma2 semaphore(%arg14 : memref<!tpu.dma_semaphore, #tpu.memory_space<semaphore_mem>>) src(%dma_wait3A_403 : memref<128xi32, #tpu.memory_space<hbm>>) dst(%dma_wait3A_402 : memref<128xi32, #tpu.memory_space<vmem>>)
      %add3A_404 = arith.constant 320000 : i32
      %add3A_405 = arith.addi %add3A_404, %add3A_41 : i32
      %add3A_406 = arith.constant 256 : i32
      %add3A_407 = arith.addi %add3A_405, %add3A_406 : i32
      %dma_wait3A_408 = arith.constant 2 : i32
      %dma_wait3A_409 = arith.constant 0 : i32
      %dma_wait3A_410 = tpu.memref_slice %arg9[%dma_wait3A_408, %dma_wait3A_409] : memref<26x128xi32, #tpu.memory_space<vmem>> -> memref<1x128xi32, #tpu.memory_space<vmem>>
      %dma_wait3A_411 = tpu.memref_squeeze %dma_wait3A_410 : memref<1x128xi32, #tpu.memory_space<vmem>> -> memref<128xi32, #tpu.memory_space<vmem>>
      %dma_wait3A_412 = tpu.memref_slice %arg3[%add3A_407] : memref<640000xi32, #tpu.memory_space<hbm>> -> memref<128xi32, #tpu.memory_space<hbm>>
      %dma_wait3A_413 = arith.constant 0 : i32
      %dma_wait3A_414 = tpu.memref_slice %arg9[%dma_wait3A_408, %dma_wait3A_413] : memref<26x128xi32, #tpu.memory_space<vmem>> -> memref<1x128xi32, #tpu.memory_space<vmem>>
      %dma_wait3A_415 = tpu.memref_squeeze %dma_wait3A_414 : memref<1x128xi32, #tpu.memory_space<vmem>> -> memref<128xi32, #tpu.memory_space<vmem>>
      %dma_wait3A_416 = tpu.memref_slice %arg3[%add3A_407] : memref<640000xi32, #tpu.memory_space<hbm>> -> memref<128xi32, #tpu.memory_space<hbm>>
      tpu.wait_dma2 semaphore(%arg14 : memref<!tpu.dma_semaphore, #tpu.memory_space<semaphore_mem>>) src(%dma_wait3A_416 : memref<128xi32, #tpu.memory_space<hbm>>) dst(%dma_wait3A_415 : memref<128xi32, #tpu.memory_space<vmem>>)
      %add3A_417 = arith.constant 320000 : i32
      %add3A_418 = arith.addi %add3A_417, %add3A_41 : i32
      %add3A_419 = arith.constant 384 : i32
      %add3A_420 = arith.addi %add3A_418, %add3A_419 : i32
      %dma_wait3A_421 = arith.constant 3 : i32
      %dma_wait3A_422 = arith.constant 0 : i32
      %dma_wait3A_423 = tpu.memref_slice %arg9[%dma_wait3A_421, %dma_wait3A_422] : memref<26x128xi32, #tpu.memory_space<vmem>> -> memref<1x128xi32, #tpu.memory_space<vmem>>
      %dma_wait3A_424 = tpu.memref_squeeze %dma_wait3A_423 : memref<1x128xi32, #tpu.memory_space<vmem>> -> memref<128xi32, #tpu.memory_space<vmem>>
      %dma_wait3A_425 = tpu.memref_slice %arg3[%add3A_420] : memref<640000xi32, #tpu.memory_space<hbm>> -> memref<128xi32, #tpu.memory_space<hbm>>
      %dma_wait3A_426 = arith.constant 0 : i32
      %dma_wait3A_427 = tpu.memref_slice %arg9[%dma_wait3A_421, %dma_wait3A_426] : memref<26x128xi32, #tpu.memory_space<vmem>> -> memref<1x128xi32, #tpu.memory_space<vmem>>
      %dma_wait3A_428 = tpu.memref_squeeze %dma_wait3A_427 : memref<1x128xi32, #tpu.memory_space<vmem>> -> memref<128xi32, #tpu.memory_space<vmem>>
      %dma_wait3A_429 = tpu.memref_slice %arg3[%add3A_420] : memref<640000xi32, #tpu.memory_space<hbm>> -> memref<128xi32, #tpu.memory_space<hbm>>
      tpu.wait_dma2 semaphore(%arg14 : memref<!tpu.dma_semaphore, #tpu.memory_space<semaphore_mem>>) src(%dma_wait3A_429 : memref<128xi32, #tpu.memory_space<hbm>>) dst(%dma_wait3A_428 : memref<128xi32, #tpu.memory_space<vmem>>)
      %add3A_430 = arith.constant 320000 : i32
      %add3A_431 = arith.addi %add3A_430, %add3A_41 : i32
      %add3A_432 = arith.constant 512 : i32
      %add3A_433 = arith.addi %add3A_431, %add3A_432 : i32
      %dma_wait3A_434 = arith.constant 4 : i32
      %dma_wait3A_435 = arith.constant 0 : i32
      %dma_wait3A_436 = tpu.memref_slice %arg9[%dma_wait3A_434, %dma_wait3A_435] : memref<26x128xi32, #tpu.memory_space<vmem>> -> memref<1x128xi32, #tpu.memory_space<vmem>>
      %dma_wait3A_437 = tpu.memref_squeeze %dma_wait3A_436 : memref<1x128xi32, #tpu.memory_space<vmem>> -> memref<128xi32, #tpu.memory_space<vmem>>
      %dma_wait3A_438 = tpu.memref_slice %arg3[%add3A_433] : memref<640000xi32, #tpu.memory_space<hbm>> -> memref<128xi32, #tpu.memory_space<hbm>>
      %dma_wait3A_439 = arith.constant 0 : i32
      %dma_wait3A_440 = tpu.memref_slice %arg9[%dma_wait3A_434, %dma_wait3A_439] : memref<26x128xi32, #tpu.memory_space<vmem>> -> memref<1x128xi32, #tpu.memory_space<vmem>>
      %dma_wait3A_441 = tpu.memref_squeeze %dma_wait3A_440 : memref<1x128xi32, #tpu.memory_space<vmem>> -> memref<128xi32, #tpu.memory_space<vmem>>
      %dma_wait3A_442 = tpu.memref_slice %arg3[%add3A_433] : memref<640000xi32, #tpu.memory_space<hbm>> -> memref<128xi32, #tpu.memory_space<hbm>>
      tpu.wait_dma2 semaphore(%arg14 : memref<!tpu.dma_semaphore, #tpu.memory_space<semaphore_mem>>) src(%dma_wait3A_442 : memref<128xi32, #tpu.memory_space<hbm>>) dst(%dma_wait3A_441 : memref<128xi32, #tpu.memory_space<vmem>>)
      %add3A_443 = arith.constant 320000 : i32
      %add3A_444 = arith.addi %add3A_443, %add3A_41 : i32
      %add3A_445 = arith.constant 640 : i32
      %add3A_446 = arith.addi %add3A_444, %add3A_445 : i32
      %dma_wait3A_447 = arith.constant 5 : i32
      %dma_wait3A_448 = arith.constant 0 : i32
      %dma_wait3A_449 = tpu.memref_slice %arg9[%dma_wait3A_447, %dma_wait3A_448] : memref<26x128xi32, #tpu.memory_space<vmem>> -> memref<1x128xi32, #tpu.memory_space<vmem>>
      %dma_wait3A_450 = tpu.memref_squeeze %dma_wait3A_449 : memref<1x128xi32, #tpu.memory_space<vmem>> -> memref<128xi32, #tpu.memory_space<vmem>>
      %dma_wait3A_451 = tpu.memref_slice %arg3[%add3A_446] : memref<640000xi32, #tpu.memory_space<hbm>> -> memref<128xi32, #tpu.memory_space<hbm>>
      %dma_wait3A_452 = arith.constant 0 : i32
      %dma_wait3A_453 = tpu.memref_slice %arg9[%dma_wait3A_447, %dma_wait3A_452] : memref<26x128xi32, #tpu.memory_space<vmem>> -> memref<1x128xi32, #tpu.memory_space<vmem>>
      %dma_wait3A_454 = tpu.memref_squeeze %dma_wait3A_453 : memref<1x128xi32, #tpu.memory_space<vmem>> -> memref<128xi32, #tpu.memory_space<vmem>>
      %dma_wait3A_455 = tpu.memref_slice %arg3[%add3A_446] : memref<640000xi32, #tpu.memory_space<hbm>> -> memref<128xi32, #tpu.memory_space<hbm>>
      tpu.wait_dma2 semaphore(%arg14 : memref<!tpu.dma_semaphore, #tpu.memory_space<semaphore_mem>>) src(%dma_wait3A_455 : memref<128xi32, #tpu.memory_space<hbm>>) dst(%dma_wait3A_454 : memref<128xi32, #tpu.memory_space<vmem>>)
      %add3A_456 = arith.constant 320000 : i32
      %add3A_457 = arith.addi %add3A_456, %add3A_41 : i32
      %add3A_458 = arith.constant 768 : i32
      %add3A_459 = arith.addi %add3A_457, %add3A_458 : i32
      %dma_wait3A_460 = arith.constant 6 : i32
      %dma_wait3A_461 = arith.constant 0 : i32
      %dma_wait3A_462 = tpu.memref_slice %arg9[%dma_wait3A_460, %dma_wait3A_461] : memref<26x128xi32, #tpu.memory_space<vmem>> -> memref<1x128xi32, #tpu.memory_space<vmem>>
      %dma_wait3A_463 = tpu.memref_squeeze %dma_wait3A_462 : memref<1x128xi32, #tpu.memory_space<vmem>> -> memref<128xi32, #tpu.memory_space<vmem>>
      %dma_wait3A_464 = tpu.memref_slice %arg3[%add3A_459] : memref<640000xi32, #tpu.memory_space<hbm>> -> memref<128xi32, #tpu.memory_space<hbm>>
      %dma_wait3A_465 = arith.constant 0 : i32
      %dma_wait3A_466 = tpu.memref_slice %arg9[%dma_wait3A_460, %dma_wait3A_465] : memref<26x128xi32, #tpu.memory_space<vmem>> -> memref<1x128xi32, #tpu.memory_space<vmem>>
      %dma_wait3A_467 = tpu.memref_squeeze %dma_wait3A_466 : memref<1x128xi32, #tpu.memory_space<vmem>> -> memref<128xi32, #tpu.memory_space<vmem>>
      %dma_wait3A_468 = tpu.memref_slice %arg3[%add3A_459] : memref<640000xi32, #tpu.memory_space<hbm>> -> memref<128xi32, #tpu.memory_space<hbm>>
      tpu.wait_dma2 semaphore(%arg14 : memref<!tpu.dma_semaphore, #tpu.memory_space<semaphore_mem>>) src(%dma_wait3A_468 : memref<128xi32, #tpu.memory_space<hbm>>) dst(%dma_wait3A_467 : memref<128xi32, #tpu.memory_space<vmem>>)
      %add3A_469 = arith.constant 320000 : i32
      %add3A_470 = arith.addi %add3A_469, %add3A_41 : i32
      %add3A_471 = arith.constant 896 : i32
      %add3A_472 = arith.addi %add3A_470, %add3A_471 : i32
      %dma_wait3A_473 = arith.constant 7 : i32
      %dma_wait3A_474 = arith.constant 0 : i32
      %dma_wait3A_475 = tpu.memref_slice %arg9[%dma_wait3A_473, %dma_wait3A_474] : memref<26x128xi32, #tpu.memory_space<vmem>> -> memref<1x128xi32, #tpu.memory_space<vmem>>
      %dma_wait3A_476 = tpu.memref_squeeze %dma_wait3A_475 : memref<1x128xi32, #tpu.memory_space<vmem>> -> memref<128xi32, #tpu.memory_space<vmem>>
      %dma_wait3A_477 = tpu.memref_slice %arg3[%add3A_472] : memref<640000xi32, #tpu.memory_space<hbm>> -> memref<128xi32, #tpu.memory_space<hbm>>
      %dma_wait3A_478 = arith.constant 0 : i32
      %dma_wait3A_479 = tpu.memref_slice %arg9[%dma_wait3A_473, %dma_wait3A_478] : memref<26x128xi32, #tpu.memory_space<vmem>> -> memref<1x128xi32, #tpu.memory_space<vmem>>
      %dma_wait3A_480 = tpu.memref_squeeze %dma_wait3A_479 : memref<1x128xi32, #tpu.memory_space<vmem>> -> memref<128xi32, #tpu.memory_space<vmem>>
      %dma_wait3A_481 = tpu.memref_slice %arg3[%add3A_472] : memref<640000xi32, #tpu.memory_space<hbm>> -> memref<128xi32, #tpu.memory_space<hbm>>
      tpu.wait_dma2 semaphore(%arg14 : memref<!tpu.dma_semaphore, #tpu.memory_space<semaphore_mem>>) src(%dma_wait3A_481 : memref<128xi32, #tpu.memory_space<hbm>>) dst(%dma_wait3A_480 : memref<128xi32, #tpu.memory_space<vmem>>)
      %add3A_482 = arith.constant 320000 : i32
      %add3A_483 = arith.addi %add3A_482, %add3A_41 : i32
      %add3A_484 = arith.constant 1024 : i32
      %add3A_485 = arith.addi %add3A_483, %add3A_484 : i32
      %dma_wait3A_486 = arith.constant 8 : i32
      %dma_wait3A_487 = arith.constant 0 : i32
      %dma_wait3A_488 = tpu.memref_slice %arg9[%dma_wait3A_486, %dma_wait3A_487] : memref<26x128xi32, #tpu.memory_space<vmem>> -> memref<1x128xi32, #tpu.memory_space<vmem>>
      %dma_wait3A_489 = tpu.memref_squeeze %dma_wait3A_488 : memref<1x128xi32, #tpu.memory_space<vmem>> -> memref<128xi32, #tpu.memory_space<vmem>>
      %dma_wait3A_490 = tpu.memref_slice %arg3[%add3A_485] : memref<640000xi32, #tpu.memory_space<hbm>> -> memref<128xi32, #tpu.memory_space<hbm>>
      %dma_wait3A_491 = arith.constant 0 : i32
      %dma_wait3A_492 = tpu.memref_slice %arg9[%dma_wait3A_486, %dma_wait3A_491] : memref<26x128xi32, #tpu.memory_space<vmem>> -> memref<1x128xi32, #tpu.memory_space<vmem>>
      %dma_wait3A_493 = tpu.memref_squeeze %dma_wait3A_492 : memref<1x128xi32, #tpu.memory_space<vmem>> -> memref<128xi32, #tpu.memory_space<vmem>>
      %dma_wait3A_494 = tpu.memref_slice %arg3[%add3A_485] : memref<640000xi32, #tpu.memory_space<hbm>> -> memref<128xi32, #tpu.memory_space<hbm>>
      tpu.wait_dma2 semaphore(%arg14 : memref<!tpu.dma_semaphore, #tpu.memory_space<semaphore_mem>>) src(%dma_wait3A_494 : memref<128xi32, #tpu.memory_space<hbm>>) dst(%dma_wait3A_493 : memref<128xi32, #tpu.memory_space<vmem>>)
      %add3A_495 = arith.constant 320000 : i32
      %add3A_496 = arith.addi %add3A_495, %add3A_41 : i32
      %add3A_497 = arith.constant 1152 : i32
      %add3A_498 = arith.addi %add3A_496, %add3A_497 : i32
      %dma_wait3A_499 = arith.constant 9 : i32
      %dma_wait3A_500 = arith.constant 0 : i32
      %dma_wait3A_501 = tpu.memref_slice %arg9[%dma_wait3A_499, %dma_wait3A_500] : memref<26x128xi32, #tpu.memory_space<vmem>> -> memref<1x128xi32, #tpu.memory_space<vmem>>
      %dma_wait3A_502 = tpu.memref_squeeze %dma_wait3A_501 : memref<1x128xi32, #tpu.memory_space<vmem>> -> memref<128xi32, #tpu.memory_space<vmem>>
      %dma_wait3A_503 = tpu.memref_slice %arg3[%add3A_498] : memref<640000xi32, #tpu.memory_space<hbm>> -> memref<128xi32, #tpu.memory_space<hbm>>
      %dma_wait3A_504 = arith.constant 0 : i32
      %dma_wait3A_505 = tpu.memref_slice %arg9[%dma_wait3A_499, %dma_wait3A_504] : memref<26x128xi32, #tpu.memory_space<vmem>> -> memref<1x128xi32, #tpu.memory_space<vmem>>
      %dma_wait3A_506 = tpu.memref_squeeze %dma_wait3A_505 : memref<1x128xi32, #tpu.memory_space<vmem>> -> memref<128xi32, #tpu.memory_space<vmem>>
      %dma_wait3A_507 = tpu.memref_slice %arg3[%add3A_498] : memref<640000xi32, #tpu.memory_space<hbm>> -> memref<128xi32, #tpu.memory_space<hbm>>
      tpu.wait_dma2 semaphore(%arg14 : memref<!tpu.dma_semaphore, #tpu.memory_space<semaphore_mem>>) src(%dma_wait3A_507 : memref<128xi32, #tpu.memory_space<hbm>>) dst(%dma_wait3A_506 : memref<128xi32, #tpu.memory_space<vmem>>)
      %add3A_508 = arith.constant 320000 : i32
      %add3A_509 = arith.addi %add3A_508, %add3A_41 : i32
      %add3A_510 = arith.constant 1280 : i32
      %add3A_511 = arith.addi %add3A_509, %add3A_510 : i32
      %dma_wait3A_512 = arith.constant 10 : i32
      %dma_wait3A_513 = arith.constant 0 : i32
      %dma_wait3A_514 = tpu.memref_slice %arg9[%dma_wait3A_512, %dma_wait3A_513] : memref<26x128xi32, #tpu.memory_space<vmem>> -> memref<1x128xi32, #tpu.memory_space<vmem>>
      %dma_wait3A_515 = tpu.memref_squeeze %dma_wait3A_514 : memref<1x128xi32, #tpu.memory_space<vmem>> -> memref<128xi32, #tpu.memory_space<vmem>>
      %dma_wait3A_516 = tpu.memref_slice %arg3[%add3A_511] : memref<640000xi32, #tpu.memory_space<hbm>> -> memref<128xi32, #tpu.memory_space<hbm>>
      %dma_wait3A_517 = arith.constant 0 : i32
      %dma_wait3A_518 = tpu.memref_slice %arg9[%dma_wait3A_512, %dma_wait3A_517] : memref<26x128xi32, #tpu.memory_space<vmem>> -> memref<1x128xi32, #tpu.memory_space<vmem>>
      %dma_wait3A_519 = tpu.memref_squeeze %dma_wait3A_518 : memref<1x128xi32, #tpu.memory_space<vmem>> -> memref<128xi32, #tpu.memory_space<vmem>>
      %dma_wait3A_520 = tpu.memref_slice %arg3[%add3A_511] : memref<640000xi32, #tpu.memory_space<hbm>> -> memref<128xi32, #tpu.memory_space<hbm>>
      tpu.wait_dma2 semaphore(%arg14 : memref<!tpu.dma_semaphore, #tpu.memory_space<semaphore_mem>>) src(%dma_wait3A_520 : memref<128xi32, #tpu.memory_space<hbm>>) dst(%dma_wait3A_519 : memref<128xi32, #tpu.memory_space<vmem>>)
      %add3A_521 = arith.constant 320000 : i32
      %add3A_522 = arith.addi %add3A_521, %add3A_41 : i32
      %add3A_523 = arith.constant 1408 : i32
      %add3A_524 = arith.addi %add3A_522, %add3A_523 : i32
      %dma_wait3A_525 = arith.constant 11 : i32
      %dma_wait3A_526 = arith.constant 0 : i32
      %dma_wait3A_527 = tpu.memref_slice %arg9[%dma_wait3A_525, %dma_wait3A_526] : memref<26x128xi32, #tpu.memory_space<vmem>> -> memref<1x128xi32, #tpu.memory_space<vmem>>
      %dma_wait3A_528 = tpu.memref_squeeze %dma_wait3A_527 : memref<1x128xi32, #tpu.memory_space<vmem>> -> memref<128xi32, #tpu.memory_space<vmem>>
      %dma_wait3A_529 = tpu.memref_slice %arg3[%add3A_524] : memref<640000xi32, #tpu.memory_space<hbm>> -> memref<128xi32, #tpu.memory_space<hbm>>
      %dma_wait3A_530 = arith.constant 0 : i32
      %dma_wait3A_531 = tpu.memref_slice %arg9[%dma_wait3A_525, %dma_wait3A_530] : memref<26x128xi32, #tpu.memory_space<vmem>> -> memref<1x128xi32, #tpu.memory_space<vmem>>
      %dma_wait3A_532 = tpu.memref_squeeze %dma_wait3A_531 : memref<1x128xi32, #tpu.memory_space<vmem>> -> memref<128xi32, #tpu.memory_space<vmem>>
      %dma_wait3A_533 = tpu.memref_slice %arg3[%add3A_524] : memref<640000xi32, #tpu.memory_space<hbm>> -> memref<128xi32, #tpu.memory_space<hbm>>
      tpu.wait_dma2 semaphore(%arg14 : memref<!tpu.dma_semaphore, #tpu.memory_space<semaphore_mem>>) src(%dma_wait3A_533 : memref<128xi32, #tpu.memory_space<hbm>>) dst(%dma_wait3A_532 : memref<128xi32, #tpu.memory_space<vmem>>)
      %add3A_534 = arith.constant 320000 : i32
      %add3A_535 = arith.addi %add3A_534, %add3A_41 : i32
      %add3A_536 = arith.constant 1536 : i32
      %add3A_537 = arith.addi %add3A_535, %add3A_536 : i32
      %dma_wait3A_538 = arith.constant 12 : i32
      %dma_wait3A_539 = arith.constant 0 : i32
      %dma_wait3A_540 = tpu.memref_slice %arg9[%dma_wait3A_538, %dma_wait3A_539] : memref<26x128xi32, #tpu.memory_space<vmem>> -> memref<1x128xi32, #tpu.memory_space<vmem>>
      %dma_wait3A_541 = tpu.memref_squeeze %dma_wait3A_540 : memref<1x128xi32, #tpu.memory_space<vmem>> -> memref<128xi32, #tpu.memory_space<vmem>>
      %dma_wait3A_542 = tpu.memref_slice %arg3[%add3A_537] : memref<640000xi32, #tpu.memory_space<hbm>> -> memref<128xi32, #tpu.memory_space<hbm>>
      %dma_wait3A_543 = arith.constant 0 : i32
      %dma_wait3A_544 = tpu.memref_slice %arg9[%dma_wait3A_538, %dma_wait3A_543] : memref<26x128xi32, #tpu.memory_space<vmem>> -> memref<1x128xi32, #tpu.memory_space<vmem>>
      %dma_wait3A_545 = tpu.memref_squeeze %dma_wait3A_544 : memref<1x128xi32, #tpu.memory_space<vmem>> -> memref<128xi32, #tpu.memory_space<vmem>>
      %dma_wait3A_546 = tpu.memref_slice %arg3[%add3A_537] : memref<640000xi32, #tpu.memory_space<hbm>> -> memref<128xi32, #tpu.memory_space<hbm>>
      tpu.wait_dma2 semaphore(%arg14 : memref<!tpu.dma_semaphore, #tpu.memory_space<semaphore_mem>>) src(%dma_wait3A_546 : memref<128xi32, #tpu.memory_space<hbm>>) dst(%dma_wait3A_545 : memref<128xi32, #tpu.memory_space<vmem>>)
      %add3A_547 = arith.constant 320000 : i32
      %add3A_548 = arith.addi %add3A_547, %add3A_41 : i32
      %add3A_549 = arith.constant 1664 : i32
      %add3A_550 = arith.addi %add3A_548, %add3A_549 : i32
      %dma_wait3A_551 = arith.constant 13 : i32
      %dma_wait3A_552 = arith.constant 0 : i32
      %dma_wait3A_553 = tpu.memref_slice %arg9[%dma_wait3A_551, %dma_wait3A_552] : memref<26x128xi32, #tpu.memory_space<vmem>> -> memref<1x128xi32, #tpu.memory_space<vmem>>
      %dma_wait3A_554 = tpu.memref_squeeze %dma_wait3A_553 : memref<1x128xi32, #tpu.memory_space<vmem>> -> memref<128xi32, #tpu.memory_space<vmem>>
      %dma_wait3A_555 = tpu.memref_slice %arg3[%add3A_550] : memref<640000xi32, #tpu.memory_space<hbm>> -> memref<128xi32, #tpu.memory_space<hbm>>
      %dma_wait3A_556 = arith.constant 0 : i32
      %dma_wait3A_557 = tpu.memref_slice %arg9[%dma_wait3A_551, %dma_wait3A_556] : memref<26x128xi32, #tpu.memory_space<vmem>> -> memref<1x128xi32, #tpu.memory_space<vmem>>
      %dma_wait3A_558 = tpu.memref_squeeze %dma_wait3A_557 : memref<1x128xi32, #tpu.memory_space<vmem>> -> memref<128xi32, #tpu.memory_space<vmem>>
      %dma_wait3A_559 = tpu.memref_slice %arg3[%add3A_550] : memref<640000xi32, #tpu.memory_space<hbm>> -> memref<128xi32, #tpu.memory_space<hbm>>
      tpu.wait_dma2 semaphore(%arg14 : memref<!tpu.dma_semaphore, #tpu.memory_space<semaphore_mem>>) src(%dma_wait3A_559 : memref<128xi32, #tpu.memory_space<hbm>>) dst(%dma_wait3A_558 : memref<128xi32, #tpu.memory_space<vmem>>)
      %add3A_560 = arith.constant 320000 : i32
      %add3A_561 = arith.addi %add3A_560, %add3A_41 : i32
      %add3A_562 = arith.constant 1792 : i32
      %add3A_563 = arith.addi %add3A_561, %add3A_562 : i32
      %dma_wait3A_564 = arith.constant 14 : i32
      %dma_wait3A_565 = arith.constant 0 : i32
      %dma_wait3A_566 = tpu.memref_slice %arg9[%dma_wait3A_564, %dma_wait3A_565] : memref<26x128xi32, #tpu.memory_space<vmem>> -> memref<1x128xi32, #tpu.memory_space<vmem>>
      %dma_wait3A_567 = tpu.memref_squeeze %dma_wait3A_566 : memref<1x128xi32, #tpu.memory_space<vmem>> -> memref<128xi32, #tpu.memory_space<vmem>>
      %dma_wait3A_568 = tpu.memref_slice %arg3[%add3A_563] : memref<640000xi32, #tpu.memory_space<hbm>> -> memref<128xi32, #tpu.memory_space<hbm>>
      %dma_wait3A_569 = arith.constant 0 : i32
      %dma_wait3A_570 = tpu.memref_slice %arg9[%dma_wait3A_564, %dma_wait3A_569] : memref<26x128xi32, #tpu.memory_space<vmem>> -> memref<1x128xi32, #tpu.memory_space<vmem>>
      %dma_wait3A_571 = tpu.memref_squeeze %dma_wait3A_570 : memref<1x128xi32, #tpu.memory_space<vmem>> -> memref<128xi32, #tpu.memory_space<vmem>>
      %dma_wait3A_572 = tpu.memref_slice %arg3[%add3A_563] : memref<640000xi32, #tpu.memory_space<hbm>> -> memref<128xi32, #tpu.memory_space<hbm>>
      tpu.wait_dma2 semaphore(%arg14 : memref<!tpu.dma_semaphore, #tpu.memory_space<semaphore_mem>>) src(%dma_wait3A_572 : memref<128xi32, #tpu.memory_space<hbm>>) dst(%dma_wait3A_571 : memref<128xi32, #tpu.memory_space<vmem>>)
      %add3A_573 = arith.constant 320000 : i32
      %add3A_574 = arith.addi %add3A_573, %add3A_41 : i32
      %add3A_575 = arith.constant 1920 : i32
      %add3A_576 = arith.addi %add3A_574, %add3A_575 : i32
      %dma_wait3A_577 = arith.constant 15 : i32
      %dma_wait3A_578 = arith.constant 0 : i32
      %dma_wait3A_579 = tpu.memref_slice %arg9[%dma_wait3A_577, %dma_wait3A_578] : memref<26x128xi32, #tpu.memory_space<vmem>> -> memref<1x128xi32, #tpu.memory_space<vmem>>
      %dma_wait3A_580 = tpu.memref_squeeze %dma_wait3A_579 : memref<1x128xi32, #tpu.memory_space<vmem>> -> memref<128xi32, #tpu.memory_space<vmem>>
      %dma_wait3A_581 = tpu.memref_slice %arg3[%add3A_576] : memref<640000xi32, #tpu.memory_space<hbm>> -> memref<128xi32, #tpu.memory_space<hbm>>
      %dma_wait3A_582 = arith.constant 0 : i32
      %dma_wait3A_583 = tpu.memref_slice %arg9[%dma_wait3A_577, %dma_wait3A_582] : memref<26x128xi32, #tpu.memory_space<vmem>> -> memref<1x128xi32, #tpu.memory_space<vmem>>
      %dma_wait3A_584 = tpu.memref_squeeze %dma_wait3A_583 : memref<1x128xi32, #tpu.memory_space<vmem>> -> memref<128xi32, #tpu.memory_space<vmem>>
      %dma_wait3A_585 = tpu.memref_slice %arg3[%add3A_576] : memref<640000xi32, #tpu.memory_space<hbm>> -> memref<128xi32, #tpu.memory_space<hbm>>
      tpu.wait_dma2 semaphore(%arg14 : memref<!tpu.dma_semaphore, #tpu.memory_space<semaphore_mem>>) src(%dma_wait3A_585 : memref<128xi32, #tpu.memory_space<hbm>>) dst(%dma_wait3A_584 : memref<128xi32, #tpu.memory_space<vmem>>)
      %add3A_586 = arith.constant 320000 : i32
      %add3A_587 = arith.addi %add3A_586, %add3A_41 : i32
      %add3A_588 = arith.constant 2048 : i32
      %add3A_589 = arith.addi %add3A_587, %add3A_588 : i32
      %dma_wait3A_590 = arith.constant 16 : i32
      %dma_wait3A_591 = arith.constant 0 : i32
      %dma_wait3A_592 = tpu.memref_slice %arg9[%dma_wait3A_590, %dma_wait3A_591] : memref<26x128xi32, #tpu.memory_space<vmem>> -> memref<1x128xi32, #tpu.memory_space<vmem>>
      %dma_wait3A_593 = tpu.memref_squeeze %dma_wait3A_592 : memref<1x128xi32, #tpu.memory_space<vmem>> -> memref<128xi32, #tpu.memory_space<vmem>>
      %dma_wait3A_594 = tpu.memref_slice %arg3[%add3A_589] : memref<640000xi32, #tpu.memory_space<hbm>> -> memref<128xi32, #tpu.memory_space<hbm>>
      %dma_wait3A_595 = arith.constant 0 : i32
      %dma_wait3A_596 = tpu.memref_slice %arg9[%dma_wait3A_590, %dma_wait3A_595] : memref<26x128xi32, #tpu.memory_space<vmem>> -> memref<1x128xi32, #tpu.memory_space<vmem>>
      %dma_wait3A_597 = tpu.memref_squeeze %dma_wait3A_596 : memref<1x128xi32, #tpu.memory_space<vmem>> -> memref<128xi32, #tpu.memory_space<vmem>>
      %dma_wait3A_598 = tpu.memref_slice %arg3[%add3A_589] : memref<640000xi32, #tpu.memory_space<hbm>> -> memref<128xi32, #tpu.memory_space<hbm>>
      tpu.wait_dma2 semaphore(%arg14 : memref<!tpu.dma_semaphore, #tpu.memory_space<semaphore_mem>>) src(%dma_wait3A_598 : memref<128xi32, #tpu.memory_space<hbm>>) dst(%dma_wait3A_597 : memref<128xi32, #tpu.memory_space<vmem>>)
      %add3A_599 = arith.constant 320000 : i32
      %add3A_600 = arith.addi %add3A_599, %add3A_41 : i32
      %add3A_601 = arith.constant 2176 : i32
      %add3A_602 = arith.addi %add3A_600, %add3A_601 : i32
      %dma_wait3A_603 = arith.constant 17 : i32
      %dma_wait3A_604 = arith.constant 0 : i32
      %dma_wait3A_605 = tpu.memref_slice %arg9[%dma_wait3A_603, %dma_wait3A_604] : memref<26x128xi32, #tpu.memory_space<vmem>> -> memref<1x128xi32, #tpu.memory_space<vmem>>
      %dma_wait3A_606 = tpu.memref_squeeze %dma_wait3A_605 : memref<1x128xi32, #tpu.memory_space<vmem>> -> memref<128xi32, #tpu.memory_space<vmem>>
      %dma_wait3A_607 = tpu.memref_slice %arg3[%add3A_602] : memref<640000xi32, #tpu.memory_space<hbm>> -> memref<128xi32, #tpu.memory_space<hbm>>
      %dma_wait3A_608 = arith.constant 0 : i32
      %dma_wait3A_609 = tpu.memref_slice %arg9[%dma_wait3A_603, %dma_wait3A_608] : memref<26x128xi32, #tpu.memory_space<vmem>> -> memref<1x128xi32, #tpu.memory_space<vmem>>
      %dma_wait3A_610 = tpu.memref_squeeze %dma_wait3A_609 : memref<1x128xi32, #tpu.memory_space<vmem>> -> memref<128xi32, #tpu.memory_space<vmem>>
      %dma_wait3A_611 = tpu.memref_slice %arg3[%add3A_602] : memref<640000xi32, #tpu.memory_space<hbm>> -> memref<128xi32, #tpu.memory_space<hbm>>
      tpu.wait_dma2 semaphore(%arg14 : memref<!tpu.dma_semaphore, #tpu.memory_space<semaphore_mem>>) src(%dma_wait3A_611 : memref<128xi32, #tpu.memory_space<hbm>>) dst(%dma_wait3A_610 : memref<128xi32, #tpu.memory_space<vmem>>)
      %add3A_612 = arith.constant 320000 : i32
      %add3A_613 = arith.addi %add3A_612, %add3A_41 : i32
      %add3A_614 = arith.constant 2304 : i32
      %add3A_615 = arith.addi %add3A_613, %add3A_614 : i32
      %dma_wait3A_616 = arith.constant 18 : i32
      %dma_wait3A_617 = arith.constant 0 : i32
      %dma_wait3A_618 = tpu.memref_slice %arg9[%dma_wait3A_616, %dma_wait3A_617] : memref<26x128xi32, #tpu.memory_space<vmem>> -> memref<1x128xi32, #tpu.memory_space<vmem>>
      %dma_wait3A_619 = tpu.memref_squeeze %dma_wait3A_618 : memref<1x128xi32, #tpu.memory_space<vmem>> -> memref<128xi32, #tpu.memory_space<vmem>>
      %dma_wait3A_620 = tpu.memref_slice %arg3[%add3A_615] : memref<640000xi32, #tpu.memory_space<hbm>> -> memref<128xi32, #tpu.memory_space<hbm>>
      %dma_wait3A_621 = arith.constant 0 : i32
      %dma_wait3A_622 = tpu.memref_slice %arg9[%dma_wait3A_616, %dma_wait3A_621] : memref<26x128xi32, #tpu.memory_space<vmem>> -> memref<1x128xi32, #tpu.memory_space<vmem>>
      %dma_wait3A_623 = tpu.memref_squeeze %dma_wait3A_622 : memref<1x128xi32, #tpu.memory_space<vmem>> -> memref<128xi32, #tpu.memory_space<vmem>>
      %dma_wait3A_624 = tpu.memref_slice %arg3[%add3A_615] : memref<640000xi32, #tpu.memory_space<hbm>> -> memref<128xi32, #tpu.memory_space<hbm>>
      tpu.wait_dma2 semaphore(%arg14 : memref<!tpu.dma_semaphore, #tpu.memory_space<semaphore_mem>>) src(%dma_wait3A_624 : memref<128xi32, #tpu.memory_space<hbm>>) dst(%dma_wait3A_623 : memref<128xi32, #tpu.memory_space<vmem>>)
      %add3A_625 = arith.constant 320000 : i32
      %add3A_626 = arith.addi %add3A_625, %add3A_41 : i32
      %add3A_627 = arith.constant 2432 : i32
      %add3A_628 = arith.addi %add3A_626, %add3A_627 : i32
      %dma_wait3A_629 = arith.constant 19 : i32
      %dma_wait3A_630 = arith.constant 0 : i32
      %dma_wait3A_631 = tpu.memref_slice %arg9[%dma_wait3A_629, %dma_wait3A_630] : memref<26x128xi32, #tpu.memory_space<vmem>> -> memref<1x128xi32, #tpu.memory_space<vmem>>
      %dma_wait3A_632 = tpu.memref_squeeze %dma_wait3A_631 : memref<1x128xi32, #tpu.memory_space<vmem>> -> memref<128xi32, #tpu.memory_space<vmem>>
      %dma_wait3A_633 = tpu.memref_slice %arg3[%add3A_628] : memref<640000xi32, #tpu.memory_space<hbm>> -> memref<128xi32, #tpu.memory_space<hbm>>
      %dma_wait3A_634 = arith.constant 0 : i32
      %dma_wait3A_635 = tpu.memref_slice %arg9[%dma_wait3A_629, %dma_wait3A_634] : memref<26x128xi32, #tpu.memory_space<vmem>> -> memref<1x128xi32, #tpu.memory_space<vmem>>
      %dma_wait3A_636 = tpu.memref_squeeze %dma_wait3A_635 : memref<1x128xi32, #tpu.memory_space<vmem>> -> memref<128xi32, #tpu.memory_space<vmem>>
      %dma_wait3A_637 = tpu.memref_slice %arg3[%add3A_628] : memref<640000xi32, #tpu.memory_space<hbm>> -> memref<128xi32, #tpu.memory_space<hbm>>
      tpu.wait_dma2 semaphore(%arg14 : memref<!tpu.dma_semaphore, #tpu.memory_space<semaphore_mem>>) src(%dma_wait3A_637 : memref<128xi32, #tpu.memory_space<hbm>>) dst(%dma_wait3A_636 : memref<128xi32, #tpu.memory_space<vmem>>)
      %add3A_638 = arith.constant 320000 : i32
      %add3A_639 = arith.addi %add3A_638, %add3A_41 : i32
      %add3A_640 = arith.constant 2560 : i32
      %add3A_641 = arith.addi %add3A_639, %add3A_640 : i32
      %dma_wait3A_642 = arith.constant 20 : i32
      %dma_wait3A_643 = arith.constant 0 : i32
      %dma_wait3A_644 = tpu.memref_slice %arg9[%dma_wait3A_642, %dma_wait3A_643] : memref<26x128xi32, #tpu.memory_space<vmem>> -> memref<1x128xi32, #tpu.memory_space<vmem>>
      %dma_wait3A_645 = tpu.memref_squeeze %dma_wait3A_644 : memref<1x128xi32, #tpu.memory_space<vmem>> -> memref<128xi32, #tpu.memory_space<vmem>>
      %dma_wait3A_646 = tpu.memref_slice %arg3[%add3A_641] : memref<640000xi32, #tpu.memory_space<hbm>> -> memref<128xi32, #tpu.memory_space<hbm>>
      %dma_wait3A_647 = arith.constant 0 : i32
      %dma_wait3A_648 = tpu.memref_slice %arg9[%dma_wait3A_642, %dma_wait3A_647] : memref<26x128xi32, #tpu.memory_space<vmem>> -> memref<1x128xi32, #tpu.memory_space<vmem>>
      %dma_wait3A_649 = tpu.memref_squeeze %dma_wait3A_648 : memref<1x128xi32, #tpu.memory_space<vmem>> -> memref<128xi32, #tpu.memory_space<vmem>>
      %dma_wait3A_650 = tpu.memref_slice %arg3[%add3A_641] : memref<640000xi32, #tpu.memory_space<hbm>> -> memref<128xi32, #tpu.memory_space<hbm>>
      tpu.wait_dma2 semaphore(%arg14 : memref<!tpu.dma_semaphore, #tpu.memory_space<semaphore_mem>>) src(%dma_wait3A_650 : memref<128xi32, #tpu.memory_space<hbm>>) dst(%dma_wait3A_649 : memref<128xi32, #tpu.memory_space<vmem>>)
      %add3A_651 = arith.constant 320000 : i32
      %add3A_652 = arith.addi %add3A_651, %add3A_41 : i32
      %add3A_653 = arith.constant 2688 : i32
      %add3A_654 = arith.addi %add3A_652, %add3A_653 : i32
      %dma_wait3A_655 = arith.constant 21 : i32
      %dma_wait3A_656 = arith.constant 0 : i32
      %dma_wait3A_657 = tpu.memref_slice %arg9[%dma_wait3A_655, %dma_wait3A_656] : memref<26x128xi32, #tpu.memory_space<vmem>> -> memref<1x128xi32, #tpu.memory_space<vmem>>
      %dma_wait3A_658 = tpu.memref_squeeze %dma_wait3A_657 : memref<1x128xi32, #tpu.memory_space<vmem>> -> memref<128xi32, #tpu.memory_space<vmem>>
      %dma_wait3A_659 = tpu.memref_slice %arg3[%add3A_654] : memref<640000xi32, #tpu.memory_space<hbm>> -> memref<128xi32, #tpu.memory_space<hbm>>
      %dma_wait3A_660 = arith.constant 0 : i32
      %dma_wait3A_661 = tpu.memref_slice %arg9[%dma_wait3A_655, %dma_wait3A_660] : memref<26x128xi32, #tpu.memory_space<vmem>> -> memref<1x128xi32, #tpu.memory_space<vmem>>
      %dma_wait3A_662 = tpu.memref_squeeze %dma_wait3A_661 : memref<1x128xi32, #tpu.memory_space<vmem>> -> memref<128xi32, #tpu.memory_space<vmem>>
      %dma_wait3A_663 = tpu.memref_slice %arg3[%add3A_654] : memref<640000xi32, #tpu.memory_space<hbm>> -> memref<128xi32, #tpu.memory_space<hbm>>
      tpu.wait_dma2 semaphore(%arg14 : memref<!tpu.dma_semaphore, #tpu.memory_space<semaphore_mem>>) src(%dma_wait3A_663 : memref<128xi32, #tpu.memory_space<hbm>>) dst(%dma_wait3A_662 : memref<128xi32, #tpu.memory_space<vmem>>)
      %add3A_664 = arith.constant 320000 : i32
      %add3A_665 = arith.addi %add3A_664, %add3A_41 : i32
      %add3A_666 = arith.constant 2816 : i32
      %add3A_667 = arith.addi %add3A_665, %add3A_666 : i32
      %dma_wait3A_668 = arith.constant 22 : i32
      %dma_wait3A_669 = arith.constant 0 : i32
      %dma_wait3A_670 = tpu.memref_slice %arg9[%dma_wait3A_668, %dma_wait3A_669] : memref<26x128xi32, #tpu.memory_space<vmem>> -> memref<1x128xi32, #tpu.memory_space<vmem>>
      %dma_wait3A_671 = tpu.memref_squeeze %dma_wait3A_670 : memref<1x128xi32, #tpu.memory_space<vmem>> -> memref<128xi32, #tpu.memory_space<vmem>>
      %dma_wait3A_672 = tpu.memref_slice %arg3[%add3A_667] : memref<640000xi32, #tpu.memory_space<hbm>> -> memref<128xi32, #tpu.memory_space<hbm>>
      %dma_wait3A_673 = arith.constant 0 : i32
      %dma_wait3A_674 = tpu.memref_slice %arg9[%dma_wait3A_668, %dma_wait3A_673] : memref<26x128xi32, #tpu.memory_space<vmem>> -> memref<1x128xi32, #tpu.memory_space<vmem>>
      %dma_wait3A_675 = tpu.memref_squeeze %dma_wait3A_674 : memref<1x128xi32, #tpu.memory_space<vmem>> -> memref<128xi32, #tpu.memory_space<vmem>>
      %dma_wait3A_676 = tpu.memref_slice %arg3[%add3A_667] : memref<640000xi32, #tpu.memory_space<hbm>> -> memref<128xi32, #tpu.memory_space<hbm>>
      tpu.wait_dma2 semaphore(%arg14 : memref<!tpu.dma_semaphore, #tpu.memory_space<semaphore_mem>>) src(%dma_wait3A_676 : memref<128xi32, #tpu.memory_space<hbm>>) dst(%dma_wait3A_675 : memref<128xi32, #tpu.memory_space<vmem>>)
      %add3A_677 = arith.constant 320000 : i32
      %add3A_678 = arith.addi %add3A_677, %add3A_41 : i32
      %add3A_679 = arith.constant 2944 : i32
      %add3A_680 = arith.addi %add3A_678, %add3A_679 : i32
      %dma_wait3A_681 = arith.constant 23 : i32
      %dma_wait3A_682 = arith.constant 0 : i32
      %dma_wait3A_683 = tpu.memref_slice %arg9[%dma_wait3A_681, %dma_wait3A_682] : memref<26x128xi32, #tpu.memory_space<vmem>> -> memref<1x128xi32, #tpu.memory_space<vmem>>
      %dma_wait3A_684 = tpu.memref_squeeze %dma_wait3A_683 : memref<1x128xi32, #tpu.memory_space<vmem>> -> memref<128xi32, #tpu.memory_space<vmem>>
      %dma_wait3A_685 = tpu.memref_slice %arg3[%add3A_680] : memref<640000xi32, #tpu.memory_space<hbm>> -> memref<128xi32, #tpu.memory_space<hbm>>
      %dma_wait3A_686 = arith.constant 0 : i32
      %dma_wait3A_687 = tpu.memref_slice %arg9[%dma_wait3A_681, %dma_wait3A_686] : memref<26x128xi32, #tpu.memory_space<vmem>> -> memref<1x128xi32, #tpu.memory_space<vmem>>
      %dma_wait3A_688 = tpu.memref_squeeze %dma_wait3A_687 : memref<1x128xi32, #tpu.memory_space<vmem>> -> memref<128xi32, #tpu.memory_space<vmem>>
      %dma_wait3A_689 = tpu.memref_slice %arg3[%add3A_680] : memref<640000xi32, #tpu.memory_space<hbm>> -> memref<128xi32, #tpu.memory_space<hbm>>
      tpu.wait_dma2 semaphore(%arg14 : memref<!tpu.dma_semaphore, #tpu.memory_space<semaphore_mem>>) src(%dma_wait3A_689 : memref<128xi32, #tpu.memory_space<hbm>>) dst(%dma_wait3A_688 : memref<128xi32, #tpu.memory_space<vmem>>)
      %add3A_690 = arith.constant 320000 : i32
      %add3A_691 = arith.addi %add3A_690, %add3A_41 : i32
      %add3A_692 = arith.constant 3072 : i32
      %add3A_693 = arith.addi %add3A_691, %add3A_692 : i32
      %dma_wait3A_694 = arith.constant 24 : i32
      %dma_wait3A_695 = arith.constant 0 : i32
      %dma_wait3A_696 = tpu.memref_slice %arg9[%dma_wait3A_694, %dma_wait3A_695] : memref<26x128xi32, #tpu.memory_space<vmem>> -> memref<1x128xi32, #tpu.memory_space<vmem>>
      %dma_wait3A_697 = tpu.memref_squeeze %dma_wait3A_696 : memref<1x128xi32, #tpu.memory_space<vmem>> -> memref<128xi32, #tpu.memory_space<vmem>>
      %dma_wait3A_698 = tpu.memref_slice %arg3[%add3A_693] : memref<640000xi32, #tpu.memory_space<hbm>> -> memref<128xi32, #tpu.memory_space<hbm>>
      %dma_wait3A_699 = arith.constant 0 : i32
      %dma_wait3A_700 = tpu.memref_slice %arg9[%dma_wait3A_694, %dma_wait3A_699] : memref<26x128xi32, #tpu.memory_space<vmem>> -> memref<1x128xi32, #tpu.memory_space<vmem>>
      %dma_wait3A_701 = tpu.memref_squeeze %dma_wait3A_700 : memref<1x128xi32, #tpu.memory_space<vmem>> -> memref<128xi32, #tpu.memory_space<vmem>>
      %dma_wait3A_702 = tpu.memref_slice %arg3[%add3A_693] : memref<640000xi32, #tpu.memory_space<hbm>> -> memref<128xi32, #tpu.memory_space<hbm>>
      tpu.wait_dma2 semaphore(%arg14 : memref<!tpu.dma_semaphore, #tpu.memory_space<semaphore_mem>>) src(%dma_wait3A_702 : memref<128xi32, #tpu.memory_space<hbm>>) dst(%dma_wait3A_701 : memref<128xi32, #tpu.memory_space<vmem>>)
      %add3A_703 = arith.constant 320000 : i32
      %add3A_704 = arith.addi %add3A_703, %add3A_41 : i32
      %add3A_705 = arith.constant 3200 : i32
      %add3A_706 = arith.addi %add3A_704, %add3A_705 : i32
      %dma_wait3A_707 = arith.constant 25 : i32
      %dma_wait3A_708 = arith.constant 0 : i32
      %dma_wait3A_709 = tpu.memref_slice %arg9[%dma_wait3A_707, %dma_wait3A_708] : memref<26x128xi32, #tpu.memory_space<vmem>> -> memref<1x128xi32, #tpu.memory_space<vmem>>
      %dma_wait3A_710 = tpu.memref_squeeze %dma_wait3A_709 : memref<1x128xi32, #tpu.memory_space<vmem>> -> memref<128xi32, #tpu.memory_space<vmem>>
      %dma_wait3A_711 = tpu.memref_slice %arg3[%add3A_706] : memref<640000xi32, #tpu.memory_space<hbm>> -> memref<128xi32, #tpu.memory_space<hbm>>
      %dma_wait3A_712 = arith.constant 0 : i32
      %dma_wait3A_713 = tpu.memref_slice %arg9[%dma_wait3A_707, %dma_wait3A_712] : memref<26x128xi32, #tpu.memory_space<vmem>> -> memref<1x128xi32, #tpu.memory_space<vmem>>
      %dma_wait3A_714 = tpu.memref_squeeze %dma_wait3A_713 : memref<1x128xi32, #tpu.memory_space<vmem>> -> memref<128xi32, #tpu.memory_space<vmem>>
      %dma_wait3A_715 = tpu.memref_slice %arg3[%add3A_706] : memref<640000xi32, #tpu.memory_space<hbm>> -> memref<128xi32, #tpu.memory_space<hbm>>
      tpu.wait_dma2 semaphore(%arg14 : memref<!tpu.dma_semaphore, #tpu.memory_space<semaphore_mem>>) src(%dma_wait3A_715 : memref<128xi32, #tpu.memory_space<hbm>>) dst(%dma_wait3A_714 : memref<128xi32, #tpu.memory_space<vmem>>)
      %dma_start3A_716 = arith.constant 0 : i32
      %dma_start3A_717 = tpu.memref_slice %arg8[%dma_start3A_716] : memref<3328xi32, #tpu.memory_space<vmem>> -> memref<128xi32, #tpu.memory_space<vmem>>
      %dma_start3A_718 = arith.constant 0 : i32
      %dma_start3A_719 = arith.constant 0 : i32
      %dma_start3A_720 = tpu.memref_slice %arg2[%dma_start3A_718, %dma_start3A_719] : memref<10000x128xf32, #tpu.memory_space<hbm>> -> memref<10000x128xf32, #tpu.memory_space<hbm>>
      tpu.enqueue_indirect_dma source(%dma_start3A_720 : memref<10000x128xf32, #tpu.memory_space<hbm>>) target(%arg6 : memref<128x128xf32, #tpu.memory_space<vmem>>) offsets(%dma_start3A_717 : memref<128xi32, #tpu.memory_space<vmem>>) semaphore(%arg12 : memref<!tpu.dma_semaphore, #tpu.memory_space<semaphore_mem>>)
      %scan3A_721 = arith.constant 0 : i32
      %scan3A_722 = arith.constant 0 : i32
      %scan3A_723 = arith.constant 13 : i32
      %scan3A_724 = arith.addi %scan3A_722, %scan3A_723 : i32
      %scan3A_725 = arith.constant 1 : i32
      %scan3A_726 = scf.for %scan3A_729 = %scan3A_722 to %scan3A_724 step %scan3A_725 iter_args(%scan3A_730 = %scan3A_721) -> (i32)  : i32 {
        %mul3A_731 = arith.constant 2 : i32
        %mul3A_732 = arith.muli %mul3A_731, %scan3A_729 : i32
        %mul3A_733 = arith.constant 128 : i32
        %mul3A_734 = arith.muli %mul3A_732, %mul3A_733 : i32
        %dma_wait3A_735 = tpu.memref_slice %arg8[%mul3A_734] : memref<3328xi32, #tpu.memory_space<vmem>> -> memref<128xi32, #tpu.memory_space<vmem>>
        %dma_wait3A_736 = arith.constant 0 : i32
        %dma_wait3A_737 = arith.constant 0 : i32
        %dma_wait3A_738 = tpu.memref_slice %arg2[%dma_wait3A_736, %dma_wait3A_737] : memref<10000x128xf32, #tpu.memory_space<hbm>> -> memref<10000x128xf32, #tpu.memory_space<hbm>>
        tpu.wait_indirect_dma semaphore(%arg12 : memref<!tpu.dma_semaphore, #tpu.memory_space<semaphore_mem>>) src(%dma_wait3A_738 : memref<10000x128xf32, #tpu.memory_space<hbm>>) dst(%arg6 : memref<128x128xf32, #tpu.memory_space<vmem>>)
        %add3A_739 = arith.constant 1 : i32
        %add3A_740 = arith.addi %mul3A_732, %add3A_739 : i32
        %lt3A_741 = arith.constant 26 : i32
        %lt3A_742 = arith.cmpi slt, %add3A_740, %lt3A_741 : i32
        %convert_element_type3A_743 = arith.extui %lt3A_742 : i1 to i32
        %cond3A_744 = arith.constant 0 : i32
        %cond3A_745 = arith.cmpi ne, %convert_element_type3A_743, %cond3A_744 : i32
        scf.if %cond3A_745 {
          %add3A_754 = arith.constant 1 : i32
          %add3A_755 = arith.addi %mul3A_732, %add3A_754 : i32
          %mul3A_756 = arith.constant 128 : i32
          %mul3A_757 = arith.muli %add3A_755, %mul3A_756 : i32
          %dma_start3A_758 = tpu.memref_slice %arg8[%mul3A_757] : memref<3328xi32, #tpu.memory_space<vmem>> -> memref<128xi32, #tpu.memory_space<vmem>>
          %dma_start3A_759 = arith.constant 0 : i32
          %dma_start3A_760 = arith.constant 0 : i32
          %dma_start3A_761 = tpu.memref_slice %arg2[%dma_start3A_759, %dma_start3A_760] : memref<10000x128xf32, #tpu.memory_space<hbm>> -> memref<10000x128xf32, #tpu.memory_space<hbm>>
          tpu.enqueue_indirect_dma source(%dma_start3A_761 : memref<10000x128xf32, #tpu.memory_space<hbm>>) target(%arg7 : memref<128x128xf32, #tpu.memory_space<vmem>>) offsets(%dma_start3A_758 : memref<128xi32, #tpu.memory_space<vmem>>) semaphore(%arg13 : memref<!tpu.dma_semaphore, #tpu.memory_space<semaphore_mem>>)
        } else {
        }
        "tpu.region"() ({
          %run_scoped3A = tpu.sem_alloc : memref<!tpu.dma_semaphore, #tpu.memory_space<semaphore_mem>>
          %dma_start3A_754 = arith.constant 0 : i32
          %dma_start3A_755 = tpu.memref_slice %arg9[%mul3A_732, %dma_start3A_754] : memref<26x128xi32, #tpu.memory_space<vmem>> -> memref<1x128xi32, #tpu.memory_space<vmem>>
          %dma_start3A_756 = tpu.memref_squeeze %dma_start3A_755 : memref<1x128xi32, #tpu.memory_space<vmem>> -> memref<128xi32, #tpu.memory_space<vmem>>
          %dma_start3A_757 = arith.constant 0 : i32
          %dma_start3A_758 = arith.constant 0 : i32
          %dma_start3A_759 = tpu.memref_slice %arg5[%dma_start3A_757, %dma_start3A_758] : memref<10112x128xf32, #tpu.memory_space<vmem_shared>> -> memref<10112x128xf32, #tpu.memory_space<vmem_shared>>
          tpu.enqueue_indirect_dma source(%arg6 : memref<128x128xf32, #tpu.memory_space<vmem>>) target(%dma_start3A_759 : memref<10112x128xf32, #tpu.memory_space<vmem_shared>>) offsets(%dma_start3A_756 : memref<128xi32, #tpu.memory_space<vmem>>) semaphore(%run_scoped3A : memref<!tpu.dma_semaphore, #tpu.memory_space<semaphore_mem>>) {add = true}
          %dma_wait3A_760 = arith.constant 0 : i32
          %dma_wait3A_761 = tpu.memref_slice %arg9[%mul3A_732, %dma_wait3A_760] : memref<26x128xi32, #tpu.memory_space<vmem>> -> memref<1x128xi32, #tpu.memory_space<vmem>>
          %dma_wait3A_762 = tpu.memref_squeeze %dma_wait3A_761 : memref<1x128xi32, #tpu.memory_space<vmem>> -> memref<128xi32, #tpu.memory_space<vmem>>
          %dma_wait3A_763 = arith.constant 0 : i32
          %dma_wait3A_764 = arith.constant 0 : i32
          %dma_wait3A_765 = tpu.memref_slice %arg5[%dma_wait3A_763, %dma_wait3A_764] : memref<10112x128xf32, #tpu.memory_space<vmem_shared>> -> memref<10112x128xf32, #tpu.memory_space<vmem_shared>>
          tpu.wait_indirect_dma semaphore(%run_scoped3A : memref<!tpu.dma_semaphore, #tpu.memory_space<semaphore_mem>>) src(%arg6 : memref<128x128xf32, #tpu.memory_space<vmem>>) dst(%dma_wait3A_765 : memref<10112x128xf32, #tpu.memory_space<vmem_shared>>)
          tpu.yield
        }) : () -> ()
        %add3A_746 = arith.constant 1 : i32
        %add3A_747 = arith.addi %mul3A_732, %add3A_746 : i32
        %lt3A_748 = arith.constant 26 : i32
        %lt3A_749 = arith.cmpi slt, %add3A_747, %lt3A_748 : i32
        %convert_element_type3A_750 = arith.extui %lt3A_749 : i1 to i32
        %cond3A_751 = arith.constant 0 : i32
        %cond3A_752 = arith.cmpi ne, %convert_element_type3A_750, %cond3A_751 : i32
        scf.if %cond3A_752 {
          %add3A_754 = arith.constant 1 : i32
          %add3A_755 = arith.addi %mul3A_732, %add3A_754 : i32
          %mul3A_756 = arith.constant 128 : i32
          %mul3A_757 = arith.muli %add3A_755, %mul3A_756 : i32
          %dma_wait3A_758 = tpu.memref_slice %arg8[%mul3A_757] : memref<3328xi32, #tpu.memory_space<vmem>> -> memref<128xi32, #tpu.memory_space<vmem>>
          %dma_wait3A_759 = arith.constant 0 : i32
          %dma_wait3A_760 = arith.constant 0 : i32
          %dma_wait3A_761 = tpu.memref_slice %arg2[%dma_wait3A_759, %dma_wait3A_760] : memref<10000x128xf32, #tpu.memory_space<hbm>> -> memref<10000x128xf32, #tpu.memory_space<hbm>>
          tpu.wait_indirect_dma semaphore(%arg13 : memref<!tpu.dma_semaphore, #tpu.memory_space<semaphore_mem>>) src(%dma_wait3A_761 : memref<10000x128xf32, #tpu.memory_space<hbm>>) dst(%arg7 : memref<128x128xf32, #tpu.memory_space<vmem>>)
          %add3A_762 = arith.constant 2 : i32
          %add3A_763 = arith.addi %mul3A_732, %add3A_762 : i32
          %lt3A_764 = arith.constant 26 : i32
          %lt3A_765 = arith.cmpi slt, %add3A_763, %lt3A_764 : i32
          %convert_element_type3A_766 = arith.extui %lt3A_765 : i1 to i32
          %cond3A_767 = arith.constant 0 : i32
          %cond3A_768 = arith.cmpi ne, %convert_element_type3A_766, %cond3A_767 : i32
          scf.if %cond3A_768 {
            %add3A_771 = arith.constant 2 : i32
            %add3A_772 = arith.addi %mul3A_732, %add3A_771 : i32
            %mul3A_773 = arith.constant 128 : i32
            %mul3A_774 = arith.muli %add3A_772, %mul3A_773 : i32
            %dma_start3A_775 = tpu.memref_slice %arg8[%mul3A_774] : memref<3328xi32, #tpu.memory_space<vmem>> -> memref<128xi32, #tpu.memory_space<vmem>>
            %dma_start3A_776 = arith.constant 0 : i32
            %dma_start3A_777 = arith.constant 0 : i32
            %dma_start3A_778 = tpu.memref_slice %arg2[%dma_start3A_776, %dma_start3A_777] : memref<10000x128xf32, #tpu.memory_space<hbm>> -> memref<10000x128xf32, #tpu.memory_space<hbm>>
            tpu.enqueue_indirect_dma source(%dma_start3A_778 : memref<10000x128xf32, #tpu.memory_space<hbm>>) target(%arg6 : memref<128x128xf32, #tpu.memory_space<vmem>>) offsets(%dma_start3A_775 : memref<128xi32, #tpu.memory_space<vmem>>) semaphore(%arg12 : memref<!tpu.dma_semaphore, #tpu.memory_space<semaphore_mem>>)
          } else {
          }
          %add3A_769 = arith.constant 1 : i32
          %add3A_770 = arith.addi %mul3A_732, %add3A_769 : i32
          "tpu.region"() ({
            %run_scoped3A = tpu.sem_alloc : memref<!tpu.dma_semaphore, #tpu.memory_space<semaphore_mem>>
            %dma_start3A_771 = arith.constant 0 : i32
            %dma_start3A_772 = tpu.memref_slice %arg9[%add3A_770, %dma_start3A_771] : memref<26x128xi32, #tpu.memory_space<vmem>> -> memref<1x128xi32, #tpu.memory_space<vmem>>
            %dma_start3A_773 = tpu.memref_squeeze %dma_start3A_772 : memref<1x128xi32, #tpu.memory_space<vmem>> -> memref<128xi32, #tpu.memory_space<vmem>>
            %dma_start3A_774 = arith.constant 0 : i32
            %dma_start3A_775 = arith.constant 0 : i32
            %dma_start3A_776 = tpu.memref_slice %arg5[%dma_start3A_774, %dma_start3A_775] : memref<10112x128xf32, #tpu.memory_space<vmem_shared>> -> memref<10112x128xf32, #tpu.memory_space<vmem_shared>>
            tpu.enqueue_indirect_dma source(%arg7 : memref<128x128xf32, #tpu.memory_space<vmem>>) target(%dma_start3A_776 : memref<10112x128xf32, #tpu.memory_space<vmem_shared>>) offsets(%dma_start3A_773 : memref<128xi32, #tpu.memory_space<vmem>>) semaphore(%run_scoped3A : memref<!tpu.dma_semaphore, #tpu.memory_space<semaphore_mem>>) {add = true}
            %dma_wait3A_777 = arith.constant 0 : i32
            %dma_wait3A_778 = tpu.memref_slice %arg9[%add3A_770, %dma_wait3A_777] : memref<26x128xi32, #tpu.memory_space<vmem>> -> memref<1x128xi32, #tpu.memory_space<vmem>>
            %dma_wait3A_779 = tpu.memref_squeeze %dma_wait3A_778 : memref<1x128xi32, #tpu.memory_space<vmem>> -> memref<128xi32, #tpu.memory_space<vmem>>
            %dma_wait3A_780 = arith.constant 0 : i32
            %dma_wait3A_781 = arith.constant 0 : i32
            %dma_wait3A_782 = tpu.memref_slice %arg5[%dma_wait3A_780, %dma_wait3A_781] : memref<10112x128xf32, #tpu.memory_space<vmem_shared>> -> memref<10112x128xf32, #tpu.memory_space<vmem_shared>>
            tpu.wait_indirect_dma semaphore(%run_scoped3A : memref<!tpu.dma_semaphore, #tpu.memory_space<semaphore_mem>>) src(%arg7 : memref<128x128xf32, #tpu.memory_space<vmem>>) dst(%dma_wait3A_782 : memref<10112x128xf32, #tpu.memory_space<vmem_shared>>)
            tpu.yield
          }) : () -> ()
        } else {
        }
        %scan3A_753 = arith.constant 0 : i32
        scf.yield %scan3A_753 : i32
      }
      %scan3A_727 = arith.constant 13 : i32
      %scan3A_728 = arith.constant 0 : i32
      scf.yield %scan3A_728 : i32
    }
    %scan3A_31 = arith.constant 3 : i32
    %lt3A = arith.constant 4 : i32
    %lt3A_32 = arith.cmpi slt, %add3A, %lt3A : i32
    %convert_element_type3A = arith.extui %lt3A_32 : i1 to i32
    %cond3A = arith.constant 0 : i32
    %cond3A_33 = arith.cmpi ne, %convert_element_type3A, %cond3A : i32
    scf.if %cond3A_33 {
      %add3A_37 = arith.constant 9984 : i32
      %add3A_38 = arith.addi %mul3A_6, %add3A_37 : i32
      "tpu.region"() ({
        %run_scoped3A = tpu.sem_alloc : memref<!tpu.dma_semaphore, #tpu.memory_space<semaphore_mem>>
        %dma_start3A_45 = tpu.memref_slice %arg3[%add3A_38] : memref<640000xi32, #tpu.memory_space<hbm>> -> memref<128xi32, #tpu.memory_space<hbm>>
        %dma_start3A_46 = tpu.memref_slice %arg3[%add3A_38] : memref<640000xi32, #tpu.memory_space<hbm>> -> memref<128xi32, #tpu.memory_space<hbm>>
        tpu.enqueue_dma source(%dma_start3A_46 : memref<128xi32, #tpu.memory_space<hbm>>) target(%arg10 : memref<128xi32, #tpu.memory_space<vmem>>) target_semaphore(%run_scoped3A : memref<!tpu.dma_semaphore, #tpu.memory_space<semaphore_mem>>)
        %dma_wait3A_47 = tpu.memref_slice %arg3[%add3A_38] : memref<640000xi32, #tpu.memory_space<hbm>> -> memref<128xi32, #tpu.memory_space<hbm>>
        %dma_wait3A_48 = tpu.memref_slice %arg3[%add3A_38] : memref<640000xi32, #tpu.memory_space<hbm>> -> memref<128xi32, #tpu.memory_space<hbm>>
        tpu.wait_dma2 semaphore(%run_scoped3A : memref<!tpu.dma_semaphore, #tpu.memory_space<semaphore_mem>>) src(%dma_wait3A_48 : memref<128xi32, #tpu.memory_space<hbm>>) dst(%arg10 : memref<128xi32, #tpu.memory_space<vmem>>)
        tpu.yield
      }) : () -> ()
      %add3A_39 = arith.constant 320000 : i32
      %add3A_40 = arith.addi %add3A_39, %add3A_38 : i32
      "tpu.region"() ({
        %run_scoped3A = tpu.sem_alloc : memref<!tpu.dma_semaphore, #tpu.memory_space<semaphore_mem>>
        %dma_start3A_45 = tpu.memref_slice %arg3[%add3A_40] : memref<640000xi32, #tpu.memory_space<hbm>> -> memref<128xi32, #tpu.memory_space<hbm>>
        %dma_start3A_46 = tpu.memref_slice %arg3[%add3A_40] : memref<640000xi32, #tpu.memory_space<hbm>> -> memref<128xi32, #tpu.memory_space<hbm>>
        tpu.enqueue_dma source(%dma_start3A_46 : memref<128xi32, #tpu.memory_space<hbm>>) target(%arg11 : memref<128xi32, #tpu.memory_space<vmem>>) target_semaphore(%run_scoped3A : memref<!tpu.dma_semaphore, #tpu.memory_space<semaphore_mem>>)
        %dma_wait3A_47 = tpu.memref_slice %arg3[%add3A_40] : memref<640000xi32, #tpu.memory_space<hbm>> -> memref<128xi32, #tpu.memory_space<hbm>>
        %dma_wait3A_48 = tpu.memref_slice %arg3[%add3A_40] : memref<640000xi32, #tpu.memory_space<hbm>> -> memref<128xi32, #tpu.memory_space<hbm>>
        tpu.wait_dma2 semaphore(%run_scoped3A : memref<!tpu.dma_semaphore, #tpu.memory_space<semaphore_mem>>) src(%dma_wait3A_48 : memref<128xi32, #tpu.memory_space<hbm>>) dst(%arg11 : memref<128xi32, #tpu.memory_space<vmem>>)
        tpu.yield
      }) : () -> ()
      %dma_start3A = arith.constant 0 : i32
      %dma_start3A_41 = arith.constant 0 : i32
      %dma_start3A_42 = tpu.memref_slice %arg2[%dma_start3A, %dma_start3A_41] : memref<10000x128xf32, #tpu.memory_space<hbm>> -> memref<10000x128xf32, #tpu.memory_space<hbm>>
      tpu.enqueue_indirect_dma source(%dma_start3A_42 : memref<10000x128xf32, #tpu.memory_space<hbm>>) target(%arg6 : memref<128x128xf32, #tpu.memory_space<vmem>>) offsets(%arg10 : memref<128xi32, #tpu.memory_space<vmem>>) semaphore(%arg12 : memref<!tpu.dma_semaphore, #tpu.memory_space<semaphore_mem>>)
      %dma_wait3A = arith.constant 0 : i32
      %dma_wait3A_43 = arith.constant 0 : i32
      %dma_wait3A_44 = tpu.memref_slice %arg2[%dma_wait3A, %dma_wait3A_43] : memref<10000x128xf32, #tpu.memory_space<hbm>> -> memref<10000x128xf32, #tpu.memory_space<hbm>>
      tpu.wait_indirect_dma semaphore(%arg12 : memref<!tpu.dma_semaphore, #tpu.memory_space<semaphore_mem>>) src(%dma_wait3A_44 : memref<10000x128xf32, #tpu.memory_space<hbm>>) dst(%arg6 : memref<128x128xf32, #tpu.memory_space<vmem>>)
      "tpu.region"() ({
        %run_scoped3A = tpu.sem_alloc : memref<!tpu.dma_semaphore, #tpu.memory_space<semaphore_mem>>
        %dma_start3A_45 = arith.constant 0 : i32
        %dma_start3A_46 = arith.constant 0 : i32
        %dma_start3A_47 = tpu.memref_slice %arg5[%dma_start3A_45, %dma_start3A_46] : memref<10112x128xf32, #tpu.memory_space<vmem_shared>> -> memref<10112x128xf32, #tpu.memory_space<vmem_shared>>
        tpu.enqueue_indirect_dma source(%arg6 : memref<128x128xf32, #tpu.memory_space<vmem>>) target(%dma_start3A_47 : memref<10112x128xf32, #tpu.memory_space<vmem_shared>>) offsets(%arg11 : memref<128xi32, #tpu.memory_space<vmem>>) semaphore(%run_scoped3A : memref<!tpu.dma_semaphore, #tpu.memory_space<semaphore_mem>>) {add = true}
        %dma_wait3A_48 = arith.constant 0 : i32
        %dma_wait3A_49 = arith.constant 0 : i32
        %dma_wait3A_50 = tpu.memref_slice %arg5[%dma_wait3A_48, %dma_wait3A_49] : memref<10112x128xf32, #tpu.memory_space<vmem_shared>> -> memref<10112x128xf32, #tpu.memory_space<vmem_shared>>
        tpu.wait_indirect_dma semaphore(%run_scoped3A : memref<!tpu.dma_semaphore, #tpu.memory_space<semaphore_mem>>) src(%arg6 : memref<128x128xf32, #tpu.memory_space<vmem>>) dst(%dma_wait3A_50 : memref<10112x128xf32, #tpu.memory_space<vmem_shared>>)
        tpu.yield
      }) : () -> ()
    } else {
    }
    %barrier3A_34 = arith.constant 0 : index
    tpu.barrier barrier_id(%barrier3A_34)
    %mul3A_35 = arith.constant 632 : i32
    %mul3A_36 = arith.muli %arg1, %mul3A_35 : i32
    "tpu.region"() ({
      %run_scoped3A = tpu.sem_alloc : memref<!tpu.dma_semaphore, #tpu.memory_space<semaphore_mem>>
      %dma_start3A = arith.constant 0 : i32
      %dma_start3A_37 = tpu.memref_slice %arg4[%arg0, %mul3A_36, %dma_start3A] : memref<2x10112x128xf32, #tpu.memory_space<hbm>> -> memref<1x632x128xf32, #tpu.memory_space<hbm>>
      %dma_start3A_38 = tpu.memref_squeeze %dma_start3A_37 : memref<1x632x128xf32, #tpu.memory_space<hbm>> -> memref<632x128xf32, #tpu.memory_space<hbm>>
      %dma_start3A_39 = arith.constant 0 : i32
      %dma_start3A_40 = tpu.memref_slice %arg5[%mul3A_36, %dma_start3A_39] : memref<10112x128xf32, #tpu.memory_space<vmem_shared>> -> memref<632x128xf32, #tpu.memory_space<vmem_shared>>
      tpu.enqueue_dma source(%dma_start3A_40 : memref<632x128xf32, #tpu.memory_space<vmem_shared>>) target(%dma_start3A_38 : memref<632x128xf32, #tpu.memory_space<hbm>>) target_semaphore(%run_scoped3A : memref<!tpu.dma_semaphore, #tpu.memory_space<semaphore_mem>>)
      %dma_wait3A = arith.constant 0 : i32
      %dma_wait3A_41 = tpu.memref_slice %arg4[%arg0, %mul3A_36, %dma_wait3A] : memref<2x10112x128xf32, #tpu.memory_space<hbm>> -> memref<1x632x128xf32, #tpu.memory_space<hbm>>
      %dma_wait3A_42 = tpu.memref_squeeze %dma_wait3A_41 : memref<1x632x128xf32, #tpu.memory_space<hbm>> -> memref<632x128xf32, #tpu.memory_space<hbm>>
      %dma_wait3A_43 = arith.constant 0 : i32
      %dma_wait3A_44 = tpu.memref_slice %arg5[%mul3A_36, %dma_wait3A_43] : memref<10112x128xf32, #tpu.memory_space<vmem_shared>> -> memref<632x128xf32, #tpu.memory_space<vmem_shared>>
      tpu.wait_dma2 semaphore(%run_scoped3A : memref<!tpu.dma_semaphore, #tpu.memory_space<semaphore_mem>>) src(%dma_wait3A_44 : memref<632x128xf32, #tpu.memory_space<vmem_shared>>) dst(%dma_wait3A_42 : memref<632x128xf32, #tpu.memory_space<hbm>>)
      tpu.yield
    }) : () -> ()
    return
  }
}

#map = affine_map<(d0, d1) -> (0)>
#map1 = affine_map<(d0, d1) -> (0, 0, 0)>
module attributes {stable_mosaic.version = 14 : i64} {
  func.func @sc_kernel(%arg0: i32, %arg1: i32, %arg2: memref<5120000xf32, #tpu.memory_space<hbm>>, %arg3: memref<640000xi32, #tpu.memory_space<hbm>>, %arg4: memref<2x10112x128xf32, #tpu.memory_space<hbm>>, %arg5: memref<10112x128xf32, #tpu.memory_space<vmem_shared>>, %arg6: memref<128x128xf32, #tpu.memory_space<vmem>>, %arg7: memref<128x128xf32, #tpu.memory_space<vmem>>, %arg8: memref<2048xf32, #tpu.memory_space<vmem>>, %arg9: memref<2048xf32, #tpu.memory_space<vmem>>, %arg10: memref<26x128xi32, #tpu.memory_space<vmem>>, %arg11: memref<128xi32, #tpu.memory_space<vmem>>, %arg12: memref<!tpu.dma_semaphore, #tpu.memory_space<semaphore_mem>>, %arg13: memref<!tpu.dma_semaphore, #tpu.memory_space<semaphore_mem>>, %arg14: memref<!tpu.dma_semaphore, #tpu.memory_space<semaphore_mem>>, %arg15: memref<!tpu.dma_semaphore, #tpu.memory_space<semaphore_mem>>, %arg16: memref<!tpu.dma_semaphore, #tpu.memory_space<semaphore_mem>>) attributes {dimension_semantics = [#tpu.dimension_semantics<core_parallel>, #tpu.dimension_semantics<subcore_parallel>], iteration_bounds = array<i64: 2, 16>, scalar_prefetch = 0 : i64, scratch_operands = 12 : i64, tpu.core_type = #tpu.core_type<sc_vector_subcore>, window_params = [{transform_indices = #map}, {transform_indices = #map}, {transform_indices = #map1}]} {
    %mul3A = arith.constant 16 : i32
    %mul3A_0 = arith.muli %arg0, %mul3A : i32
    %add3A = arith.addi %mul3A_0, %arg1 : i32
    %mul3A_1 = arith.constant 78 : i32
    %mul3A_2 = arith.muli %mul3A_1, %add3A : i32
    %min3A = arith.constant 4 : i32
    %min3A_3 = arith.minsi %add3A, %min3A : i32
    %add3A_4 = arith.addi %mul3A_2, %min3A_3 : i32
    %mul3A_5 = arith.constant 128 : i32
    %mul3A_6 = arith.muli %add3A_4, %mul3A_5 : i32
    %scan3A = arith.constant 0 : i32
    %scan3A_7 = arith.constant 0 : i32
    %scan3A_8 = arith.constant 128 : i32
    %scan3A_9 = arith.addi %scan3A_7, %scan3A_8 : i32
    %scan3A_10 = arith.constant 1 : i32
    %scan3A_11 = scf.for %scan3A_44 = %scan3A_7 to %scan3A_9 step %scan3A_10 iter_args(%scan3A_45 = %scan3A) -> (i32)  : i32 {
      %scan3A_46 = arith.constant 0 : i32
      %scan3A_47 = arith.constant 0 : i32
      %scan3A_48 = arith.constant 8 : i32
      %scan3A_49 = arith.addi %scan3A_47, %scan3A_48 : i32
      %scan3A_50 = arith.constant 1 : i32
      %scan3A_51 = scf.for %scan3A_53 = %scan3A_47 to %scan3A_49 step %scan3A_50 iter_args(%scan3A_54 = %scan3A_46) -> (i32)  : i32 {
        %broadcast_in_dim3A = arith.constant 0.000000e+00 : f32
        %broadcast_in_dim3A_55 = vector.broadcast %broadcast_in_dim3A : f32 to vector<16xf32>
        %mul3A_56 = arith.constant 16 : i32
        %mul3A_57 = arith.muli %scan3A_53, %mul3A_56 : i32
        %swap3A = arith.index_cast %scan3A_44 : i32 to index
        %swap3A_58 = arith.index_cast %mul3A_57 : i32 to index
        %swap3A_59 = tpu.vector_load %arg6[%swap3A, %swap3A_58] {strides = array<i32>} : memref<128x128xf32, #tpu.memory_space<vmem>>, vector<1x16xf32>,
        %swap3A_60 = vector.shape_cast %swap3A_59 : vector<1x16xf32> to vector<16xf32>
        %swap3A_61 = vector.shape_cast %broadcast_in_dim3A_55 : vector<16xf32> to vector<1x16xf32>
        tpu.vector_store %arg6[%swap3A, %swap3A_58], %swap3A_61 {strides = array<i32>} : memref<128x128xf32, #tpu.memory_space<vmem>>, vector<1x16xf32>,
        %broadcast_in_dim3A_62 = arith.constant 0.000000e+00 : f32
        %broadcast_in_dim3A_63 = vector.broadcast %broadcast_in_dim3A_62 : f32 to vector<16xf32>
        %mul3A_64 = arith.constant 16 : i32
        %mul3A_65 = arith.muli %scan3A_53, %mul3A_64 : i32
        %swap3A_66 = arith.index_cast %scan3A_44 : i32 to index
        %swap3A_67 = arith.index_cast %mul3A_65 : i32 to index
        %swap3A_68 = tpu.vector_load %arg7[%swap3A_66, %swap3A_67] {strides = array<i32>} : memref<128x128xf32, #tpu.memory_space<vmem>>, vector<1x16xf32>,
        %swap3A_69 = vector.shape_cast %swap3A_68 : vector<1x16xf32> to vector<16xf32>
        %swap3A_70 = vector.shape_cast %broadcast_in_dim3A_63 : vector<16xf32> to vector<1x16xf32>
        tpu.vector_store %arg7[%swap3A_66, %swap3A_67], %swap3A_70 {strides = array<i32>} : memref<128x128xf32, #tpu.memory_space<vmem>>, vector<1x16xf32>,
        %scan3A_71 = arith.constant 0 : i32
        scf.yield %scan3A_71 : i32
      }
      %scan3A_52 = arith.constant 8 : i32
      scf.yield %scan3A_51 : i32
    }
    %scan3A_12 = arith.constant 128 : i32
    %mul3A_13 = arith.constant 632 : i32
    %mul3A_14 = arith.muli %arg1, %mul3A_13 : i32
    %add3A_15 = arith.constant 0 : i32
    %add3A_16 = arith.addi %mul3A_14, %add3A_15 : i32
    "tpu.region"() ({
      %run_scoped3A = tpu.sem_alloc : memref<!tpu.dma_semaphore, #tpu.memory_space<semaphore_mem>>
      %dma_start3A = arith.constant 0 : i32
      %dma_start3A_44 = arith.constant 0 : i32
      %dma_start3A_45 = tpu.memref_slice %arg6[%dma_start3A, %dma_start3A_44] : memref<128x128xf32, #tpu.memory_space<vmem>> -> memref<128x128xf32, #tpu.memory_space<vmem>>
      %dma_start3A_46 = arith.constant 0 : i32
      %dma_start3A_47 = tpu.memref_slice %arg5[%add3A_16, %dma_start3A_46] : memref<10112x128xf32, #tpu.memory_space<vmem_shared>> -> memref<128x128xf32, #tpu.memory_space<vmem_shared>>
      %dma_start3A_48 = arith.constant 0 : i32
      %dma_start3A_49 = tpu.memref_slice %arg5[%add3A_16, %dma_start3A_48] : memref<10112x128xf32, #tpu.memory_space<vmem_shared>> -> memref<128x128xf32, #tpu.memory_space<vmem_shared>>
      %dma_start3A_50 = arith.constant 0 : i32
      %dma_start3A_51 = arith.constant 0 : i32
      %dma_start3A_52 = tpu.memref_slice %arg6[%dma_start3A_50, %dma_start3A_51] : memref<128x128xf32, #tpu.memory_space<vmem>> -> memref<128x128xf32, #tpu.memory_space<vmem>>
      tpu.enqueue_dma source(%dma_start3A_52 : memref<128x128xf32, #tpu.memory_space<vmem>>) target(%dma_start3A_49 : memref<128x128xf32, #tpu.memory_space<vmem_shared>>) target_semaphore(%run_scoped3A : memref<!tpu.dma_semaphore, #tpu.memory_space<semaphore_mem>>)
      %dma_wait3A = arith.constant 0 : i32
      %dma_wait3A_53 = arith.constant 0 : i32
      %dma_wait3A_54 = tpu.memref_slice %arg6[%dma_wait3A, %dma_wait3A_53] : memref<128x128xf32, #tpu.memory_space<vmem>> -> memref<128x128xf32, #tpu.memory_space<vmem>>
      %dma_wait3A_55 = arith.constant 0 : i32
      %dma_wait3A_56 = tpu.memref_slice %arg5[%add3A_16, %dma_wait3A_55] : memref<10112x128xf32, #tpu.memory_space<vmem_shared>> -> memref<128x128xf32, #tpu.memory_space<vmem_shared>>
      %dma_wait3A_57 = arith.constant 0 : i32
      %dma_wait3A_58 = tpu.memref_slice %arg5[%add3A_16, %dma_wait3A_57] : memref<10112x128xf32, #tpu.memory_space<vmem_shared>> -> memref<128x128xf32, #tpu.memory_space<vmem_shared>>
      %dma_wait3A_59 = arith.constant 0 : i32
      %dma_wait3A_60 = arith.constant 0 : i32
      %dma_wait3A_61 = tpu.memref_slice %arg6[%dma_wait3A_59, %dma_wait3A_60] : memref<128x128xf32, #tpu.memory_space<vmem>> -> memref<128x128xf32, #tpu.memory_space<vmem>>
      tpu.wait_dma2 semaphore(%run_scoped3A : memref<!tpu.dma_semaphore, #tpu.memory_space<semaphore_mem>>) src(%dma_wait3A_61 : memref<128x128xf32, #tpu.memory_space<vmem>>) dst(%dma_wait3A_58 : memref<128x128xf32, #tpu.memory_space<vmem_shared>>)
      tpu.yield
    }) : () -> ()
    %add3A_17 = arith.constant 128 : i32
    %add3A_18 = arith.addi %mul3A_14, %add3A_17 : i32
    "tpu.region"() ({
      %run_scoped3A = tpu.sem_alloc : memref<!tpu.dma_semaphore, #tpu.memory_space<semaphore_mem>>
      %dma_start3A = arith.constant 0 : i32
      %dma_start3A_44 = arith.constant 0 : i32
      %dma_start3A_45 = tpu.memref_slice %arg6[%dma_start3A, %dma_start3A_44] : memref<128x128xf32, #tpu.memory_space<vmem>> -> memref<128x128xf32, #tpu.memory_space<vmem>>
      %dma_start3A_46 = arith.constant 0 : i32
      %dma_start3A_47 = tpu.memref_slice %arg5[%add3A_18, %dma_start3A_46] : memref<10112x128xf32, #tpu.memory_space<vmem_shared>> -> memref<128x128xf32, #tpu.memory_space<vmem_shared>>
      %dma_start3A_48 = arith.constant 0 : i32
      %dma_start3A_49 = tpu.memref_slice %arg5[%add3A_18, %dma_start3A_48] : memref<10112x128xf32, #tpu.memory_space<vmem_shared>> -> memref<128x128xf32, #tpu.memory_space<vmem_shared>>
      %dma_start3A_50 = arith.constant 0 : i32
      %dma_start3A_51 = arith.constant 0 : i32
      %dma_start3A_52 = tpu.memref_slice %arg6[%dma_start3A_50, %dma_start3A_51] : memref<128x128xf32, #tpu.memory_space<vmem>> -> memref<128x128xf32, #tpu.memory_space<vmem>>
      tpu.enqueue_dma source(%dma_start3A_52 : memref<128x128xf32, #tpu.memory_space<vmem>>) target(%dma_start3A_49 : memref<128x128xf32, #tpu.memory_space<vmem_shared>>) target_semaphore(%run_scoped3A : memref<!tpu.dma_semaphore, #tpu.memory_space<semaphore_mem>>)
      %dma_wait3A = arith.constant 0 : i32
      %dma_wait3A_53 = arith.constant 0 : i32
      %dma_wait3A_54 = tpu.memref_slice %arg6[%dma_wait3A, %dma_wait3A_53] : memref<128x128xf32, #tpu.memory_space<vmem>> -> memref<128x128xf32, #tpu.memory_space<vmem>>
      %dma_wait3A_55 = arith.constant 0 : i32
      %dma_wait3A_56 = tpu.memref_slice %arg5[%add3A_18, %dma_wait3A_55] : memref<10112x128xf32, #tpu.memory_space<vmem_shared>> -> memref<128x128xf32, #tpu.memory_space<vmem_shared>>
      %dma_wait3A_57 = arith.constant 0 : i32
      %dma_wait3A_58 = tpu.memref_slice %arg5[%add3A_18, %dma_wait3A_57] : memref<10112x128xf32, #tpu.memory_space<vmem_shared>> -> memref<128x128xf32, #tpu.memory_space<vmem_shared>>
      %dma_wait3A_59 = arith.constant 0 : i32
      %dma_wait3A_60 = arith.constant 0 : i32
      %dma_wait3A_61 = tpu.memref_slice %arg6[%dma_wait3A_59, %dma_wait3A_60] : memref<128x128xf32, #tpu.memory_space<vmem>> -> memref<128x128xf32, #tpu.memory_space<vmem>>
      tpu.wait_dma2 semaphore(%run_scoped3A : memref<!tpu.dma_semaphore, #tpu.memory_space<semaphore_mem>>) src(%dma_wait3A_61 : memref<128x128xf32, #tpu.memory_space<vmem>>) dst(%dma_wait3A_58 : memref<128x128xf32, #tpu.memory_space<vmem_shared>>)
      tpu.yield
    }) : () -> ()
    %add3A_19 = arith.constant 256 : i32
    %add3A_20 = arith.addi %mul3A_14, %add3A_19 : i32
    "tpu.region"() ({
      %run_scoped3A = tpu.sem_alloc : memref<!tpu.dma_semaphore, #tpu.memory_space<semaphore_mem>>
      %dma_start3A = arith.constant 0 : i32
      %dma_start3A_44 = arith.constant 0 : i32
      %dma_start3A_45 = tpu.memref_slice %arg6[%dma_start3A, %dma_start3A_44] : memref<128x128xf32, #tpu.memory_space<vmem>> -> memref<128x128xf32, #tpu.memory_space<vmem>>
      %dma_start3A_46 = arith.constant 0 : i32
      %dma_start3A_47 = tpu.memref_slice %arg5[%add3A_20, %dma_start3A_46] : memref<10112x128xf32, #tpu.memory_space<vmem_shared>> -> memref<128x128xf32, #tpu.memory_space<vmem_shared>>
      %dma_start3A_48 = arith.constant 0 : i32
      %dma_start3A_49 = tpu.memref_slice %arg5[%add3A_20, %dma_start3A_48] : memref<10112x128xf32, #tpu.memory_space<vmem_shared>> -> memref<128x128xf32, #tpu.memory_space<vmem_shared>>
      %dma_start3A_50 = arith.constant 0 : i32
      %dma_start3A_51 = arith.constant 0 : i32
      %dma_start3A_52 = tpu.memref_slice %arg6[%dma_start3A_50, %dma_start3A_51] : memref<128x128xf32, #tpu.memory_space<vmem>> -> memref<128x128xf32, #tpu.memory_space<vmem>>
      tpu.enqueue_dma source(%dma_start3A_52 : memref<128x128xf32, #tpu.memory_space<vmem>>) target(%dma_start3A_49 : memref<128x128xf32, #tpu.memory_space<vmem_shared>>) target_semaphore(%run_scoped3A : memref<!tpu.dma_semaphore, #tpu.memory_space<semaphore_mem>>)
      %dma_wait3A = arith.constant 0 : i32
      %dma_wait3A_53 = arith.constant 0 : i32
      %dma_wait3A_54 = tpu.memref_slice %arg6[%dma_wait3A, %dma_wait3A_53] : memref<128x128xf32, #tpu.memory_space<vmem>> -> memref<128x128xf32, #tpu.memory_space<vmem>>
      %dma_wait3A_55 = arith.constant 0 : i32
      %dma_wait3A_56 = tpu.memref_slice %arg5[%add3A_20, %dma_wait3A_55] : memref<10112x128xf32, #tpu.memory_space<vmem_shared>> -> memref<128x128xf32, #tpu.memory_space<vmem_shared>>
      %dma_wait3A_57 = arith.constant 0 : i32
      %dma_wait3A_58 = tpu.memref_slice %arg5[%add3A_20, %dma_wait3A_57] : memref<10112x128xf32, #tpu.memory_space<vmem_shared>> -> memref<128x128xf32, #tpu.memory_space<vmem_shared>>
      %dma_wait3A_59 = arith.constant 0 : i32
      %dma_wait3A_60 = arith.constant 0 : i32
      %dma_wait3A_61 = tpu.memref_slice %arg6[%dma_wait3A_59, %dma_wait3A_60] : memref<128x128xf32, #tpu.memory_space<vmem>> -> memref<128x128xf32, #tpu.memory_space<vmem>>
      tpu.wait_dma2 semaphore(%run_scoped3A : memref<!tpu.dma_semaphore, #tpu.memory_space<semaphore_mem>>) src(%dma_wait3A_61 : memref<128x128xf32, #tpu.memory_space<vmem>>) dst(%dma_wait3A_58 : memref<128x128xf32, #tpu.memory_space<vmem_shared>>)
      tpu.yield
    }) : () -> ()
    %add3A_21 = arith.constant 384 : i32
    %add3A_22 = arith.addi %mul3A_14, %add3A_21 : i32
    "tpu.region"() ({
      %run_scoped3A = tpu.sem_alloc : memref<!tpu.dma_semaphore, #tpu.memory_space<semaphore_mem>>
      %dma_start3A = arith.constant 0 : i32
      %dma_start3A_44 = arith.constant 0 : i32
      %dma_start3A_45 = tpu.memref_slice %arg6[%dma_start3A, %dma_start3A_44] : memref<128x128xf32, #tpu.memory_space<vmem>> -> memref<128x128xf32, #tpu.memory_space<vmem>>
      %dma_start3A_46 = arith.constant 0 : i32
      %dma_start3A_47 = tpu.memref_slice %arg5[%add3A_22, %dma_start3A_46] : memref<10112x128xf32, #tpu.memory_space<vmem_shared>> -> memref<128x128xf32, #tpu.memory_space<vmem_shared>>
      %dma_start3A_48 = arith.constant 0 : i32
      %dma_start3A_49 = tpu.memref_slice %arg5[%add3A_22, %dma_start3A_48] : memref<10112x128xf32, #tpu.memory_space<vmem_shared>> -> memref<128x128xf32, #tpu.memory_space<vmem_shared>>
      %dma_start3A_50 = arith.constant 0 : i32
      %dma_start3A_51 = arith.constant 0 : i32
      %dma_start3A_52 = tpu.memref_slice %arg6[%dma_start3A_50, %dma_start3A_51] : memref<128x128xf32, #tpu.memory_space<vmem>> -> memref<128x128xf32, #tpu.memory_space<vmem>>
      tpu.enqueue_dma source(%dma_start3A_52 : memref<128x128xf32, #tpu.memory_space<vmem>>) target(%dma_start3A_49 : memref<128x128xf32, #tpu.memory_space<vmem_shared>>) target_semaphore(%run_scoped3A : memref<!tpu.dma_semaphore, #tpu.memory_space<semaphore_mem>>)
      %dma_wait3A = arith.constant 0 : i32
      %dma_wait3A_53 = arith.constant 0 : i32
      %dma_wait3A_54 = tpu.memref_slice %arg6[%dma_wait3A, %dma_wait3A_53] : memref<128x128xf32, #tpu.memory_space<vmem>> -> memref<128x128xf32, #tpu.memory_space<vmem>>
      %dma_wait3A_55 = arith.constant 0 : i32
      %dma_wait3A_56 = tpu.memref_slice %arg5[%add3A_22, %dma_wait3A_55] : memref<10112x128xf32, #tpu.memory_space<vmem_shared>> -> memref<128x128xf32, #tpu.memory_space<vmem_shared>>
      %dma_wait3A_57 = arith.constant 0 : i32
      %dma_wait3A_58 = tpu.memref_slice %arg5[%add3A_22, %dma_wait3A_57] : memref<10112x128xf32, #tpu.memory_space<vmem_shared>> -> memref<128x128xf32, #tpu.memory_space<vmem_shared>>
      %dma_wait3A_59 = arith.constant 0 : i32
      %dma_wait3A_60 = arith.constant 0 : i32
      %dma_wait3A_61 = tpu.memref_slice %arg6[%dma_wait3A_59, %dma_wait3A_60] : memref<128x128xf32, #tpu.memory_space<vmem>> -> memref<128x128xf32, #tpu.memory_space<vmem>>
      tpu.wait_dma2 semaphore(%run_scoped3A : memref<!tpu.dma_semaphore, #tpu.memory_space<semaphore_mem>>) src(%dma_wait3A_61 : memref<128x128xf32, #tpu.memory_space<vmem>>) dst(%dma_wait3A_58 : memref<128x128xf32, #tpu.memory_space<vmem_shared>>)
      tpu.yield
    }) : () -> ()
    %add3A_23 = arith.constant 512 : i32
    %add3A_24 = arith.addi %mul3A_14, %add3A_23 : i32
    "tpu.region"() ({
      %run_scoped3A = tpu.sem_alloc : memref<!tpu.dma_semaphore, #tpu.memory_space<semaphore_mem>>
      %dma_start3A = arith.constant 0 : i32
      %dma_start3A_44 = arith.constant 0 : i32
      %dma_start3A_45 = tpu.memref_slice %arg6[%dma_start3A, %dma_start3A_44] : memref<128x128xf32, #tpu.memory_space<vmem>> -> memref<120x128xf32, #tpu.memory_space<vmem>>
      %dma_start3A_46 = arith.constant 0 : i32
      %dma_start3A_47 = tpu.memref_slice %arg5[%add3A_24, %dma_start3A_46] : memref<10112x128xf32, #tpu.memory_space<vmem_shared>> -> memref<120x128xf32, #tpu.memory_space<vmem_shared>>
      %dma_start3A_48 = arith.constant 0 : i32
      %dma_start3A_49 = tpu.memref_slice %arg5[%add3A_24, %dma_start3A_48] : memref<10112x128xf32, #tpu.memory_space<vmem_shared>> -> memref<120x128xf32, #tpu.memory_space<vmem_shared>>
      %dma_start3A_50 = arith.constant 0 : i32
      %dma_start3A_51 = arith.constant 0 : i32
      %dma_start3A_52 = tpu.memref_slice %arg6[%dma_start3A_50, %dma_start3A_51] : memref<128x128xf32, #tpu.memory_space<vmem>> -> memref<120x128xf32, #tpu.memory_space<vmem>>
      tpu.enqueue_dma source(%dma_start3A_52 : memref<120x128xf32, #tpu.memory_space<vmem>>) target(%dma_start3A_49 : memref<120x128xf32, #tpu.memory_space<vmem_shared>>) target_semaphore(%run_scoped3A : memref<!tpu.dma_semaphore, #tpu.memory_space<semaphore_mem>>)
      %dma_wait3A = arith.constant 0 : i32
      %dma_wait3A_53 = arith.constant 0 : i32
      %dma_wait3A_54 = tpu.memref_slice %arg6[%dma_wait3A, %dma_wait3A_53] : memref<128x128xf32, #tpu.memory_space<vmem>> -> memref<120x128xf32, #tpu.memory_space<vmem>>
      %dma_wait3A_55 = arith.constant 0 : i32
      %dma_wait3A_56 = tpu.memref_slice %arg5[%add3A_24, %dma_wait3A_55] : memref<10112x128xf32, #tpu.memory_space<vmem_shared>> -> memref<120x128xf32, #tpu.memory_space<vmem_shared>>
      %dma_wait3A_57 = arith.constant 0 : i32
      %dma_wait3A_58 = tpu.memref_slice %arg5[%add3A_24, %dma_wait3A_57] : memref<10112x128xf32, #tpu.memory_space<vmem_shared>> -> memref<120x128xf32, #tpu.memory_space<vmem_shared>>
      %dma_wait3A_59 = arith.constant 0 : i32
      %dma_wait3A_60 = arith.constant 0 : i32
      %dma_wait3A_61 = tpu.memref_slice %arg6[%dma_wait3A_59, %dma_wait3A_60] : memref<128x128xf32, #tpu.memory_space<vmem>> -> memref<120x128xf32, #tpu.memory_space<vmem>>
      tpu.wait_dma2 semaphore(%run_scoped3A : memref<!tpu.dma_semaphore, #tpu.memory_space<semaphore_mem>>) src(%dma_wait3A_61 : memref<120x128xf32, #tpu.memory_space<vmem>>) dst(%dma_wait3A_58 : memref<120x128xf32, #tpu.memory_space<vmem_shared>>)
      tpu.yield
    }) : () -> ()
    %scan3A_25 = arith.constant 0 : i32
    %scan3A_26 = arith.constant 0 : i32
    %scan3A_27 = arith.constant 128 : i32
    %scan3A_28 = arith.addi %scan3A_26, %scan3A_27 : i32
    %scan3A_29 = arith.constant 1 : i32
    %scan3A_30 = scf.for %scan3A_44 = %scan3A_26 to %scan3A_28 step %scan3A_29 iter_args(%scan3A_45 = %scan3A_25) -> (i32)  : i32 {
      %broadcast_in_dim3A = arith.constant 1.000000e+00 : f32
      %broadcast_in_dim3A_46 = vector.broadcast %broadcast_in_dim3A : f32 to vector<16xf32>
      %swap3A = arith.index_cast %scan3A_44 : i32 to index
      %swap3A_47 = arith.constant 16 : index
      %swap3A_48 = tpu.vector_load %arg6[%swap3A, %swap3A_47] {strides = array<i32>} : memref<128x128xf32, #tpu.memory_space<vmem>>, vector<1x16xf32>,
      %swap3A_49 = vector.shape_cast %swap3A_48 : vector<1x16xf32> to vector<16xf32>
      %swap3A_50 = vector.shape_cast %broadcast_in_dim3A_46 : vector<16xf32> to vector<1x16xf32>
      tpu.vector_store %arg6[%swap3A, %swap3A_47], %swap3A_50 {strides = array<i32>} : memref<128x128xf32, #tpu.memory_space<vmem>>, vector<1x16xf32>,
      %broadcast_in_dim3A_51 = arith.constant 1.000000e+00 : f32
      %broadcast_in_dim3A_52 = vector.broadcast %broadcast_in_dim3A_51 : f32 to vector<16xf32>
      %swap3A_53 = arith.index_cast %scan3A_44 : i32 to index
      %swap3A_54 = arith.constant 16 : index
      %swap3A_55 = tpu.vector_load %arg7[%swap3A_53, %swap3A_54] {strides = array<i32>} : memref<128x128xf32, #tpu.memory_space<vmem>>, vector<1x16xf32>,
      %swap3A_56 = vector.shape_cast %swap3A_55 : vector<1x16xf32> to vector<16xf32>
      %swap3A_57 = vector.shape_cast %broadcast_in_dim3A_52 : vector<16xf32> to vector<1x16xf32>
      tpu.vector_store %arg7[%swap3A_53, %swap3A_54], %swap3A_57 {strides = array<i32>} : memref<128x128xf32, #tpu.memory_space<vmem>>, vector<1x16xf32>,
      %scan3A_58 = arith.constant 0 : i32
      scf.yield %scan3A_58 : i32
    }
    %scan3A_31 = arith.constant 128 : i32
    %barrier3A = arith.constant 0 : index
    tpu.barrier barrier_id(%barrier3A)
    %scan3A_32 = arith.constant 0 : i32
    %scan3A_33 = arith.constant 0 : i32
    %scan3A_34 = arith.constant 3 : i32
    %scan3A_35 = arith.addi %scan3A_33, %scan3A_34 : i32
    %scan3A_36 = arith.constant 1 : i32
    %scan3A_37 = scf.for %scan3A_44 = %scan3A_33 to %scan3A_35 step %scan3A_36 iter_args(%scan3A_45 = %scan3A_32) -> (i32)  : i32 {
      %mul3A_46 = arith.constant 3328 : i32
      %mul3A_47 = arith.muli %mul3A_46, %scan3A_44 : i32
      %add3A_48 = arith.addi %mul3A_6, %mul3A_47 : i32
      %add3A_49 = arith.constant 320000 : i32
      %add3A_50 = arith.addi %add3A_49, %add3A_48 : i32
      %add3A_51 = arith.constant 0 : i32
      %add3A_52 = arith.addi %add3A_50, %add3A_51 : i32
      %dma_start3A = arith.constant 0 : i32
      %dma_start3A_53 = arith.constant 0 : i32
      %dma_start3A_54 = tpu.memref_slice %arg10[%dma_start3A, %dma_start3A_53] : memref<26x128xi32, #tpu.memory_space<vmem>> -> memref<1x128xi32, #tpu.memory_space<vmem>>
      %dma_start3A_55 = tpu.memref_squeeze %dma_start3A_54 : memref<1x128xi32, #tpu.memory_space<vmem>> -> memref<128xi32, #tpu.memory_space<vmem>>
      %dma_start3A_56 = tpu.memref_slice %arg3[%add3A_52] : memref<640000xi32, #tpu.memory_space<hbm>> -> memref<128xi32, #tpu.memory_space<hbm>>
      %dma_start3A_57 = arith.constant 0 : i32
      %dma_start3A_58 = tpu.memref_slice %arg10[%dma_start3A, %dma_start3A_57] : memref<26x128xi32, #tpu.memory_space<vmem>> -> memref<1x128xi32, #tpu.memory_space<vmem>>
      %dma_start3A_59 = tpu.memref_squeeze %dma_start3A_58 : memref<1x128xi32, #tpu.memory_space<vmem>> -> memref<128xi32, #tpu.memory_space<vmem>>
      %dma_start3A_60 = tpu.memref_slice %arg3[%add3A_52] : memref<640000xi32, #tpu.memory_space<hbm>> -> memref<128xi32, #tpu.memory_space<hbm>>
      tpu.enqueue_dma source(%dma_start3A_60 : memref<128xi32, #tpu.memory_space<hbm>>) target(%dma_start3A_59 : memref<128xi32, #tpu.memory_space<vmem>>) target_semaphore(%arg16 : memref<!tpu.dma_semaphore, #tpu.memory_space<semaphore_mem>>)
      %add3A_61 = arith.constant 320000 : i32
      %add3A_62 = arith.addi %add3A_61, %add3A_48 : i32
      %add3A_63 = arith.constant 128 : i32
      %add3A_64 = arith.addi %add3A_62, %add3A_63 : i32
      %dma_start3A_65 = arith.constant 1 : i32
      %dma_start3A_66 = arith.constant 0 : i32
      %dma_start3A_67 = tpu.memref_slice %arg10[%dma_start3A_65, %dma_start3A_66] : memref<26x128xi32, #tpu.memory_space<vmem>> -> memref<1x128xi32, #tpu.memory_space<vmem>>
      %dma_start3A_68 = tpu.memref_squeeze %dma_start3A_67 : memref<1x128xi32, #tpu.memory_space<vmem>> -> memref<128xi32, #tpu.memory_space<vmem>>
      %dma_start3A_69 = tpu.memref_slice %arg3[%add3A_64] : memref<640000xi32, #tpu.memory_space<hbm>> -> memref<128xi32, #tpu.memory_space<hbm>>
      %dma_start3A_70 = arith.constant 0 : i32
      %dma_start3A_71 = tpu.memref_slice %arg10[%dma_start3A_65, %dma_start3A_70] : memref<26x128xi32, #tpu.memory_space<vmem>> -> memref<1x128xi32, #tpu.memory_space<vmem>>
      %dma_start3A_72 = tpu.memref_squeeze %dma_start3A_71 : memref<1x128xi32, #tpu.memory_space<vmem>> -> memref<128xi32, #tpu.memory_space<vmem>>
      %dma_start3A_73 = tpu.memref_slice %arg3[%add3A_64] : memref<640000xi32, #tpu.memory_space<hbm>> -> memref<128xi32, #tpu.memory_space<hbm>>
      tpu.enqueue_dma source(%dma_start3A_73 : memref<128xi32, #tpu.memory_space<hbm>>) target(%dma_start3A_72 : memref<128xi32, #tpu.memory_space<vmem>>) target_semaphore(%arg16 : memref<!tpu.dma_semaphore, #tpu.memory_space<semaphore_mem>>)
      %add3A_74 = arith.constant 320000 : i32
      %add3A_75 = arith.addi %add3A_74, %add3A_48 : i32
      %add3A_76 = arith.constant 256 : i32
      %add3A_77 = arith.addi %add3A_75, %add3A_76 : i32
      %dma_start3A_78 = arith.constant 2 : i32
      %dma_start3A_79 = arith.constant 0 : i32
      %dma_start3A_80 = tpu.memref_slice %arg10[%dma_start3A_78, %dma_start3A_79] : memref<26x128xi32, #tpu.memory_space<vmem>> -> memref<1x128xi32, #tpu.memory_space<vmem>>
      %dma_start3A_81 = tpu.memref_squeeze %dma_start3A_80 : memref<1x128xi32, #tpu.memory_space<vmem>> -> memref<128xi32, #tpu.memory_space<vmem>>
      %dma_start3A_82 = tpu.memref_slice %arg3[%add3A_77] : memref<640000xi32, #tpu.memory_space<hbm>> -> memref<128xi32, #tpu.memory_space<hbm>>
      %dma_start3A_83 = arith.constant 0 : i32
      %dma_start3A_84 = tpu.memref_slice %arg10[%dma_start3A_78, %dma_start3A_83] : memref<26x128xi32, #tpu.memory_space<vmem>> -> memref<1x128xi32, #tpu.memory_space<vmem>>
      %dma_start3A_85 = tpu.memref_squeeze %dma_start3A_84 : memref<1x128xi32, #tpu.memory_space<vmem>> -> memref<128xi32, #tpu.memory_space<vmem>>
      %dma_start3A_86 = tpu.memref_slice %arg3[%add3A_77] : memref<640000xi32, #tpu.memory_space<hbm>> -> memref<128xi32, #tpu.memory_space<hbm>>
      tpu.enqueue_dma source(%dma_start3A_86 : memref<128xi32, #tpu.memory_space<hbm>>) target(%dma_start3A_85 : memref<128xi32, #tpu.memory_space<vmem>>) target_semaphore(%arg16 : memref<!tpu.dma_semaphore, #tpu.memory_space<semaphore_mem>>)
      %add3A_87 = arith.constant 320000 : i32
      %add3A_88 = arith.addi %add3A_87, %add3A_48 : i32
      %add3A_89 = arith.constant 384 : i32
      %add3A_90 = arith.addi %add3A_88, %add3A_89 : i32
      %dma_start3A_91 = arith.constant 3 : i32
      %dma_start3A_92 = arith.constant 0 : i32
      %dma_start3A_93 = tpu.memref_slice %arg10[%dma_start3A_91, %dma_start3A_92] : memref<26x128xi32, #tpu.memory_space<vmem>> -> memref<1x128xi32, #tpu.memory_space<vmem>>
      %dma_start3A_94 = tpu.memref_squeeze %dma_start3A_93 : memref<1x128xi32, #tpu.memory_space<vmem>> -> memref<128xi32, #tpu.memory_space<vmem>>
      %dma_start3A_95 = tpu.memref_slice %arg3[%add3A_90] : memref<640000xi32, #tpu.memory_space<hbm>> -> memref<128xi32, #tpu.memory_space<hbm>>
      %dma_start3A_96 = arith.constant 0 : i32
      %dma_start3A_97 = tpu.memref_slice %arg10[%dma_start3A_91, %dma_start3A_96] : memref<26x128xi32, #tpu.memory_space<vmem>> -> memref<1x128xi32, #tpu.memory_space<vmem>>
      %dma_start3A_98 = tpu.memref_squeeze %dma_start3A_97 : memref<1x128xi32, #tpu.memory_space<vmem>> -> memref<128xi32, #tpu.memory_space<vmem>>
      %dma_start3A_99 = tpu.memref_slice %arg3[%add3A_90] : memref<640000xi32, #tpu.memory_space<hbm>> -> memref<128xi32, #tpu.memory_space<hbm>>
      tpu.enqueue_dma source(%dma_start3A_99 : memref<128xi32, #tpu.memory_space<hbm>>) target(%dma_start3A_98 : memref<128xi32, #tpu.memory_space<vmem>>) target_semaphore(%arg16 : memref<!tpu.dma_semaphore, #tpu.memory_space<semaphore_mem>>)
      %add3A_100 = arith.constant 320000 : i32
      %add3A_101 = arith.addi %add3A_100, %add3A_48 : i32
      %add3A_102 = arith.constant 512 : i32
      %add3A_103 = arith.addi %add3A_101, %add3A_102 : i32
      %dma_start3A_104 = arith.constant 4 : i32
      %dma_start3A_105 = arith.constant 0 : i32
      %dma_start3A_106 = tpu.memref_slice %arg10[%dma_start3A_104, %dma_start3A_105] : memref<26x128xi32, #tpu.memory_space<vmem>> -> memref<1x128xi32, #tpu.memory_space<vmem>>
      %dma_start3A_107 = tpu.memref_squeeze %dma_start3A_106 : memref<1x128xi32, #tpu.memory_space<vmem>> -> memref<128xi32, #tpu.memory_space<vmem>>
      %dma_start3A_108 = tpu.memref_slice %arg3[%add3A_103] : memref<640000xi32, #tpu.memory_space<hbm>> -> memref<128xi32, #tpu.memory_space<hbm>>
      %dma_start3A_109 = arith.constant 0 : i32
      %dma_start3A_110 = tpu.memref_slice %arg10[%dma_start3A_104, %dma_start3A_109] : memref<26x128xi32, #tpu.memory_space<vmem>> -> memref<1x128xi32, #tpu.memory_space<vmem>>
      %dma_start3A_111 = tpu.memref_squeeze %dma_start3A_110 : memref<1x128xi32, #tpu.memory_space<vmem>> -> memref<128xi32, #tpu.memory_space<vmem>>
      %dma_start3A_112 = tpu.memref_slice %arg3[%add3A_103] : memref<640000xi32, #tpu.memory_space<hbm>> -> memref<128xi32, #tpu.memory_space<hbm>>
      tpu.enqueue_dma source(%dma_start3A_112 : memref<128xi32, #tpu.memory_space<hbm>>) target(%dma_start3A_111 : memref<128xi32, #tpu.memory_space<vmem>>) target_semaphore(%arg16 : memref<!tpu.dma_semaphore, #tpu.memory_space<semaphore_mem>>)
      %add3A_113 = arith.constant 320000 : i32
      %add3A_114 = arith.addi %add3A_113, %add3A_48 : i32
      %add3A_115 = arith.constant 640 : i32
      %add3A_116 = arith.addi %add3A_114, %add3A_115 : i32
      %dma_start3A_117 = arith.constant 5 : i32
      %dma_start3A_118 = arith.constant 0 : i32
      %dma_start3A_119 = tpu.memref_slice %arg10[%dma_start3A_117, %dma_start3A_118] : memref<26x128xi32, #tpu.memory_space<vmem>> -> memref<1x128xi32, #tpu.memory_space<vmem>>
      %dma_start3A_120 = tpu.memref_squeeze %dma_start3A_119 : memref<1x128xi32, #tpu.memory_space<vmem>> -> memref<128xi32, #tpu.memory_space<vmem>>
      %dma_start3A_121 = tpu.memref_slice %arg3[%add3A_116] : memref<640000xi32, #tpu.memory_space<hbm>> -> memref<128xi32, #tpu.memory_space<hbm>>
      %dma_start3A_122 = arith.constant 0 : i32
      %dma_start3A_123 = tpu.memref_slice %arg10[%dma_start3A_117, %dma_start3A_122] : memref<26x128xi32, #tpu.memory_space<vmem>> -> memref<1x128xi32, #tpu.memory_space<vmem>>
      %dma_start3A_124 = tpu.memref_squeeze %dma_start3A_123 : memref<1x128xi32, #tpu.memory_space<vmem>> -> memref<128xi32, #tpu.memory_space<vmem>>
      %dma_start3A_125 = tpu.memref_slice %arg3[%add3A_116] : memref<640000xi32, #tpu.memory_space<hbm>> -> memref<128xi32, #tpu.memory_space<hbm>>
      tpu.enqueue_dma source(%dma_start3A_125 : memref<128xi32, #tpu.memory_space<hbm>>) target(%dma_start3A_124 : memref<128xi32, #tpu.memory_space<vmem>>) target_semaphore(%arg16 : memref<!tpu.dma_semaphore, #tpu.memory_space<semaphore_mem>>)
      %add3A_126 = arith.constant 320000 : i32
      %add3A_127 = arith.addi %add3A_126, %add3A_48 : i32
      %add3A_128 = arith.constant 768 : i32
      %add3A_129 = arith.addi %add3A_127, %add3A_128 : i32
      %dma_start3A_130 = arith.constant 6 : i32
      %dma_start3A_131 = arith.constant 0 : i32
      %dma_start3A_132 = tpu.memref_slice %arg10[%dma_start3A_130, %dma_start3A_131] : memref<26x128xi32, #tpu.memory_space<vmem>> -> memref<1x128xi32, #tpu.memory_space<vmem>>
      %dma_start3A_133 = tpu.memref_squeeze %dma_start3A_132 : memref<1x128xi32, #tpu.memory_space<vmem>> -> memref<128xi32, #tpu.memory_space<vmem>>
      %dma_start3A_134 = tpu.memref_slice %arg3[%add3A_129] : memref<640000xi32, #tpu.memory_space<hbm>> -> memref<128xi32, #tpu.memory_space<hbm>>
      %dma_start3A_135 = arith.constant 0 : i32
      %dma_start3A_136 = tpu.memref_slice %arg10[%dma_start3A_130, %dma_start3A_135] : memref<26x128xi32, #tpu.memory_space<vmem>> -> memref<1x128xi32, #tpu.memory_space<vmem>>
      %dma_start3A_137 = tpu.memref_squeeze %dma_start3A_136 : memref<1x128xi32, #tpu.memory_space<vmem>> -> memref<128xi32, #tpu.memory_space<vmem>>
      %dma_start3A_138 = tpu.memref_slice %arg3[%add3A_129] : memref<640000xi32, #tpu.memory_space<hbm>> -> memref<128xi32, #tpu.memory_space<hbm>>
      tpu.enqueue_dma source(%dma_start3A_138 : memref<128xi32, #tpu.memory_space<hbm>>) target(%dma_start3A_137 : memref<128xi32, #tpu.memory_space<vmem>>) target_semaphore(%arg16 : memref<!tpu.dma_semaphore, #tpu.memory_space<semaphore_mem>>)
      %add3A_139 = arith.constant 320000 : i32
      %add3A_140 = arith.addi %add3A_139, %add3A_48 : i32
      %add3A_141 = arith.constant 896 : i32
      %add3A_142 = arith.addi %add3A_140, %add3A_141 : i32
      %dma_start3A_143 = arith.constant 7 : i32
      %dma_start3A_144 = arith.constant 0 : i32
      %dma_start3A_145 = tpu.memref_slice %arg10[%dma_start3A_143, %dma_start3A_144] : memref<26x128xi32, #tpu.memory_space<vmem>> -> memref<1x128xi32, #tpu.memory_space<vmem>>
      %dma_start3A_146 = tpu.memref_squeeze %dma_start3A_145 : memref<1x128xi32, #tpu.memory_space<vmem>> -> memref<128xi32, #tpu.memory_space<vmem>>
      %dma_start3A_147 = tpu.memref_slice %arg3[%add3A_142] : memref<640000xi32, #tpu.memory_space<hbm>> -> memref<128xi32, #tpu.memory_space<hbm>>
      %dma_start3A_148 = arith.constant 0 : i32
      %dma_start3A_149 = tpu.memref_slice %arg10[%dma_start3A_143, %dma_start3A_148] : memref<26x128xi32, #tpu.memory_space<vmem>> -> memref<1x128xi32, #tpu.memory_space<vmem>>
      %dma_start3A_150 = tpu.memref_squeeze %dma_start3A_149 : memref<1x128xi32, #tpu.memory_space<vmem>> -> memref<128xi32, #tpu.memory_space<vmem>>
      %dma_start3A_151 = tpu.memref_slice %arg3[%add3A_142] : memref<640000xi32, #tpu.memory_space<hbm>> -> memref<128xi32, #tpu.memory_space<hbm>>
      tpu.enqueue_dma source(%dma_start3A_151 : memref<128xi32, #tpu.memory_space<hbm>>) target(%dma_start3A_150 : memref<128xi32, #tpu.memory_space<vmem>>) target_semaphore(%arg16 : memref<!tpu.dma_semaphore, #tpu.memory_space<semaphore_mem>>)
      %add3A_152 = arith.constant 320000 : i32
      %add3A_153 = arith.addi %add3A_152, %add3A_48 : i32
      %add3A_154 = arith.constant 1024 : i32
      %add3A_155 = arith.addi %add3A_153, %add3A_154 : i32
      %dma_start3A_156 = arith.constant 8 : i32
      %dma_start3A_157 = arith.constant 0 : i32
      %dma_start3A_158 = tpu.memref_slice %arg10[%dma_start3A_156, %dma_start3A_157] : memref<26x128xi32, #tpu.memory_space<vmem>> -> memref<1x128xi32, #tpu.memory_space<vmem>>
      %dma_start3A_159 = tpu.memref_squeeze %dma_start3A_158 : memref<1x128xi32, #tpu.memory_space<vmem>> -> memref<128xi32, #tpu.memory_space<vmem>>
      %dma_start3A_160 = tpu.memref_slice %arg3[%add3A_155] : memref<640000xi32, #tpu.memory_space<hbm>> -> memref<128xi32, #tpu.memory_space<hbm>>
      %dma_start3A_161 = arith.constant 0 : i32
      %dma_start3A_162 = tpu.memref_slice %arg10[%dma_start3A_156, %dma_start3A_161] : memref<26x128xi32, #tpu.memory_space<vmem>> -> memref<1x128xi32, #tpu.memory_space<vmem>>
      %dma_start3A_163 = tpu.memref_squeeze %dma_start3A_162 : memref<1x128xi32, #tpu.memory_space<vmem>> -> memref<128xi32, #tpu.memory_space<vmem>>
      %dma_start3A_164 = tpu.memref_slice %arg3[%add3A_155] : memref<640000xi32, #tpu.memory_space<hbm>> -> memref<128xi32, #tpu.memory_space<hbm>>
      tpu.enqueue_dma source(%dma_start3A_164 : memref<128xi32, #tpu.memory_space<hbm>>) target(%dma_start3A_163 : memref<128xi32, #tpu.memory_space<vmem>>) target_semaphore(%arg16 : memref<!tpu.dma_semaphore, #tpu.memory_space<semaphore_mem>>)
      %add3A_165 = arith.constant 320000 : i32
      %add3A_166 = arith.addi %add3A_165, %add3A_48 : i32
      %add3A_167 = arith.constant 1152 : i32
      %add3A_168 = arith.addi %add3A_166, %add3A_167 : i32
      %dma_start3A_169 = arith.constant 9 : i32
      %dma_start3A_170 = arith.constant 0 : i32
      %dma_start3A_171 = tpu.memref_slice %arg10[%dma_start3A_169, %dma_start3A_170] : memref<26x128xi32, #tpu.memory_space<vmem>> -> memref<1x128xi32, #tpu.memory_space<vmem>>
      %dma_start3A_172 = tpu.memref_squeeze %dma_start3A_171 : memref<1x128xi32, #tpu.memory_space<vmem>> -> memref<128xi32, #tpu.memory_space<vmem>>
      %dma_start3A_173 = tpu.memref_slice %arg3[%add3A_168] : memref<640000xi32, #tpu.memory_space<hbm>> -> memref<128xi32, #tpu.memory_space<hbm>>
      %dma_start3A_174 = arith.constant 0 : i32
      %dma_start3A_175 = tpu.memref_slice %arg10[%dma_start3A_169, %dma_start3A_174] : memref<26x128xi32, #tpu.memory_space<vmem>> -> memref<1x128xi32, #tpu.memory_space<vmem>>
      %dma_start3A_176 = tpu.memref_squeeze %dma_start3A_175 : memref<1x128xi32, #tpu.memory_space<vmem>> -> memref<128xi32, #tpu.memory_space<vmem>>
      %dma_start3A_177 = tpu.memref_slice %arg3[%add3A_168] : memref<640000xi32, #tpu.memory_space<hbm>> -> memref<128xi32, #tpu.memory_space<hbm>>
      tpu.enqueue_dma source(%dma_start3A_177 : memref<128xi32, #tpu.memory_space<hbm>>) target(%dma_start3A_176 : memref<128xi32, #tpu.memory_space<vmem>>) target_semaphore(%arg16 : memref<!tpu.dma_semaphore, #tpu.memory_space<semaphore_mem>>)
      %add3A_178 = arith.constant 320000 : i32
      %add3A_179 = arith.addi %add3A_178, %add3A_48 : i32
      %add3A_180 = arith.constant 1280 : i32
      %add3A_181 = arith.addi %add3A_179, %add3A_180 : i32
      %dma_start3A_182 = arith.constant 10 : i32
      %dma_start3A_183 = arith.constant 0 : i32
      %dma_start3A_184 = tpu.memref_slice %arg10[%dma_start3A_182, %dma_start3A_183] : memref<26x128xi32, #tpu.memory_space<vmem>> -> memref<1x128xi32, #tpu.memory_space<vmem>>
      %dma_start3A_185 = tpu.memref_squeeze %dma_start3A_184 : memref<1x128xi32, #tpu.memory_space<vmem>> -> memref<128xi32, #tpu.memory_space<vmem>>
      %dma_start3A_186 = tpu.memref_slice %arg3[%add3A_181] : memref<640000xi32, #tpu.memory_space<hbm>> -> memref<128xi32, #tpu.memory_space<hbm>>
      %dma_start3A_187 = arith.constant 0 : i32
      %dma_start3A_188 = tpu.memref_slice %arg10[%dma_start3A_182, %dma_start3A_187] : memref<26x128xi32, #tpu.memory_space<vmem>> -> memref<1x128xi32, #tpu.memory_space<vmem>>
      %dma_start3A_189 = tpu.memref_squeeze %dma_start3A_188 : memref<1x128xi32, #tpu.memory_space<vmem>> -> memref<128xi32, #tpu.memory_space<vmem>>
      %dma_start3A_190 = tpu.memref_slice %arg3[%add3A_181] : memref<640000xi32, #tpu.memory_space<hbm>> -> memref<128xi32, #tpu.memory_space<hbm>>
      tpu.enqueue_dma source(%dma_start3A_190 : memref<128xi32, #tpu.memory_space<hbm>>) target(%dma_start3A_189 : memref<128xi32, #tpu.memory_space<vmem>>) target_semaphore(%arg16 : memref<!tpu.dma_semaphore, #tpu.memory_space<semaphore_mem>>)
      %add3A_191 = arith.constant 320000 : i32
      %add3A_192 = arith.addi %add3A_191, %add3A_48 : i32
      %add3A_193 = arith.constant 1408 : i32
      %add3A_194 = arith.addi %add3A_192, %add3A_193 : i32
      %dma_start3A_195 = arith.constant 11 : i32
      %dma_start3A_196 = arith.constant 0 : i32
      %dma_start3A_197 = tpu.memref_slice %arg10[%dma_start3A_195, %dma_start3A_196] : memref<26x128xi32, #tpu.memory_space<vmem>> -> memref<1x128xi32, #tpu.memory_space<vmem>>
      %dma_start3A_198 = tpu.memref_squeeze %dma_start3A_197 : memref<1x128xi32, #tpu.memory_space<vmem>> -> memref<128xi32, #tpu.memory_space<vmem>>
      %dma_start3A_199 = tpu.memref_slice %arg3[%add3A_194] : memref<640000xi32, #tpu.memory_space<hbm>> -> memref<128xi32, #tpu.memory_space<hbm>>
      %dma_start3A_200 = arith.constant 0 : i32
      %dma_start3A_201 = tpu.memref_slice %arg10[%dma_start3A_195, %dma_start3A_200] : memref<26x128xi32, #tpu.memory_space<vmem>> -> memref<1x128xi32, #tpu.memory_space<vmem>>
      %dma_start3A_202 = tpu.memref_squeeze %dma_start3A_201 : memref<1x128xi32, #tpu.memory_space<vmem>> -> memref<128xi32, #tpu.memory_space<vmem>>
      %dma_start3A_203 = tpu.memref_slice %arg3[%add3A_194] : memref<640000xi32, #tpu.memory_space<hbm>> -> memref<128xi32, #tpu.memory_space<hbm>>
      tpu.enqueue_dma source(%dma_start3A_203 : memref<128xi32, #tpu.memory_space<hbm>>) target(%dma_start3A_202 : memref<128xi32, #tpu.memory_space<vmem>>) target_semaphore(%arg16 : memref<!tpu.dma_semaphore, #tpu.memory_space<semaphore_mem>>)
      %add3A_204 = arith.constant 320000 : i32
      %add3A_205 = arith.addi %add3A_204, %add3A_48 : i32
      %add3A_206 = arith.constant 1536 : i32
      %add3A_207 = arith.addi %add3A_205, %add3A_206 : i32
      %dma_start3A_208 = arith.constant 12 : i32
      %dma_start3A_209 = arith.constant 0 : i32
      %dma_start3A_210 = tpu.memref_slice %arg10[%dma_start3A_208, %dma_start3A_209] : memref<26x128xi32, #tpu.memory_space<vmem>> -> memref<1x128xi32, #tpu.memory_space<vmem>>
      %dma_start3A_211 = tpu.memref_squeeze %dma_start3A_210 : memref<1x128xi32, #tpu.memory_space<vmem>> -> memref<128xi32, #tpu.memory_space<vmem>>
      %dma_start3A_212 = tpu.memref_slice %arg3[%add3A_207] : memref<640000xi32, #tpu.memory_space<hbm>> -> memref<128xi32, #tpu.memory_space<hbm>>
      %dma_start3A_213 = arith.constant 0 : i32
      %dma_start3A_214 = tpu.memref_slice %arg10[%dma_start3A_208, %dma_start3A_213] : memref<26x128xi32, #tpu.memory_space<vmem>> -> memref<1x128xi32, #tpu.memory_space<vmem>>
      %dma_start3A_215 = tpu.memref_squeeze %dma_start3A_214 : memref<1x128xi32, #tpu.memory_space<vmem>> -> memref<128xi32, #tpu.memory_space<vmem>>
      %dma_start3A_216 = tpu.memref_slice %arg3[%add3A_207] : memref<640000xi32, #tpu.memory_space<hbm>> -> memref<128xi32, #tpu.memory_space<hbm>>
      tpu.enqueue_dma source(%dma_start3A_216 : memref<128xi32, #tpu.memory_space<hbm>>) target(%dma_start3A_215 : memref<128xi32, #tpu.memory_space<vmem>>) target_semaphore(%arg16 : memref<!tpu.dma_semaphore, #tpu.memory_space<semaphore_mem>>)
      %add3A_217 = arith.constant 320000 : i32
      %add3A_218 = arith.addi %add3A_217, %add3A_48 : i32
      %add3A_219 = arith.constant 1664 : i32
      %add3A_220 = arith.addi %add3A_218, %add3A_219 : i32
      %dma_start3A_221 = arith.constant 13 : i32
      %dma_start3A_222 = arith.constant 0 : i32
      %dma_start3A_223 = tpu.memref_slice %arg10[%dma_start3A_221, %dma_start3A_222] : memref<26x128xi32, #tpu.memory_space<vmem>> -> memref<1x128xi32, #tpu.memory_space<vmem>>
      %dma_start3A_224 = tpu.memref_squeeze %dma_start3A_223 : memref<1x128xi32, #tpu.memory_space<vmem>> -> memref<128xi32, #tpu.memory_space<vmem>>
      %dma_start3A_225 = tpu.memref_slice %arg3[%add3A_220] : memref<640000xi32, #tpu.memory_space<hbm>> -> memref<128xi32, #tpu.memory_space<hbm>>
      %dma_start3A_226 = arith.constant 0 : i32
      %dma_start3A_227 = tpu.memref_slice %arg10[%dma_start3A_221, %dma_start3A_226] : memref<26x128xi32, #tpu.memory_space<vmem>> -> memref<1x128xi32, #tpu.memory_space<vmem>>
      %dma_start3A_228 = tpu.memref_squeeze %dma_start3A_227 : memref<1x128xi32, #tpu.memory_space<vmem>> -> memref<128xi32, #tpu.memory_space<vmem>>
      %dma_start3A_229 = tpu.memref_slice %arg3[%add3A_220] : memref<640000xi32, #tpu.memory_space<hbm>> -> memref<128xi32, #tpu.memory_space<hbm>>
      tpu.enqueue_dma source(%dma_start3A_229 : memref<128xi32, #tpu.memory_space<hbm>>) target(%dma_start3A_228 : memref<128xi32, #tpu.memory_space<vmem>>) target_semaphore(%arg16 : memref<!tpu.dma_semaphore, #tpu.memory_space<semaphore_mem>>)
      %add3A_230 = arith.constant 320000 : i32
      %add3A_231 = arith.addi %add3A_230, %add3A_48 : i32
      %add3A_232 = arith.constant 1792 : i32
      %add3A_233 = arith.addi %add3A_231, %add3A_232 : i32
      %dma_start3A_234 = arith.constant 14 : i32
      %dma_start3A_235 = arith.constant 0 : i32
      %dma_start3A_236 = tpu.memref_slice %arg10[%dma_start3A_234, %dma_start3A_235] : memref<26x128xi32, #tpu.memory_space<vmem>> -> memref<1x128xi32, #tpu.memory_space<vmem>>
      %dma_start3A_237 = tpu.memref_squeeze %dma_start3A_236 : memref<1x128xi32, #tpu.memory_space<vmem>> -> memref<128xi32, #tpu.memory_space<vmem>>
      %dma_start3A_238 = tpu.memref_slice %arg3[%add3A_233] : memref<640000xi32, #tpu.memory_space<hbm>> -> memref<128xi32, #tpu.memory_space<hbm>>
      %dma_start3A_239 = arith.constant 0 : i32
      %dma_start3A_240 = tpu.memref_slice %arg10[%dma_start3A_234, %dma_start3A_239] : memref<26x128xi32, #tpu.memory_space<vmem>> -> memref<1x128xi32, #tpu.memory_space<vmem>>
      %dma_start3A_241 = tpu.memref_squeeze %dma_start3A_240 : memref<1x128xi32, #tpu.memory_space<vmem>> -> memref<128xi32, #tpu.memory_space<vmem>>
      %dma_start3A_242 = tpu.memref_slice %arg3[%add3A_233] : memref<640000xi32, #tpu.memory_space<hbm>> -> memref<128xi32, #tpu.memory_space<hbm>>
      tpu.enqueue_dma source(%dma_start3A_242 : memref<128xi32, #tpu.memory_space<hbm>>) target(%dma_start3A_241 : memref<128xi32, #tpu.memory_space<vmem>>) target_semaphore(%arg16 : memref<!tpu.dma_semaphore, #tpu.memory_space<semaphore_mem>>)
      %add3A_243 = arith.constant 320000 : i32
      %add3A_244 = arith.addi %add3A_243, %add3A_48 : i32
      %add3A_245 = arith.constant 1920 : i32
      %add3A_246 = arith.addi %add3A_244, %add3A_245 : i32
      %dma_start3A_247 = arith.constant 15 : i32
      %dma_start3A_248 = arith.constant 0 : i32
      %dma_start3A_249 = tpu.memref_slice %arg10[%dma_start3A_247, %dma_start3A_248] : memref<26x128xi32, #tpu.memory_space<vmem>> -> memref<1x128xi32, #tpu.memory_space<vmem>>
      %dma_start3A_250 = tpu.memref_squeeze %dma_start3A_249 : memref<1x128xi32, #tpu.memory_space<vmem>> -> memref<128xi32, #tpu.memory_space<vmem>>
      %dma_start3A_251 = tpu.memref_slice %arg3[%add3A_246] : memref<640000xi32, #tpu.memory_space<hbm>> -> memref<128xi32, #tpu.memory_space<hbm>>
      %dma_start3A_252 = arith.constant 0 : i32
      %dma_start3A_253 = tpu.memref_slice %arg10[%dma_start3A_247, %dma_start3A_252] : memref<26x128xi32, #tpu.memory_space<vmem>> -> memref<1x128xi32, #tpu.memory_space<vmem>>
      %dma_start3A_254 = tpu.memref_squeeze %dma_start3A_253 : memref<1x128xi32, #tpu.memory_space<vmem>> -> memref<128xi32, #tpu.memory_space<vmem>>
      %dma_start3A_255 = tpu.memref_slice %arg3[%add3A_246] : memref<640000xi32, #tpu.memory_space<hbm>> -> memref<128xi32, #tpu.memory_space<hbm>>
      tpu.enqueue_dma source(%dma_start3A_255 : memref<128xi32, #tpu.memory_space<hbm>>) target(%dma_start3A_254 : memref<128xi32, #tpu.memory_space<vmem>>) target_semaphore(%arg16 : memref<!tpu.dma_semaphore, #tpu.memory_space<semaphore_mem>>)
      %add3A_256 = arith.constant 320000 : i32
      %add3A_257 = arith.addi %add3A_256, %add3A_48 : i32
      %add3A_258 = arith.constant 2048 : i32
      %add3A_259 = arith.addi %add3A_257, %add3A_258 : i32
      %dma_start3A_260 = arith.constant 16 : i32
      %dma_start3A_261 = arith.constant 0 : i32
      %dma_start3A_262 = tpu.memref_slice %arg10[%dma_start3A_260, %dma_start3A_261] : memref<26x128xi32, #tpu.memory_space<vmem>> -> memref<1x128xi32, #tpu.memory_space<vmem>>
      %dma_start3A_263 = tpu.memref_squeeze %dma_start3A_262 : memref<1x128xi32, #tpu.memory_space<vmem>> -> memref<128xi32, #tpu.memory_space<vmem>>
      %dma_start3A_264 = tpu.memref_slice %arg3[%add3A_259] : memref<640000xi32, #tpu.memory_space<hbm>> -> memref<128xi32, #tpu.memory_space<hbm>>
      %dma_start3A_265 = arith.constant 0 : i32
      %dma_start3A_266 = tpu.memref_slice %arg10[%dma_start3A_260, %dma_start3A_265] : memref<26x128xi32, #tpu.memory_space<vmem>> -> memref<1x128xi32, #tpu.memory_space<vmem>>
      %dma_start3A_267 = tpu.memref_squeeze %dma_start3A_266 : memref<1x128xi32, #tpu.memory_space<vmem>> -> memref<128xi32, #tpu.memory_space<vmem>>
      %dma_start3A_268 = tpu.memref_slice %arg3[%add3A_259] : memref<640000xi32, #tpu.memory_space<hbm>> -> memref<128xi32, #tpu.memory_space<hbm>>
      tpu.enqueue_dma source(%dma_start3A_268 : memref<128xi32, #tpu.memory_space<hbm>>) target(%dma_start3A_267 : memref<128xi32, #tpu.memory_space<vmem>>) target_semaphore(%arg16 : memref<!tpu.dma_semaphore, #tpu.memory_space<semaphore_mem>>)
      %add3A_269 = arith.constant 320000 : i32
      %add3A_270 = arith.addi %add3A_269, %add3A_48 : i32
      %add3A_271 = arith.constant 2176 : i32
      %add3A_272 = arith.addi %add3A_270, %add3A_271 : i32
      %dma_start3A_273 = arith.constant 17 : i32
      %dma_start3A_274 = arith.constant 0 : i32
      %dma_start3A_275 = tpu.memref_slice %arg10[%dma_start3A_273, %dma_start3A_274] : memref<26x128xi32, #tpu.memory_space<vmem>> -> memref<1x128xi32, #tpu.memory_space<vmem>>
      %dma_start3A_276 = tpu.memref_squeeze %dma_start3A_275 : memref<1x128xi32, #tpu.memory_space<vmem>> -> memref<128xi32, #tpu.memory_space<vmem>>
      %dma_start3A_277 = tpu.memref_slice %arg3[%add3A_272] : memref<640000xi32, #tpu.memory_space<hbm>> -> memref<128xi32, #tpu.memory_space<hbm>>
      %dma_start3A_278 = arith.constant 0 : i32
      %dma_start3A_279 = tpu.memref_slice %arg10[%dma_start3A_273, %dma_start3A_278] : memref<26x128xi32, #tpu.memory_space<vmem>> -> memref<1x128xi32, #tpu.memory_space<vmem>>
      %dma_start3A_280 = tpu.memref_squeeze %dma_start3A_279 : memref<1x128xi32, #tpu.memory_space<vmem>> -> memref<128xi32, #tpu.memory_space<vmem>>
      %dma_start3A_281 = tpu.memref_slice %arg3[%add3A_272] : memref<640000xi32, #tpu.memory_space<hbm>> -> memref<128xi32, #tpu.memory_space<hbm>>
      tpu.enqueue_dma source(%dma_start3A_281 : memref<128xi32, #tpu.memory_space<hbm>>) target(%dma_start3A_280 : memref<128xi32, #tpu.memory_space<vmem>>) target_semaphore(%arg16 : memref<!tpu.dma_semaphore, #tpu.memory_space<semaphore_mem>>)
      %add3A_282 = arith.constant 320000 : i32
      %add3A_283 = arith.addi %add3A_282, %add3A_48 : i32
      %add3A_284 = arith.constant 2304 : i32
      %add3A_285 = arith.addi %add3A_283, %add3A_284 : i32
      %dma_start3A_286 = arith.constant 18 : i32
      %dma_start3A_287 = arith.constant 0 : i32
      %dma_start3A_288 = tpu.memref_slice %arg10[%dma_start3A_286, %dma_start3A_287] : memref<26x128xi32, #tpu.memory_space<vmem>> -> memref<1x128xi32, #tpu.memory_space<vmem>>
      %dma_start3A_289 = tpu.memref_squeeze %dma_start3A_288 : memref<1x128xi32, #tpu.memory_space<vmem>> -> memref<128xi32, #tpu.memory_space<vmem>>
      %dma_start3A_290 = tpu.memref_slice %arg3[%add3A_285] : memref<640000xi32, #tpu.memory_space<hbm>> -> memref<128xi32, #tpu.memory_space<hbm>>
      %dma_start3A_291 = arith.constant 0 : i32
      %dma_start3A_292 = tpu.memref_slice %arg10[%dma_start3A_286, %dma_start3A_291] : memref<26x128xi32, #tpu.memory_space<vmem>> -> memref<1x128xi32, #tpu.memory_space<vmem>>
      %dma_start3A_293 = tpu.memref_squeeze %dma_start3A_292 : memref<1x128xi32, #tpu.memory_space<vmem>> -> memref<128xi32, #tpu.memory_space<vmem>>
      %dma_start3A_294 = tpu.memref_slice %arg3[%add3A_285] : memref<640000xi32, #tpu.memory_space<hbm>> -> memref<128xi32, #tpu.memory_space<hbm>>
      tpu.enqueue_dma source(%dma_start3A_294 : memref<128xi32, #tpu.memory_space<hbm>>) target(%dma_start3A_293 : memref<128xi32, #tpu.memory_space<vmem>>) target_semaphore(%arg16 : memref<!tpu.dma_semaphore, #tpu.memory_space<semaphore_mem>>)
      %add3A_295 = arith.constant 320000 : i32
      %add3A_296 = arith.addi %add3A_295, %add3A_48 : i32
      %add3A_297 = arith.constant 2432 : i32
      %add3A_298 = arith.addi %add3A_296, %add3A_297 : i32
      %dma_start3A_299 = arith.constant 19 : i32
      %dma_start3A_300 = arith.constant 0 : i32
      %dma_start3A_301 = tpu.memref_slice %arg10[%dma_start3A_299, %dma_start3A_300] : memref<26x128xi32, #tpu.memory_space<vmem>> -> memref<1x128xi32, #tpu.memory_space<vmem>>
      %dma_start3A_302 = tpu.memref_squeeze %dma_start3A_301 : memref<1x128xi32, #tpu.memory_space<vmem>> -> memref<128xi32, #tpu.memory_space<vmem>>
      %dma_start3A_303 = tpu.memref_slice %arg3[%add3A_298] : memref<640000xi32, #tpu.memory_space<hbm>> -> memref<128xi32, #tpu.memory_space<hbm>>
      %dma_start3A_304 = arith.constant 0 : i32
      %dma_start3A_305 = tpu.memref_slice %arg10[%dma_start3A_299, %dma_start3A_304] : memref<26x128xi32, #tpu.memory_space<vmem>> -> memref<1x128xi32, #tpu.memory_space<vmem>>
      %dma_start3A_306 = tpu.memref_squeeze %dma_start3A_305 : memref<1x128xi32, #tpu.memory_space<vmem>> -> memref<128xi32, #tpu.memory_space<vmem>>
      %dma_start3A_307 = tpu.memref_slice %arg3[%add3A_298] : memref<640000xi32, #tpu.memory_space<hbm>> -> memref<128xi32, #tpu.memory_space<hbm>>
      tpu.enqueue_dma source(%dma_start3A_307 : memref<128xi32, #tpu.memory_space<hbm>>) target(%dma_start3A_306 : memref<128xi32, #tpu.memory_space<vmem>>) target_semaphore(%arg16 : memref<!tpu.dma_semaphore, #tpu.memory_space<semaphore_mem>>)
      %add3A_308 = arith.constant 320000 : i32
      %add3A_309 = arith.addi %add3A_308, %add3A_48 : i32
      %add3A_310 = arith.constant 2560 : i32
      %add3A_311 = arith.addi %add3A_309, %add3A_310 : i32
      %dma_start3A_312 = arith.constant 20 : i32
      %dma_start3A_313 = arith.constant 0 : i32
      %dma_start3A_314 = tpu.memref_slice %arg10[%dma_start3A_312, %dma_start3A_313] : memref<26x128xi32, #tpu.memory_space<vmem>> -> memref<1x128xi32, #tpu.memory_space<vmem>>
      %dma_start3A_315 = tpu.memref_squeeze %dma_start3A_314 : memref<1x128xi32, #tpu.memory_space<vmem>> -> memref<128xi32, #tpu.memory_space<vmem>>
      %dma_start3A_316 = tpu.memref_slice %arg3[%add3A_311] : memref<640000xi32, #tpu.memory_space<hbm>> -> memref<128xi32, #tpu.memory_space<hbm>>
      %dma_start3A_317 = arith.constant 0 : i32
      %dma_start3A_318 = tpu.memref_slice %arg10[%dma_start3A_312, %dma_start3A_317] : memref<26x128xi32, #tpu.memory_space<vmem>> -> memref<1x128xi32, #tpu.memory_space<vmem>>
      %dma_start3A_319 = tpu.memref_squeeze %dma_start3A_318 : memref<1x128xi32, #tpu.memory_space<vmem>> -> memref<128xi32, #tpu.memory_space<vmem>>
      %dma_start3A_320 = tpu.memref_slice %arg3[%add3A_311] : memref<640000xi32, #tpu.memory_space<hbm>> -> memref<128xi32, #tpu.memory_space<hbm>>
      tpu.enqueue_dma source(%dma_start3A_320 : memref<128xi32, #tpu.memory_space<hbm>>) target(%dma_start3A_319 : memref<128xi32, #tpu.memory_space<vmem>>) target_semaphore(%arg16 : memref<!tpu.dma_semaphore, #tpu.memory_space<semaphore_mem>>)
      %add3A_321 = arith.constant 320000 : i32
      %add3A_322 = arith.addi %add3A_321, %add3A_48 : i32
      %add3A_323 = arith.constant 2688 : i32
      %add3A_324 = arith.addi %add3A_322, %add3A_323 : i32
      %dma_start3A_325 = arith.constant 21 : i32
      %dma_start3A_326 = arith.constant 0 : i32
      %dma_start3A_327 = tpu.memref_slice %arg10[%dma_start3A_325, %dma_start3A_326] : memref<26x128xi32, #tpu.memory_space<vmem>> -> memref<1x128xi32, #tpu.memory_space<vmem>>
      %dma_start3A_328 = tpu.memref_squeeze %dma_start3A_327 : memref<1x128xi32, #tpu.memory_space<vmem>> -> memref<128xi32, #tpu.memory_space<vmem>>
      %dma_start3A_329 = tpu.memref_slice %arg3[%add3A_324] : memref<640000xi32, #tpu.memory_space<hbm>> -> memref<128xi32, #tpu.memory_space<hbm>>
      %dma_start3A_330 = arith.constant 0 : i32
      %dma_start3A_331 = tpu.memref_slice %arg10[%dma_start3A_325, %dma_start3A_330] : memref<26x128xi32, #tpu.memory_space<vmem>> -> memref<1x128xi32, #tpu.memory_space<vmem>>
      %dma_start3A_332 = tpu.memref_squeeze %dma_start3A_331 : memref<1x128xi32, #tpu.memory_space<vmem>> -> memref<128xi32, #tpu.memory_space<vmem>>
      %dma_start3A_333 = tpu.memref_slice %arg3[%add3A_324] : memref<640000xi32, #tpu.memory_space<hbm>> -> memref<128xi32, #tpu.memory_space<hbm>>
      tpu.enqueue_dma source(%dma_start3A_333 : memref<128xi32, #tpu.memory_space<hbm>>) target(%dma_start3A_332 : memref<128xi32, #tpu.memory_space<vmem>>) target_semaphore(%arg16 : memref<!tpu.dma_semaphore, #tpu.memory_space<semaphore_mem>>)
      %add3A_334 = arith.constant 320000 : i32
      %add3A_335 = arith.addi %add3A_334, %add3A_48 : i32
      %add3A_336 = arith.constant 2816 : i32
      %add3A_337 = arith.addi %add3A_335, %add3A_336 : i32
      %dma_start3A_338 = arith.constant 22 : i32
      %dma_start3A_339 = arith.constant 0 : i32
      %dma_start3A_340 = tpu.memref_slice %arg10[%dma_start3A_338, %dma_start3A_339] : memref<26x128xi32, #tpu.memory_space<vmem>> -> memref<1x128xi32, #tpu.memory_space<vmem>>
      %dma_start3A_341 = tpu.memref_squeeze %dma_start3A_340 : memref<1x128xi32, #tpu.memory_space<vmem>> -> memref<128xi32, #tpu.memory_space<vmem>>
      %dma_start3A_342 = tpu.memref_slice %arg3[%add3A_337] : memref<640000xi32, #tpu.memory_space<hbm>> -> memref<128xi32, #tpu.memory_space<hbm>>
      %dma_start3A_343 = arith.constant 0 : i32
      %dma_start3A_344 = tpu.memref_slice %arg10[%dma_start3A_338, %dma_start3A_343] : memref<26x128xi32, #tpu.memory_space<vmem>> -> memref<1x128xi32, #tpu.memory_space<vmem>>
      %dma_start3A_345 = tpu.memref_squeeze %dma_start3A_344 : memref<1x128xi32, #tpu.memory_space<vmem>> -> memref<128xi32, #tpu.memory_space<vmem>>
      %dma_start3A_346 = tpu.memref_slice %arg3[%add3A_337] : memref<640000xi32, #tpu.memory_space<hbm>> -> memref<128xi32, #tpu.memory_space<hbm>>
      tpu.enqueue_dma source(%dma_start3A_346 : memref<128xi32, #tpu.memory_space<hbm>>) target(%dma_start3A_345 : memref<128xi32, #tpu.memory_space<vmem>>) target_semaphore(%arg16 : memref<!tpu.dma_semaphore, #tpu.memory_space<semaphore_mem>>)
      %add3A_347 = arith.constant 320000 : i32
      %add3A_348 = arith.addi %add3A_347, %add3A_48 : i32
      %add3A_349 = arith.constant 2944 : i32
      %add3A_350 = arith.addi %add3A_348, %add3A_349 : i32
      %dma_start3A_351 = arith.constant 23 : i32
      %dma_start3A_352 = arith.constant 0 : i32
      %dma_start3A_353 = tpu.memref_slice %arg10[%dma_start3A_351, %dma_start3A_352] : memref<26x128xi32, #tpu.memory_space<vmem>> -> memref<1x128xi32, #tpu.memory_space<vmem>>
      %dma_start3A_354 = tpu.memref_squeeze %dma_start3A_353 : memref<1x128xi32, #tpu.memory_space<vmem>> -> memref<128xi32, #tpu.memory_space<vmem>>
      %dma_start3A_355 = tpu.memref_slice %arg3[%add3A_350] : memref<640000xi32, #tpu.memory_space<hbm>> -> memref<128xi32, #tpu.memory_space<hbm>>
      %dma_start3A_356 = arith.constant 0 : i32
      %dma_start3A_357 = tpu.memref_slice %arg10[%dma_start3A_351, %dma_start3A_356] : memref<26x128xi32, #tpu.memory_space<vmem>> -> memref<1x128xi32, #tpu.memory_space<vmem>>
      %dma_start3A_358 = tpu.memref_squeeze %dma_start3A_357 : memref<1x128xi32, #tpu.memory_space<vmem>> -> memref<128xi32, #tpu.memory_space<vmem>>
      %dma_start3A_359 = tpu.memref_slice %arg3[%add3A_350] : memref<640000xi32, #tpu.memory_space<hbm>> -> memref<128xi32, #tpu.memory_space<hbm>>
      tpu.enqueue_dma source(%dma_start3A_359 : memref<128xi32, #tpu.memory_space<hbm>>) target(%dma_start3A_358 : memref<128xi32, #tpu.memory_space<vmem>>) target_semaphore(%arg16 : memref<!tpu.dma_semaphore, #tpu.memory_space<semaphore_mem>>)
      %add3A_360 = arith.constant 320000 : i32
      %add3A_361 = arith.addi %add3A_360, %add3A_48 : i32
      %add3A_362 = arith.constant 3072 : i32
      %add3A_363 = arith.addi %add3A_361, %add3A_362 : i32
      %dma_start3A_364 = arith.constant 24 : i32
      %dma_start3A_365 = arith.constant 0 : i32
      %dma_start3A_366 = tpu.memref_slice %arg10[%dma_start3A_364, %dma_start3A_365] : memref<26x128xi32, #tpu.memory_space<vmem>> -> memref<1x128xi32, #tpu.memory_space<vmem>>
      %dma_start3A_367 = tpu.memref_squeeze %dma_start3A_366 : memref<1x128xi32, #tpu.memory_space<vmem>> -> memref<128xi32, #tpu.memory_space<vmem>>
      %dma_start3A_368 = tpu.memref_slice %arg3[%add3A_363] : memref<640000xi32, #tpu.memory_space<hbm>> -> memref<128xi32, #tpu.memory_space<hbm>>
      %dma_start3A_369 = arith.constant 0 : i32
      %dma_start3A_370 = tpu.memref_slice %arg10[%dma_start3A_364, %dma_start3A_369] : memref<26x128xi32, #tpu.memory_space<vmem>> -> memref<1x128xi32, #tpu.memory_space<vmem>>
      %dma_start3A_371 = tpu.memref_squeeze %dma_start3A_370 : memref<1x128xi32, #tpu.memory_space<vmem>> -> memref<128xi32, #tpu.memory_space<vmem>>
      %dma_start3A_372 = tpu.memref_slice %arg3[%add3A_363] : memref<640000xi32, #tpu.memory_space<hbm>> -> memref<128xi32, #tpu.memory_space<hbm>>
      tpu.enqueue_dma source(%dma_start3A_372 : memref<128xi32, #tpu.memory_space<hbm>>) target(%dma_start3A_371 : memref<128xi32, #tpu.memory_space<vmem>>) target_semaphore(%arg16 : memref<!tpu.dma_semaphore, #tpu.memory_space<semaphore_mem>>)
      %add3A_373 = arith.constant 320000 : i32
      %add3A_374 = arith.addi %add3A_373, %add3A_48 : i32
      %add3A_375 = arith.constant 3200 : i32
      %add3A_376 = arith.addi %add3A_374, %add3A_375 : i32
      %dma_start3A_377 = arith.constant 25 : i32
      %dma_start3A_378 = arith.constant 0 : i32
      %dma_start3A_379 = tpu.memref_slice %arg10[%dma_start3A_377, %dma_start3A_378] : memref<26x128xi32, #tpu.memory_space<vmem>> -> memref<1x128xi32, #tpu.memory_space<vmem>>
      %dma_start3A_380 = tpu.memref_squeeze %dma_start3A_379 : memref<1x128xi32, #tpu.memory_space<vmem>> -> memref<128xi32, #tpu.memory_space<vmem>>
      %dma_start3A_381 = tpu.memref_slice %arg3[%add3A_376] : memref<640000xi32, #tpu.memory_space<hbm>> -> memref<128xi32, #tpu.memory_space<hbm>>
      %dma_start3A_382 = arith.constant 0 : i32
      %dma_start3A_383 = tpu.memref_slice %arg10[%dma_start3A_377, %dma_start3A_382] : memref<26x128xi32, #tpu.memory_space<vmem>> -> memref<1x128xi32, #tpu.memory_space<vmem>>
      %dma_start3A_384 = tpu.memref_squeeze %dma_start3A_383 : memref<1x128xi32, #tpu.memory_space<vmem>> -> memref<128xi32, #tpu.memory_space<vmem>>
      %dma_start3A_385 = tpu.memref_slice %arg3[%add3A_376] : memref<640000xi32, #tpu.memory_space<hbm>> -> memref<128xi32, #tpu.memory_space<hbm>>
      tpu.enqueue_dma source(%dma_start3A_385 : memref<128xi32, #tpu.memory_space<hbm>>) target(%dma_start3A_384 : memref<128xi32, #tpu.memory_space<vmem>>) target_semaphore(%arg16 : memref<!tpu.dma_semaphore, #tpu.memory_space<semaphore_mem>>)
      %add3A_386 = arith.constant 320000 : i32
      %add3A_387 = arith.addi %add3A_386, %add3A_48 : i32
      %add3A_388 = arith.constant 0 : i32
      %add3A_389 = arith.addi %add3A_387, %add3A_388 : i32
      %dma_wait3A = arith.constant 0 : i32
      %dma_wait3A_390 = arith.constant 0 : i32
      %dma_wait3A_391 = tpu.memref_slice %arg10[%dma_wait3A, %dma_wait3A_390] : memref<26x128xi32, #tpu.memory_space<vmem>> -> memref<1x128xi32, #tpu.memory_space<vmem>>
      %dma_wait3A_392 = tpu.memref_squeeze %dma_wait3A_391 : memref<1x128xi32, #tpu.memory_space<vmem>> -> memref<128xi32, #tpu.memory_space<vmem>>
      %dma_wait3A_393 = tpu.memref_slice %arg3[%add3A_389] : memref<640000xi32, #tpu.memory_space<hbm>> -> memref<128xi32, #tpu.memory_space<hbm>>
      %dma_wait3A_394 = arith.constant 0 : i32
      %dma_wait3A_395 = tpu.memref_slice %arg10[%dma_wait3A, %dma_wait3A_394] : memref<26x128xi32, #tpu.memory_space<vmem>> -> memref<1x128xi32, #tpu.memory_space<vmem>>
      %dma_wait3A_396 = tpu.memref_squeeze %dma_wait3A_395 : memref<1x128xi32, #tpu.memory_space<vmem>> -> memref<128xi32, #tpu.memory_space<vmem>>
      %dma_wait3A_397 = tpu.memref_slice %arg3[%add3A_389] : memref<640000xi32, #tpu.memory_space<hbm>> -> memref<128xi32, #tpu.memory_space<hbm>>
      tpu.wait_dma2 semaphore(%arg16 : memref<!tpu.dma_semaphore, #tpu.memory_space<semaphore_mem>>) src(%dma_wait3A_397 : memref<128xi32, #tpu.memory_space<hbm>>) dst(%dma_wait3A_396 : memref<128xi32, #tpu.memory_space<vmem>>)
      %add3A_398 = arith.constant 320000 : i32
      %add3A_399 = arith.addi %add3A_398, %add3A_48 : i32
      %add3A_400 = arith.constant 128 : i32
      %add3A_401 = arith.addi %add3A_399, %add3A_400 : i32
      %dma_wait3A_402 = arith.constant 1 : i32
      %dma_wait3A_403 = arith.constant 0 : i32
      %dma_wait3A_404 = tpu.memref_slice %arg10[%dma_wait3A_402, %dma_wait3A_403] : memref<26x128xi32, #tpu.memory_space<vmem>> -> memref<1x128xi32, #tpu.memory_space<vmem>>
      %dma_wait3A_405 = tpu.memref_squeeze %dma_wait3A_404 : memref<1x128xi32, #tpu.memory_space<vmem>> -> memref<128xi32, #tpu.memory_space<vmem>>
      %dma_wait3A_406 = tpu.memref_slice %arg3[%add3A_401] : memref<640000xi32, #tpu.memory_space<hbm>> -> memref<128xi32, #tpu.memory_space<hbm>>
      %dma_wait3A_407 = arith.constant 0 : i32
      %dma_wait3A_408 = tpu.memref_slice %arg10[%dma_wait3A_402, %dma_wait3A_407] : memref<26x128xi32, #tpu.memory_space<vmem>> -> memref<1x128xi32, #tpu.memory_space<vmem>>
      %dma_wait3A_409 = tpu.memref_squeeze %dma_wait3A_408 : memref<1x128xi32, #tpu.memory_space<vmem>> -> memref<128xi32, #tpu.memory_space<vmem>>
      %dma_wait3A_410 = tpu.memref_slice %arg3[%add3A_401] : memref<640000xi32, #tpu.memory_space<hbm>> -> memref<128xi32, #tpu.memory_space<hbm>>
      tpu.wait_dma2 semaphore(%arg16 : memref<!tpu.dma_semaphore, #tpu.memory_space<semaphore_mem>>) src(%dma_wait3A_410 : memref<128xi32, #tpu.memory_space<hbm>>) dst(%dma_wait3A_409 : memref<128xi32, #tpu.memory_space<vmem>>)
      %add3A_411 = arith.constant 320000 : i32
      %add3A_412 = arith.addi %add3A_411, %add3A_48 : i32
      %add3A_413 = arith.constant 256 : i32
      %add3A_414 = arith.addi %add3A_412, %add3A_413 : i32
      %dma_wait3A_415 = arith.constant 2 : i32
      %dma_wait3A_416 = arith.constant 0 : i32
      %dma_wait3A_417 = tpu.memref_slice %arg10[%dma_wait3A_415, %dma_wait3A_416] : memref<26x128xi32, #tpu.memory_space<vmem>> -> memref<1x128xi32, #tpu.memory_space<vmem>>
      %dma_wait3A_418 = tpu.memref_squeeze %dma_wait3A_417 : memref<1x128xi32, #tpu.memory_space<vmem>> -> memref<128xi32, #tpu.memory_space<vmem>>
      %dma_wait3A_419 = tpu.memref_slice %arg3[%add3A_414] : memref<640000xi32, #tpu.memory_space<hbm>> -> memref<128xi32, #tpu.memory_space<hbm>>
      %dma_wait3A_420 = arith.constant 0 : i32
      %dma_wait3A_421 = tpu.memref_slice %arg10[%dma_wait3A_415, %dma_wait3A_420] : memref<26x128xi32, #tpu.memory_space<vmem>> -> memref<1x128xi32, #tpu.memory_space<vmem>>
      %dma_wait3A_422 = tpu.memref_squeeze %dma_wait3A_421 : memref<1x128xi32, #tpu.memory_space<vmem>> -> memref<128xi32, #tpu.memory_space<vmem>>
      %dma_wait3A_423 = tpu.memref_slice %arg3[%add3A_414] : memref<640000xi32, #tpu.memory_space<hbm>> -> memref<128xi32, #tpu.memory_space<hbm>>
      tpu.wait_dma2 semaphore(%arg16 : memref<!tpu.dma_semaphore, #tpu.memory_space<semaphore_mem>>) src(%dma_wait3A_423 : memref<128xi32, #tpu.memory_space<hbm>>) dst(%dma_wait3A_422 : memref<128xi32, #tpu.memory_space<vmem>>)
      %add3A_424 = arith.constant 320000 : i32
      %add3A_425 = arith.addi %add3A_424, %add3A_48 : i32
      %add3A_426 = arith.constant 384 : i32
      %add3A_427 = arith.addi %add3A_425, %add3A_426 : i32
      %dma_wait3A_428 = arith.constant 3 : i32
      %dma_wait3A_429 = arith.constant 0 : i32
      %dma_wait3A_430 = tpu.memref_slice %arg10[%dma_wait3A_428, %dma_wait3A_429] : memref<26x128xi32, #tpu.memory_space<vmem>> -> memref<1x128xi32, #tpu.memory_space<vmem>>
      %dma_wait3A_431 = tpu.memref_squeeze %dma_wait3A_430 : memref<1x128xi32, #tpu.memory_space<vmem>> -> memref<128xi32, #tpu.memory_space<vmem>>
      %dma_wait3A_432 = tpu.memref_slice %arg3[%add3A_427] : memref<640000xi32, #tpu.memory_space<hbm>> -> memref<128xi32, #tpu.memory_space<hbm>>
      %dma_wait3A_433 = arith.constant 0 : i32
      %dma_wait3A_434 = tpu.memref_slice %arg10[%dma_wait3A_428, %dma_wait3A_433] : memref<26x128xi32, #tpu.memory_space<vmem>> -> memref<1x128xi32, #tpu.memory_space<vmem>>
      %dma_wait3A_435 = tpu.memref_squeeze %dma_wait3A_434 : memref<1x128xi32, #tpu.memory_space<vmem>> -> memref<128xi32, #tpu.memory_space<vmem>>
      %dma_wait3A_436 = tpu.memref_slice %arg3[%add3A_427] : memref<640000xi32, #tpu.memory_space<hbm>> -> memref<128xi32, #tpu.memory_space<hbm>>
      tpu.wait_dma2 semaphore(%arg16 : memref<!tpu.dma_semaphore, #tpu.memory_space<semaphore_mem>>) src(%dma_wait3A_436 : memref<128xi32, #tpu.memory_space<hbm>>) dst(%dma_wait3A_435 : memref<128xi32, #tpu.memory_space<vmem>>)
      %add3A_437 = arith.constant 320000 : i32
      %add3A_438 = arith.addi %add3A_437, %add3A_48 : i32
      %add3A_439 = arith.constant 512 : i32
      %add3A_440 = arith.addi %add3A_438, %add3A_439 : i32
      %dma_wait3A_441 = arith.constant 4 : i32
      %dma_wait3A_442 = arith.constant 0 : i32
      %dma_wait3A_443 = tpu.memref_slice %arg10[%dma_wait3A_441, %dma_wait3A_442] : memref<26x128xi32, #tpu.memory_space<vmem>> -> memref<1x128xi32, #tpu.memory_space<vmem>>
      %dma_wait3A_444 = tpu.memref_squeeze %dma_wait3A_443 : memref<1x128xi32, #tpu.memory_space<vmem>> -> memref<128xi32, #tpu.memory_space<vmem>>
      %dma_wait3A_445 = tpu.memref_slice %arg3[%add3A_440] : memref<640000xi32, #tpu.memory_space<hbm>> -> memref<128xi32, #tpu.memory_space<hbm>>
      %dma_wait3A_446 = arith.constant 0 : i32
      %dma_wait3A_447 = tpu.memref_slice %arg10[%dma_wait3A_441, %dma_wait3A_446] : memref<26x128xi32, #tpu.memory_space<vmem>> -> memref<1x128xi32, #tpu.memory_space<vmem>>
      %dma_wait3A_448 = tpu.memref_squeeze %dma_wait3A_447 : memref<1x128xi32, #tpu.memory_space<vmem>> -> memref<128xi32, #tpu.memory_space<vmem>>
      %dma_wait3A_449 = tpu.memref_slice %arg3[%add3A_440] : memref<640000xi32, #tpu.memory_space<hbm>> -> memref<128xi32, #tpu.memory_space<hbm>>
      tpu.wait_dma2 semaphore(%arg16 : memref<!tpu.dma_semaphore, #tpu.memory_space<semaphore_mem>>) src(%dma_wait3A_449 : memref<128xi32, #tpu.memory_space<hbm>>) dst(%dma_wait3A_448 : memref<128xi32, #tpu.memory_space<vmem>>)
      %add3A_450 = arith.constant 320000 : i32
      %add3A_451 = arith.addi %add3A_450, %add3A_48 : i32
      %add3A_452 = arith.constant 640 : i32
      %add3A_453 = arith.addi %add3A_451, %add3A_452 : i32
      %dma_wait3A_454 = arith.constant 5 : i32
      %dma_wait3A_455 = arith.constant 0 : i32
      %dma_wait3A_456 = tpu.memref_slice %arg10[%dma_wait3A_454, %dma_wait3A_455] : memref<26x128xi32, #tpu.memory_space<vmem>> -> memref<1x128xi32, #tpu.memory_space<vmem>>
      %dma_wait3A_457 = tpu.memref_squeeze %dma_wait3A_456 : memref<1x128xi32, #tpu.memory_space<vmem>> -> memref<128xi32, #tpu.memory_space<vmem>>
      %dma_wait3A_458 = tpu.memref_slice %arg3[%add3A_453] : memref<640000xi32, #tpu.memory_space<hbm>> -> memref<128xi32, #tpu.memory_space<hbm>>
      %dma_wait3A_459 = arith.constant 0 : i32
      %dma_wait3A_460 = tpu.memref_slice %arg10[%dma_wait3A_454, %dma_wait3A_459] : memref<26x128xi32, #tpu.memory_space<vmem>> -> memref<1x128xi32, #tpu.memory_space<vmem>>
      %dma_wait3A_461 = tpu.memref_squeeze %dma_wait3A_460 : memref<1x128xi32, #tpu.memory_space<vmem>> -> memref<128xi32, #tpu.memory_space<vmem>>
      %dma_wait3A_462 = tpu.memref_slice %arg3[%add3A_453] : memref<640000xi32, #tpu.memory_space<hbm>> -> memref<128xi32, #tpu.memory_space<hbm>>
      tpu.wait_dma2 semaphore(%arg16 : memref<!tpu.dma_semaphore, #tpu.memory_space<semaphore_mem>>) src(%dma_wait3A_462 : memref<128xi32, #tpu.memory_space<hbm>>) dst(%dma_wait3A_461 : memref<128xi32, #tpu.memory_space<vmem>>)
      %add3A_463 = arith.constant 320000 : i32
      %add3A_464 = arith.addi %add3A_463, %add3A_48 : i32
      %add3A_465 = arith.constant 768 : i32
      %add3A_466 = arith.addi %add3A_464, %add3A_465 : i32
      %dma_wait3A_467 = arith.constant 6 : i32
      %dma_wait3A_468 = arith.constant 0 : i32
      %dma_wait3A_469 = tpu.memref_slice %arg10[%dma_wait3A_467, %dma_wait3A_468] : memref<26x128xi32, #tpu.memory_space<vmem>> -> memref<1x128xi32, #tpu.memory_space<vmem>>
      %dma_wait3A_470 = tpu.memref_squeeze %dma_wait3A_469 : memref<1x128xi32, #tpu.memory_space<vmem>> -> memref<128xi32, #tpu.memory_space<vmem>>
      %dma_wait3A_471 = tpu.memref_slice %arg3[%add3A_466] : memref<640000xi32, #tpu.memory_space<hbm>> -> memref<128xi32, #tpu.memory_space<hbm>>
      %dma_wait3A_472 = arith.constant 0 : i32
      %dma_wait3A_473 = tpu.memref_slice %arg10[%dma_wait3A_467, %dma_wait3A_472] : memref<26x128xi32, #tpu.memory_space<vmem>> -> memref<1x128xi32, #tpu.memory_space<vmem>>
      %dma_wait3A_474 = tpu.memref_squeeze %dma_wait3A_473 : memref<1x128xi32, #tpu.memory_space<vmem>> -> memref<128xi32, #tpu.memory_space<vmem>>
      %dma_wait3A_475 = tpu.memref_slice %arg3[%add3A_466] : memref<640000xi32, #tpu.memory_space<hbm>> -> memref<128xi32, #tpu.memory_space<hbm>>
      tpu.wait_dma2 semaphore(%arg16 : memref<!tpu.dma_semaphore, #tpu.memory_space<semaphore_mem>>) src(%dma_wait3A_475 : memref<128xi32, #tpu.memory_space<hbm>>) dst(%dma_wait3A_474 : memref<128xi32, #tpu.memory_space<vmem>>)
      %add3A_476 = arith.constant 320000 : i32
      %add3A_477 = arith.addi %add3A_476, %add3A_48 : i32
      %add3A_478 = arith.constant 896 : i32
      %add3A_479 = arith.addi %add3A_477, %add3A_478 : i32
      %dma_wait3A_480 = arith.constant 7 : i32
      %dma_wait3A_481 = arith.constant 0 : i32
      %dma_wait3A_482 = tpu.memref_slice %arg10[%dma_wait3A_480, %dma_wait3A_481] : memref<26x128xi32, #tpu.memory_space<vmem>> -> memref<1x128xi32, #tpu.memory_space<vmem>>
      %dma_wait3A_483 = tpu.memref_squeeze %dma_wait3A_482 : memref<1x128xi32, #tpu.memory_space<vmem>> -> memref<128xi32, #tpu.memory_space<vmem>>
      %dma_wait3A_484 = tpu.memref_slice %arg3[%add3A_479] : memref<640000xi32, #tpu.memory_space<hbm>> -> memref<128xi32, #tpu.memory_space<hbm>>
      %dma_wait3A_485 = arith.constant 0 : i32
      %dma_wait3A_486 = tpu.memref_slice %arg10[%dma_wait3A_480, %dma_wait3A_485] : memref<26x128xi32, #tpu.memory_space<vmem>> -> memref<1x128xi32, #tpu.memory_space<vmem>>
      %dma_wait3A_487 = tpu.memref_squeeze %dma_wait3A_486 : memref<1x128xi32, #tpu.memory_space<vmem>> -> memref<128xi32, #tpu.memory_space<vmem>>
      %dma_wait3A_488 = tpu.memref_slice %arg3[%add3A_479] : memref<640000xi32, #tpu.memory_space<hbm>> -> memref<128xi32, #tpu.memory_space<hbm>>
      tpu.wait_dma2 semaphore(%arg16 : memref<!tpu.dma_semaphore, #tpu.memory_space<semaphore_mem>>) src(%dma_wait3A_488 : memref<128xi32, #tpu.memory_space<hbm>>) dst(%dma_wait3A_487 : memref<128xi32, #tpu.memory_space<vmem>>)
      %add3A_489 = arith.constant 320000 : i32
      %add3A_490 = arith.addi %add3A_489, %add3A_48 : i32
      %add3A_491 = arith.constant 1024 : i32
      %add3A_492 = arith.addi %add3A_490, %add3A_491 : i32
      %dma_wait3A_493 = arith.constant 8 : i32
      %dma_wait3A_494 = arith.constant 0 : i32
      %dma_wait3A_495 = tpu.memref_slice %arg10[%dma_wait3A_493, %dma_wait3A_494] : memref<26x128xi32, #tpu.memory_space<vmem>> -> memref<1x128xi32, #tpu.memory_space<vmem>>
      %dma_wait3A_496 = tpu.memref_squeeze %dma_wait3A_495 : memref<1x128xi32, #tpu.memory_space<vmem>> -> memref<128xi32, #tpu.memory_space<vmem>>
      %dma_wait3A_497 = tpu.memref_slice %arg3[%add3A_492] : memref<640000xi32, #tpu.memory_space<hbm>> -> memref<128xi32, #tpu.memory_space<hbm>>
      %dma_wait3A_498 = arith.constant 0 : i32
      %dma_wait3A_499 = tpu.memref_slice %arg10[%dma_wait3A_493, %dma_wait3A_498] : memref<26x128xi32, #tpu.memory_space<vmem>> -> memref<1x128xi32, #tpu.memory_space<vmem>>
      %dma_wait3A_500 = tpu.memref_squeeze %dma_wait3A_499 : memref<1x128xi32, #tpu.memory_space<vmem>> -> memref<128xi32, #tpu.memory_space<vmem>>
      %dma_wait3A_501 = tpu.memref_slice %arg3[%add3A_492] : memref<640000xi32, #tpu.memory_space<hbm>> -> memref<128xi32, #tpu.memory_space<hbm>>
      tpu.wait_dma2 semaphore(%arg16 : memref<!tpu.dma_semaphore, #tpu.memory_space<semaphore_mem>>) src(%dma_wait3A_501 : memref<128xi32, #tpu.memory_space<hbm>>) dst(%dma_wait3A_500 : memref<128xi32, #tpu.memory_space<vmem>>)
      %add3A_502 = arith.constant 320000 : i32
      %add3A_503 = arith.addi %add3A_502, %add3A_48 : i32
      %add3A_504 = arith.constant 1152 : i32
      %add3A_505 = arith.addi %add3A_503, %add3A_504 : i32
      %dma_wait3A_506 = arith.constant 9 : i32
      %dma_wait3A_507 = arith.constant 0 : i32
      %dma_wait3A_508 = tpu.memref_slice %arg10[%dma_wait3A_506, %dma_wait3A_507] : memref<26x128xi32, #tpu.memory_space<vmem>> -> memref<1x128xi32, #tpu.memory_space<vmem>>
      %dma_wait3A_509 = tpu.memref_squeeze %dma_wait3A_508 : memref<1x128xi32, #tpu.memory_space<vmem>> -> memref<128xi32, #tpu.memory_space<vmem>>
      %dma_wait3A_510 = tpu.memref_slice %arg3[%add3A_505] : memref<640000xi32, #tpu.memory_space<hbm>> -> memref<128xi32, #tpu.memory_space<hbm>>
      %dma_wait3A_511 = arith.constant 0 : i32
      %dma_wait3A_512 = tpu.memref_slice %arg10[%dma_wait3A_506, %dma_wait3A_511] : memref<26x128xi32, #tpu.memory_space<vmem>> -> memref<1x128xi32, #tpu.memory_space<vmem>>
      %dma_wait3A_513 = tpu.memref_squeeze %dma_wait3A_512 : memref<1x128xi32, #tpu.memory_space<vmem>> -> memref<128xi32, #tpu.memory_space<vmem>>
      %dma_wait3A_514 = tpu.memref_slice %arg3[%add3A_505] : memref<640000xi32, #tpu.memory_space<hbm>> -> memref<128xi32, #tpu.memory_space<hbm>>
      tpu.wait_dma2 semaphore(%arg16 : memref<!tpu.dma_semaphore, #tpu.memory_space<semaphore_mem>>) src(%dma_wait3A_514 : memref<128xi32, #tpu.memory_space<hbm>>) dst(%dma_wait3A_513 : memref<128xi32, #tpu.memory_space<vmem>>)
      %add3A_515 = arith.constant 320000 : i32
      %add3A_516 = arith.addi %add3A_515, %add3A_48 : i32
      %add3A_517 = arith.constant 1280 : i32
      %add3A_518 = arith.addi %add3A_516, %add3A_517 : i32
      %dma_wait3A_519 = arith.constant 10 : i32
      %dma_wait3A_520 = arith.constant 0 : i32
      %dma_wait3A_521 = tpu.memref_slice %arg10[%dma_wait3A_519, %dma_wait3A_520] : memref<26x128xi32, #tpu.memory_space<vmem>> -> memref<1x128xi32, #tpu.memory_space<vmem>>
      %dma_wait3A_522 = tpu.memref_squeeze %dma_wait3A_521 : memref<1x128xi32, #tpu.memory_space<vmem>> -> memref<128xi32, #tpu.memory_space<vmem>>
      %dma_wait3A_523 = tpu.memref_slice %arg3[%add3A_518] : memref<640000xi32, #tpu.memory_space<hbm>> -> memref<128xi32, #tpu.memory_space<hbm>>
      %dma_wait3A_524 = arith.constant 0 : i32
      %dma_wait3A_525 = tpu.memref_slice %arg10[%dma_wait3A_519, %dma_wait3A_524] : memref<26x128xi32, #tpu.memory_space<vmem>> -> memref<1x128xi32, #tpu.memory_space<vmem>>
      %dma_wait3A_526 = tpu.memref_squeeze %dma_wait3A_525 : memref<1x128xi32, #tpu.memory_space<vmem>> -> memref<128xi32, #tpu.memory_space<vmem>>
      %dma_wait3A_527 = tpu.memref_slice %arg3[%add3A_518] : memref<640000xi32, #tpu.memory_space<hbm>> -> memref<128xi32, #tpu.memory_space<hbm>>
      tpu.wait_dma2 semaphore(%arg16 : memref<!tpu.dma_semaphore, #tpu.memory_space<semaphore_mem>>) src(%dma_wait3A_527 : memref<128xi32, #tpu.memory_space<hbm>>) dst(%dma_wait3A_526 : memref<128xi32, #tpu.memory_space<vmem>>)
      %add3A_528 = arith.constant 320000 : i32
      %add3A_529 = arith.addi %add3A_528, %add3A_48 : i32
      %add3A_530 = arith.constant 1408 : i32
      %add3A_531 = arith.addi %add3A_529, %add3A_530 : i32
      %dma_wait3A_532 = arith.constant 11 : i32
      %dma_wait3A_533 = arith.constant 0 : i32
      %dma_wait3A_534 = tpu.memref_slice %arg10[%dma_wait3A_532, %dma_wait3A_533] : memref<26x128xi32, #tpu.memory_space<vmem>> -> memref<1x128xi32, #tpu.memory_space<vmem>>
      %dma_wait3A_535 = tpu.memref_squeeze %dma_wait3A_534 : memref<1x128xi32, #tpu.memory_space<vmem>> -> memref<128xi32, #tpu.memory_space<vmem>>
      %dma_wait3A_536 = tpu.memref_slice %arg3[%add3A_531] : memref<640000xi32, #tpu.memory_space<hbm>> -> memref<128xi32, #tpu.memory_space<hbm>>
      %dma_wait3A_537 = arith.constant 0 : i32
      %dma_wait3A_538 = tpu.memref_slice %arg10[%dma_wait3A_532, %dma_wait3A_537] : memref<26x128xi32, #tpu.memory_space<vmem>> -> memref<1x128xi32, #tpu.memory_space<vmem>>
      %dma_wait3A_539 = tpu.memref_squeeze %dma_wait3A_538 : memref<1x128xi32, #tpu.memory_space<vmem>> -> memref<128xi32, #tpu.memory_space<vmem>>
      %dma_wait3A_540 = tpu.memref_slice %arg3[%add3A_531] : memref<640000xi32, #tpu.memory_space<hbm>> -> memref<128xi32, #tpu.memory_space<hbm>>
      tpu.wait_dma2 semaphore(%arg16 : memref<!tpu.dma_semaphore, #tpu.memory_space<semaphore_mem>>) src(%dma_wait3A_540 : memref<128xi32, #tpu.memory_space<hbm>>) dst(%dma_wait3A_539 : memref<128xi32, #tpu.memory_space<vmem>>)
      %add3A_541 = arith.constant 320000 : i32
      %add3A_542 = arith.addi %add3A_541, %add3A_48 : i32
      %add3A_543 = arith.constant 1536 : i32
      %add3A_544 = arith.addi %add3A_542, %add3A_543 : i32
      %dma_wait3A_545 = arith.constant 12 : i32
      %dma_wait3A_546 = arith.constant 0 : i32
      %dma_wait3A_547 = tpu.memref_slice %arg10[%dma_wait3A_545, %dma_wait3A_546] : memref<26x128xi32, #tpu.memory_space<vmem>> -> memref<1x128xi32, #tpu.memory_space<vmem>>
      %dma_wait3A_548 = tpu.memref_squeeze %dma_wait3A_547 : memref<1x128xi32, #tpu.memory_space<vmem>> -> memref<128xi32, #tpu.memory_space<vmem>>
      %dma_wait3A_549 = tpu.memref_slice %arg3[%add3A_544] : memref<640000xi32, #tpu.memory_space<hbm>> -> memref<128xi32, #tpu.memory_space<hbm>>
      %dma_wait3A_550 = arith.constant 0 : i32
      %dma_wait3A_551 = tpu.memref_slice %arg10[%dma_wait3A_545, %dma_wait3A_550] : memref<26x128xi32, #tpu.memory_space<vmem>> -> memref<1x128xi32, #tpu.memory_space<vmem>>
      %dma_wait3A_552 = tpu.memref_squeeze %dma_wait3A_551 : memref<1x128xi32, #tpu.memory_space<vmem>> -> memref<128xi32, #tpu.memory_space<vmem>>
      %dma_wait3A_553 = tpu.memref_slice %arg3[%add3A_544] : memref<640000xi32, #tpu.memory_space<hbm>> -> memref<128xi32, #tpu.memory_space<hbm>>
      tpu.wait_dma2 semaphore(%arg16 : memref<!tpu.dma_semaphore, #tpu.memory_space<semaphore_mem>>) src(%dma_wait3A_553 : memref<128xi32, #tpu.memory_space<hbm>>) dst(%dma_wait3A_552 : memref<128xi32, #tpu.memory_space<vmem>>)
      %add3A_554 = arith.constant 320000 : i32
      %add3A_555 = arith.addi %add3A_554, %add3A_48 : i32
      %add3A_556 = arith.constant 1664 : i32
      %add3A_557 = arith.addi %add3A_555, %add3A_556 : i32
      %dma_wait3A_558 = arith.constant 13 : i32
      %dma_wait3A_559 = arith.constant 0 : i32
      %dma_wait3A_560 = tpu.memref_slice %arg10[%dma_wait3A_558, %dma_wait3A_559] : memref<26x128xi32, #tpu.memory_space<vmem>> -> memref<1x128xi32, #tpu.memory_space<vmem>>
      %dma_wait3A_561 = tpu.memref_squeeze %dma_wait3A_560 : memref<1x128xi32, #tpu.memory_space<vmem>> -> memref<128xi32, #tpu.memory_space<vmem>>
      %dma_wait3A_562 = tpu.memref_slice %arg3[%add3A_557] : memref<640000xi32, #tpu.memory_space<hbm>> -> memref<128xi32, #tpu.memory_space<hbm>>
      %dma_wait3A_563 = arith.constant 0 : i32
      %dma_wait3A_564 = tpu.memref_slice %arg10[%dma_wait3A_558, %dma_wait3A_563] : memref<26x128xi32, #tpu.memory_space<vmem>> -> memref<1x128xi32, #tpu.memory_space<vmem>>
      %dma_wait3A_565 = tpu.memref_squeeze %dma_wait3A_564 : memref<1x128xi32, #tpu.memory_space<vmem>> -> memref<128xi32, #tpu.memory_space<vmem>>
      %dma_wait3A_566 = tpu.memref_slice %arg3[%add3A_557] : memref<640000xi32, #tpu.memory_space<hbm>> -> memref<128xi32, #tpu.memory_space<hbm>>
      tpu.wait_dma2 semaphore(%arg16 : memref<!tpu.dma_semaphore, #tpu.memory_space<semaphore_mem>>) src(%dma_wait3A_566 : memref<128xi32, #tpu.memory_space<hbm>>) dst(%dma_wait3A_565 : memref<128xi32, #tpu.memory_space<vmem>>)
      %add3A_567 = arith.constant 320000 : i32
      %add3A_568 = arith.addi %add3A_567, %add3A_48 : i32
      %add3A_569 = arith.constant 1792 : i32
      %add3A_570 = arith.addi %add3A_568, %add3A_569 : i32
      %dma_wait3A_571 = arith.constant 14 : i32
      %dma_wait3A_572 = arith.constant 0 : i32
      %dma_wait3A_573 = tpu.memref_slice %arg10[%dma_wait3A_571, %dma_wait3A_572] : memref<26x128xi32, #tpu.memory_space<vmem>> -> memref<1x128xi32, #tpu.memory_space<vmem>>
      %dma_wait3A_574 = tpu.memref_squeeze %dma_wait3A_573 : memref<1x128xi32, #tpu.memory_space<vmem>> -> memref<128xi32, #tpu.memory_space<vmem>>
      %dma_wait3A_575 = tpu.memref_slice %arg3[%add3A_570] : memref<640000xi32, #tpu.memory_space<hbm>> -> memref<128xi32, #tpu.memory_space<hbm>>
      %dma_wait3A_576 = arith.constant 0 : i32
      %dma_wait3A_577 = tpu.memref_slice %arg10[%dma_wait3A_571, %dma_wait3A_576] : memref<26x128xi32, #tpu.memory_space<vmem>> -> memref<1x128xi32, #tpu.memory_space<vmem>>
      %dma_wait3A_578 = tpu.memref_squeeze %dma_wait3A_577 : memref<1x128xi32, #tpu.memory_space<vmem>> -> memref<128xi32, #tpu.memory_space<vmem>>
      %dma_wait3A_579 = tpu.memref_slice %arg3[%add3A_570] : memref<640000xi32, #tpu.memory_space<hbm>> -> memref<128xi32, #tpu.memory_space<hbm>>
      tpu.wait_dma2 semaphore(%arg16 : memref<!tpu.dma_semaphore, #tpu.memory_space<semaphore_mem>>) src(%dma_wait3A_579 : memref<128xi32, #tpu.memory_space<hbm>>) dst(%dma_wait3A_578 : memref<128xi32, #tpu.memory_space<vmem>>)
      %add3A_580 = arith.constant 320000 : i32
      %add3A_581 = arith.addi %add3A_580, %add3A_48 : i32
      %add3A_582 = arith.constant 1920 : i32
      %add3A_583 = arith.addi %add3A_581, %add3A_582 : i32
      %dma_wait3A_584 = arith.constant 15 : i32
      %dma_wait3A_585 = arith.constant 0 : i32
      %dma_wait3A_586 = tpu.memref_slice %arg10[%dma_wait3A_584, %dma_wait3A_585] : memref<26x128xi32, #tpu.memory_space<vmem>> -> memref<1x128xi32, #tpu.memory_space<vmem>>
      %dma_wait3A_587 = tpu.memref_squeeze %dma_wait3A_586 : memref<1x128xi32, #tpu.memory_space<vmem>> -> memref<128xi32, #tpu.memory_space<vmem>>
      %dma_wait3A_588 = tpu.memref_slice %arg3[%add3A_583] : memref<640000xi32, #tpu.memory_space<hbm>> -> memref<128xi32, #tpu.memory_space<hbm>>
      %dma_wait3A_589 = arith.constant 0 : i32
      %dma_wait3A_590 = tpu.memref_slice %arg10[%dma_wait3A_584, %dma_wait3A_589] : memref<26x128xi32, #tpu.memory_space<vmem>> -> memref<1x128xi32, #tpu.memory_space<vmem>>
      %dma_wait3A_591 = tpu.memref_squeeze %dma_wait3A_590 : memref<1x128xi32, #tpu.memory_space<vmem>> -> memref<128xi32, #tpu.memory_space<vmem>>
      %dma_wait3A_592 = tpu.memref_slice %arg3[%add3A_583] : memref<640000xi32, #tpu.memory_space<hbm>> -> memref<128xi32, #tpu.memory_space<hbm>>
      tpu.wait_dma2 semaphore(%arg16 : memref<!tpu.dma_semaphore, #tpu.memory_space<semaphore_mem>>) src(%dma_wait3A_592 : memref<128xi32, #tpu.memory_space<hbm>>) dst(%dma_wait3A_591 : memref<128xi32, #tpu.memory_space<vmem>>)
      %add3A_593 = arith.constant 320000 : i32
      %add3A_594 = arith.addi %add3A_593, %add3A_48 : i32
      %add3A_595 = arith.constant 2048 : i32
      %add3A_596 = arith.addi %add3A_594, %add3A_595 : i32
      %dma_wait3A_597 = arith.constant 16 : i32
      %dma_wait3A_598 = arith.constant 0 : i32
      %dma_wait3A_599 = tpu.memref_slice %arg10[%dma_wait3A_597, %dma_wait3A_598] : memref<26x128xi32, #tpu.memory_space<vmem>> -> memref<1x128xi32, #tpu.memory_space<vmem>>
      %dma_wait3A_600 = tpu.memref_squeeze %dma_wait3A_599 : memref<1x128xi32, #tpu.memory_space<vmem>> -> memref<128xi32, #tpu.memory_space<vmem>>
      %dma_wait3A_601 = tpu.memref_slice %arg3[%add3A_596] : memref<640000xi32, #tpu.memory_space<hbm>> -> memref<128xi32, #tpu.memory_space<hbm>>
      %dma_wait3A_602 = arith.constant 0 : i32
      %dma_wait3A_603 = tpu.memref_slice %arg10[%dma_wait3A_597, %dma_wait3A_602] : memref<26x128xi32, #tpu.memory_space<vmem>> -> memref<1x128xi32, #tpu.memory_space<vmem>>
      %dma_wait3A_604 = tpu.memref_squeeze %dma_wait3A_603 : memref<1x128xi32, #tpu.memory_space<vmem>> -> memref<128xi32, #tpu.memory_space<vmem>>
      %dma_wait3A_605 = tpu.memref_slice %arg3[%add3A_596] : memref<640000xi32, #tpu.memory_space<hbm>> -> memref<128xi32, #tpu.memory_space<hbm>>
      tpu.wait_dma2 semaphore(%arg16 : memref<!tpu.dma_semaphore, #tpu.memory_space<semaphore_mem>>) src(%dma_wait3A_605 : memref<128xi32, #tpu.memory_space<hbm>>) dst(%dma_wait3A_604 : memref<128xi32, #tpu.memory_space<vmem>>)
      %add3A_606 = arith.constant 320000 : i32
      %add3A_607 = arith.addi %add3A_606, %add3A_48 : i32
      %add3A_608 = arith.constant 2176 : i32
      %add3A_609 = arith.addi %add3A_607, %add3A_608 : i32
      %dma_wait3A_610 = arith.constant 17 : i32
      %dma_wait3A_611 = arith.constant 0 : i32
      %dma_wait3A_612 = tpu.memref_slice %arg10[%dma_wait3A_610, %dma_wait3A_611] : memref<26x128xi32, #tpu.memory_space<vmem>> -> memref<1x128xi32, #tpu.memory_space<vmem>>
      %dma_wait3A_613 = tpu.memref_squeeze %dma_wait3A_612 : memref<1x128xi32, #tpu.memory_space<vmem>> -> memref<128xi32, #tpu.memory_space<vmem>>
      %dma_wait3A_614 = tpu.memref_slice %arg3[%add3A_609] : memref<640000xi32, #tpu.memory_space<hbm>> -> memref<128xi32, #tpu.memory_space<hbm>>
      %dma_wait3A_615 = arith.constant 0 : i32
      %dma_wait3A_616 = tpu.memref_slice %arg10[%dma_wait3A_610, %dma_wait3A_615] : memref<26x128xi32, #tpu.memory_space<vmem>> -> memref<1x128xi32, #tpu.memory_space<vmem>>
      %dma_wait3A_617 = tpu.memref_squeeze %dma_wait3A_616 : memref<1x128xi32, #tpu.memory_space<vmem>> -> memref<128xi32, #tpu.memory_space<vmem>>
      %dma_wait3A_618 = tpu.memref_slice %arg3[%add3A_609] : memref<640000xi32, #tpu.memory_space<hbm>> -> memref<128xi32, #tpu.memory_space<hbm>>
      tpu.wait_dma2 semaphore(%arg16 : memref<!tpu.dma_semaphore, #tpu.memory_space<semaphore_mem>>) src(%dma_wait3A_618 : memref<128xi32, #tpu.memory_space<hbm>>) dst(%dma_wait3A_617 : memref<128xi32, #tpu.memory_space<vmem>>)
      %add3A_619 = arith.constant 320000 : i32
      %add3A_620 = arith.addi %add3A_619, %add3A_48 : i32
      %add3A_621 = arith.constant 2304 : i32
      %add3A_622 = arith.addi %add3A_620, %add3A_621 : i32
      %dma_wait3A_623 = arith.constant 18 : i32
      %dma_wait3A_624 = arith.constant 0 : i32
      %dma_wait3A_625 = tpu.memref_slice %arg10[%dma_wait3A_623, %dma_wait3A_624] : memref<26x128xi32, #tpu.memory_space<vmem>> -> memref<1x128xi32, #tpu.memory_space<vmem>>
      %dma_wait3A_626 = tpu.memref_squeeze %dma_wait3A_625 : memref<1x128xi32, #tpu.memory_space<vmem>> -> memref<128xi32, #tpu.memory_space<vmem>>
      %dma_wait3A_627 = tpu.memref_slice %arg3[%add3A_622] : memref<640000xi32, #tpu.memory_space<hbm>> -> memref<128xi32, #tpu.memory_space<hbm>>
      %dma_wait3A_628 = arith.constant 0 : i32
      %dma_wait3A_629 = tpu.memref_slice %arg10[%dma_wait3A_623, %dma_wait3A_628] : memref<26x128xi32, #tpu.memory_space<vmem>> -> memref<1x128xi32, #tpu.memory_space<vmem>>
      %dma_wait3A_630 = tpu.memref_squeeze %dma_wait3A_629 : memref<1x128xi32, #tpu.memory_space<vmem>> -> memref<128xi32, #tpu.memory_space<vmem>>
      %dma_wait3A_631 = tpu.memref_slice %arg3[%add3A_622] : memref<640000xi32, #tpu.memory_space<hbm>> -> memref<128xi32, #tpu.memory_space<hbm>>
      tpu.wait_dma2 semaphore(%arg16 : memref<!tpu.dma_semaphore, #tpu.memory_space<semaphore_mem>>) src(%dma_wait3A_631 : memref<128xi32, #tpu.memory_space<hbm>>) dst(%dma_wait3A_630 : memref<128xi32, #tpu.memory_space<vmem>>)
      %add3A_632 = arith.constant 320000 : i32
      %add3A_633 = arith.addi %add3A_632, %add3A_48 : i32
      %add3A_634 = arith.constant 2432 : i32
      %add3A_635 = arith.addi %add3A_633, %add3A_634 : i32
      %dma_wait3A_636 = arith.constant 19 : i32
      %dma_wait3A_637 = arith.constant 0 : i32
      %dma_wait3A_638 = tpu.memref_slice %arg10[%dma_wait3A_636, %dma_wait3A_637] : memref<26x128xi32, #tpu.memory_space<vmem>> -> memref<1x128xi32, #tpu.memory_space<vmem>>
      %dma_wait3A_639 = tpu.memref_squeeze %dma_wait3A_638 : memref<1x128xi32, #tpu.memory_space<vmem>> -> memref<128xi32, #tpu.memory_space<vmem>>
      %dma_wait3A_640 = tpu.memref_slice %arg3[%add3A_635] : memref<640000xi32, #tpu.memory_space<hbm>> -> memref<128xi32, #tpu.memory_space<hbm>>
      %dma_wait3A_641 = arith.constant 0 : i32
      %dma_wait3A_642 = tpu.memref_slice %arg10[%dma_wait3A_636, %dma_wait3A_641] : memref<26x128xi32, #tpu.memory_space<vmem>> -> memref<1x128xi32, #tpu.memory_space<vmem>>
      %dma_wait3A_643 = tpu.memref_squeeze %dma_wait3A_642 : memref<1x128xi32, #tpu.memory_space<vmem>> -> memref<128xi32, #tpu.memory_space<vmem>>
      %dma_wait3A_644 = tpu.memref_slice %arg3[%add3A_635] : memref<640000xi32, #tpu.memory_space<hbm>> -> memref<128xi32, #tpu.memory_space<hbm>>
      tpu.wait_dma2 semaphore(%arg16 : memref<!tpu.dma_semaphore, #tpu.memory_space<semaphore_mem>>) src(%dma_wait3A_644 : memref<128xi32, #tpu.memory_space<hbm>>) dst(%dma_wait3A_643 : memref<128xi32, #tpu.memory_space<vmem>>)
      %add3A_645 = arith.constant 320000 : i32
      %add3A_646 = arith.addi %add3A_645, %add3A_48 : i32
      %add3A_647 = arith.constant 2560 : i32
      %add3A_648 = arith.addi %add3A_646, %add3A_647 : i32
      %dma_wait3A_649 = arith.constant 20 : i32
      %dma_wait3A_650 = arith.constant 0 : i32
      %dma_wait3A_651 = tpu.memref_slice %arg10[%dma_wait3A_649, %dma_wait3A_650] : memref<26x128xi32, #tpu.memory_space<vmem>> -> memref<1x128xi32, #tpu.memory_space<vmem>>
      %dma_wait3A_652 = tpu.memref_squeeze %dma_wait3A_651 : memref<1x128xi32, #tpu.memory_space<vmem>> -> memref<128xi32, #tpu.memory_space<vmem>>
      %dma_wait3A_653 = tpu.memref_slice %arg3[%add3A_648] : memref<640000xi32, #tpu.memory_space<hbm>> -> memref<128xi32, #tpu.memory_space<hbm>>
      %dma_wait3A_654 = arith.constant 0 : i32
      %dma_wait3A_655 = tpu.memref_slice %arg10[%dma_wait3A_649, %dma_wait3A_654] : memref<26x128xi32, #tpu.memory_space<vmem>> -> memref<1x128xi32, #tpu.memory_space<vmem>>
      %dma_wait3A_656 = tpu.memref_squeeze %dma_wait3A_655 : memref<1x128xi32, #tpu.memory_space<vmem>> -> memref<128xi32, #tpu.memory_space<vmem>>
      %dma_wait3A_657 = tpu.memref_slice %arg3[%add3A_648] : memref<640000xi32, #tpu.memory_space<hbm>> -> memref<128xi32, #tpu.memory_space<hbm>>
      tpu.wait_dma2 semaphore(%arg16 : memref<!tpu.dma_semaphore, #tpu.memory_space<semaphore_mem>>) src(%dma_wait3A_657 : memref<128xi32, #tpu.memory_space<hbm>>) dst(%dma_wait3A_656 : memref<128xi32, #tpu.memory_space<vmem>>)
      %add3A_658 = arith.constant 320000 : i32
      %add3A_659 = arith.addi %add3A_658, %add3A_48 : i32
      %add3A_660 = arith.constant 2688 : i32
      %add3A_661 = arith.addi %add3A_659, %add3A_660 : i32
      %dma_wait3A_662 = arith.constant 21 : i32
      %dma_wait3A_663 = arith.constant 0 : i32
      %dma_wait3A_664 = tpu.memref_slice %arg10[%dma_wait3A_662, %dma_wait3A_663] : memref<26x128xi32, #tpu.memory_space<vmem>> -> memref<1x128xi32, #tpu.memory_space<vmem>>
      %dma_wait3A_665 = tpu.memref_squeeze %dma_wait3A_664 : memref<1x128xi32, #tpu.memory_space<vmem>> -> memref<128xi32, #tpu.memory_space<vmem>>
      %dma_wait3A_666 = tpu.memref_slice %arg3[%add3A_661] : memref<640000xi32, #tpu.memory_space<hbm>> -> memref<128xi32, #tpu.memory_space<hbm>>
      %dma_wait3A_667 = arith.constant 0 : i32
      %dma_wait3A_668 = tpu.memref_slice %arg10[%dma_wait3A_662, %dma_wait3A_667] : memref<26x128xi32, #tpu.memory_space<vmem>> -> memref<1x128xi32, #tpu.memory_space<vmem>>
      %dma_wait3A_669 = tpu.memref_squeeze %dma_wait3A_668 : memref<1x128xi32, #tpu.memory_space<vmem>> -> memref<128xi32, #tpu.memory_space<vmem>>
      %dma_wait3A_670 = tpu.memref_slice %arg3[%add3A_661] : memref<640000xi32, #tpu.memory_space<hbm>> -> memref<128xi32, #tpu.memory_space<hbm>>
      tpu.wait_dma2 semaphore(%arg16 : memref<!tpu.dma_semaphore, #tpu.memory_space<semaphore_mem>>) src(%dma_wait3A_670 : memref<128xi32, #tpu.memory_space<hbm>>) dst(%dma_wait3A_669 : memref<128xi32, #tpu.memory_space<vmem>>)
      %add3A_671 = arith.constant 320000 : i32
      %add3A_672 = arith.addi %add3A_671, %add3A_48 : i32
      %add3A_673 = arith.constant 2816 : i32
      %add3A_674 = arith.addi %add3A_672, %add3A_673 : i32
      %dma_wait3A_675 = arith.constant 22 : i32
      %dma_wait3A_676 = arith.constant 0 : i32
      %dma_wait3A_677 = tpu.memref_slice %arg10[%dma_wait3A_675, %dma_wait3A_676] : memref<26x128xi32, #tpu.memory_space<vmem>> -> memref<1x128xi32, #tpu.memory_space<vmem>>
      %dma_wait3A_678 = tpu.memref_squeeze %dma_wait3A_677 : memref<1x128xi32, #tpu.memory_space<vmem>> -> memref<128xi32, #tpu.memory_space<vmem>>
      %dma_wait3A_679 = tpu.memref_slice %arg3[%add3A_674] : memref<640000xi32, #tpu.memory_space<hbm>> -> memref<128xi32, #tpu.memory_space<hbm>>
      %dma_wait3A_680 = arith.constant 0 : i32
      %dma_wait3A_681 = tpu.memref_slice %arg10[%dma_wait3A_675, %dma_wait3A_680] : memref<26x128xi32, #tpu.memory_space<vmem>> -> memref<1x128xi32, #tpu.memory_space<vmem>>
      %dma_wait3A_682 = tpu.memref_squeeze %dma_wait3A_681 : memref<1x128xi32, #tpu.memory_space<vmem>> -> memref<128xi32, #tpu.memory_space<vmem>>
      %dma_wait3A_683 = tpu.memref_slice %arg3[%add3A_674] : memref<640000xi32, #tpu.memory_space<hbm>> -> memref<128xi32, #tpu.memory_space<hbm>>
      tpu.wait_dma2 semaphore(%arg16 : memref<!tpu.dma_semaphore, #tpu.memory_space<semaphore_mem>>) src(%dma_wait3A_683 : memref<128xi32, #tpu.memory_space<hbm>>) dst(%dma_wait3A_682 : memref<128xi32, #tpu.memory_space<vmem>>)
      %add3A_684 = arith.constant 320000 : i32
      %add3A_685 = arith.addi %add3A_684, %add3A_48 : i32
      %add3A_686 = arith.constant 2944 : i32
      %add3A_687 = arith.addi %add3A_685, %add3A_686 : i32
      %dma_wait3A_688 = arith.constant 23 : i32
      %dma_wait3A_689 = arith.constant 0 : i32
      %dma_wait3A_690 = tpu.memref_slice %arg10[%dma_wait3A_688, %dma_wait3A_689] : memref<26x128xi32, #tpu.memory_space<vmem>> -> memref<1x128xi32, #tpu.memory_space<vmem>>
      %dma_wait3A_691 = tpu.memref_squeeze %dma_wait3A_690 : memref<1x128xi32, #tpu.memory_space<vmem>> -> memref<128xi32, #tpu.memory_space<vmem>>
      %dma_wait3A_692 = tpu.memref_slice %arg3[%add3A_687] : memref<640000xi32, #tpu.memory_space<hbm>> -> memref<128xi32, #tpu.memory_space<hbm>>
      %dma_wait3A_693 = arith.constant 0 : i32
      %dma_wait3A_694 = tpu.memref_slice %arg10[%dma_wait3A_688, %dma_wait3A_693] : memref<26x128xi32, #tpu.memory_space<vmem>> -> memref<1x128xi32, #tpu.memory_space<vmem>>
      %dma_wait3A_695 = tpu.memref_squeeze %dma_wait3A_694 : memref<1x128xi32, #tpu.memory_space<vmem>> -> memref<128xi32, #tpu.memory_space<vmem>>
      %dma_wait3A_696 = tpu.memref_slice %arg3[%add3A_687] : memref<640000xi32, #tpu.memory_space<hbm>> -> memref<128xi32, #tpu.memory_space<hbm>>
      tpu.wait_dma2 semaphore(%arg16 : memref<!tpu.dma_semaphore, #tpu.memory_space<semaphore_mem>>) src(%dma_wait3A_696 : memref<128xi32, #tpu.memory_space<hbm>>) dst(%dma_wait3A_695 : memref<128xi32, #tpu.memory_space<vmem>>)
      %add3A_697 = arith.constant 320000 : i32
      %add3A_698 = arith.addi %add3A_697, %add3A_48 : i32
      %add3A_699 = arith.constant 3072 : i32
      %add3A_700 = arith.addi %add3A_698, %add3A_699 : i32
      %dma_wait3A_701 = arith.constant 24 : i32
      %dma_wait3A_702 = arith.constant 0 : i32
      %dma_wait3A_703 = tpu.memref_slice %arg10[%dma_wait3A_701, %dma_wait3A_702] : memref<26x128xi32, #tpu.memory_space<vmem>> -> memref<1x128xi32, #tpu.memory_space<vmem>>
      %dma_wait3A_704 = tpu.memref_squeeze %dma_wait3A_703 : memref<1x128xi32, #tpu.memory_space<vmem>> -> memref<128xi32, #tpu.memory_space<vmem>>
      %dma_wait3A_705 = tpu.memref_slice %arg3[%add3A_700] : memref<640000xi32, #tpu.memory_space<hbm>> -> memref<128xi32, #tpu.memory_space<hbm>>
      %dma_wait3A_706 = arith.constant 0 : i32
      %dma_wait3A_707 = tpu.memref_slice %arg10[%dma_wait3A_701, %dma_wait3A_706] : memref<26x128xi32, #tpu.memory_space<vmem>> -> memref<1x128xi32, #tpu.memory_space<vmem>>
      %dma_wait3A_708 = tpu.memref_squeeze %dma_wait3A_707 : memref<1x128xi32, #tpu.memory_space<vmem>> -> memref<128xi32, #tpu.memory_space<vmem>>
      %dma_wait3A_709 = tpu.memref_slice %arg3[%add3A_700] : memref<640000xi32, #tpu.memory_space<hbm>> -> memref<128xi32, #tpu.memory_space<hbm>>
      tpu.wait_dma2 semaphore(%arg16 : memref<!tpu.dma_semaphore, #tpu.memory_space<semaphore_mem>>) src(%dma_wait3A_709 : memref<128xi32, #tpu.memory_space<hbm>>) dst(%dma_wait3A_708 : memref<128xi32, #tpu.memory_space<vmem>>)
      %add3A_710 = arith.constant 320000 : i32
      %add3A_711 = arith.addi %add3A_710, %add3A_48 : i32
      %add3A_712 = arith.constant 3200 : i32
      %add3A_713 = arith.addi %add3A_711, %add3A_712 : i32
      %dma_wait3A_714 = arith.constant 25 : i32
      %dma_wait3A_715 = arith.constant 0 : i32
      %dma_wait3A_716 = tpu.memref_slice %arg10[%dma_wait3A_714, %dma_wait3A_715] : memref<26x128xi32, #tpu.memory_space<vmem>> -> memref<1x128xi32, #tpu.memory_space<vmem>>
      %dma_wait3A_717 = tpu.memref_squeeze %dma_wait3A_716 : memref<1x128xi32, #tpu.memory_space<vmem>> -> memref<128xi32, #tpu.memory_space<vmem>>
      %dma_wait3A_718 = tpu.memref_slice %arg3[%add3A_713] : memref<640000xi32, #tpu.memory_space<hbm>> -> memref<128xi32, #tpu.memory_space<hbm>>
      %dma_wait3A_719 = arith.constant 0 : i32
      %dma_wait3A_720 = tpu.memref_slice %arg10[%dma_wait3A_714, %dma_wait3A_719] : memref<26x128xi32, #tpu.memory_space<vmem>> -> memref<1x128xi32, #tpu.memory_space<vmem>>
      %dma_wait3A_721 = tpu.memref_squeeze %dma_wait3A_720 : memref<1x128xi32, #tpu.memory_space<vmem>> -> memref<128xi32, #tpu.memory_space<vmem>>
      %dma_wait3A_722 = tpu.memref_slice %arg3[%add3A_713] : memref<640000xi32, #tpu.memory_space<hbm>> -> memref<128xi32, #tpu.memory_space<hbm>>
      tpu.wait_dma2 semaphore(%arg16 : memref<!tpu.dma_semaphore, #tpu.memory_space<semaphore_mem>>) src(%dma_wait3A_722 : memref<128xi32, #tpu.memory_space<hbm>>) dst(%dma_wait3A_721 : memref<128xi32, #tpu.memory_space<vmem>>)
      %add3A_723 = arith.constant 0 : i32
      %add3A_724 = arith.addi %add3A_48, %add3A_723 : i32
      %mul3A_725 = arith.constant 16 : i32
      %mul3A_726 = arith.muli %add3A_724, %mul3A_725 : i32
      %dma_start3A_727 = tpu.memref_slice %arg2[%mul3A_726] : memref<5120000xf32, #tpu.memory_space<hbm>> -> memref<2048xf32, #tpu.memory_space<hbm>>
      %dma_start3A_728 = tpu.memref_slice %arg2[%mul3A_726] : memref<5120000xf32, #tpu.memory_space<hbm>> -> memref<2048xf32, #tpu.memory_space<hbm>>
      tpu.enqueue_dma source(%dma_start3A_728 : memref<2048xf32, #tpu.memory_space<hbm>>) target(%arg8 : memref<2048xf32, #tpu.memory_space<vmem>>) target_semaphore(%arg12 : memref<!tpu.dma_semaphore, #tpu.memory_space<semaphore_mem>>)
      %scan3A_729 = arith.constant 0 : i32
      %scan3A_730 = arith.constant 0 : i32
      %scan3A_731 = arith.constant 13 : i32
      %scan3A_732 = arith.addi %scan3A_730, %scan3A_731 : i32
      %scan3A_733 = arith.constant 1 : i32
      %scan3A_734 = scf.for %scan3A_751 = %scan3A_730 to %scan3A_732 step %scan3A_733 iter_args(%scan3A_752 = %scan3A_729) -> (i32)  : i32 {
        %mul3A_753 = arith.constant 2 : i32
        %mul3A_754 = arith.muli %mul3A_753, %scan3A_751 : i32
        %mul3A_755 = arith.constant 128 : i32
        %mul3A_756 = arith.muli %mul3A_754, %mul3A_755 : i32
        %add3A_757 = arith.addi %add3A_48, %mul3A_756 : i32
        %mul3A_758 = arith.constant 16 : i32
        %mul3A_759 = arith.muli %add3A_757, %mul3A_758 : i32
        %dma_wait3A_760 = tpu.memref_slice %arg2[%mul3A_759] : memref<5120000xf32, #tpu.memory_space<hbm>> -> memref<2048xf32, #tpu.memory_space<hbm>>
        %dma_wait3A_761 = tpu.memref_slice %arg2[%mul3A_759] : memref<5120000xf32, #tpu.memory_space<hbm>> -> memref<2048xf32, #tpu.memory_space<hbm>>
        tpu.wait_dma2 semaphore(%arg12 : memref<!tpu.dma_semaphore, #tpu.memory_space<semaphore_mem>>) src(%dma_wait3A_761 : memref<2048xf32, #tpu.memory_space<hbm>>) dst(%arg8 : memref<2048xf32, #tpu.memory_space<vmem>>)
        %add3A_762 = arith.constant 1 : i32
        %add3A_763 = arith.addi %mul3A_754, %add3A_762 : i32
        %lt3A_764 = arith.constant 26 : i32
        %lt3A_765 = arith.cmpi slt, %add3A_763, %lt3A_764 : i32
        %convert_element_type3A_766 = arith.extui %lt3A_765 : i1 to i32
        %cond3A_767 = arith.constant 0 : i32
        %cond3A_768 = arith.cmpi ne, %convert_element_type3A_766, %cond3A_767 : i32
        scf.if %cond3A_768 {
          %add3A_794 = arith.constant 1 : i32
          %add3A_795 = arith.addi %mul3A_754, %add3A_794 : i32
          %mul3A_796 = arith.constant 128 : i32
          %mul3A_797 = arith.muli %add3A_795, %mul3A_796 : i32
          %add3A_798 = arith.addi %add3A_48, %mul3A_797 : i32
          %mul3A_799 = arith.constant 16 : i32
          %mul3A_800 = arith.muli %add3A_798, %mul3A_799 : i32
          %dma_start3A_801 = tpu.memref_slice %arg2[%mul3A_800] : memref<5120000xf32, #tpu.memory_space<hbm>> -> memref<2048xf32, #tpu.memory_space<hbm>>
          %dma_start3A_802 = tpu.memref_slice %arg2[%mul3A_800] : memref<5120000xf32, #tpu.memory_space<hbm>> -> memref<2048xf32, #tpu.memory_space<hbm>>
          tpu.enqueue_dma source(%dma_start3A_802 : memref<2048xf32, #tpu.memory_space<hbm>>) target(%arg9 : memref<2048xf32, #tpu.memory_space<vmem>>) target_semaphore(%arg13 : memref<!tpu.dma_semaphore, #tpu.memory_space<semaphore_mem>>)
        } else {
        }
        %gt3A = arith.constant 0 : i32
        %gt3A_769 = arith.cmpi sgt, %scan3A_751, %gt3A : i32
        %convert_element_type3A_770 = arith.extui %gt3A_769 : i1 to i32
        %cond3A_771 = arith.constant 0 : i32
        %cond3A_772 = arith.cmpi ne, %convert_element_type3A_770, %cond3A_771 : i32
        scf.if %cond3A_772 {
          %dma_wait3A_794 = arith.constant 0 : i32
          %dma_wait3A_795 = arith.constant 0 : i32
          %dma_wait3A_796 = tpu.memref_slice %arg10[%dma_wait3A_794, %dma_wait3A_795] : memref<26x128xi32, #tpu.memory_space<vmem>> -> memref<1x128xi32, #tpu.memory_space<vmem>>
          %dma_wait3A_797 = tpu.memref_squeeze %dma_wait3A_796 : memref<1x128xi32, #tpu.memory_space<vmem>> -> memref<128xi32, #tpu.memory_space<vmem>>
          %dma_wait3A_798 = arith.constant 0 : i32
          %dma_wait3A_799 = arith.constant 0 : i32
          %dma_wait3A_800 = tpu.memref_slice %arg5[%dma_wait3A_798, %dma_wait3A_799] : memref<10112x128xf32, #tpu.memory_space<vmem_shared>> -> memref<10112x128xf32, #tpu.memory_space<vmem_shared>>
          tpu.wait_indirect_dma semaphore(%arg14 : memref<!tpu.dma_semaphore, #tpu.memory_space<semaphore_mem>>) src(%arg6 : memref<128x128xf32, #tpu.memory_space<vmem>>) dst(%dma_wait3A_800 : memref<10112x128xf32, #tpu.memory_space<vmem_shared>>)
        } else {
        }
        %scan3A_773 = arith.constant 0 : i32
        %scan3A_774 = arith.constant 0 : i32
        %scan3A_775 = arith.constant 128 : i32
        %scan3A_776 = arith.addi %scan3A_774, %scan3A_775 : i32
        %scan3A_777 = arith.constant 8 : i32
        %scan3A_778 = scf.for %scan3A_794 = %scan3A_774 to %scan3A_776 step %scan3A_777 iter_args(%scan3A_795 = %scan3A_773) -> (i32)  : i32 {
          %mul3A_796 = arith.constant 16 : i32
          %mul3A_797 = arith.muli %scan3A_794, %mul3A_796 : i32
          %get3A = arith.index_cast %mul3A_797 : i32 to index
          %get3A_798 = tpu.vector_load %arg8[%get3A] {strides = array<i32>} : memref<2048xf32, #tpu.memory_space<vmem>>, vector<16xf32>,
          %get3A_799 = vector.shape_cast %get3A_798 : vector<16xf32> to vector<16xf32>
          %swap3A = arith.index_cast %scan3A_794 : i32 to index
          %swap3A_800 = arith.constant 0 : index
          %swap3A_801 = tpu.vector_load %arg6[%swap3A, %swap3A_800] {strides = array<i32>} : memref<128x128xf32, #tpu.memory_space<vmem>>, vector<1x16xf32>,
          %swap3A_802 = vector.shape_cast %swap3A_801 : vector<1x16xf32> to vector<16xf32>
          %swap3A_803 = vector.shape_cast %get3A_799 : vector<16xf32> to vector<1x16xf32>
          tpu.vector_store %arg6[%swap3A, %swap3A_800], %swap3A_803 {strides = array<i32>} : memref<128x128xf32, #tpu.memory_space<vmem>>, vector<1x16xf32>,
          %scan3A_804 = arith.constant 0 : i32
          %scan3A_805 = arith.constant 1 : i32
          %scan3A_806 = arith.addi %scan3A_794, %scan3A_805 : i32
          %mul3A_807 = arith.constant 16 : i32
          %mul3A_808 = arith.muli %scan3A_806, %mul3A_807 : i32
          %get3A_809 = arith.index_cast %mul3A_808 : i32 to index
          %get3A_810 = tpu.vector_load %arg8[%get3A_809] {strides = array<i32>} : memref<2048xf32, #tpu.memory_space<vmem>>, vector<16xf32>,
          %get3A_811 = vector.shape_cast %get3A_810 : vector<16xf32> to vector<16xf32>
          %swap3A_812 = arith.index_cast %scan3A_806 : i32 to index
          %swap3A_813 = arith.constant 0 : index
          %swap3A_814 = tpu.vector_load %arg6[%swap3A_812, %swap3A_813] {strides = array<i32>} : memref<128x128xf32, #tpu.memory_space<vmem>>, vector<1x16xf32>,
          %swap3A_815 = vector.shape_cast %swap3A_814 : vector<1x16xf32> to vector<16xf32>
          %swap3A_816 = vector.shape_cast %get3A_811 : vector<16xf32> to vector<1x16xf32>
          tpu.vector_store %arg6[%swap3A_812, %swap3A_813], %swap3A_816 {strides = array<i32>} : memref<128x128xf32, #tpu.memory_space<vmem>>, vector<1x16xf32>,
          %scan3A_817 = arith.constant 0 : i32
          %scan3A_818 = arith.constant 2 : i32
          %scan3A_819 = arith.addi %scan3A_794, %scan3A_818 : i32
          %mul3A_820 = arith.constant 16 : i32
          %mul3A_821 = arith.muli %scan3A_819, %mul3A_820 : i32
          %get3A_822 = arith.index_cast %mul3A_821 : i32 to index
          %get3A_823 = tpu.vector_load %arg8[%get3A_822] {strides = array<i32>} : memref<2048xf32, #tpu.memory_space<vmem>>, vector<16xf32>,
          %get3A_824 = vector.shape_cast %get3A_823 : vector<16xf32> to vector<16xf32>
          %swap3A_825 = arith.index_cast %scan3A_819 : i32 to index
          %swap3A_826 = arith.constant 0 : index
          %swap3A_827 = tpu.vector_load %arg6[%swap3A_825, %swap3A_826] {strides = array<i32>} : memref<128x128xf32, #tpu.memory_space<vmem>>, vector<1x16xf32>,
          %swap3A_828 = vector.shape_cast %swap3A_827 : vector<1x16xf32> to vector<16xf32>
          %swap3A_829 = vector.shape_cast %get3A_824 : vector<16xf32> to vector<1x16xf32>
          tpu.vector_store %arg6[%swap3A_825, %swap3A_826], %swap3A_829 {strides = array<i32>} : memref<128x128xf32, #tpu.memory_space<vmem>>, vector<1x16xf32>,
          %scan3A_830 = arith.constant 0 : i32
          %scan3A_831 = arith.constant 3 : i32
          %scan3A_832 = arith.addi %scan3A_794, %scan3A_831 : i32
          %mul3A_833 = arith.constant 16 : i32
          %mul3A_834 = arith.muli %scan3A_832, %mul3A_833 : i32
          %get3A_835 = arith.index_cast %mul3A_834 : i32 to index
          %get3A_836 = tpu.vector_load %arg8[%get3A_835] {strides = array<i32>} : memref<2048xf32, #tpu.memory_space<vmem>>, vector<16xf32>,
          %get3A_837 = vector.shape_cast %get3A_836 : vector<16xf32> to vector<16xf32>
          %swap3A_838 = arith.index_cast %scan3A_832 : i32 to index
          %swap3A_839 = arith.constant 0 : index
          %swap3A_840 = tpu.vector_load %arg6[%swap3A_838, %swap3A_839] {strides = array<i32>} : memref<128x128xf32, #tpu.memory_space<vmem>>, vector<1x16xf32>,
          %swap3A_841 = vector.shape_cast %swap3A_840 : vector<1x16xf32> to vector<16xf32>
          %swap3A_842 = vector.shape_cast %get3A_837 : vector<16xf32> to vector<1x16xf32>
          tpu.vector_store %arg6[%swap3A_838, %swap3A_839], %swap3A_842 {strides = array<i32>} : memref<128x128xf32, #tpu.memory_space<vmem>>, vector<1x16xf32>,
          %scan3A_843 = arith.constant 0 : i32
          %scan3A_844 = arith.constant 4 : i32
          %scan3A_845 = arith.addi %scan3A_794, %scan3A_844 : i32
          %mul3A_846 = arith.constant 16 : i32
          %mul3A_847 = arith.muli %scan3A_845, %mul3A_846 : i32
          %get3A_848 = arith.index_cast %mul3A_847 : i32 to index
          %get3A_849 = tpu.vector_load %arg8[%get3A_848] {strides = array<i32>} : memref<2048xf32, #tpu.memory_space<vmem>>, vector<16xf32>,
          %get3A_850 = vector.shape_cast %get3A_849 : vector<16xf32> to vector<16xf32>
          %swap3A_851 = arith.index_cast %scan3A_845 : i32 to index
          %swap3A_852 = arith.constant 0 : index
          %swap3A_853 = tpu.vector_load %arg6[%swap3A_851, %swap3A_852] {strides = array<i32>} : memref<128x128xf32, #tpu.memory_space<vmem>>, vector<1x16xf32>,
          %swap3A_854 = vector.shape_cast %swap3A_853 : vector<1x16xf32> to vector<16xf32>
          %swap3A_855 = vector.shape_cast %get3A_850 : vector<16xf32> to vector<1x16xf32>
          tpu.vector_store %arg6[%swap3A_851, %swap3A_852], %swap3A_855 {strides = array<i32>} : memref<128x128xf32, #tpu.memory_space<vmem>>, vector<1x16xf32>,
          %scan3A_856 = arith.constant 0 : i32
          %scan3A_857 = arith.constant 5 : i32
          %scan3A_858 = arith.addi %scan3A_794, %scan3A_857 : i32
          %mul3A_859 = arith.constant 16 : i32
          %mul3A_860 = arith.muli %scan3A_858, %mul3A_859 : i32
          %get3A_861 = arith.index_cast %mul3A_860 : i32 to index
          %get3A_862 = tpu.vector_load %arg8[%get3A_861] {strides = array<i32>} : memref<2048xf32, #tpu.memory_space<vmem>>, vector<16xf32>,
          %get3A_863 = vector.shape_cast %get3A_862 : vector<16xf32> to vector<16xf32>
          %swap3A_864 = arith.index_cast %scan3A_858 : i32 to index
          %swap3A_865 = arith.constant 0 : index
          %swap3A_866 = tpu.vector_load %arg6[%swap3A_864, %swap3A_865] {strides = array<i32>} : memref<128x128xf32, #tpu.memory_space<vmem>>, vector<1x16xf32>,
          %swap3A_867 = vector.shape_cast %swap3A_866 : vector<1x16xf32> to vector<16xf32>
          %swap3A_868 = vector.shape_cast %get3A_863 : vector<16xf32> to vector<1x16xf32>
          tpu.vector_store %arg6[%swap3A_864, %swap3A_865], %swap3A_868 {strides = array<i32>} : memref<128x128xf32, #tpu.memory_space<vmem>>, vector<1x16xf32>,
          %scan3A_869 = arith.constant 0 : i32
          %scan3A_870 = arith.constant 6 : i32
          %scan3A_871 = arith.addi %scan3A_794, %scan3A_870 : i32
          %mul3A_872 = arith.constant 16 : i32
          %mul3A_873 = arith.muli %scan3A_871, %mul3A_872 : i32
          %get3A_874 = arith.index_cast %mul3A_873 : i32 to index
          %get3A_875 = tpu.vector_load %arg8[%get3A_874] {strides = array<i32>} : memref<2048xf32, #tpu.memory_space<vmem>>, vector<16xf32>,
          %get3A_876 = vector.shape_cast %get3A_875 : vector<16xf32> to vector<16xf32>
          %swap3A_877 = arith.index_cast %scan3A_871 : i32 to index
          %swap3A_878 = arith.constant 0 : index
          %swap3A_879 = tpu.vector_load %arg6[%swap3A_877, %swap3A_878] {strides = array<i32>} : memref<128x128xf32, #tpu.memory_space<vmem>>, vector<1x16xf32>,
          %swap3A_880 = vector.shape_cast %swap3A_879 : vector<1x16xf32> to vector<16xf32>
          %swap3A_881 = vector.shape_cast %get3A_876 : vector<16xf32> to vector<1x16xf32>
          tpu.vector_store %arg6[%swap3A_877, %swap3A_878], %swap3A_881 {strides = array<i32>} : memref<128x128xf32, #tpu.memory_space<vmem>>, vector<1x16xf32>,
          %scan3A_882 = arith.constant 0 : i32
          %scan3A_883 = arith.constant 7 : i32
          %scan3A_884 = arith.addi %scan3A_794, %scan3A_883 : i32
          %mul3A_885 = arith.constant 16 : i32
          %mul3A_886 = arith.muli %scan3A_884, %mul3A_885 : i32
          %get3A_887 = arith.index_cast %mul3A_886 : i32 to index
          %get3A_888 = tpu.vector_load %arg8[%get3A_887] {strides = array<i32>} : memref<2048xf32, #tpu.memory_space<vmem>>, vector<16xf32>,
          %get3A_889 = vector.shape_cast %get3A_888 : vector<16xf32> to vector<16xf32>
          %swap3A_890 = arith.index_cast %scan3A_884 : i32 to index
          %swap3A_891 = arith.constant 0 : index
          %swap3A_892 = tpu.vector_load %arg6[%swap3A_890, %swap3A_891] {strides = array<i32>} : memref<128x128xf32, #tpu.memory_space<vmem>>, vector<1x16xf32>,
          %swap3A_893 = vector.shape_cast %swap3A_892 : vector<1x16xf32> to vector<16xf32>
          %swap3A_894 = vector.shape_cast %get3A_889 : vector<16xf32> to vector<1x16xf32>
          tpu.vector_store %arg6[%swap3A_890, %swap3A_891], %swap3A_894 {strides = array<i32>} : memref<128x128xf32, #tpu.memory_space<vmem>>, vector<1x16xf32>,
          %scan3A_895 = arith.constant 0 : i32
          scf.yield %scan3A_895 : i32
        }
        %scan3A_779 = arith.constant 128 : i32
        %dma_start3A_780 = arith.constant 0 : i32
        %dma_start3A_781 = tpu.memref_slice %arg10[%mul3A_754, %dma_start3A_780] : memref<26x128xi32, #tpu.memory_space<vmem>> -> memref<1x128xi32, #tpu.memory_space<vmem>>
        %dma_start3A_782 = tpu.memref_squeeze %dma_start3A_781 : memref<1x128xi32, #tpu.memory_space<vmem>> -> memref<128xi32, #tpu.memory_space<vmem>>
        %dma_start3A_783 = arith.constant 0 : i32
        %dma_start3A_784 = arith.constant 0 : i32
        %dma_start3A_785 = tpu.memref_slice %arg5[%dma_start3A_783, %dma_start3A_784] : memref<10112x128xf32, #tpu.memory_space<vmem_shared>> -> memref<10112x128xf32, #tpu.memory_space<vmem_shared>>
        tpu.enqueue_indirect_dma source(%arg6 : memref<128x128xf32, #tpu.memory_space<vmem>>) target(%dma_start3A_785 : memref<10112x128xf32, #tpu.memory_space<vmem_shared>>) offsets(%dma_start3A_782 : memref<128xi32, #tpu.memory_space<vmem>>) semaphore(%arg14 : memref<!tpu.dma_semaphore, #tpu.memory_space<semaphore_mem>>) {add = true}
        %add3A_786 = arith.constant 1 : i32
        %add3A_787 = arith.addi %mul3A_754, %add3A_786 : i32
        %lt3A_788 = arith.constant 26 : i32
        %lt3A_789 = arith.cmpi slt, %add3A_787, %lt3A_788 : i32
        %convert_element_type3A_790 = arith.extui %lt3A_789 : i1 to i32
        %cond3A_791 = arith.constant 0 : i32
        %cond3A_792 = arith.cmpi ne, %convert_element_type3A_790, %cond3A_791 : i32
        scf.if %cond3A_792 {
          %add3A_794 = arith.constant 1 : i32
          %add3A_795 = arith.addi %mul3A_754, %add3A_794 : i32
          %mul3A_796 = arith.constant 128 : i32
          %mul3A_797 = arith.muli %add3A_795, %mul3A_796 : i32
          %add3A_798 = arith.addi %add3A_48, %mul3A_797 : i32
          %mul3A_799 = arith.constant 16 : i32
          %mul3A_800 = arith.muli %add3A_798, %mul3A_799 : i32
          %dma_wait3A_801 = tpu.memref_slice %arg2[%mul3A_800] : memref<5120000xf32, #tpu.memory_space<hbm>> -> memref<2048xf32, #tpu.memory_space<hbm>>
          %dma_wait3A_802 = tpu.memref_slice %arg2[%mul3A_800] : memref<5120000xf32, #tpu.memory_space<hbm>> -> memref<2048xf32, #tpu.memory_space<hbm>>
          tpu.wait_dma2 semaphore(%arg13 : memref<!tpu.dma_semaphore, #tpu.memory_space<semaphore_mem>>) src(%dma_wait3A_802 : memref<2048xf32, #tpu.memory_space<hbm>>) dst(%arg9 : memref<2048xf32, #tpu.memory_space<vmem>>)
          %add3A_803 = arith.constant 2 : i32
          %add3A_804 = arith.addi %mul3A_754, %add3A_803 : i32
          %lt3A_805 = arith.constant 26 : i32
          %lt3A_806 = arith.cmpi slt, %add3A_804, %lt3A_805 : i32
          %convert_element_type3A_807 = arith.extui %lt3A_806 : i1 to i32
          %cond3A_808 = arith.constant 0 : i32
          %cond3A_809 = arith.cmpi ne, %convert_element_type3A_807, %cond3A_808 : i32
          scf.if %cond3A_809 {
            %add3A_830 = arith.constant 2 : i32
            %add3A_831 = arith.addi %mul3A_754, %add3A_830 : i32
            %mul3A_832 = arith.constant 128 : i32
            %mul3A_833 = arith.muli %add3A_831, %mul3A_832 : i32
            %add3A_834 = arith.addi %add3A_48, %mul3A_833 : i32
            %mul3A_835 = arith.constant 16 : i32
            %mul3A_836 = arith.muli %add3A_834, %mul3A_835 : i32
            %dma_start3A_837 = tpu.memref_slice %arg2[%mul3A_836] : memref<5120000xf32, #tpu.memory_space<hbm>> -> memref<2048xf32, #tpu.memory_space<hbm>>
            %dma_start3A_838 = tpu.memref_slice %arg2[%mul3A_836] : memref<5120000xf32, #tpu.memory_space<hbm>> -> memref<2048xf32, #tpu.memory_space<hbm>>
            tpu.enqueue_dma source(%dma_start3A_838 : memref<2048xf32, #tpu.memory_space<hbm>>) target(%arg8 : memref<2048xf32, #tpu.memory_space<vmem>>) target_semaphore(%arg12 : memref<!tpu.dma_semaphore, #tpu.memory_space<semaphore_mem>>)
          } else {
          }
          %gt3A_810 = arith.constant 0 : i32
          %gt3A_811 = arith.cmpi sgt, %scan3A_751, %gt3A_810 : i32
          %convert_element_type3A_812 = arith.extui %gt3A_811 : i1 to i32
          %cond3A_813 = arith.constant 0 : i32
          %cond3A_814 = arith.cmpi ne, %convert_element_type3A_812, %cond3A_813 : i32
          scf.if %cond3A_814 {
            %dma_wait3A_830 = arith.constant 0 : i32
            %dma_wait3A_831 = arith.constant 0 : i32
            %dma_wait3A_832 = tpu.memref_slice %arg10[%dma_wait3A_830, %dma_wait3A_831] : memref<26x128xi32, #tpu.memory_space<vmem>> -> memref<1x128xi32, #tpu.memory_space<vmem>>
            %dma_wait3A_833 = tpu.memref_squeeze %dma_wait3A_832 : memref<1x128xi32, #tpu.memory_space<vmem>> -> memref<128xi32, #tpu.memory_space<vmem>>
            %dma_wait3A_834 = arith.constant 0 : i32
            %dma_wait3A_835 = arith.constant 0 : i32
            %dma_wait3A_836 = tpu.memref_slice %arg5[%dma_wait3A_834, %dma_wait3A_835] : memref<10112x128xf32, #tpu.memory_space<vmem_shared>> -> memref<10112x128xf32, #tpu.memory_space<vmem_shared>>
            tpu.wait_indirect_dma semaphore(%arg15 : memref<!tpu.dma_semaphore, #tpu.memory_space<semaphore_mem>>) src(%arg7 : memref<128x128xf32, #tpu.memory_space<vmem>>) dst(%dma_wait3A_836 : memref<10112x128xf32, #tpu.memory_space<vmem_shared>>)
          } else {
          }
          %scan3A_815 = arith.constant 0 : i32
          %scan3A_816 = arith.constant 0 : i32
          %scan3A_817 = arith.constant 128 : i32
          %scan3A_818 = arith.addi %scan3A_816, %scan3A_817 : i32
          %scan3A_819 = arith.constant 8 : i32
          %scan3A_820 = scf.for %scan3A_830 = %scan3A_816 to %scan3A_818 step %scan3A_819 iter_args(%scan3A_831 = %scan3A_815) -> (i32)  : i32 {
            %mul3A_832 = arith.constant 16 : i32
            %mul3A_833 = arith.muli %scan3A_830, %mul3A_832 : i32
            %get3A = arith.index_cast %mul3A_833 : i32 to index
            %get3A_834 = tpu.vector_load %arg9[%get3A] {strides = array<i32>} : memref<2048xf32, #tpu.memory_space<vmem>>, vector<16xf32>,
            %get3A_835 = vector.shape_cast %get3A_834 : vector<16xf32> to vector<16xf32>
            %swap3A = arith.index_cast %scan3A_830 : i32 to index
            %swap3A_836 = arith.constant 0 : index
            %swap3A_837 = tpu.vector_load %arg7[%swap3A, %swap3A_836] {strides = array<i32>} : memref<128x128xf32, #tpu.memory_space<vmem>>, vector<1x16xf32>,
            %swap3A_838 = vector.shape_cast %swap3A_837 : vector<1x16xf32> to vector<16xf32>
            %swap3A_839 = vector.shape_cast %get3A_835 : vector<16xf32> to vector<1x16xf32>
            tpu.vector_store %arg7[%swap3A, %swap3A_836], %swap3A_839 {strides = array<i32>} : memref<128x128xf32, #tpu.memory_space<vmem>>, vector<1x16xf32>,
            %scan3A_840 = arith.constant 0 : i32
            %scan3A_841 = arith.constant 1 : i32
            %scan3A_842 = arith.addi %scan3A_830, %scan3A_841 : i32
            %mul3A_843 = arith.constant 16 : i32
            %mul3A_844 = arith.muli %scan3A_842, %mul3A_843 : i32
            %get3A_845 = arith.index_cast %mul3A_844 : i32 to index
            %get3A_846 = tpu.vector_load %arg9[%get3A_845] {strides = array<i32>} : memref<2048xf32, #tpu.memory_space<vmem>>, vector<16xf32>,
            %get3A_847 = vector.shape_cast %get3A_846 : vector<16xf32> to vector<16xf32>
            %swap3A_848 = arith.index_cast %scan3A_842 : i32 to index
            %swap3A_849 = arith.constant 0 : index
            %swap3A_850 = tpu.vector_load %arg7[%swap3A_848, %swap3A_849] {strides = array<i32>} : memref<128x128xf32, #tpu.memory_space<vmem>>, vector<1x16xf32>,
            %swap3A_851 = vector.shape_cast %swap3A_850 : vector<1x16xf32> to vector<16xf32>
            %swap3A_852 = vector.shape_cast %get3A_847 : vector<16xf32> to vector<1x16xf32>
            tpu.vector_store %arg7[%swap3A_848, %swap3A_849], %swap3A_852 {strides = array<i32>} : memref<128x128xf32, #tpu.memory_space<vmem>>, vector<1x16xf32>,
            %scan3A_853 = arith.constant 0 : i32
            %scan3A_854 = arith.constant 2 : i32
            %scan3A_855 = arith.addi %scan3A_830, %scan3A_854 : i32
            %mul3A_856 = arith.constant 16 : i32
            %mul3A_857 = arith.muli %scan3A_855, %mul3A_856 : i32
            %get3A_858 = arith.index_cast %mul3A_857 : i32 to index
            %get3A_859 = tpu.vector_load %arg9[%get3A_858] {strides = array<i32>} : memref<2048xf32, #tpu.memory_space<vmem>>, vector<16xf32>,
            %get3A_860 = vector.shape_cast %get3A_859 : vector<16xf32> to vector<16xf32>
            %swap3A_861 = arith.index_cast %scan3A_855 : i32 to index
            %swap3A_862 = arith.constant 0 : index
            %swap3A_863 = tpu.vector_load %arg7[%swap3A_861, %swap3A_862] {strides = array<i32>} : memref<128x128xf32, #tpu.memory_space<vmem>>, vector<1x16xf32>,
            %swap3A_864 = vector.shape_cast %swap3A_863 : vector<1x16xf32> to vector<16xf32>
            %swap3A_865 = vector.shape_cast %get3A_860 : vector<16xf32> to vector<1x16xf32>
            tpu.vector_store %arg7[%swap3A_861, %swap3A_862], %swap3A_865 {strides = array<i32>} : memref<128x128xf32, #tpu.memory_space<vmem>>, vector<1x16xf32>,
            %scan3A_866 = arith.constant 0 : i32
            %scan3A_867 = arith.constant 3 : i32
            %scan3A_868 = arith.addi %scan3A_830, %scan3A_867 : i32
            %mul3A_869 = arith.constant 16 : i32
            %mul3A_870 = arith.muli %scan3A_868, %mul3A_869 : i32
            %get3A_871 = arith.index_cast %mul3A_870 : i32 to index
            %get3A_872 = tpu.vector_load %arg9[%get3A_871] {strides = array<i32>} : memref<2048xf32, #tpu.memory_space<vmem>>, vector<16xf32>,
            %get3A_873 = vector.shape_cast %get3A_872 : vector<16xf32> to vector<16xf32>
            %swap3A_874 = arith.index_cast %scan3A_868 : i32 to index
            %swap3A_875 = arith.constant 0 : index
            %swap3A_876 = tpu.vector_load %arg7[%swap3A_874, %swap3A_875] {strides = array<i32>} : memref<128x128xf32, #tpu.memory_space<vmem>>, vector<1x16xf32>,
            %swap3A_877 = vector.shape_cast %swap3A_876 : vector<1x16xf32> to vector<16xf32>
            %swap3A_878 = vector.shape_cast %get3A_873 : vector<16xf32> to vector<1x16xf32>
            tpu.vector_store %arg7[%swap3A_874, %swap3A_875], %swap3A_878 {strides = array<i32>} : memref<128x128xf32, #tpu.memory_space<vmem>>, vector<1x16xf32>,
            %scan3A_879 = arith.constant 0 : i32
            %scan3A_880 = arith.constant 4 : i32
            %scan3A_881 = arith.addi %scan3A_830, %scan3A_880 : i32
            %mul3A_882 = arith.constant 16 : i32
            %mul3A_883 = arith.muli %scan3A_881, %mul3A_882 : i32
            %get3A_884 = arith.index_cast %mul3A_883 : i32 to index
            %get3A_885 = tpu.vector_load %arg9[%get3A_884] {strides = array<i32>} : memref<2048xf32, #tpu.memory_space<vmem>>, vector<16xf32>,
            %get3A_886 = vector.shape_cast %get3A_885 : vector<16xf32> to vector<16xf32>
            %swap3A_887 = arith.index_cast %scan3A_881 : i32 to index
            %swap3A_888 = arith.constant 0 : index
            %swap3A_889 = tpu.vector_load %arg7[%swap3A_887, %swap3A_888] {strides = array<i32>} : memref<128x128xf32, #tpu.memory_space<vmem>>, vector<1x16xf32>,
            %swap3A_890 = vector.shape_cast %swap3A_889 : vector<1x16xf32> to vector<16xf32>
            %swap3A_891 = vector.shape_cast %get3A_886 : vector<16xf32> to vector<1x16xf32>
            tpu.vector_store %arg7[%swap3A_887, %swap3A_888], %swap3A_891 {strides = array<i32>} : memref<128x128xf32, #tpu.memory_space<vmem>>, vector<1x16xf32>,
            %scan3A_892 = arith.constant 0 : i32
            %scan3A_893 = arith.constant 5 : i32
            %scan3A_894 = arith.addi %scan3A_830, %scan3A_893 : i32
            %mul3A_895 = arith.constant 16 : i32
            %mul3A_896 = arith.muli %scan3A_894, %mul3A_895 : i32
            %get3A_897 = arith.index_cast %mul3A_896 : i32 to index
            %get3A_898 = tpu.vector_load %arg9[%get3A_897] {strides = array<i32>} : memref<2048xf32, #tpu.memory_space<vmem>>, vector<16xf32>,
            %get3A_899 = vector.shape_cast %get3A_898 : vector<16xf32> to vector<16xf32>
            %swap3A_900 = arith.index_cast %scan3A_894 : i32 to index
            %swap3A_901 = arith.constant 0 : index
            %swap3A_902 = tpu.vector_load %arg7[%swap3A_900, %swap3A_901] {strides = array<i32>} : memref<128x128xf32, #tpu.memory_space<vmem>>, vector<1x16xf32>,
            %swap3A_903 = vector.shape_cast %swap3A_902 : vector<1x16xf32> to vector<16xf32>
            %swap3A_904 = vector.shape_cast %get3A_899 : vector<16xf32> to vector<1x16xf32>
            tpu.vector_store %arg7[%swap3A_900, %swap3A_901], %swap3A_904 {strides = array<i32>} : memref<128x128xf32, #tpu.memory_space<vmem>>, vector<1x16xf32>,
            %scan3A_905 = arith.constant 0 : i32
            %scan3A_906 = arith.constant 6 : i32
            %scan3A_907 = arith.addi %scan3A_830, %scan3A_906 : i32
            %mul3A_908 = arith.constant 16 : i32
            %mul3A_909 = arith.muli %scan3A_907, %mul3A_908 : i32
            %get3A_910 = arith.index_cast %mul3A_909 : i32 to index
            %get3A_911 = tpu.vector_load %arg9[%get3A_910] {strides = array<i32>} : memref<2048xf32, #tpu.memory_space<vmem>>, vector<16xf32>,
            %get3A_912 = vector.shape_cast %get3A_911 : vector<16xf32> to vector<16xf32>
            %swap3A_913 = arith.index_cast %scan3A_907 : i32 to index
            %swap3A_914 = arith.constant 0 : index
            %swap3A_915 = tpu.vector_load %arg7[%swap3A_913, %swap3A_914] {strides = array<i32>} : memref<128x128xf32, #tpu.memory_space<vmem>>, vector<1x16xf32>,
            %swap3A_916 = vector.shape_cast %swap3A_915 : vector<1x16xf32> to vector<16xf32>
            %swap3A_917 = vector.shape_cast %get3A_912 : vector<16xf32> to vector<1x16xf32>
            tpu.vector_store %arg7[%swap3A_913, %swap3A_914], %swap3A_917 {strides = array<i32>} : memref<128x128xf32, #tpu.memory_space<vmem>>, vector<1x16xf32>,
            %scan3A_918 = arith.constant 0 : i32
            %scan3A_919 = arith.constant 7 : i32
            %scan3A_920 = arith.addi %scan3A_830, %scan3A_919 : i32
            %mul3A_921 = arith.constant 16 : i32
            %mul3A_922 = arith.muli %scan3A_920, %mul3A_921 : i32
            %get3A_923 = arith.index_cast %mul3A_922 : i32 to index
            %get3A_924 = tpu.vector_load %arg9[%get3A_923] {strides = array<i32>} : memref<2048xf32, #tpu.memory_space<vmem>>, vector<16xf32>,
            %get3A_925 = vector.shape_cast %get3A_924 : vector<16xf32> to vector<16xf32>
            %swap3A_926 = arith.index_cast %scan3A_920 : i32 to index
            %swap3A_927 = arith.constant 0 : index
            %swap3A_928 = tpu.vector_load %arg7[%swap3A_926, %swap3A_927] {strides = array<i32>} : memref<128x128xf32, #tpu.memory_space<vmem>>, vector<1x16xf32>,
            %swap3A_929 = vector.shape_cast %swap3A_928 : vector<1x16xf32> to vector<16xf32>
            %swap3A_930 = vector.shape_cast %get3A_925 : vector<16xf32> to vector<1x16xf32>
            tpu.vector_store %arg7[%swap3A_926, %swap3A_927], %swap3A_930 {strides = array<i32>} : memref<128x128xf32, #tpu.memory_space<vmem>>, vector<1x16xf32>,
            %scan3A_931 = arith.constant 0 : i32
            scf.yield %scan3A_931 : i32
          }
          %scan3A_821 = arith.constant 128 : i32
          %add3A_822 = arith.constant 1 : i32
          %add3A_823 = arith.addi %mul3A_754, %add3A_822 : i32
          %dma_start3A_824 = arith.constant 0 : i32
          %dma_start3A_825 = tpu.memref_slice %arg10[%add3A_823, %dma_start3A_824] : memref<26x128xi32, #tpu.memory_space<vmem>> -> memref<1x128xi32, #tpu.memory_space<vmem>>
          %dma_start3A_826 = tpu.memref_squeeze %dma_start3A_825 : memref<1x128xi32, #tpu.memory_space<vmem>> -> memref<128xi32, #tpu.memory_space<vmem>>
          %dma_start3A_827 = arith.constant 0 : i32
          %dma_start3A_828 = arith.constant 0 : i32
          %dma_start3A_829 = tpu.memref_slice %arg5[%dma_start3A_827, %dma_start3A_828] : memref<10112x128xf32, #tpu.memory_space<vmem_shared>> -> memref<10112x128xf32, #tpu.memory_space<vmem_shared>>
          tpu.enqueue_indirect_dma source(%arg7 : memref<128x128xf32, #tpu.memory_space<vmem>>) target(%dma_start3A_829 : memref<10112x128xf32, #tpu.memory_space<vmem_shared>>) offsets(%dma_start3A_826 : memref<128xi32, #tpu.memory_space<vmem>>) semaphore(%arg15 : memref<!tpu.dma_semaphore, #tpu.memory_space<semaphore_mem>>) {add = true}
        } else {
        }
        %scan3A_793 = arith.constant 0 : i32
        scf.yield %scan3A_793 : i32
      }
      %scan3A_735 = arith.constant 13 : i32
      %dma_wait3A_736 = arith.constant 0 : i32
      %dma_wait3A_737 = arith.constant 0 : i32
      %dma_wait3A_738 = tpu.memref_slice %arg10[%dma_wait3A_736, %dma_wait3A_737] : memref<26x128xi32, #tpu.memory_space<vmem>> -> memref<1x128xi32, #tpu.memory_space<vmem>>
      %dma_wait3A_739 = tpu.memref_squeeze %dma_wait3A_738 : memref<1x128xi32, #tpu.memory_space<vmem>> -> memref<128xi32, #tpu.memory_space<vmem>>
      %dma_wait3A_740 = arith.constant 0 : i32
      %dma_wait3A_741 = arith.constant 0 : i32
      %dma_wait3A_742 = tpu.memref_slice %arg5[%dma_wait3A_740, %dma_wait3A_741] : memref<10112x128xf32, #tpu.memory_space<vmem_shared>> -> memref<10112x128xf32, #tpu.memory_space<vmem_shared>>
      tpu.wait_indirect_dma semaphore(%arg14 : memref<!tpu.dma_semaphore, #tpu.memory_space<semaphore_mem>>) src(%arg6 : memref<128x128xf32, #tpu.memory_space<vmem>>) dst(%dma_wait3A_742 : memref<10112x128xf32, #tpu.memory_space<vmem_shared>>)
      %dma_wait3A_743 = arith.constant 0 : i32
      %dma_wait3A_744 = arith.constant 0 : i32
      %dma_wait3A_745 = tpu.memref_slice %arg10[%dma_wait3A_743, %dma_wait3A_744] : memref<26x128xi32, #tpu.memory_space<vmem>> -> memref<1x128xi32, #tpu.memory_space<vmem>>
      %dma_wait3A_746 = tpu.memref_squeeze %dma_wait3A_745 : memref<1x128xi32, #tpu.memory_space<vmem>> -> memref<128xi32, #tpu.memory_space<vmem>>
      %dma_wait3A_747 = arith.constant 0 : i32
      %dma_wait3A_748 = arith.constant 0 : i32
      %dma_wait3A_749 = tpu.memref_slice %arg5[%dma_wait3A_747, %dma_wait3A_748] : memref<10112x128xf32, #tpu.memory_space<vmem_shared>> -> memref<10112x128xf32, #tpu.memory_space<vmem_shared>>
      tpu.wait_indirect_dma semaphore(%arg15 : memref<!tpu.dma_semaphore, #tpu.memory_space<semaphore_mem>>) src(%arg7 : memref<128x128xf32, #tpu.memory_space<vmem>>) dst(%dma_wait3A_749 : memref<10112x128xf32, #tpu.memory_space<vmem_shared>>)
      %scan3A_750 = arith.constant 0 : i32
      scf.yield %scan3A_750 : i32
    }
    %scan3A_38 = arith.constant 3 : i32
    %lt3A = arith.constant 4 : i32
    %lt3A_39 = arith.cmpi slt, %add3A, %lt3A : i32
    %convert_element_type3A = arith.extui %lt3A_39 : i1 to i32
    %cond3A = arith.constant 0 : i32
    %cond3A_40 = arith.cmpi ne, %convert_element_type3A, %cond3A : i32
    scf.if %cond3A_40 {
      %add3A_44 = arith.constant 9984 : i32
      %add3A_45 = arith.addi %mul3A_6, %add3A_44 : i32
      %add3A_46 = arith.constant 320000 : i32
      %add3A_47 = arith.addi %add3A_46, %add3A_45 : i32
      "tpu.region"() ({
        %run_scoped3A = tpu.sem_alloc : memref<!tpu.dma_semaphore, #tpu.memory_space<semaphore_mem>>
        %dma_start3A = tpu.memref_slice %arg3[%add3A_47] : memref<640000xi32, #tpu.memory_space<hbm>> -> memref<128xi32, #tpu.memory_space<hbm>>
        %dma_start3A_57 = tpu.memref_slice %arg3[%add3A_47] : memref<640000xi32, #tpu.memory_space<hbm>> -> memref<128xi32, #tpu.memory_space<hbm>>
        tpu.enqueue_dma source(%dma_start3A_57 : memref<128xi32, #tpu.memory_space<hbm>>) target(%arg11 : memref<128xi32, #tpu.memory_space<vmem>>) target_semaphore(%run_scoped3A : memref<!tpu.dma_semaphore, #tpu.memory_space<semaphore_mem>>)
        %dma_wait3A = tpu.memref_slice %arg3[%add3A_47] : memref<640000xi32, #tpu.memory_space<hbm>> -> memref<128xi32, #tpu.memory_space<hbm>>
        %dma_wait3A_58 = tpu.memref_slice %arg3[%add3A_47] : memref<640000xi32, #tpu.memory_space<hbm>> -> memref<128xi32, #tpu.memory_space<hbm>>
        tpu.wait_dma2 semaphore(%run_scoped3A : memref<!tpu.dma_semaphore, #tpu.memory_space<semaphore_mem>>) src(%dma_wait3A_58 : memref<128xi32, #tpu.memory_space<hbm>>) dst(%arg11 : memref<128xi32, #tpu.memory_space<vmem>>)
        tpu.yield
      }) : () -> ()
      %mul3A_48 = arith.constant 16 : i32
      %mul3A_49 = arith.muli %add3A_45, %mul3A_48 : i32
      "tpu.region"() ({
        %run_scoped3A = tpu.sem_alloc : memref<!tpu.dma_semaphore, #tpu.memory_space<semaphore_mem>>
        %dma_start3A = tpu.memref_slice %arg2[%mul3A_49] : memref<5120000xf32, #tpu.memory_space<hbm>> -> memref<2048xf32, #tpu.memory_space<hbm>>
        %dma_start3A_57 = tpu.memref_slice %arg2[%mul3A_49] : memref<5120000xf32, #tpu.memory_space<hbm>> -> memref<2048xf32, #tpu.memory_space<hbm>>
        tpu.enqueue_dma source(%dma_start3A_57 : memref<2048xf32, #tpu.memory_space<hbm>>) target(%arg8 : memref<2048xf32, #tpu.memory_space<vmem>>) target_semaphore(%run_scoped3A : memref<!tpu.dma_semaphore, #tpu.memory_space<semaphore_mem>>)
        %dma_wait3A = tpu.memref_slice %arg2[%mul3A_49] : memref<5120000xf32, #tpu.memory_space<hbm>> -> memref<2048xf32, #tpu.memory_space<hbm>>
        %dma_wait3A_58 = tpu.memref_slice %arg2[%mul3A_49] : memref<5120000xf32, #tpu.memory_space<hbm>> -> memref<2048xf32, #tpu.memory_space<hbm>>
        tpu.wait_dma2 semaphore(%run_scoped3A : memref<!tpu.dma_semaphore, #tpu.memory_space<semaphore_mem>>) src(%dma_wait3A_58 : memref<2048xf32, #tpu.memory_space<hbm>>) dst(%arg8 : memref<2048xf32, #tpu.memory_space<vmem>>)
        tpu.yield
      }) : () -> ()
      %scan3A_50 = arith.constant 0 : i32
      %scan3A_51 = arith.constant 0 : i32
      %scan3A_52 = arith.constant 128 : i32
      %scan3A_53 = arith.addi %scan3A_51, %scan3A_52 : i32
      %scan3A_54 = arith.constant 8 : i32
      %scan3A_55 = scf.for %scan3A_57 = %scan3A_51 to %scan3A_53 step %scan3A_54 iter_args(%scan3A_58 = %scan3A_50) -> (i32)  : i32 {
        %mul3A_59 = arith.constant 16 : i32
        %mul3A_60 = arith.muli %scan3A_57, %mul3A_59 : i32
        %get3A = arith.index_cast %mul3A_60 : i32 to index
        %get3A_61 = tpu.vector_load %arg8[%get3A] {strides = array<i32>} : memref<2048xf32, #tpu.memory_space<vmem>>, vector<16xf32>,
        %get3A_62 = vector.shape_cast %get3A_61 : vector<16xf32> to vector<16xf32>
        %swap3A = arith.index_cast %scan3A_57 : i32 to index
        %swap3A_63 = arith.constant 0 : index
        %swap3A_64 = tpu.vector_load %arg6[%swap3A, %swap3A_63] {strides = array<i32>} : memref<128x128xf32, #tpu.memory_space<vmem>>, vector<1x16xf32>,
        %swap3A_65 = vector.shape_cast %swap3A_64 : vector<1x16xf32> to vector<16xf32>
        %swap3A_66 = vector.shape_cast %get3A_62 : vector<16xf32> to vector<1x16xf32>
        tpu.vector_store %arg6[%swap3A, %swap3A_63], %swap3A_66 {strides = array<i32>} : memref<128x128xf32, #tpu.memory_space<vmem>>, vector<1x16xf32>,
        %scan3A_67 = arith.constant 0 : i32
        %scan3A_68 = arith.constant 1 : i32
        %scan3A_69 = arith.addi %scan3A_57, %scan3A_68 : i32
        %mul3A_70 = arith.constant 16 : i32
        %mul3A_71 = arith.muli %scan3A_69, %mul3A_70 : i32
        %get3A_72 = arith.index_cast %mul3A_71 : i32 to index
        %get3A_73 = tpu.vector_load %arg8[%get3A_72] {strides = array<i32>} : memref<2048xf32, #tpu.memory_space<vmem>>, vector<16xf32>,
        %get3A_74 = vector.shape_cast %get3A_73 : vector<16xf32> to vector<16xf32>
        %swap3A_75 = arith.index_cast %scan3A_69 : i32 to index
        %swap3A_76 = arith.constant 0 : index
        %swap3A_77 = tpu.vector_load %arg6[%swap3A_75, %swap3A_76] {strides = array<i32>} : memref<128x128xf32, #tpu.memory_space<vmem>>, vector<1x16xf32>,
        %swap3A_78 = vector.shape_cast %swap3A_77 : vector<1x16xf32> to vector<16xf32>
        %swap3A_79 = vector.shape_cast %get3A_74 : vector<16xf32> to vector<1x16xf32>
        tpu.vector_store %arg6[%swap3A_75, %swap3A_76], %swap3A_79 {strides = array<i32>} : memref<128x128xf32, #tpu.memory_space<vmem>>, vector<1x16xf32>,
        %scan3A_80 = arith.constant 0 : i32
        %scan3A_81 = arith.constant 2 : i32
        %scan3A_82 = arith.addi %scan3A_57, %scan3A_81 : i32
        %mul3A_83 = arith.constant 16 : i32
        %mul3A_84 = arith.muli %scan3A_82, %mul3A_83 : i32
        %get3A_85 = arith.index_cast %mul3A_84 : i32 to index
        %get3A_86 = tpu.vector_load %arg8[%get3A_85] {strides = array<i32>} : memref<2048xf32, #tpu.memory_space<vmem>>, vector<16xf32>,
        %get3A_87 = vector.shape_cast %get3A_86 : vector<16xf32> to vector<16xf32>
        %swap3A_88 = arith.index_cast %scan3A_82 : i32 to index
        %swap3A_89 = arith.constant 0 : index
        %swap3A_90 = tpu.vector_load %arg6[%swap3A_88, %swap3A_89] {strides = array<i32>} : memref<128x128xf32, #tpu.memory_space<vmem>>, vector<1x16xf32>,
        %swap3A_91 = vector.shape_cast %swap3A_90 : vector<1x16xf32> to vector<16xf32>
        %swap3A_92 = vector.shape_cast %get3A_87 : vector<16xf32> to vector<1x16xf32>
        tpu.vector_store %arg6[%swap3A_88, %swap3A_89], %swap3A_92 {strides = array<i32>} : memref<128x128xf32, #tpu.memory_space<vmem>>, vector<1x16xf32>,
        %scan3A_93 = arith.constant 0 : i32
        %scan3A_94 = arith.constant 3 : i32
        %scan3A_95 = arith.addi %scan3A_57, %scan3A_94 : i32
        %mul3A_96 = arith.constant 16 : i32
        %mul3A_97 = arith.muli %scan3A_95, %mul3A_96 : i32
        %get3A_98 = arith.index_cast %mul3A_97 : i32 to index
        %get3A_99 = tpu.vector_load %arg8[%get3A_98] {strides = array<i32>} : memref<2048xf32, #tpu.memory_space<vmem>>, vector<16xf32>,
        %get3A_100 = vector.shape_cast %get3A_99 : vector<16xf32> to vector<16xf32>
        %swap3A_101 = arith.index_cast %scan3A_95 : i32 to index
        %swap3A_102 = arith.constant 0 : index
        %swap3A_103 = tpu.vector_load %arg6[%swap3A_101, %swap3A_102] {strides = array<i32>} : memref<128x128xf32, #tpu.memory_space<vmem>>, vector<1x16xf32>,
        %swap3A_104 = vector.shape_cast %swap3A_103 : vector<1x16xf32> to vector<16xf32>
        %swap3A_105 = vector.shape_cast %get3A_100 : vector<16xf32> to vector<1x16xf32>
        tpu.vector_store %arg6[%swap3A_101, %swap3A_102], %swap3A_105 {strides = array<i32>} : memref<128x128xf32, #tpu.memory_space<vmem>>, vector<1x16xf32>,
        %scan3A_106 = arith.constant 0 : i32
        %scan3A_107 = arith.constant 4 : i32
        %scan3A_108 = arith.addi %scan3A_57, %scan3A_107 : i32
        %mul3A_109 = arith.constant 16 : i32
        %mul3A_110 = arith.muli %scan3A_108, %mul3A_109 : i32
        %get3A_111 = arith.index_cast %mul3A_110 : i32 to index
        %get3A_112 = tpu.vector_load %arg8[%get3A_111] {strides = array<i32>} : memref<2048xf32, #tpu.memory_space<vmem>>, vector<16xf32>,
        %get3A_113 = vector.shape_cast %get3A_112 : vector<16xf32> to vector<16xf32>
        %swap3A_114 = arith.index_cast %scan3A_108 : i32 to index
        %swap3A_115 = arith.constant 0 : index
        %swap3A_116 = tpu.vector_load %arg6[%swap3A_114, %swap3A_115] {strides = array<i32>} : memref<128x128xf32, #tpu.memory_space<vmem>>, vector<1x16xf32>,
        %swap3A_117 = vector.shape_cast %swap3A_116 : vector<1x16xf32> to vector<16xf32>
        %swap3A_118 = vector.shape_cast %get3A_113 : vector<16xf32> to vector<1x16xf32>
        tpu.vector_store %arg6[%swap3A_114, %swap3A_115], %swap3A_118 {strides = array<i32>} : memref<128x128xf32, #tpu.memory_space<vmem>>, vector<1x16xf32>,
        %scan3A_119 = arith.constant 0 : i32
        %scan3A_120 = arith.constant 5 : i32
        %scan3A_121 = arith.addi %scan3A_57, %scan3A_120 : i32
        %mul3A_122 = arith.constant 16 : i32
        %mul3A_123 = arith.muli %scan3A_121, %mul3A_122 : i32
        %get3A_124 = arith.index_cast %mul3A_123 : i32 to index
        %get3A_125 = tpu.vector_load %arg8[%get3A_124] {strides = array<i32>} : memref<2048xf32, #tpu.memory_space<vmem>>, vector<16xf32>,
        %get3A_126 = vector.shape_cast %get3A_125 : vector<16xf32> to vector<16xf32>
        %swap3A_127 = arith.index_cast %scan3A_121 : i32 to index
        %swap3A_128 = arith.constant 0 : index
        %swap3A_129 = tpu.vector_load %arg6[%swap3A_127, %swap3A_128] {strides = array<i32>} : memref<128x128xf32, #tpu.memory_space<vmem>>, vector<1x16xf32>,
        %swap3A_130 = vector.shape_cast %swap3A_129 : vector<1x16xf32> to vector<16xf32>
        %swap3A_131 = vector.shape_cast %get3A_126 : vector<16xf32> to vector<1x16xf32>
        tpu.vector_store %arg6[%swap3A_127, %swap3A_128], %swap3A_131 {strides = array<i32>} : memref<128x128xf32, #tpu.memory_space<vmem>>, vector<1x16xf32>,
        %scan3A_132 = arith.constant 0 : i32
        %scan3A_133 = arith.constant 6 : i32
        %scan3A_134 = arith.addi %scan3A_57, %scan3A_133 : i32
        %mul3A_135 = arith.constant 16 : i32
        %mul3A_136 = arith.muli %scan3A_134, %mul3A_135 : i32
        %get3A_137 = arith.index_cast %mul3A_136 : i32 to index
        %get3A_138 = tpu.vector_load %arg8[%get3A_137] {strides = array<i32>} : memref<2048xf32, #tpu.memory_space<vmem>>, vector<16xf32>,
        %get3A_139 = vector.shape_cast %get3A_138 : vector<16xf32> to vector<16xf32>
        %swap3A_140 = arith.index_cast %scan3A_134 : i32 to index
        %swap3A_141 = arith.constant 0 : index
        %swap3A_142 = tpu.vector_load %arg6[%swap3A_140, %swap3A_141] {strides = array<i32>} : memref<128x128xf32, #tpu.memory_space<vmem>>, vector<1x16xf32>,
        %swap3A_143 = vector.shape_cast %swap3A_142 : vector<1x16xf32> to vector<16xf32>
        %swap3A_144 = vector.shape_cast %get3A_139 : vector<16xf32> to vector<1x16xf32>
        tpu.vector_store %arg6[%swap3A_140, %swap3A_141], %swap3A_144 {strides = array<i32>} : memref<128x128xf32, #tpu.memory_space<vmem>>, vector<1x16xf32>,
        %scan3A_145 = arith.constant 0 : i32
        %scan3A_146 = arith.constant 7 : i32
        %scan3A_147 = arith.addi %scan3A_57, %scan3A_146 : i32
        %mul3A_148 = arith.constant 16 : i32
        %mul3A_149 = arith.muli %scan3A_147, %mul3A_148 : i32
        %get3A_150 = arith.index_cast %mul3A_149 : i32 to index
        %get3A_151 = tpu.vector_load %arg8[%get3A_150] {strides = array<i32>} : memref<2048xf32, #tpu.memory_space<vmem>>, vector<16xf32>,
        %get3A_152 = vector.shape_cast %get3A_151 : vector<16xf32> to vector<16xf32>
        %swap3A_153 = arith.index_cast %scan3A_147 : i32 to index
        %swap3A_154 = arith.constant 0 : index
        %swap3A_155 = tpu.vector_load %arg6[%swap3A_153, %swap3A_154] {strides = array<i32>} : memref<128x128xf32, #tpu.memory_space<vmem>>, vector<1x16xf32>,
        %swap3A_156 = vector.shape_cast %swap3A_155 : vector<1x16xf32> to vector<16xf32>
        %swap3A_157 = vector.shape_cast %get3A_152 : vector<16xf32> to vector<1x16xf32>
        tpu.vector_store %arg6[%swap3A_153, %swap3A_154], %swap3A_157 {strides = array<i32>} : memref<128x128xf32, #tpu.memory_space<vmem>>, vector<1x16xf32>,
        %scan3A_158 = arith.constant 0 : i32
        scf.yield %scan3A_158 : i32
      }
      %scan3A_56 = arith.constant 128 : i32
      "tpu.region"() ({
        %run_scoped3A = tpu.sem_alloc : memref<!tpu.dma_semaphore, #tpu.memory_space<semaphore_mem>>
        %dma_start3A = arith.constant 0 : i32
        %dma_start3A_57 = arith.constant 0 : i32
        %dma_start3A_58 = tpu.memref_slice %arg5[%dma_start3A, %dma_start3A_57] : memref<10112x128xf32, #tpu.memory_space<vmem_shared>> -> memref<10112x128xf32, #tpu.memory_space<vmem_shared>>
        tpu.enqueue_indirect_dma source(%arg6 : memref<128x128xf32, #tpu.memory_space<vmem>>) target(%dma_start3A_58 : memref<10112x128xf32, #tpu.memory_space<vmem_shared>>) offsets(%arg11 : memref<128xi32, #tpu.memory_space<vmem>>) semaphore(%run_scoped3A : memref<!tpu.dma_semaphore, #tpu.memory_space<semaphore_mem>>) {add = true}
        %dma_wait3A = arith.constant 0 : i32
        %dma_wait3A_59 = arith.constant 0 : i32
        %dma_wait3A_60 = tpu.memref_slice %arg5[%dma_wait3A, %dma_wait3A_59] : memref<10112x128xf32, #tpu.memory_space<vmem_shared>> -> memref<10112x128xf32, #tpu.memory_space<vmem_shared>>
        tpu.wait_indirect_dma semaphore(%run_scoped3A : memref<!tpu.dma_semaphore, #tpu.memory_space<semaphore_mem>>) src(%arg6 : memref<128x128xf32, #tpu.memory_space<vmem>>) dst(%dma_wait3A_60 : memref<10112x128xf32, #tpu.memory_space<vmem_shared>>)
        tpu.yield
      }) : () -> ()
    } else {
    }
    %barrier3A_41 = arith.constant 0 : index
    tpu.barrier barrier_id(%barrier3A_41)
    %mul3A_42 = arith.constant 632 : i32
    %mul3A_43 = arith.muli %arg1, %mul3A_42 : i32
    "tpu.region"() ({
      %run_scoped3A = tpu.sem_alloc : memref<!tpu.dma_semaphore, #tpu.memory_space<semaphore_mem>>
      %dma_start3A = arith.constant 0 : i32
      %dma_start3A_44 = tpu.memref_slice %arg4[%arg0, %mul3A_43, %dma_start3A] : memref<2x10112x128xf32, #tpu.memory_space<hbm>> -> memref<1x632x128xf32, #tpu.memory_space<hbm>>
      %dma_start3A_45 = tpu.memref_squeeze %dma_start3A_44 : memref<1x632x128xf32, #tpu.memory_space<hbm>> -> memref<632x128xf32, #tpu.memory_space<hbm>>
      %dma_start3A_46 = arith.constant 0 : i32
      %dma_start3A_47 = tpu.memref_slice %arg5[%mul3A_43, %dma_start3A_46] : memref<10112x128xf32, #tpu.memory_space<vmem_shared>> -> memref<632x128xf32, #tpu.memory_space<vmem_shared>>
      tpu.enqueue_dma source(%dma_start3A_47 : memref<632x128xf32, #tpu.memory_space<vmem_shared>>) target(%dma_start3A_45 : memref<632x128xf32, #tpu.memory_space<hbm>>) target_semaphore(%run_scoped3A : memref<!tpu.dma_semaphore, #tpu.memory_space<semaphore_mem>>)
      %dma_wait3A = arith.constant 0 : i32
      %dma_wait3A_48 = tpu.memref_slice %arg4[%arg0, %mul3A_43, %dma_wait3A] : memref<2x10112x128xf32, #tpu.memory_space<hbm>> -> memref<1x632x128xf32, #tpu.memory_space<hbm>>
      %dma_wait3A_49 = tpu.memref_squeeze %dma_wait3A_48 : memref<1x632x128xf32, #tpu.memory_space<hbm>> -> memref<632x128xf32, #tpu.memory_space<hbm>>
      %dma_wait3A_50 = arith.constant 0 : i32
      %dma_wait3A_51 = tpu.memref_slice %arg5[%mul3A_43, %dma_wait3A_50] : memref<10112x128xf32, #tpu.memory_space<vmem_shared>> -> memref<632x128xf32, #tpu.memory_space<vmem_shared>>
      tpu.wait_dma2 semaphore(%run_scoped3A : memref<!tpu.dma_semaphore, #tpu.memory_space<semaphore_mem>>) src(%dma_wait3A_51 : memref<632x128xf32, #tpu.memory_space<vmem_shared>>) dst(%dma_wait3A_49 : memref<632x128xf32, #tpu.memory_space<hbm>>)
      tpu.yield
    }) : () -> ()
    return
  }
}

module attributes {stable_mosaic.version = 14 : i64} {
  func.func @body(%arg0: i32, %arg1: memref<2x1000x128xf32, #tpu.memory_space<vmem>>, %arg2: memref<2x1000x128xf32, #tpu.memory_space<vmem>>, %arg3: memref<1000x128xf32, #tpu.memory_space<vmem>>, %arg4: memref<16x128xf32, #tpu.memory_space<vmem>>, %arg5: memref<1x128xf32, #tpu.memory_space<vmem>>, %arg6: memref<128x128xf32, #tpu.memory_space<vmem>>, %arg7: memref<1x128xf32, #tpu.memory_space<vmem>>, %arg8: memref<128x128xf32, #tpu.memory_space<vmem>>, %arg9: memref<1000x128xf32, #tpu.memory_space<vmem>>) attributes {dimension_semantics = [#tpu.dimension_semantics<arbitrary>], iteration_bounds = array<i64: 10>, scalar_prefetch = 0 : i64, scratch_operands = 0 : i64, tpu.core_type = #tpu.core_type<tc>, window_params = [{transform_indices = @transform_0, window_bounds = array<i64: 2, 1000, 128>}, {transform_indices = @transform_1, window_bounds = array<i64: 2, 1000, 128>}, {transform_indices = @transform_2, window_bounds = array<i64: 1000, 128>}, {pipeline_mode = #tpu.pipeline_mode<synchronous>, transform_indices = @transform_3, window_bounds = array<i64: 16, 128>}, {pipeline_mode = #tpu.pipeline_mode<synchronous>, transform_indices = @transform_4, window_bounds = array<i64: 1, 128>}, {pipeline_mode = #tpu.pipeline_mode<synchronous>, transform_indices = @transform_5, window_bounds = array<i64: 128, 128>}, {pipeline_mode = #tpu.pipeline_mode<synchronous>, transform_indices = @transform_6, window_bounds = array<i64: 1, 128>}, {pipeline_mode = #tpu.pipeline_mode<synchronous>, transform_indices = @transform_7, window_bounds = array<i64: 128, 128>}, {transform_indices = @transform_8, window_bounds = array<i64: 1000, 128>}]} {
    %get3A = arith.constant 0 : index
    %get3A_0 = arith.constant 0 : index
    %get3A_1 = arith.constant 0 : index
    %get3A_2 = vector.load %arg1[%get3A, %get3A_0, %get3A_1] : memref<2x1000x128xf32, #tpu.memory_space<vmem>>, vector<1x1000x128xf32>
    %get3A_3 = vector.shape_cast %get3A_2 : vector<1x1000x128xf32> to vector<1000x128xf32>
    %get3A_4 = arith.constant 1 : index
    %get3A_5 = arith.constant 0 : index
    %get3A_6 = arith.constant 0 : index
    %get3A_7 = vector.load %arg1[%get3A_4, %get3A_5, %get3A_6] : memref<2x1000x128xf32, #tpu.memory_space<vmem>>, vector<1x1000x128xf32>
    %get3A_8 = vector.shape_cast %get3A_7 : vector<1x1000x128xf32> to vector<1000x128xf32>
    %add3A = arith.addf %get3A_3, %get3A_8 : vector<1000x128xf32>
    %get3A_9 = arith.constant 0 : index
    %get3A_10 = arith.constant 0 : index
    %get3A_11 = arith.constant 0 : index
    %get3A_12 = vector.load %arg2[%get3A_9, %get3A_10, %get3A_11] : memref<2x1000x128xf32, #tpu.memory_space<vmem>>, vector<1x1000x128xf32>
    %get3A_13 = vector.shape_cast %get3A_12 : vector<1x1000x128xf32> to vector<1000x128xf32>
    %get3A_14 = arith.constant 1 : index
    %get3A_15 = arith.constant 0 : index
    %get3A_16 = arith.constant 0 : index
    %get3A_17 = vector.load %arg2[%get3A_14, %get3A_15, %get3A_16] : memref<2x1000x128xf32, #tpu.memory_space<vmem>>, vector<1x1000x128xf32>
    %get3A_18 = vector.shape_cast %get3A_17 : vector<1x1000x128xf32> to vector<1000x128xf32>
    %add3A_19 = arith.addf %get3A_13, %get3A_18 : vector<1000x128xf32>
    %slice3A = vector.extract_strided_slice %add3A_19 {offsets = [0, 0], sizes = [1000, 16], strides = [1, 1]} : vector<1000x128xf32> to vector<1000x16xf32>
    %slice3A_20 = vector.extract_strided_slice %add3A_19 {offsets = [0, 16], sizes = [1000, 1], strides = [1, 1]} : vector<1000x128xf32> to vector<1000x1xf32>
    %get3A_21 = arith.constant 0 : index
    %get3A_22 = arith.constant 0 : index
    %get3A_23 = vector.load %arg4[%get3A_21, %get3A_22] : memref<16x128xf32, #tpu.memory_space<vmem>>, vector<16x128xf32>
    %dot_general3A = arith.constant dense<0.000000e+00> : vector<1000x128xf32>
    %dot_general3A_24 = tpu.matmul %slice3A, %get3A_23, %dot_general3A {dimension_numbers = #tpu.dot_dimension_numbers<[1], [0], [0], [1], [0, 0, 1, 1], [], []>, transpose_lhs_hint = false} : vector<1000x16xf32>, vector<16x128xf32>, vector<1000x128xf32> -> vector<1000x128xf32>
    %add3A_25 = arith.addf %add3A, %dot_general3A_24 : vector<1000x128xf32>
    %get3A_26 = arith.constant 0 : index
    %get3A_27 = arith.constant 0 : index
    %get3A_28 = vector.load %arg5[%get3A_26, %get3A_27] : memref<1x128xf32, #tpu.memory_space<vmem>>, vector<1x128xf32>
    %mul3A = vector.broadcast %slice3A_20 : vector<1000x1xf32> to vector<1000x128xf32>
    %mul3A_29 = vector.broadcast %get3A_28 : vector<1x128xf32> to vector<1000x128xf32>
    %mul3A_30 = arith.mulf %mul3A, %mul3A_29 : vector<1000x128xf32>
    %add3A_31 = arith.addf %add3A_25, %mul3A_30 : vector<1000x128xf32>
    %max3A = arith.constant 1.000000e+00 : f32
    %max3A_32 = vector.broadcast %max3A : f32 to vector<1000x1xf32>
    %max3A_33 = arith.maximumf %slice3A_20, %max3A_32 : vector<1000x1xf32>
    %div3A = vector.broadcast %max3A_33 : vector<1000x1xf32> to vector<1000x128xf32>
    %div3A_34 = arith.divf %add3A_31, %div3A : vector<1000x128xf32>
    %get3A_35 = arith.constant 0 : index
    %get3A_36 = arith.constant 0 : index
    %get3A_37 = vector.load %arg6[%get3A_35, %get3A_36] : memref<128x128xf32, #tpu.memory_space<vmem>>, vector<128x128xf32>
    %dot_general3A_38 = arith.constant dense<0.000000e+00> : vector<1000x128xf32>
    %dot_general3A_39 = tpu.matmul %div3A_34, %get3A_37, %dot_general3A_38 {dimension_numbers = #tpu.dot_dimension_numbers<[1], [0], [0], [1], [0, 0, 1, 1], [], []>, transpose_lhs_hint = false} : vector<1000x128xf32>, vector<128x128xf32>, vector<1000x128xf32> -> vector<1000x128xf32>
    %get3A_40 = arith.constant 0 : index
    %get3A_41 = arith.constant 0 : index
    %get3A_42 = vector.load %arg7[%get3A_40, %get3A_41] : memref<1x128xf32, #tpu.memory_space<vmem>>, vector<1x128xf32>
    %add3A_43 = vector.broadcast %get3A_42 : vector<1x128xf32> to vector<1000x128xf32>
    %add3A_44 = arith.addf %dot_general3A_39, %add3A_43 : vector<1000x128xf32>
    %get3A_45 = arith.constant 0 : index
    %get3A_46 = arith.constant 0 : index
    %get3A_47 = vector.load %arg3[%get3A_45, %get3A_46] : memref<1000x128xf32, #tpu.memory_space<vmem>>, vector<1000x128xf32>
    %get3A_48 = arith.constant 0 : index
    %get3A_49 = arith.constant 0 : index
    %get3A_50 = vector.load %arg8[%get3A_48, %get3A_49] : memref<128x128xf32, #tpu.memory_space<vmem>>, vector<128x128xf32>
    %dot_general3A_51 = arith.constant dense<0.000000e+00> : vector<1000x128xf32>
    %dot_general3A_52 = tpu.matmul %get3A_47, %get3A_50, %dot_general3A_51 {dimension_numbers = #tpu.dot_dimension_numbers<[1], [0], [0], [1], [0, 0, 1, 1], [], []>, transpose_lhs_hint = false} : vector<1000x128xf32>, vector<128x128xf32>, vector<1000x128xf32> -> vector<1000x128xf32>
    %add3A_53 = arith.addf %add3A_44, %dot_general3A_52 : vector<1000x128xf32>
    %swap3A = arith.constant 0 : index
    %swap3A_54 = arith.constant 0 : index
    %swap3A_55 = vector.load %arg9[%swap3A, %swap3A_54] : memref<1000x128xf32, #tpu.memory_space<vmem>>, vector<1000x128xf32>
    tpu.vector_store %arg9[%swap3A, %swap3A_54], %add3A_53 {strides = array<i32>} : memref<1000x128xf32, #tpu.memory_space<vmem>>, vector<1000x128xf32>,
    return
  }
  func.func @transform_0(%arg0: i32) -> (i32, i32, i32) {
    %c0_i32 = arith.constant 0 : i32
    %c0_i32_0 = arith.constant 0 : i32
    %c0_i32_1 = arith.constant 0 : i32
    return %c0_i32, %arg0, %c0_i32_0 : i32, i32, i32
  }
  func.func @transform_1(%arg0: i32) -> (i32, i32, i32) {
    %c0_i32 = arith.constant 0 : i32
    %c0_i32_0 = arith.constant 0 : i32
    %c0_i32_1 = arith.constant 0 : i32
    return %c0_i32, %arg0, %c0_i32_0 : i32, i32, i32
  }
  func.func @transform_2(%arg0: i32) -> (i32, i32) {
    %c0_i32 = arith.constant 0 : i32
    %c0_i32_0 = arith.constant 0 : i32
    return %arg0, %c0_i32 : i32, i32
  }
  func.func @transform_3(%arg0: i32) -> (i32, i32) {
    %c0_i32 = arith.constant 0 : i32
    %c0_i32_0 = arith.constant 0 : i32
    %c0_i32_1 = arith.constant 0 : i32
    return %c0_i32, %c0_i32_0 : i32, i32
  }
  func.func @transform_4(%arg0: i32) -> (i32, i32) {
    %c0_i32 = arith.constant 0 : i32
    %c0_i32_0 = arith.constant 0 : i32
    %c0_i32_1 = arith.constant 0 : i32
    return %c0_i32, %c0_i32_0 : i32, i32
  }
  func.func @transform_5(%arg0: i32) -> (i32, i32) {
    %c0_i32 = arith.constant 0 : i32
    %c0_i32_0 = arith.constant 0 : i32
    %c0_i32_1 = arith.constant 0 : i32
    return %c0_i32, %c0_i32_0 : i32, i32
  }
  func.func @transform_6(%arg0: i32) -> (i32, i32) {
    %c0_i32 = arith.constant 0 : i32
    %c0_i32_0 = arith.constant 0 : i32
    %c0_i32_1 = arith.constant 0 : i32
    return %c0_i32, %c0_i32_0 : i32, i32
  }
  func.func @transform_7(%arg0: i32) -> (i32, i32) {
    %c0_i32 = arith.constant 0 : i32
    %c0_i32_0 = arith.constant 0 : i32
    %c0_i32_1 = arith.constant 0 : i32
    return %c0_i32, %c0_i32_0 : i32, i32
  }
  func.func @transform_8(%arg0: i32) -> (i32, i32) {
    %c0_i32 = arith.constant 0 : i32
    %c0_i32_0 = arith.constant 0 : i32
    return %arg0, %c0_i32 : i32, i32
  }
}

</mosaic_0001>

<sc_bundles>
// kernel: kernel.5.cloned.1.call-start
scs
__scs_entry_jumppad:
0x0: {  	(pc) =	sbr.rel $0x88, $3  }
0x1: {  	(tag) =	ssettag $0x0;
	lr =	simm.s32 $0x1  }
0x2: {  	[smem:$0x3F99] =	sst lr;
	_ =	strace $0xD0000000  }
0x3: {  	_ = 	snop  }
0x4: {  	_ = 	snop  }
0x5: {  	_ = 	snop  }
0x6: {  	_ = 	snop  }
0x7: {  	_ = 	snop  }
__scs_overlays_trampoline_lowered:
0x8: {  	[smem:$0x3FA8] =	sst s0  }
0x9: {  	[smem:$0x3FA9] =	sst s1  }
0xa: {  	[smem:$0x3FAA] =	sst s2  }
0xb: {  	[smem:$0x3FAB] =	sst s3  }
0xc: {  	[smem:$0x3FAC] =	sst s4  }
0xd: {  	[smem:$0x3FAD] =	sst s5  }
0xe: {  	[smem:$0x3FAE] =	sst s6  }
0xf: {  	[smem:$0x3FAF] =	sst s7  }
0x10: {  	[smem:$0x3FB0] =	sst s8  }
0x11: {  	[smem:$0x3FB1] =	sst s9;
	s0 =	simm.s32 @!p0 $0x0  }
0x12: {  	s1 =	sld [smem:$0x3F97];
	s0 =	simm.s32 @p0 $0x1  }
0x13: {  	[smem:$0x3FB2] =	sst s0;
	s0 =	simm.s32 @!p1 $0x0  }
0x14: {  	s2 =	sld [smem:$0x3F96];
	s0 =	simm.s32 @p1 $0x1  }
0x15: {  	[smem:$0x3FB3] =	sst s0;
	s0 =	simm.s32 @!p2 $0x0  }
0x16: {  	s3 =	sld [smem:$0x3FDB];
	s0 =	simm.s32 @p2 $0x1  }
0x17: {  	s4 =	simm.s32 $0x1BF5;
	[smem:$0x3FB5] =	sst s0  }
0x18: {  	s0 =	sld [smem:$0x3F98];
	_ =	swait.ge [sflag:s4], $0x0  }
0x19: {  	s7 =	sld [smem:$0x3F99]  }
0x1a: {  	s8 =	sadd.s32 $0xFFFFE003, lr  }
0x1b: {  	s9 =	sadd.s32 $0xFFFFFEF7, lr;
	s5 =	simm.s32 $0xFFFFFFFF;
	p2 =	slt.u32 s8, $0xFFFFF086  }
0x1c: {  	p1 =	slt.u32 s9, $0xF7A;
	s5 =	simm.s32 @!p2 $0x0  }
0x1d: {  	s5 =	simm.s32 @p1 $0x1;
	p0 =	seq.s32 s7, s2  }
0x1e: {  	s7 =	smul.u32 @!p0 $0xF7A, s2;
	p2 =	seq.s32 @!p0 s5, $0x0  }
0x1f: {  	s9 =	smul.u32 $0xF7A, s1;
	s8 =	simm.s32 @!p0 $0x1BF5;
	p2 =	por !p2, p0  }
0x20: {  	[sflag:s8] =	ssyncset.s32 @!p0 $0xFFFFF086;
	s6 =	sadd.s32 @!p0 s3, s7;
	s7 =	simm.s32 @!p0 $0x108  }
0x21: {  	s3 =	sadd.s32 s3, s9;
	s6 =	sadd.s32 @!p0 $0x88, s6;
	s7 =	simm.s32 @p2 $0x1082  }
0x22: {  	[simem:s7], [sflag:s8] =	dma.local @!p0 [hbm:s6], $0xF7A  }
0x23: {  	s9 =	sor.u32 $0xD0000000, s2;
	s6 =	simm.s32 $0x108;
	_ =	swait.ge @!p0 [sflag:s8], $0x0  }
0x24: {  	s3 =	sadd.s32 $0x88, s3;
	s6 =	simm.s32 @!p1 $0x1082;
	[sflag:s4] =	ssyncset.s32 $0xFFFFF086  }
0x25: {  	[simem:s6], [sflag:s4] =	dma.local [hbm:s3], $0xF7A  }
0x26: {  	[smem:$0x3F99] =	sst s1;
	(tag) =	ssettag s2;
	_ =	strace s9  }
0x27: {  	s1 =	sld [smem:$0x3FA9]  }
0x28: {  	s2 =	sld [smem:$0x3FAA]  }
0x29: {  	s4 =	sld [smem:$0x3FAC]  }
0x2a: {  	p0 =	seq.s32 s5, $0x0;
	s5 =	sld [smem:$0x3FAD]  }
0x2b: {  	s6 =	sld [smem:$0x3FAE]  }
0x2c: {  	s7 =	sld [smem:$0x3FAF]  }
0x2d: {  	s3 =	simm.s32 $0x108;
	s8 =	sld [smem:$0x3FB0]  }
0x2e: {  	s3 =	simm.s32 @!p0 $0x1082;
	s9 =	sld [smem:$0x3FB1]  }
0x2f: {  	lr =	sadd.s32 s0, s3;
	s0 =	sld [smem:$0x3FA8]  }
0x30: {  	s3 =	sld [smem:$0x3FAB]  }
0x31: {  	[smem:$0x3FB4] =	sst s10  }
0x32: {  	s10 =	sld [smem:$0x3FB2];
	_ =	sdelay $0x3  }
0x33: {  	p0 =	seq.s32 s10, $0x1;
	s10 =	sld [smem:$0x3FB4];
	_ =	sdelay $0x3  }
0x34: {  	[smem:$0x3FB4] =	sst s10  }
0x35: {  	s10 =	sld [smem:$0x3FB3];
	_ =	sdelay $0x3  }
0x36: {  	p1 =	seq.s32 s10, $0x1;
	s10 =	sld [smem:$0x3FB4];
	_ =	sdelay $0x3  }
0x37: {  	[smem:$0x3FB4] =	sst s10  }
0x38: {  	s10 =	sld [smem:$0x3FB5]  }
0x39: {  	_ = 	snop;
	(pc) =	sbr.ind lr, $3  }
0x3a: {  	_ = 	snop  }
0x3b: {  	_ = 	snop  }
0x3c: {  	p2 =	seq.s32 s10, $0x1;
	s10 =	sld [smem:$0x3FB4]  }
0x3d: {  	_ =	shalt  }
0x3e: {  	_ =	shalt  }
0x3f: {  	_ =	shalt  }
0x40: {  	_ =	shalt  }
0x41: {  	_ =	shalt  }
0x42: {  	_ =	shalt  }
0x43: {  	_ =	shalt  }
0x44: {  	_ =	shalt  }
0x45: {  	_ =	shalt  }
0x46: {  	_ =	shalt  }
0x47: {  	_ =	shalt  }
0x48: {  	_ =	shalt  }
0x49: {  	_ =	shalt  }
0x4a: {  	_ =	shalt  }
0x4b: {  	_ =	shalt  }
0x4c: {  	_ =	shalt  }
0x4d: {  	_ =	shalt  }
0x4e: {  	_ =	shalt  }
0x4f: {  	_ =	shalt  }
0x50: {  	_ =	shalt  }
0x51: {  	_ =	shalt  }
0x52: {  	_ =	shalt  }
0x53: {  	_ =	shalt  }
0x54: {  	_ =	shalt  }
0x55: {  	_ =	shalt  }
0x56: {  	_ =	shalt  }
0x57: {  	_ =	shalt  }
0x58: {  	_ =	shalt  }
0x59: {  	_ =	shalt  }
0x5a: {  	_ =	shalt  }
0x5b: {  	_ =	shalt  }
0x5c: {  	_ =	shalt  }
0x5d: {  	_ =	shalt  }
0x5e: {  	_ =	shalt  }
0x5f: {  	_ =	shalt  }
0x60: {  	_ =	shalt  }
0x61: {  	_ =	shalt  }
0x62: {  	_ =	shalt  }
0x63: {  	_ =	shalt  }
0x64: {  	_ =	shalt  }
0x65: {  	_ =	shalt  }
0x66: {  	_ =	shalt  }
0x67: {  	_ =	shalt  }
0x68: {  	_ =	shalt  }
0x69: {  	_ =	shalt  }
0x6a: {  	_ =	shalt  }
0x6b: {  	_ =	shalt  }
0x6c: {  	_ =	shalt  }
0x6d: {  	_ =	shalt  }
0x6e: {  	_ =	shalt  }
0x6f: {  	_ =	shalt  }
0x70: {  	_ =	shalt  }
0x71: {  	_ =	shalt  }
0x72: {  	_ =	shalt  }
0x73: {  	_ =	shalt  }
0x74: {  	_ =	shalt  }
0x75: {  	_ =	shalt  }
0x76: {  	_ =	shalt  }
0x77: {  	_ =	shalt  }
0x78: {  	_ =	shalt  }
0x79: {  	_ =	shalt  }
0x7a: {  	_ =	shalt  }
0x7b: {  	_ =	shalt  }
0x7c: {  	_ =	shalt  }
0x7d: {  	_ =	shalt  }
0x7e: {  	_ =	shalt  }
0x7f: {  	_ =	shalt  }
0x80: {  	_ =	shalt  }
0x81: {  	_ =	shalt  }
0x82: {  	_ =	shalt  }
0x83: {  	_ =	shalt  }
0x84: {  	_ =	shalt  }
0x85: {  	_ =	shalt  }
0x86: {  	_ =	shalt  }
0x87: {  	_ =	shalt  }
.Lfunc_end0:
.L_simem_size_0:
called_computation_lowered:
.L_overlay_start_0:
0x88: {  	s2 =	sld [smem:$0x3FD9]  }
0x89: {  	s3 =	sld [smem:$0x3FFE];
	_ =	sdelay $0x1  }
0x8a: {  	s1 =	srdreg.scid  }
0x8b: {  	s0 =	sand.u32 $0x1, s1  }
0x8c: {  	s17 =	sshll.u32 s0, $0xA;
	s2 =	sadd.s32 s3, s2  }
0x8d: {  	s2 =	sadd.s32 s2, s17  }
0x8e: {  	[smem:$0x3FC0] =	sst s2  }
0x8f: {  	_ = 	snop  }
0x90: {  	s18 =	sld [smem:$0x3FC9]  }
0x91: {  	s4 =	sld [smem:$0x3FD0];
	(tm) =	ssettm $0x1  }
0x92: {  	s19 =	sld [smem:$0x3FFB];
	_ =	sdelay $0x3  }
0x93: {  	_ =	strace s19  }
0x94: {  	s2 =	sld [smem:$0x3FFC];
	_ =	sdelay $0x3  }
0x95: {  	_ =	strace s2  }
0x96: {  	s2 =	sld [smem:$0x3FFD];
	_ =	sdelay $0x3  }
0x97: {  	_ =	strace s2  }
0x98: {  	_ =	strace $0x8FFFFFFF  }
0x99: {  	s20 =	sld [smem:$0x3FDB];
	_ =	sdelay $0x1  }
0x9a: {  	s5 =	simm.s32 $_scs_section_size  }
0x9b: {  	s6 =	simm.s32 $_size__tile_overlayer_lowered;
	s7 =	simm.s32 $_tile_overlayer_lowered  }
0x9c: {  	s8 =	simm.s32 $0x1BFF;
	s21 =	sshll.u32 s7, $0x1;
	s5 =	sadd.s32 s5, s20  }
0x9d: {  	s22 =	simm.s32 $0x0;
	s6 =	sshll.u32 s6, $0x1;
	s7 =	sadd.s32 s21, s5  }
0x9e: {  	[timem:s22], [sflag:s8] =	dma.local [hbm:s7], s6  }
0x9f: {  	_ =	swait.ge [sflag:s8], s6  }
0xa0: {  	s6 =	ssub.s32 $0x0, s6;
	[sflag:s8] =	ssyncset.done $0x0  }
0xa1: {  	[sflag:s8] =	ssyncadd.s32 s6;
	_ =	sdelay $0x1  }
0xa2: {  	s23 =	simm.s32 $0x1B8B  }
0xa3: {  	_ =	swait.ge [sflag:s23], $0x1  }
0xa4: {  	[sflag:s23] =	ssyncset.done $0x0  }
0xa5: {  	[sflag:s23] =	ssyncadd.s32 $0xFFFFFFFF  }
0xa6: {  	s6 =	sld [smem:$0x0]  }
0xa7: {  	s7 =	sand.u32 $0xFFFFFFFE, s1  }
0xa8: {  	p0 =	sne.s32 s1, s7  }
0xa9: {  	s7 =	sshll.u32 @p0 s7, $0xE  }
0xaa: {  	s7 =	sadd.s32 @p0 $0x11B8D, s7;
	s8 =	sshll.u32 @p0 s6, $0x11  }
0xab: {  	s7 =	sor.u32 @p0 s8, s7  }
0xac: {  	[sflag:s7] =	ssyncadd.remote.s32 @p0 $0x1;
	_ =	sdelay $0x1  }
0xad: {  	s7 =	simm.s32 @p0 $0x1B8D  }
0xae: {  	_ =	swait.eq @p0 [sflag:s7], $0x1  }
0xaf: {  	[sflag:s7] =	ssyncadd.s32 @p0 $0xFFFFFFFF  }
0xb0: {  	s8 =	sshll.u32 @!p0 s1, $0xE  }
0xb1: {  	s8 =	sor.u32 @!p0 $0x4000, s8;
	s7 =	simm.s32 @!p0 $0x1B8D  }
0xb2: {  	s6 =	sshll.u32 @!p0 s6, $0x11;
	s8 =	sadd.s32 @!p0 $0x11B8D, s8;
	_ =	swait.eq @!p0 [sflag:s7], $0x1  }
0xb3: {  	s6 =	sor.u32 @!p0 s6, s8;
	[sflag:s7] =	ssyncadd.s32 @!p0 $0xFFFFFFFF  }
0xb4: {  	s25 =	simm.s32 $0x1B8E;
	s24 =	sld [smem:$0x3FFE];
	[sflag:s6] =	ssyncadd.remote.s32 @!p0 $0x1  }
0xb5: {  	s26 =	simm.s32 $execute0_lowered;
	[smem:$0x3FD2] =	sst s25  }
0xb6: {  	s7 =	sshll.u32 s26, $0x1;
	_ =	strace $0x80000049;
	[dreg:$0x1] =	wrdreg $0xFFFFFFFF  }
0xb7: {  	s28 =	simm.s32 $_size_execute0_lowered;
	s5 =	sadd.s32 s5, s7;
	[dreg:$0x0] =	wrdreg $0x0  }
0xb8: {  	s7 =	sshll.u32 s28, $0x1;
	[dreg:$0x2] =	wrdreg s5  }
0xb9: {  	[dreg:$0x3] =	wrdreg s7  }
0xba: {  	[dreg:$0x4] =	wrdreg $0xC0  }
0xbb: {  	_ =	task [dreg:s22], $0x5FFFF  }
0xbc: {  	[dreg:$0x1] =	wrdreg $0xFFFFFFFF  }
0xbd: {  	[dreg:$0x0] =	wrdreg $0x60  }
0xbe: {  	[dreg:$0x2] =	wrdreg s18  }
0xbf: {  	[dreg:$0x3] =	wrdreg s4  }
0xc0: {  	[dreg:$0x4] =	wrdreg s24  }
0xc1: {  	[dreg:$0x5] =	wrdreg $0x0  }
0xc2: {  	[dreg:$0x6] =	wrdreg $0x9  }
0xc3: {  	_ =	task.clear_ibuf [dreg:s22], $0x7FFFF;
	_ =	strace $0x90000049  }
0xc4: {  	s29 =	simm.s32 $0x9;
	_ =	strace $0x8000004B  }
0xc5: {  	_ =	swait.ge [sflag:s29], $0x1  }
0xc6: {  	[sflag:s29] =	ssyncadd.s32 $0xFFFFFFFF  }
0xc7: {  	_ =	strace $0x9000004B  }
0xc8: {  	_ =	sfence  }
0xc9: {  	s30 =	sld [smem:$0x0];
	_ =	sdelay $0x2  }
0xca: {  	s31 =	sshll.u32 s1, $0xD;
	s1 =	sshrl.u32 s1, $0x2  }
0xcb: {  	s4 =	sand.u32 $0x4000, s31;
	s1 =	sadd.s32 s1, s30  }
0xcc: {  	s0 =	sor.u32 s4, s0;
	s1 =	sshll.u32 s1, $0x11  }
0xcd: {  	s0 =	sor.u32 s1, s0  }
0xce: {  	s0 =	sadd.s32 $0x8F2B, s0  }
0xcf: {  	[sflag:s0] =	ssyncadd.remote.s32 $0x1  }
0xd0: {  	_ =	sfence.sel $0xFFFF  }
0xd1: {  	[dreg:$0x0] =	wrdreg $0xFFFFFFFF;
	(pc) =	sbr.abs _section_cstart, $3  }
0xd2: {  	[dreg:$0x1] =	wrdreg $0xFFFFFFFF  }
0xd3: {  	_ =	task.clear_ibuf [dreg:s22], $0x2FFFF;
	_ =	strace $0x9FFFFFFF  }
0xd4: {  	(tm) =	ssettm $0x7FFFFFFF  }
0xd5: {  	_ =	shalt  }
tec
execute0_lowered:
.L_overlay_start_1:
0x0: {  	(tag) =	ssettag $0x1  }
0x1: {  	s0 =	rddreg [dreg:$0x0]  }
0x2: {  	s9 =	rddreg [dreg:$0x1]  }
0x3: {  	s1 =	srdreg.scid;
	s2 =	rddreg [dreg:$0x2]  }
0x4: {  	s8 =	stileid.u32;
	s4 =	rddreg [dreg:$0x3];
	s28 =	simm.s32 $0x0  }
0x5: {  	s16 =	simm.s32 $0x13C00;
	s17 =	simm.s32 $0x4;
	s18 =	simm.s32 $0x1BC00  }
0x6: {  	s10 =	simm.s32 $0x1D100;
	s11 =	simm.s32 $0x1D180;
	s12 =	simm.s32 $0x1D200  }
0x7: {  	s13 =	simm.s32 $0x1D280;
	s14 =	simm.s32 $0x1D300;
	s5 =	smul.u32 $0x13C00, s8  }
0x8: {  	s15 =	simm.s32 $0x1D380;
	s1 =	sand.u32 $0x1, s1;
	s20 =	smul.u32 $0x4F000, s8  }
0x9: {  	[smem:$0x7FF] =	sst s28;
	s3 =	smul.u32 $0x13C000, s1;
	s6 =	sshll.u32 s1, $0x4  }
0xa: {  	_ =	strace $0x8000004A;
	s1 =	ssub.s32 $0x2, s1;
	s7 =	sor.u32 s8, s6  }
0xb: {  	s22 =	sshrl.u32 s20, $0x2;
	s23 =	sshrl.u32 s1, $0x1;
	s8 =	simm.s32 $0x1D000  }
0xc: {  	s20 =	simm.s32 $0x3;
	s3 =	sadd.s32 s5, s3;
	s19 =	smul.u32 $0x4E, s7  }
0xd: {  	s21 =	smin.u32 s7, $0x4;
	s30 =	sadd.s32 s22, s4;
	s1 =	ssub.s32 s1, s23  }
0xe: {  	p0 =	sgt.u32 s7, $0x3;
	s24 =	sadd.s32 $0x4000, s30;
	[dreg:$0x6] =	wrdreg s30  }
0xf: {  	s7 =	simm.s32 $0x1D400;
	s5 =	sadd.s32 $0x8000, s30;
	[dreg:$0x7] =	wrdreg s24  }
0x10: {  	s22 =	simm.s32 $0x1;
	s26 =	sadd.s32 $0xC000, s30;
	[dreg:$0x8] =	wrdreg s5  }
0x11: {  	s23 =	simm.s32 $0x17C00;
	s29 =	sadd.s32 $0x10000, s30;
	[dreg:$0x9] =	wrdreg s26  }
0x12: {  	s3 =	sshrl.u32 s3, $0x3;
	s1 =	smax.u32 s1, $0x1;
	[dreg:$0xa] =	wrdreg s29  }
0x13: {  	s2 =	sadd.s32 s3, s2;
	s3 =	sadd.s32 s21, s19;
	[dreg:$0xe] =	wrdreg s1  }
0x14: {  	s1 =	simm.s32 $0x1CF80;
	s5 =	simm.s32 $0x1D480;
	s6 =	sshll.u32 s3, $0x7  }
0x15: {  	s19 =	simm.s32 $0x1D580;
	s21 =	simm.s32 $0x80;
	s25 =	sshrl.u32 s6, $0x3  }
0x16: {  	s24 =	simm.s32 $0x5;
	s2 =	sadd.s32 $0x50600, s2;
	s3 =	sadd.s32 s9, s25  }
0x17: {  	s26 =	simm.s32 $0x1C880;
	[dreg:$0xd] =	wrdreg s2;
	s31 =	sadd.s32 $0x4E0, s3  }
0x18: {  	s2 =	simm.s32 $0x1D500;
	s3 =	sadd.s32 $0xA120, s3;
	[dreg:$0xb] =	wrdreg s31  }
0x19: {  	v0 =	vimm.f32 $0.0e+00;
	s9 =	simm.s32 $0x1D080;
	s25 =	simm.s32 $0x2;
	[dreg:$0xc] =	wrdreg s3  }
.LBB2_1:
0x1a: {  	[dreg:$0x5] =	wrdreg s28;
	s28 =	simm.s32 $0x0;
	s29 =	simm.s32 $0x200  }
.LBB2_2:
0x1b: {  	p1 =	sne.s32 s29, $0xFE00;
	[tilespmem:s28+$0x13C70] =	vst v0  }
0x1c: {  	[tilespmem:s28+$0x13C00] =	vst v0  }
0x1d: {  	[tilespmem:s28+$0x13C10] =	vst v0  }
.Ltmp0:
0x1e: {  	[tilespmem:s28+$0x13C20] =	vst v0;
	(pc) =	sbr.rel @p1 .LBB2_2-.Ltmp0, $4  }
0x1f: {  	[tilespmem:s28+$0x13C30] =	vst v0  }
0x20: {  	[tilespmem:s28+$0x13C40] =	vst v0  }
0x21: {  	[tilespmem:s28+$0x13C50] =	vst v0  }
0x22: {  	[tilespmem:s28+$0x13C60] =	vst v0;
	s28 =	sshra.s32 s29, $0x2;
	s29 =	sadd.s32 $0x200, s29  }
0x23: {  	[tilespmem:s28+$0x13C70] =	vst v0  }
0x24: {  	[tilespmem:s28+$0x13C00] =	vst v0  }
0x25: {  	[tilespmem:s28+$0x13C10] =	vst v0  }
0x26: {  	[tilespmem:s28+$0x13C20] =	vst v0  }
0x27: {  	[tilespmem:s28+$0x13C30] =	vst v0  }
0x28: {  	[tilespmem:s28+$0x13C40] =	vst v0  }
0x29: {  	[tilespmem:s28+$0x13C50] =	vst v0  }
0x2a: {  	[tilespmem:s28+$0x13C60] =	vst v0  }
0x2b: {  	[spmem:s30] =	stream.linear.scatter [tilespmem:s16], [sflag:$0x4], $0x4000, $0x38;
	[tilespmem:$0x1DA00] =	vst v63  }
0x2c: {  	_ =	swait.ge [sflag:s17], $0x4000  }
0x2d: {  	[sflag:s17] =	ssyncset.done $0x0  }
0x2e: {  	s3 =	rddreg [dreg:$0x7];
	[sflag:s17] =	ssyncadd.s32 $0xFFFFC000  }
0x2f: {  	[spmem:s3] =	stream.linear.scatter [tilespmem:s16], [sflag:$0x4], $0x4000, $0x38;
	[tilespmem:$0x1DA00] =	vst v63  }
0x30: {  	_ =	swait.ge [sflag:s17], $0x4000  }
0x31: {  	[sflag:s17] =	ssyncset.done $0x0  }
0x32: {  	s31 =	rddreg [dreg:$0x8];
	[sflag:s17] =	ssyncadd.s32 $0xFFFFC000  }
0x33: {  	[spmem:s31] =	stream.linear.scatter [tilespmem:s16], [sflag:$0x4], $0x4000, $0x38;
	[tilespmem:$0x1DA00] =	vst v63  }
0x34: {  	_ =	swait.ge [sflag:s17], $0x4000  }
0x35: {  	[sflag:s17] =	ssyncset.done $0x0  }
0x36: {  	s30 =	rddreg [dreg:$0x9];
	[sflag:s17] =	ssyncadd.s32 $0xFFFFC000  }
0x37: {  	[spmem:s30] =	stream.linear.scatter [tilespmem:s16], [sflag:$0x4], $0x4000, $0x38;
	[tilespmem:$0x1DA00] =	vst v63  }
0x38: {  	_ =	swait.ge [sflag:s17], $0x4000  }
0x39: {  	[sflag:s17] =	ssyncset.done $0x0  }
0x3a: {  	s31 =	rddreg [dreg:$0xa];
	[sflag:s17] =	ssyncadd.s32 $0xFFFFC000  }
0x3b: {  	[spmem:s31] =	stream.linear.scatter [tilespmem:s16], [sflag:$0x4], $0x3C00, $0x38;
	[tilespmem:$0x1DA00] =	vst v63  }
0x3c: {  	_ =	swait.ge [sflag:s17], $0x3C00  }
0x3d: {  	[sflag:s17] =	ssyncset.done $0x0  }
0x3e: {  	[sflag:s17] =	ssyncadd.s32 $0xFFFFC400  }
0x3f: {  	s28 =	simm.s32 $0x0;
	s29 =	simm.s32 $0x0;
	[bflag:$0x0] =	sbarrier.arrive $0xFFFF  }
.LBB2_4:
0x40: {  	s30 =	smul.u32 $0xD00, s29;
	_ =	sdelay $0x1  }
0x41: {  	s30 =	sadd.s32 s6, s30  }
0x42: {  	s3 =	rddreg [dreg:$0x1];
	s30 =	sshrl.u32 s30, $0x3  }
0x43: {  	s30 =	sadd.s32 s3, s30  }
0x44: {  	[tilespmem:s18], [sflag:$0x4] =	stream.linear.gather [hbm4b:s30+s28], $0xD00, $0x38;
	[tilespmem:$0x1DA00] =	vst v63  }
0x45: {  	_ =	swait.ge [sflag:s17], $0xD00  }
0x46: {  	[sflag:s17] =	ssyncset.done $0x0  }
0x47: {  	s3 =	simm.s32 $0x1C900;
	s31 =	sadd.s32 $0x9C40, s30;
	[sflag:s17] =	ssyncadd.s32 $0xFFFFF300  }
0x48: {  	[tilespmem:s3], [sflag:$0x3] =	stream.linear.gather [hbm4b:s31+s28], $0x80, $0x38;
	[tilespmem:$0x1DA00] =	vst v63  }
0x49: {  	s31 =	sadd.s32 $0x9C50, s30;
	s3 =	simm.s32 $0x1C980  }
0x4a: {  	[tilespmem:s3], [sflag:$0x3] =	stream.linear.gather [hbm4b:s31+s28], $0x80, $0x38;
	[tilespmem:$0x1DA00] =	vst v63  }
0x4b: {  	s31 =	sadd.s32 $0x9C60, s30;
	s3 =	simm.s32 $0x1CA00  }
0x4c: {  	[tilespmem:s3], [sflag:$0x3] =	stream.linear.gather [hbm4b:s31+s28], $0x80, $0x38;
	[tilespmem:$0x1DA00] =	vst v63  }
0x4d: {  	s31 =	sadd.s32 $0x9C70, s30;
	s3 =	simm.s32 $0x1CA80  }
0x4e: {  	[tilespmem:s3], [sflag:$0x3] =	stream.linear.gather [hbm4b:s31+s28], $0x80, $0x38;
	[tilespmem:$0x1DA00] =	vst v63  }
0x4f: {  	s31 =	sadd.s32 $0x9C80, s30;
	s3 =	simm.s32 $0x1CB00  }
0x50: {  	[tilespmem:s3], [sflag:$0x3] =	stream.linear.gather [hbm4b:s31+s28], $0x80, $0x38;
	[tilespmem:$0x1DA00] =	vst v63  }
0x51: {  	s31 =	sadd.s32 $0x9C90, s30;
	s3 =	simm.s32 $0x1CB80  }
0x52: {  	[tilespmem:s3], [sflag:$0x3] =	stream.linear.gather [hbm4b:s31+s28], $0x80, $0x38;
	[tilespmem:$0x1DA00] =	vst v63  }
0x53: {  	s31 =	sadd.s32 $0x9CA0, s30;
	s3 =	simm.s32 $0x1CC00  }
0x54: {  	[tilespmem:s3], [sflag:$0x3] =	stream.linear.gather [hbm4b:s31+s28], $0x80, $0x38;
	[tilespmem:$0x1DA00] =	vst v63  }
0x55: {  	s31 =	sadd.s32 $0x9CB0, s30;
	s3 =	simm.s32 $0x1CC80  }
0x56: {  	[tilespmem:s3], [sflag:$0x3] =	stream.linear.gather [hbm4b:s31+s28], $0x80, $0x38;
	[tilespmem:$0x1DA00] =	vst v63  }
0x57: {  	s31 =	sadd.s32 $0x9CC0, s30;
	s3 =	simm.s32 $0x1CD00  }
0x58: {  	[tilespmem:s3], [sflag:$0x3] =	stream.linear.gather [hbm4b:s31+s28], $0x80, $0x38;
	[tilespmem:$0x1DA00] =	vst v63  }
0x59: {  	s31 =	sadd.s32 $0x9CD0, s30;
	s3 =	simm.s32 $0x1CD80  }
0x5a: {  	[tilespmem:s3], [sflag:$0x3] =	stream.linear.gather [hbm4b:s31+s28], $0x80, $0x38;
	[tilespmem:$0x1DA00] =	vst v63  }
0x5b: {  	s31 =	sadd.s32 $0x9CE0, s30;
	s3 =	simm.s32 $0x1CE00  }
0x5c: {  	[tilespmem:s3], [sflag:$0x3] =	stream.linear.gather [hbm4b:s31+s28], $0x80, $0x38;
	[tilespmem:$0x1DA00] =	vst v63  }
0x5d: {  	s31 =	sadd.s32 $0x9CF0, s30;
	s3 =	simm.s32 $0x1CE80  }
0x5e: {  	[tilespmem:s3], [sflag:$0x3] =	stream.linear.gather [hbm4b:s31+s28], $0x80, $0x38;
	[tilespmem:$0x1DA00] =	vst v63  }
0x5f: {  	s31 =	sadd.s32 $0x9D00, s30;
	s3 =	simm.s32 $0x1CF00  }
0x60: {  	[tilespmem:s3], [sflag:$0x3] =	stream.linear.gather [hbm4b:s31+s28], $0x80, $0x38;
	[tilespmem:$0x1DA00] =	vst v63  }
0x61: {  	s3 =	sadd.s32 $0x9D10, s30  }
0x62: {  	[tilespmem:s1], [sflag:$0x3] =	stream.linear.gather [hbm4b:s3+s28], $0x80, $0x38;
	[tilespmem:$0x1DA00] =	vst v63  }
0x63: {  	s3 =	sadd.s32 $0x9D20, s30  }
0x64: {  	[tilespmem:s8], [sflag:$0x3] =	stream.linear.gather [hbm4b:s3+s28], $0x80, $0x38;
	[tilespmem:$0x1DA00] =	vst v63  }
0x65: {  	s3 =	sadd.s32 $0x9D30, s30  }
0x66: {  	[tilespmem:s9], [sflag:$0x3] =	stream.linear.gather [hbm4b:s3+s28], $0x80, $0x38;
	[tilespmem:$0x1DA00] =	vst v63  }
0x67: {  	s3 =	sadd.s32 $0x9D40, s30  }
0x68: {  	[tilespmem:s10], [sflag:$0x3] =	stream.linear.gather [hbm4b:s3+s28], $0x80, $0x38;
	[tilespmem:$0x1DA00] =	vst v63  }
0x69: {  	s3 =	sadd.s32 $0x9D50, s30  }
0x6a: {  	[tilespmem:s11], [sflag:$0x3] =	stream.linear.gather [hbm4b:s3+s28], $0x80, $0x38;
	[tilespmem:$0x1DA00] =	vst v63  }
0x6b: {  	s3 =	sadd.s32 $0x9D60, s30  }
0x6c: {  	[tilespmem:s12], [sflag:$0x3] =	stream.linear.gather [hbm4b:s3+s28], $0x80, $0x38;
	[tilespmem:$0x1DA00] =	vst v63  }
0x6d: {  	s3 =	sadd.s32 $0x9D70, s30  }
0x6e: {  	[tilespmem:s13], [sflag:$0x3] =	stream.linear.gather [hbm4b:s3+s28], $0x80, $0x38;
	[tilespmem:$0x1DA00] =	vst v63  }
0x6f: {  	s3 =	sadd.s32 $0x9D80, s30  }
0x70: {  	[tilespmem:s14], [sflag:$0x3] =	stream.linear.gather [hbm4b:s3+s28], $0x80, $0x38;
	[tilespmem:$0x1DA00] =	vst v63  }
0x71: {  	s3 =	sadd.s32 $0x9D90, s30  }
0x72: {  	[tilespmem:s15], [sflag:$0x3] =	stream.linear.gather [hbm4b:s3+s28], $0x80, $0x38;
	[tilespmem:$0x1DA00] =	vst v63  }
0x73: {  	s3 =	sadd.s32 $0x9DA0, s30  }
0x74: {  	[tilespmem:s7], [sflag:$0x3] =	stream.linear.gather [hbm4b:s3+s28], $0x80, $0x38;
	[tilespmem:$0x1DA00] =	vst v63  }
0x75: {  	s3 =	sadd.s32 $0x9DB0, s30  }
0x76: {  	[tilespmem:s5], [sflag:$0x3] =	stream.linear.gather [hbm4b:s3+s28], $0x80, $0x38;
	[tilespmem:$0x1DA00] =	vst v63  }
0x77: {  	s3 =	sadd.s32 $0x9DC0, s30  }
0x78: {  	[tilespmem:s2], [sflag:$0x3] =	stream.linear.gather [hbm4b:s3+s28], $0x80, $0x38;
	[tilespmem:$0x1DA00] =	vst v63  }
0x79: {  	s30 =	sadd.s32 $0x9DD0, s30  }
0x7a: {  	[tilespmem:s19], [sflag:$0x3] =	stream.linear.gather [hbm4b:s30+s28], $0x80, $0x38;
	[tilespmem:$0x1DA00] =	vst v63  }
0x7b: {  	_ =	swait.ge [sflag:s20], $0x80  }
0x7c: {  	[sflag:s20] =	ssyncset.done $0x0  }
0x7d: {  	[sflag:s20] =	ssyncadd.s32 $0xFFFFFF80  }
0x7e: {  	_ =	swait.ge [sflag:s20], $0x80  }
0x7f: {  	[sflag:s20] =	ssyncset.done $0x0  }
0x80: {  	[sflag:s20] =	ssyncadd.s32 $0xFFFFFF80  }
0x81: {  	_ =	swait.ge [sflag:s20], $0x80  }
0x82: {  	[sflag:s20] =	ssyncset.done $0x0  }
0x83: {  	[sflag:s20] =	ssyncadd.s32 $0xFFFFFF80  }
0x84: {  	_ =	swait.ge [sflag:s20], $0x80  }
0x85: {  	[sflag:s20] =	ssyncset.done $0x0  }
0x86: {  	[sflag:s20] =	ssyncadd.s32 $0xFFFFFF80  }
0x87: {  	_ =	swait.ge [sflag:s20], $0x80  }
0x88: {  	[sflag:s20] =	ssyncset.done $0x0  }
0x89: {  	[sflag:s20] =	ssyncadd.s32 $0xFFFFFF80  }
0x8a: {  	_ =	swait.ge [sflag:s20], $0x80  }
0x8b: {  	[sflag:s20] =	ssyncset.done $0x0  }
0x8c: {  	[sflag:s20] =	ssyncadd.s32 $0xFFFFFF80  }
0x8d: {  	_ =	swait.ge [sflag:s20], $0x80  }
0x8e: {  	[sflag:s20] =	ssyncset.done $0x0  }
0x8f: {  	[sflag:s20] =	ssyncadd.s32 $0xFFFFFF80  }
0x90: {  	_ =	swait.ge [sflag:s20], $0x80  }
0x91: {  	[sflag:s20] =	ssyncset.done $0x0  }
0x92: {  	[sflag:s20] =	ssyncadd.s32 $0xFFFFFF80  }
0x93: {  	_ =	swait.ge [sflag:s20], $0x80  }
0x94: {  	[sflag:s20] =	ssyncset.done $0x0  }
0x95: {  	[sflag:s20] =	ssyncadd.s32 $0xFFFFFF80  }
0x96: {  	_ =	swait.ge [sflag:s20], $0x80  }
0x97: {  	[sflag:s20] =	ssyncset.done $0x0  }
0x98: {  	[sflag:s20] =	ssyncadd.s32 $0xFFFFFF80  }
0x99: {  	_ =	swait.ge [sflag:s20], $0x80  }
0x9a: {  	[sflag:s20] =	ssyncset.done $0x0  }
0x9b: {  	[sflag:s20] =	ssyncadd.s32 $0xFFFFFF80  }
0x9c: {  	_ =	swait.ge [sflag:s20], $0x80  }
0x9d: {  	[sflag:s20] =	ssyncset.done $0x0  }
0x9e: {  	[sflag:s20] =	ssyncadd.s32 $0xFFFFFF80  }
0x9f: {  	_ =	swait.ge [sflag:s20], $0x80  }
0xa0: {  	[sflag:s20] =	ssyncset.done $0x0  }
0xa1: {  	[sflag:s20] =	ssyncadd.s32 $0xFFFFFF80  }
0xa2: {  	_ =	swait.ge [sflag:s20], $0x80  }
0xa3: {  	[sflag:s20] =	ssyncset.done $0x0  }
0xa4: {  	[sflag:s20] =	ssyncadd.s32 $0xFFFFFF80  }
0xa5: {  	_ =	swait.ge [sflag:s20], $0x80  }
0xa6: {  	[sflag:s20] =	ssyncset.done $0x0  }
0xa7: {  	[sflag:s20] =	ssyncadd.s32 $0xFFFFFF80  }
0xa8: {  	_ =	swait.ge [sflag:s20], $0x80  }
0xa9: {  	[sflag:s20] =	ssyncset.done $0x0  }
0xaa: {  	[sflag:s20] =	ssyncadd.s32 $0xFFFFFF80  }
0xab: {  	_ =	swait.ge [sflag:s20], $0x80  }
0xac: {  	[sflag:s20] =	ssyncset.done $0x0  }
0xad: {  	[sflag:s20] =	ssyncadd.s32 $0xFFFFFF80  }
0xae: {  	_ =	swait.ge [sflag:s20], $0x80  }
0xaf: {  	[sflag:s20] =	ssyncset.done $0x0  }
0xb0: {  	[sflag:s20] =	ssyncadd.s32 $0xFFFFFF80  }
0xb1: {  	_ =	swait.ge [sflag:s20], $0x80  }
0xb2: {  	[sflag:s20] =	ssyncset.done $0x0  }
0xb3: {  	[sflag:s20] =	ssyncadd.s32 $0xFFFFFF80  }
0xb4: {  	_ =	swait.ge [sflag:s20], $0x80  }
0xb5: {  	[sflag:s20] =	ssyncset.done $0x0  }
0xb6: {  	[sflag:s20] =	ssyncadd.s32 $0xFFFFFF80  }
0xb7: {  	_ =	swait.ge [sflag:s20], $0x80  }
0xb8: {  	[sflag:s20] =	ssyncset.done $0x0  }
0xb9: {  	[sflag:s20] =	ssyncadd.s32 $0xFFFFFF80  }
0xba: {  	_ =	swait.ge [sflag:s20], $0x80  }
0xbb: {  	[sflag:s20] =	ssyncset.done $0x0  }
0xbc: {  	[sflag:s20] =	ssyncadd.s32 $0xFFFFFF80  }
0xbd: {  	_ =	swait.ge [sflag:s20], $0x80  }
0xbe: {  	[sflag:s20] =	ssyncset.done $0x0  }
0xbf: {  	[sflag:s20] =	ssyncadd.s32 $0xFFFFFF80  }
0xc0: {  	_ =	swait.ge [sflag:s20], $0x80  }
0xc1: {  	[sflag:s20] =	ssyncset.done $0x0  }
0xc2: {  	[sflag:s20] =	ssyncadd.s32 $0xFFFFFF80  }
0xc3: {  	_ =	swait.ge [sflag:s20], $0x80  }
0xc4: {  	[sflag:s20] =	ssyncset.done $0x0  }
0xc5: {  	[sflag:s20] =	ssyncadd.s32 $0xFFFFFF80  }
0xc6: {  	_ =	swait.ge [sflag:s20], $0x80  }
0xc7: {  	[sflag:s20] =	ssyncset.done $0x0  }
0xc8: {  	[sflag:s20] =	ssyncadd.s32 $0xFFFFFF80  }
0xc9: {  	[tilespmem:s16], [sflag:$0x1] =	stream.indirect.gather [hbm4b:s0+s21], $0x80, s18, s21, $0xb8;
	[tilespmem:$0x1DA00] =	vst v63  }
0xca: {  	_ =	swait.ge [sflag:s22], $0x4000  }
0xcb: {  	[sflag:s22] =	ssyncset.done $0x0  }
0xcc: {  	s30 =	simm.s32 $0x1BC80;
	[sflag:s22] =	ssyncadd.s32 $0xFFFFC000  }
0xcd: {  	[tilespmem:s23], [sflag:$0x2] =	stream.indirect.gather [hbm4b:s0+s21], $0x80, s30, s21, $0xb8;
	[tilespmem:$0x1DA00] =	vst v63  }
0xce: {  	s30 =	simm.s32 $0x1C900  }
0xcf: {  	[spmem:s4] =	stream.indirect.scatter.add.f32 [tilespmem:s16], [sflag:$0x5], $0x80, s30, s21, $0xb8;
	[tilespmem:$0x1DA00] =	vst v63  }
0xd0: {  	_ =	swait.ge [sflag:s24], $0x4000  }
0xd1: {  	[sflag:s24] =	ssyncset.done $0x0  }
0xd2: {  	[sflag:s24] =	ssyncadd.s32 $0xFFFFC000  }
0xd3: {  	_ =	swait.ge [sflag:s25], $0x4000  }
0xd4: {  	[sflag:s25] =	ssyncset.done $0x0  }
0xd5: {  	s30 =	simm.s32 $0x1BD00;
	[sflag:s25] =	ssyncadd.s32 $0xFFFFC000  }
0xd6: {  	[tilespmem:s16], [sflag:$0x1] =	stream.indirect.gather [hbm4b:s0+s21], $0x80, s30, s21, $0xb8;
	[tilespmem:$0x1DA00] =	vst v63  }
0xd7: {  	s30 =	simm.s32 $0x1C980  }
0xd8: {  	[spmem:s4] =	stream.indirect.scatter.add.f32 [tilespmem:s23], [sflag:$0x4], $0x80, s30, s21, $0xb8;
	[tilespmem:$0x1DA00] =	vst v63  }
0xd9: {  	_ =	swait.ge [sflag:s17], $0x4000  }
0xda: {  	s30 =	simm.s32 $0x400;
	[sflag:s17] =	ssyncset.done $0x0  }
.LBB2_5:
0xdb: {  	p1 =	sne.s32 s30, $0x2C00  }
0xdc: {  	[sflag:s17] =	ssyncadd.s32 $0xFFFFC000;
	s31 =	smov.u32 s30;
	s30 =	sadd.s32 $0x400, s30  }
0xdd: {  	_ = 	snop  }
0xde: {  	_ =	swait.ge [sflag:s22], $0x4000  }
0xdf: {  	s31 =	sshra.s32 s31, $0x2;
	[sflag:s22] =	ssyncset.done $0x0  }
0xe0: {  	s3 =	sadd.s32 $0x1BC80, s31;
	[sflag:s22] =	ssyncadd.s32 $0xFFFFC000  }
0xe1: {  	[tilespmem:s23], [sflag:$0x2] =	stream.indirect.gather [hbm4b:s0+s21], $0x80, s3, s21, $0xb8;
	[tilespmem:$0x1DA00] =	vst v63  }
0xe2: {  	s3 =	sadd.s32 $0x1C900, s31  }
0xe3: {  	[spmem:s4] =	stream.indirect.scatter.add.f32 [tilespmem:s16], [sflag:$0x5], $0x80, s3, s21, $0xb8;
	[tilespmem:$0x1DA00] =	vst v63  }
0xe4: {  	_ =	swait.ge [sflag:s24], $0x4000  }
0xe5: {  	[sflag:s24] =	ssyncset.done $0x0  }
0xe6: {  	[sflag:s24] =	ssyncadd.s32 $0xFFFFC000  }
0xe7: {  	_ =	swait.ge [sflag:s25], $0x4000  }
0xe8: {  	[sflag:s25] =	ssyncset.done $0x0  }
0xe9: {  	s3 =	sadd.s32 $0x1BD00, s31;
	[sflag:s25] =	ssyncadd.s32 $0xFFFFC000  }
0xea: {  	[tilespmem:s16], [sflag:$0x1] =	stream.indirect.gather [hbm4b:s0+s21], $0x80, s3, s21, $0xb8;
	[tilespmem:$0x1DA00] =	vst v63  }
.Ltmp1:
0xeb: {  	_ = 	snop;
	(pc) =	sbr.rel @p1 .LBB2_5-.Ltmp1, $4  }
0xec: {  	s3 =	sadd.s32 $0x1C980, s31  }
0xed: {  	[spmem:s4] =	stream.indirect.scatter.add.f32 [tilespmem:s23], [sflag:$0x4], $0x80, s3, s21, $0xb8;
	[tilespmem:$0x1DA00] =	vst v63  }
0xee: {  	_ =	swait.ge [sflag:s17], $0x4000  }
0xef: {  	[sflag:s17] =	ssyncset.done $0x0  }
0xf0: {  	[sflag:s17] =	ssyncadd.s32 $0xFFFFC000  }
0xf1: {  	_ =	swait.ge [sflag:s22], $0x4000  }
0xf2: {  	[sflag:s22] =	ssyncset.done $0x0  }
0xf3: {  	[sflag:s22] =	ssyncadd.s32 $0xFFFFC000  }
0xf4: {  	[tilespmem:s23], [sflag:$0x2] =	stream.indirect.gather [hbm4b:s0+s21], $0x80, s26, s21, $0xb8;
	[tilespmem:$0x1DA00] =	vst v63  }
0xf5: {  	_ = 	snop  }
0xf6: {  	[spmem:s4] =	stream.indirect.scatter.add.f32 [tilespmem:s16], [sflag:$0x5], $0x80, s2, s21, $0xb8;
	[tilespmem:$0x1DA00] =	vst v63  }
0xf7: {  	_ =	swait.ge [sflag:s24], $0x4000  }
0xf8: {  	[sflag:s24] =	ssyncset.done $0x0  }
0xf9: {  	[sflag:s24] =	ssyncadd.s32 $0xFFFFC000  }
0xfa: {  	s29 =	sadd.s32 $0x1, s29;
	_ =	swait.ge [sflag:s25], $0x4000  }
0xfb: {  	p1 =	sne.s32 s29, $0x3;
	[sflag:s25] =	ssyncset.done $0x0  }
.Ltmp2:
0xfc: {  	[sflag:s25] =	ssyncadd.s32 $0xFFFFC000;
	(pc) =	sbr.rel @p1 .LBB2_4-.Ltmp2, $4  }
0xfd: {  	[spmem:s4] =	stream.indirect.scatter.add.f32 [tilespmem:s23], [sflag:$0x4], $0x80, s19, s21, $0xb8;
	[tilespmem:$0x1DA00] =	vst v63  }
0xfe: {  	_ =	swait.ge [sflag:s17], $0x4000  }
0xff: {  	[sflag:s17] =	ssyncset.done $0x0  }
0x100: {  	[sflag:s17] =	ssyncadd.s32 $0xFFFFC000  }
0x101: {  	s3 =	simm.s32 @!p0 $0x0;
	s28 =	simm.s32 @!p0 $0x1D900;
	s29 =	rddreg [dreg:$0xb]  }
0x102: {  	[tilespmem:s28], [sflag:$0x4] =	stream.linear.gather @!p0 [hbm4b:s29+s3], $0x80, $0x38;
	[tilespmem:$0x1DA00] =	vst v63  }
0x103: {  	s29 =	simm.s32 @!p0 $0x4  }
0x104: {  	_ =	swait.ge @!p0 [sflag:s29], $0x80  }
0x105: {  	[sflag:s29] =	ssyncset.done @!p0 $0x0  }
0x106: {  	s30 =	simm.s32 @!p0 $0x1D980;
	s31 =	rddreg [dreg:$0xc];
	[sflag:s29] =	ssyncadd.s32 @!p0 $0xFFFFFF80  }
0x107: {  	[tilespmem:s30], [sflag:$0x4] =	stream.linear.gather @!p0 [hbm4b:s31+s3], $0x80, $0x38;
	[tilespmem:$0x1DA00] =	vst v63  }
0x108: {  	_ =	swait.ge @!p0 [sflag:s29], $0x80  }
0x109: {  	[sflag:s29] =	ssyncset.done @!p0 $0x0  }
0x10a: {  	s3 =	simm.s32 @!p0 $0x80;
	s31 =	simm.s32 @!p0 $0x13C00;
	[sflag:s29] =	ssyncadd.s32 @!p0 $0xFFFFFF80  }
0x10b: {  	[tilespmem:s31], [sflag:$0x1] =	stream.indirect.gather @!p0 [hbm4b:s0+s3], $0x80, s28, s3, $0xb8;
	[tilespmem:$0x1DA00] =	vst v63  }
0x10c: {  	s28 =	simm.s32 @!p0 $0x1  }
0x10d: {  	_ =	swait.ge @!p0 [sflag:s28], $0x4000  }
0x10e: {  	[sflag:s28] =	ssyncset.done @!p0 $0x0  }
0x10f: {  	[sflag:s28] =	ssyncadd.s32 @!p0 $0xFFFFC000  }
0x110: {  	[spmem:s4] =	stream.indirect.scatter.add.f32 @!p0 [tilespmem:s31], [sflag:$0x4], $0x80, s30, s3, $0xb8;
	[tilespmem:$0x1DA00] =	vst v63  }
0x111: {  	_ =	swait.ge @!p0 [sflag:s29], $0x4000  }
0x112: {  	[sflag:s29] =	ssyncset.done @!p0 $0x0  }
0x113: {  	[sflag:s29] =	ssyncadd.s32 @!p0 $0xFFFFC000  }
0x114: {  	s29 =	stileid.u32;
	[bflag:$0x0] =	sbarrier.arrive $0xFFFF  }
0x115: {  	s3 =	sshll.u32 s29, $0x6;
	s30 =	rddreg [dreg:$0x6]  }
0x116: {  	s3 =	sor.u32 $0x1C04, s3;
	s31 =	rddreg [dreg:$0xd];
	s28 =	sshrl.u32 s30, $0x3  }
0x117: {  	[hbm:s31], [sflag:s3] =	dma.local [spmem:s28], $0x2780  }
0x118: {  	_ =	swait.ge [sflag:s17], $0x2780  }
0x119: {  	s28 =	rddreg [dreg:$0x5]  }
0x11a: {  	s31 =	rddreg [dreg:$0xe];
	s28 =	sadd.s32 $0x1, s28  }
0x11b: {  	p1 =	sne.s32 s28, s31  }
.Ltmp3:
0x11c: {  	_ = 	snop;
	(pc) =	sbr.rel @p1 .LBB2_1-.Ltmp3, $3  }
0x11d: {  	_ =	sdelay $0x1  }
0x11e: {  	[sflag:s17] =	ssyncset.done $0x0  }
0x11f: {  	[sflag:s17] =	ssyncadd.s32 $0xFFFFD880  }
0x120: {  	_ =	sfence.sel $0x180000  }
0x121: {  	[bflag:$0x0] =	sbarrier.arrive $0xFFFF  }
0x122: {  	_ =	strace $0x9000004A  }
0x123: {  	s0 =	stileid.u32;
	[bflag:$0x2] =	sbarrier.arrive $0xFFFF  }
0x124: {  	p0 =	sne.s32 s0, $0x0;
	s0 =	rddreg [dreg:$0x4]  }
0x125: {  	s0 =	sadd.s32 @!p0 $0x100000, s0  }
0x126: {  	[sflag:s0] =	ssyncadd.tile.s32 @!p0 $0x1;
	_ =	shalt  }
.Lfunc_end2:
_tile_overlayer_lowered:
.L_overlay_start_2:
0x127: {  	(tag) =	ssettag $0x2  }
0x128: {  	s0 =	rddreg [dreg:$0x0];
	s2 =	stileid.u32  }
0x129: {  	s1 =	rddreg [dreg:$0x1];
	p0 =	sne.s32 s2, $0x0  }
0x12a: {  	s3 =	rddreg [dreg:$0x2];
	[bflag:$0x3] =	sbarrier.arrive $0xFFFF;
	s2 =	simm.s32 @!p0 $0x1C04  }
0x12b: {  	[timem:s3], [sflag:s2] =	dma.local @!p0 [hbm:s0], s1  }
0x12c: {  	s0 =	simm.s32 @!p0 $0x4  }
0x12d: {  	_ =	swait.ge @!p0 [sflag:s0], s1  }
0x12e: {  	s1 =	ssub.s32 @!p0 $0x0, s1;
	[sflag:s0] =	ssyncset.done @!p0 $0x0  }
0x12f: {  	[sflag:s0] =	ssyncadd.s32 @!p0 s1  }
0x130: {  	[bflag:$0x3] =	sbarrier.arrive $0xFFFF  }
0x131: {  	_ =	shalt  }

// kernel: kernel.8.cloned.1.call-start
scs
__scs_entry_jumppad:
0x0: {  	(pc) =	sbr.rel $0x88, $3  }
0x1: {  	(tag) =	ssettag $0x0;
	lr =	simm.s32 $0x1  }
0x2: {  	[smem:$0x3F99] =	sst lr;
	_ =	strace $0xD0000000  }
0x3: {  	_ = 	snop  }
0x4: {  	_ = 	snop  }
0x5: {  	_ = 	snop  }
0x6: {  	_ = 	snop  }
0x7: {  	_ = 	snop  }
__scs_overlays_trampoline_lowered:
0x8: {  	[smem:$0x3FA8] =	sst s0  }
0x9: {  	[smem:$0x3FA9] =	sst s1  }
0xa: {  	[smem:$0x3FAA] =	sst s2  }
0xb: {  	[smem:$0x3FAB] =	sst s3  }
0xc: {  	[smem:$0x3FAC] =	sst s4  }
0xd: {  	[smem:$0x3FAD] =	sst s5  }
0xe: {  	[smem:$0x3FAE] =	sst s6  }
0xf: {  	[smem:$0x3FAF] =	sst s7  }
0x10: {  	[smem:$0x3FB0] =	sst s8  }
0x11: {  	[smem:$0x3FB1] =	sst s9;
	s0 =	simm.s32 @!p0 $0x0  }
0x12: {  	s1 =	sld [smem:$0x3F97];
	s0 =	simm.s32 @p0 $0x1  }
0x13: {  	[smem:$0x3FB2] =	sst s0;
	s0 =	simm.s32 @!p1 $0x0  }
0x14: {  	s2 =	sld [smem:$0x3F96];
	s0 =	simm.s32 @p1 $0x1  }
0x15: {  	[smem:$0x3FB3] =	sst s0;
	s0 =	simm.s32 @!p2 $0x0  }
0x16: {  	s3 =	sld [smem:$0x3FDB];
	s0 =	simm.s32 @p2 $0x1  }
0x17: {  	s4 =	simm.s32 $0x1BF5;
	[smem:$0x3FB5] =	sst s0  }
0x18: {  	s0 =	sld [smem:$0x3F98];
	_ =	swait.ge [sflag:s4], $0x0  }
0x19: {  	s7 =	sld [smem:$0x3F99]  }
0x1a: {  	s8 =	sadd.s32 $0xFFFFE003, lr  }
0x1b: {  	s9 =	sadd.s32 $0xFFFFFEF7, lr;
	s5 =	simm.s32 $0xFFFFFFFF;
	p2 =	slt.u32 s8, $0xFFFFF086  }
0x1c: {  	p1 =	slt.u32 s9, $0xF7A;
	s5 =	simm.s32 @!p2 $0x0  }
0x1d: {  	s5 =	simm.s32 @p1 $0x1;
	p0 =	seq.s32 s7, s2  }
0x1e: {  	s7 =	smul.u32 @!p0 $0xF7A, s2;
	p2 =	seq.s32 @!p0 s5, $0x0  }
0x1f: {  	s9 =	smul.u32 $0xF7A, s1;
	s8 =	simm.s32 @!p0 $0x1BF5;
	p2 =	por !p2, p0  }
0x20: {  	[sflag:s8] =	ssyncset.s32 @!p0 $0xFFFFF086;
	s6 =	sadd.s32 @!p0 s3, s7;
	s7 =	simm.s32 @!p0 $0x108  }
0x21: {  	s3 =	sadd.s32 s3, s9;
	s6 =	sadd.s32 @!p0 $0x88, s6;
	s7 =	simm.s32 @p2 $0x1082  }
0x22: {  	[simem:s7], [sflag:s8] =	dma.local @!p0 [hbm:s6], $0xF7A  }
0x23: {  	s9 =	sor.u32 $0xD0000000, s2;
	s6 =	simm.s32 $0x108;
	_ =	swait.ge @!p0 [sflag:s8], $0x0  }
0x24: {  	s3 =	sadd.s32 $0x88, s3;
	s6 =	simm.s32 @!p1 $0x1082;
	[sflag:s4] =	ssyncset.s32 $0xFFFFF086  }
0x25: {  	[simem:s6], [sflag:s4] =	dma.local [hbm:s3], $0xF7A  }
0x26: {  	[smem:$0x3F99] =	sst s1;
	(tag) =	ssettag s2;
	_ =	strace s9  }
0x27: {  	s1 =	sld [smem:$0x3FA9]  }
0x28: {  	s2 =	sld [smem:$0x3FAA]  }
0x29: {  	s4 =	sld [smem:$0x3FAC]  }
0x2a: {  	p0 =	seq.s32 s5, $0x0;
	s5 =	sld [smem:$0x3FAD]  }
0x2b: {  	s6 =	sld [smem:$0x3FAE]  }
0x2c: {  	s7 =	sld [smem:$0x3FAF]  }
0x2d: {  	s3 =	simm.s32 $0x108;
	s8 =	sld [smem:$0x3FB0]  }
0x2e: {  	s3 =	simm.s32 @!p0 $0x1082;
	s9 =	sld [smem:$0x3FB1]  }
0x2f: {  	lr =	sadd.s32 s0, s3;
	s0 =	sld [smem:$0x3FA8]  }
0x30: {  	s3 =	sld [smem:$0x3FAB]  }
0x31: {  	[smem:$0x3FB4] =	sst s10  }
0x32: {  	s10 =	sld [smem:$0x3FB2];
	_ =	sdelay $0x3  }
0x33: {  	p0 =	seq.s32 s10, $0x1;
	s10 =	sld [smem:$0x3FB4];
	_ =	sdelay $0x3  }
0x34: {  	[smem:$0x3FB4] =	sst s10  }
0x35: {  	s10 =	sld [smem:$0x3FB3];
	_ =	sdelay $0x3  }
0x36: {  	p1 =	seq.s32 s10, $0x1;
	s10 =	sld [smem:$0x3FB4];
	_ =	sdelay $0x3  }
0x37: {  	[smem:$0x3FB4] =	sst s10  }
0x38: {  	s10 =	sld [smem:$0x3FB5]  }
0x39: {  	_ = 	snop;
	(pc) =	sbr.ind lr, $3  }
0x3a: {  	_ = 	snop  }
0x3b: {  	_ = 	snop  }
0x3c: {  	p2 =	seq.s32 s10, $0x1;
	s10 =	sld [smem:$0x3FB4]  }
0x3d: {  	_ =	shalt  }
0x3e: {  	_ =	shalt  }
0x3f: {  	_ =	shalt  }
0x40: {  	_ =	shalt  }
0x41: {  	_ =	shalt  }
0x42: {  	_ =	shalt  }
0x43: {  	_ =	shalt  }
0x44: {  	_ =	shalt  }
0x45: {  	_ =	shalt  }
0x46: {  	_ =	shalt  }
0x47: {  	_ =	shalt  }
0x48: {  	_ =	shalt  }
0x49: {  	_ =	shalt  }
0x4a: {  	_ =	shalt  }
0x4b: {  	_ =	shalt  }
0x4c: {  	_ =	shalt  }
0x4d: {  	_ =	shalt  }
0x4e: {  	_ =	shalt  }
0x4f: {  	_ =	shalt  }
0x50: {  	_ =	shalt  }
0x51: {  	_ =	shalt  }
0x52: {  	_ =	shalt  }
0x53: {  	_ =	shalt  }
0x54: {  	_ =	shalt  }
0x55: {  	_ =	shalt  }
0x56: {  	_ =	shalt  }
0x57: {  	_ =	shalt  }
0x58: {  	_ =	shalt  }
0x59: {  	_ =	shalt  }
0x5a: {  	_ =	shalt  }
0x5b: {  	_ =	shalt  }
0x5c: {  	_ =	shalt  }
0x5d: {  	_ =	shalt  }
0x5e: {  	_ =	shalt  }
0x5f: {  	_ =	shalt  }
0x60: {  	_ =	shalt  }
0x61: {  	_ =	shalt  }
0x62: {  	_ =	shalt  }
0x63: {  	_ =	shalt  }
0x64: {  	_ =	shalt  }
0x65: {  	_ =	shalt  }
0x66: {  	_ =	shalt  }
0x67: {  	_ =	shalt  }
0x68: {  	_ =	shalt  }
0x69: {  	_ =	shalt  }
0x6a: {  	_ =	shalt  }
0x6b: {  	_ =	shalt  }
0x6c: {  	_ =	shalt  }
0x6d: {  	_ =	shalt  }
0x6e: {  	_ =	shalt  }
0x6f: {  	_ =	shalt  }
0x70: {  	_ =	shalt  }
0x71: {  	_ =	shalt  }
0x72: {  	_ =	shalt  }
0x73: {  	_ =	shalt  }
0x74: {  	_ =	shalt  }
0x75: {  	_ =	shalt  }
0x76: {  	_ =	shalt  }
0x77: {  	_ =	shalt  }
0x78: {  	_ =	shalt  }
0x79: {  	_ =	shalt  }
0x7a: {  	_ =	shalt  }
0x7b: {  	_ =	shalt  }
0x7c: {  	_ =	shalt  }
0x7d: {  	_ =	shalt  }
0x7e: {  	_ =	shalt  }
0x7f: {  	_ =	shalt  }
0x80: {  	_ =	shalt  }
0x81: {  	_ =	shalt  }
0x82: {  	_ =	shalt  }
0x83: {  	_ =	shalt  }
0x84: {  	_ =	shalt  }
0x85: {  	_ =	shalt  }
0x86: {  	_ =	shalt  }
0x87: {  	_ =	shalt  }
.Lfunc_end0:
.L_simem_size_0:
called_computation.1_lowered:
.L_overlay_start_0:
0x88: {  	s2 =	sld [smem:$0x3FD9]  }
0x89: {  	s3 =	sld [smem:$0x3FFE];
	_ =	sdelay $0x1  }
0x8a: {  	s1 =	srdreg.scid  }
0x8b: {  	s0 =	sand.u32 $0x1, s1  }
0x8c: {  	s17 =	sshll.u32 s0, $0xA;
	s2 =	sadd.s32 s3, s2  }
0x8d: {  	s2 =	sadd.s32 s2, s17  }
0x8e: {  	[smem:$0x3FC0] =	sst s2  }
0x8f: {  	_ = 	snop  }
0x90: {  	s2 =	sld [smem:$0x3FD0];
	(tm) =	ssettm $0x1  }
0x91: {  	s18 =	sld [smem:$0x3FFB];
	_ =	sdelay $0x3  }
0x92: {  	_ =	strace s18  }
0x93: {  	s3 =	sld [smem:$0x3FFC];
	_ =	sdelay $0x3  }
0x94: {  	_ =	strace s3  }
0x95: {  	s3 =	sld [smem:$0x3FFD];
	_ =	sdelay $0x3  }
0x96: {  	_ =	strace s3  }
0x97: {  	_ =	strace $0x8FFFFFFF  }
0x98: {  	s19 =	sld [smem:$0x3FDB];
	_ =	sdelay $0x1  }
0x99: {  	s4 =	simm.s32 $_scs_section_size  }
0x9a: {  	s5 =	simm.s32 $_size__tile_overlayer_lowered;
	s6 =	simm.s32 $_tile_overlayer_lowered  }
0x9b: {  	s22 =	simm.s32 $0x1BFF;
	s21 =	sshll.u32 s6, $0x1;
	s3 =	sadd.s32 s4, s19  }
0x9c: {  	s7 =	simm.s32 $0x0;
	s20 =	sshll.u32 s5, $0x1;
	s5 =	sadd.s32 s21, s3  }
0x9d: {  	[timem:s7], [sflag:s22] =	dma.local [hbm:s5], s20  }
0x9e: {  	_ =	swait.ge [sflag:s22], s20  }
0x9f: {  	s4 =	ssub.s32 $0x0, s20;
	[sflag:s22] =	ssyncset.done $0x0  }
0xa0: {  	[sflag:s22] =	ssyncadd.s32 s4;
	_ =	sdelay $0x1  }
0xa1: {  	s23 =	simm.s32 $0x1B8B  }
0xa2: {  	_ =	swait.ge [sflag:s23], $0x1  }
0xa3: {  	[sflag:s23] =	ssyncset.done $0x0  }
0xa4: {  	s25 =	simm.s32 $0x1B8E;
	s24 =	sld [smem:$0x3FFE];
	[sflag:s23] =	ssyncadd.s32 $0xFFFFFFFF  }
0xa5: {  	s26 =	simm.s32 $execute0_lowered;
	[smem:$0x3FD2] =	sst s25  }
0xa6: {  	s5 =	sshll.u32 s26, $0x1;
	_ =	strace $0x80000046;
	[dreg:$0x1] =	wrdreg $0xFFFFFFFF  }
0xa7: {  	s28 =	simm.s32 $_size_execute0_lowered;
	s3 =	sadd.s32 s3, s5;
	[dreg:$0x0] =	wrdreg $0x0  }
0xa8: {  	s5 =	sshll.u32 s28, $0x1;
	[dreg:$0x2] =	wrdreg s3  }
0xa9: {  	[dreg:$0x3] =	wrdreg s5  }
0xaa: {  	[dreg:$0x4] =	wrdreg $0xC0  }
0xab: {  	_ =	task [dreg:s7], $0x5FFFF  }
0xac: {  	[dreg:$0x1] =	wrdreg $0xFFFFFFFF  }
0xad: {  	[dreg:$0x0] =	wrdreg $0x60  }
0xae: {  	[dreg:$0x2] =	wrdreg s24  }
0xaf: {  	[dreg:$0x3] =	wrdreg s2  }
0xb0: {  	[dreg:$0x4] =	wrdreg $0x0  }
0xb1: {  	[dreg:$0x5] =	wrdreg $0xA  }
0xb2: {  	_ =	task.clear_ibuf [dreg:s7], $0x6FFFF;
	_ =	strace $0x90000046  }
0xb3: {  	s29 =	simm.s32 $0xA;
	_ =	strace $0x80000048  }
0xb4: {  	_ =	swait.ge [sflag:s29], $0x1  }
0xb5: {  	[sflag:s29] =	ssyncadd.s32 $0xFFFFFFFF  }
0xb6: {  	_ =	strace $0x90000048  }
0xb7: {  	_ =	sfence  }
0xb8: {  	s30 =	sld [smem:$0x0];
	_ =	sdelay $0x2  }
0xb9: {  	s31 =	sshll.u32 s1, $0xD;
	s1 =	sshrl.u32 s1, $0x2  }
0xba: {  	s3 =	sand.u32 $0x4000, s31;
	s1 =	sadd.s32 s1, s30  }
0xbb: {  	s0 =	sor.u32 s3, s0;
	s1 =	sshll.u32 s1, $0x11  }
0xbc: {  	s0 =	sor.u32 s1, s0  }
0xbd: {  	s0 =	sadd.s32 $0x8F2B, s0  }
0xbe: {  	[sflag:s0] =	ssyncadd.remote.s32 $0x1  }
0xbf: {  	_ =	sfence.sel $0xFFFF  }
0xc0: {  	[dreg:$0x0] =	wrdreg $0xFFFFFFFF;
	(pc) =	sbr.abs _section_cstart, $3  }
0xc1: {  	[dreg:$0x1] =	wrdreg $0xFFFFFFFF  }
0xc2: {  	_ =	task.clear_ibuf [dreg:s7], $0x2FFFF;
	_ =	strace $0x9FFFFFFF  }
0xc3: {  	(tm) =	ssettm $0x7FFFFFFF  }
tec
execute0_lowered:
.L_overlay_start_1:
0x0: {  	(tag) =	ssettag $0x1  }
0x1: {  	s0 =	rddreg [dreg:$0x0]  }
0x2: {  	s10 =	rddreg [dreg:$0x1]  }
0x3: {  	s1 =	srdreg.scid;
	s3 =	rddreg [dreg:$0x2]  }
0x4: {  	s7 =	stileid.u32;
	s4 =	simm.s32 $0x0;
	s16 =	simm.s32 $0x13C00  }
0x5: {  	s13 =	simm.s32 $0x6;
	s11 =	simm.s32 $0x1D600;
	s14 =	simm.s32 $0x1D680  }
0x6: {  	s15 =	simm.s32 $0x1D700;
	s17 =	simm.s32 $0x1D800;
	s18 =	simm.s32 $0x5  }
0x7: {  	s19 =	simm.s32 $0x1BC00;
	s20 =	simm.s32 $0x1;
	s21 =	simm.s32 $0x1C400  }
0x8: {  	s28 =	simm.s32 $0x0;
	s1 =	sand.u32 $0x1, s1;
	s5 =	smul.u32 $0x13C00, s7  }
0x9: {  	[smem:$0x7FF] =	sst s4;
	s2 =	smul.u32 $0x13C000, s1;
	s22 =	sshll.u32 s1, $0x4  }
0xa: {  	_ =	strace $0x80000047;
	s1 =	ssub.s32 $0x2, s1;
	s6 =	sor.u32 s7, s22  }
0xb: {  	s7 =	smul.u32 $0x4F000, s7;
	s9 =	sshrl.u32 s1, $0x1;
	s22 =	simm.s32 $0x80  }
0xc: {  	s2 =	sadd.s32 s5, s2;
	s5 =	sadd.s32 $0x4E3600, s0;
	s23 =	smul.u32 $0x4E, s6  }
0xd: {  	s8 =	smin.u32 s6, $0x4;
	s1 =	ssub.s32 s1, s9;
	p0 =	sgt.u32 s6, $0x3  }
0xe: {  	s9 =	simm.s32 $0x1D500;
	s6 =	simm.s32 $0x1D780;
	s2 =	sshrl.u32 s2, $0x3  }
0xf: {  	s7 =	sshrl.u32 s7, $0x2;
	s31 =	smax.u32 s1, $0x1;
	s0 =	sadd.s32 s2, s0  }
0x10: {  	s2 =	sadd.s32 s8, s23;
	s12 =	sadd.s32 s7, s3;
	[dreg:$0xc] =	wrdreg s31  }
0x11: {  	s23 =	simm.s32 $0x2;
	s24 =	sadd.s32 $0x4000, s12;
	[dreg:$0x4] =	wrdreg s12  }
0x12: {  	s7 =	sshll.u32 s2, $0x7;
	s25 =	sadd.s32 $0x8000, s12;
	[dreg:$0x5] =	wrdreg s24  }
0x13: {  	s2 =	sshll.u32 s2, $0x8;
	s29 =	sadd.s32 $0xC000, s12;
	[dreg:$0x6] =	wrdreg s25  }
0x14: {  	s30 =	sadd.s32 $0x10000, s12;
	s0 =	sadd.s32 $0x1600, s0;
	[dreg:$0x7] =	wrdreg s29  }
.Ltmp0:
0x15: {  	s26 =	sshrl.u32 s7, $0x3;
	[dreg:$0x8] =	wrdreg s30;
	(pc) =	sbr.rel .LBB2_1-.Ltmp0, $4  }
0x16: {  	s2 =	sadd.s32 s2, s5;
	[dreg:$0xb] =	wrdreg s0;
	s24 =	simm.s32 $0x17C00  }
0x17: {  	s25 =	simm.s32 $0x3;
	s8 =	sadd.s32 s10, s26;
	s2 =	sadd.s32 $0x4E00, s2  }
0x18: {  	s10 =	simm.s32 $0x1D580;
	s8 =	sadd.s32 $0xA120, s8;
	[dreg:$0xa] =	wrdreg s2  }
0x19: {  	v0 =	vimm.f32 $0.0e+00;
	v1 =	vimm.f32 $1.000000000e+00;
	s26 =	simm.s32 $0x4;
	s2 =	simm.s32 $0x1D880;
	[dreg:$0x9] =	wrdreg s8  }
.LBB2_17:
0x1a: {  	s0 =	stileid.u32  }
0x1b: {  	[bflag:$0x0] =	sbarrier.arrive $0xFFFF;
	s0 =	sshll.u32 s0, $0x6  }
0x1c: {  	s1 =	sshrl.u32 s12, $0x3;
	s8 =	rddreg [dreg:$0xb];
	s0 =	sor.u32 $0x1C06, s0  }
0x1d: {  	[hbm:s8], [sflag:s0] =	dma.local [spmem:s1], $0x2780  }
0x1e: {  	_ =	swait.ge [sflag:s13], $0x2780  }
0x1f: {  	s28 =	sadd.s32 $0x1, s28;
	s31 =	rddreg [dreg:$0xc]  }
0x20: {  	p1 =	sne.s32 s28, s31  }
.Ltmp1:
0x21: {  	_ = 	snop;
	(pc) =	sbr.rel @!p1 .LBB2_18-.Ltmp1, $3  }
0x22: {  	_ =	sdelay $0x1  }
0x23: {  	[sflag:s13] =	ssyncset.done $0x0  }
0x24: {  	[sflag:s13] =	ssyncadd.s32 $0xFFFFD880  }
.LBB2_1:
0x25: {  	[dreg:$0xd] =	wrdreg s28;
	s0 =	simm.s32 $0x0;
	s1 =	simm.s32 $0x200  }
.LBB2_2:
0x26: {  	p1 =	sne.s32 s1, $0xFE00;
	[tilespmem:s0+$0x17C70] =	vst v0  }
0x27: {  	[tilespmem:s0+$0x13C00] =	vst v0  }
0x28: {  	[tilespmem:s0+$0x17C00] =	vst v0  }
0x29: {  	[tilespmem:s0+$0x13C10] =	vst v0  }
0x2a: {  	[tilespmem:s0+$0x17C10] =	vst v0  }
0x2b: {  	[tilespmem:s0+$0x13C20] =	vst v0  }
0x2c: {  	[tilespmem:s0+$0x17C20] =	vst v0  }
0x2d: {  	[tilespmem:s0+$0x13C30] =	vst v0  }
0x2e: {  	[tilespmem:s0+$0x17C30] =	vst v0  }
0x2f: {  	[tilespmem:s0+$0x13C40] =	vst v0  }
0x30: {  	[tilespmem:s0+$0x17C40] =	vst v0  }
.Ltmp2:
0x31: {  	[tilespmem:s0+$0x13C50] =	vst v0;
	(pc) =	sbr.rel @p1 .LBB2_2-.Ltmp2, $4  }
0x32: {  	[tilespmem:s0+$0x17C50] =	vst v0  }
0x33: {  	[tilespmem:s0+$0x13C60] =	vst v0  }
0x34: {  	[tilespmem:s0+$0x17C60] =	vst v0  }
0x35: {  	[tilespmem:s0+$0x13C70] =	vst v0;
	s0 =	sshra.s32 s1, $0x2;
	s1 =	sadd.s32 $0x200, s1  }
0x36: {  	[tilespmem:s0+$0x17C70] =	vst v0  }
0x37: {  	[tilespmem:s0+$0x13C00] =	vst v0  }
0x38: {  	[tilespmem:s0+$0x17C00] =	vst v0  }
0x39: {  	[tilespmem:s0+$0x13C10] =	vst v0  }
0x3a: {  	[tilespmem:s0+$0x17C10] =	vst v0  }
0x3b: {  	[tilespmem:s0+$0x13C20] =	vst v0  }
0x3c: {  	[tilespmem:s0+$0x17C20] =	vst v0  }
0x3d: {  	[tilespmem:s0+$0x13C30] =	vst v0  }
0x3e: {  	[tilespmem:s0+$0x17C30] =	vst v0  }
0x3f: {  	[tilespmem:s0+$0x13C40] =	vst v0  }
0x40: {  	[tilespmem:s0+$0x17C40] =	vst v0  }
0x41: {  	[tilespmem:s0+$0x13C50] =	vst v0  }
0x42: {  	[tilespmem:s0+$0x17C50] =	vst v0  }
0x43: {  	[tilespmem:s0+$0x13C60] =	vst v0  }
0x44: {  	[tilespmem:s0+$0x17C60] =	vst v0  }
0x45: {  	[tilespmem:s0+$0x13C70] =	vst v0  }
0x46: {  	[spmem:s12] =	stream.linear.scatter [tilespmem:s16], [sflag:$0x6], $0x4000, $0x38;
	[tilespmem:$0x1DC80] =	vst v63  }
0x47: {  	_ =	swait.ge [sflag:s13], $0x4000  }
0x48: {  	[sflag:s13] =	ssyncset.done $0x0  }
0x49: {  	s28 =	rddreg [dreg:$0x5];
	[sflag:s13] =	ssyncadd.s32 $0xFFFFC000  }
0x4a: {  	[spmem:s28] =	stream.linear.scatter [tilespmem:s16], [sflag:$0x6], $0x4000, $0x38;
	[tilespmem:$0x1DC80] =	vst v63  }
0x4b: {  	_ =	swait.ge [sflag:s13], $0x4000  }
0x4c: {  	[sflag:s13] =	ssyncset.done $0x0  }
0x4d: {  	s29 =	rddreg [dreg:$0x6];
	[sflag:s13] =	ssyncadd.s32 $0xFFFFC000  }
0x4e: {  	[spmem:s29] =	stream.linear.scatter [tilespmem:s16], [sflag:$0x6], $0x4000, $0x38;
	[tilespmem:$0x1DC80] =	vst v63  }
0x4f: {  	_ =	swait.ge [sflag:s13], $0x4000  }
0x50: {  	[sflag:s13] =	ssyncset.done $0x0  }
0x51: {  	s30 =	rddreg [dreg:$0x7];
	[sflag:s13] =	ssyncadd.s32 $0xFFFFC000  }
0x52: {  	[spmem:s30] =	stream.linear.scatter [tilespmem:s16], [sflag:$0x6], $0x4000, $0x38;
	[tilespmem:$0x1DC80] =	vst v63  }
0x53: {  	_ =	swait.ge [sflag:s13], $0x4000  }
0x54: {  	[sflag:s13] =	ssyncset.done $0x0  }
0x55: {  	s31 =	rddreg [dreg:$0x8];
	[sflag:s13] =	ssyncadd.s32 $0xFFFFC000  }
0x56: {  	[spmem:s31] =	stream.linear.scatter [tilespmem:s16], [sflag:$0x6], $0x3C00, $0x38;
	[tilespmem:$0x1DC80] =	vst v63  }
0x57: {  	_ =	swait.ge [sflag:s13], $0x3C00  }
0x58: {  	[sflag:s13] =	ssyncset.done $0x0  }
0x59: {  	s0 =	simm.s32 $0x200;
	s1 =	simm.s32 $0x0;
	[sflag:s13] =	ssyncadd.s32 $0xFFFFC400  }
.LBB2_4:
0x5a: {  	p1 =	sne.s32 s0, $0xFE00;
	[tilespmem:s1+$0x13C10] =	vst v1;
	s8 =	smov.u32 s0;
	s0 =	sadd.s32 $0x200, s0  }
.Ltmp3:
0x5b: {  	[tilespmem:s1+$0x17C10] =	vst v1;
	(pc) =	sbr.rel @p1 .LBB2_4-.Ltmp3, $2  }
0x5c: {  	_ =	sdelay $0x2  }
0x5d: {  	s1 =	sshra.s32 s8, $0x2  }
0x5e: {  	[tilespmem:s1+$0x13C10] =	vst v1  }
0x5f: {  	[tilespmem:s1+$0x17C10] =	vst v1  }
0x60: {  	s28 =	simm.s32 $0x0;
	s29 =	simm.s32 $0x0;
	[bflag:$0x0] =	sbarrier.arrive $0xFFFF  }
.LBB2_6:
0x61: {  	s0 =	smul.u32 $0xD00, s29;
	_ =	sdelay $0x1  }
0x62: {  	s0 =	sadd.s32 s7, s0  }
0x63: {  	s8 =	rddreg [dreg:$0x1];
	s1 =	sshrl.u32 s0, $0x3  }
0x64: {  	s1 =	sadd.s32 s8, s1  }
0x65: {  	s12 =	simm.s32 $0x1CC00;
	s8 =	sadd.s32 $0x9C40, s1  }
0x66: {  	[tilespmem:s12], [sflag:$0x5] =	stream.linear.gather [hbm4b:s8+s28], $0x80, $0x38;
	[tilespmem:$0x1DC80] =	vst v63  }
0x67: {  	s13 =	simm.s32 $0x1CC80;
	s12 =	sadd.s32 $0x9C50, s1  }
0x68: {  	[tilespmem:s13], [sflag:$0x5] =	stream.linear.gather [hbm4b:s12+s28], $0x80, $0x38;
	[tilespmem:$0x1DC80] =	vst v63  }
0x69: {  	s12 =	sadd.s32 $0x9C60, s1;
	s13 =	simm.s32 $0x1CD00  }
0x6a: {  	[tilespmem:s13], [sflag:$0x5] =	stream.linear.gather [hbm4b:s12+s28], $0x80, $0x38;
	[tilespmem:$0x1DC80] =	vst v63  }
0x6b: {  	s12 =	sadd.s32 $0x9C70, s1;
	s13 =	simm.s32 $0x1CD80  }
0x6c: {  	[tilespmem:s13], [sflag:$0x5] =	stream.linear.gather [hbm4b:s12+s28], $0x80, $0x38;
	[tilespmem:$0x1DC80] =	vst v63  }
0x6d: {  	s12 =	sadd.s32 $0x9C80, s1;
	s13 =	simm.s32 $0x1CE00  }
0x6e: {  	[tilespmem:s13], [sflag:$0x5] =	stream.linear.gather [hbm4b:s12+s28], $0x80, $0x38;
	[tilespmem:$0x1DC80] =	vst v63  }
0x6f: {  	s12 =	sadd.s32 $0x9C90, s1;
	s13 =	simm.s32 $0x1CE80  }
0x70: {  	[tilespmem:s13], [sflag:$0x5] =	stream.linear.gather [hbm4b:s12+s28], $0x80, $0x38;
	[tilespmem:$0x1DC80] =	vst v63  }
0x71: {  	s12 =	sadd.s32 $0x9CA0, s1;
	s13 =	simm.s32 $0x1CF00  }
0x72: {  	[tilespmem:s13], [sflag:$0x5] =	stream.linear.gather [hbm4b:s12+s28], $0x80, $0x38;
	[tilespmem:$0x1DC80] =	vst v63  }
0x73: {  	s12 =	sadd.s32 $0x9CB0, s1;
	s13 =	simm.s32 $0x1CF80  }
0x74: {  	[tilespmem:s13], [sflag:$0x5] =	stream.linear.gather [hbm4b:s12+s28], $0x80, $0x38;
	[tilespmem:$0x1DC80] =	vst v63  }
0x75: {  	s12 =	sadd.s32 $0x9CC0, s1;
	s13 =	simm.s32 $0x1D000  }
0x76: {  	[tilespmem:s13], [sflag:$0x5] =	stream.linear.gather [hbm4b:s12+s28], $0x80, $0x38;
	[tilespmem:$0x1DC80] =	vst v63  }
0x77: {  	s12 =	sadd.s32 $0x9CD0, s1;
	s13 =	simm.s32 $0x1D080  }
0x78: {  	[tilespmem:s13], [sflag:$0x5] =	stream.linear.gather [hbm4b:s12+s28], $0x80, $0x38;
	[tilespmem:$0x1DC80] =	vst v63  }
0x79: {  	s12 =	sadd.s32 $0x9CE0, s1;
	s13 =	simm.s32 $0x1D100  }
0x7a: {  	[tilespmem:s13], [sflag:$0x5] =	stream.linear.gather [hbm4b:s12+s28], $0x80, $0x38;
	[tilespmem:$0x1DC80] =	vst v63  }
0x7b: {  	s12 =	sadd.s32 $0x9CF0, s1;
	s13 =	simm.s32 $0x1D180  }
0x7c: {  	[tilespmem:s13], [sflag:$0x5] =	stream.linear.gather [hbm4b:s12+s28], $0x80, $0x38;
	[tilespmem:$0x1DC80] =	vst v63  }
0x7d: {  	s12 =	sadd.s32 $0x9D00, s1;
	s13 =	simm.s32 $0x1D200  }
0x7e: {  	[tilespmem:s13], [sflag:$0x5] =	stream.linear.gather [hbm4b:s12+s28], $0x80, $0x38;
	[tilespmem:$0x1DC80] =	vst v63  }
0x7f: {  	s12 =	sadd.s32 $0x9D10, s1;
	s13 =	simm.s32 $0x1D280  }
0x80: {  	[tilespmem:s13], [sflag:$0x5] =	stream.linear.gather [hbm4b:s12+s28], $0x80, $0x38;
	[tilespmem:$0x1DC80] =	vst v63  }
0x81: {  	s12 =	sadd.s32 $0x9D20, s1;
	s13 =	simm.s32 $0x1D300  }
0x82: {  	[tilespmem:s13], [sflag:$0x5] =	stream.linear.gather [hbm4b:s12+s28], $0x80, $0x38;
	[tilespmem:$0x1DC80] =	vst v63  }
0x83: {  	s12 =	sadd.s32 $0x9D30, s1;
	s13 =	simm.s32 $0x1D380  }
0x84: {  	[tilespmem:s13], [sflag:$0x5] =	stream.linear.gather [hbm4b:s12+s28], $0x80, $0x38;
	[tilespmem:$0x1DC80] =	vst v63  }
0x85: {  	s12 =	sadd.s32 $0x9D40, s1;
	s13 =	simm.s32 $0x1D400  }
0x86: {  	[tilespmem:s13], [sflag:$0x5] =	stream.linear.gather [hbm4b:s12+s28], $0x80, $0x38;
	[tilespmem:$0x1DC80] =	vst v63  }
0x87: {  	s12 =	sadd.s32 $0x9D50, s1;
	s13 =	simm.s32 $0x1D480  }
0x88: {  	[tilespmem:s13], [sflag:$0x5] =	stream.linear.gather [hbm4b:s12+s28], $0x80, $0x38;
	[tilespmem:$0x1DC80] =	vst v63  }
0x89: {  	s12 =	sadd.s32 $0x9D60, s1  }
0x8a: {  	[tilespmem:s9], [sflag:$0x5] =	stream.linear.gather [hbm4b:s12+s28], $0x80, $0x38;
	[tilespmem:$0x1DC80] =	vst v63  }
0x8b: {  	s13 =	sadd.s32 $0x9D70, s1  }
0x8c: {  	[tilespmem:s10], [sflag:$0x5] =	stream.linear.gather [hbm4b:s13+s28], $0x80, $0x38;
	[tilespmem:$0x1DC80] =	vst v63  }
0x8d: {  	s12 =	sadd.s32 $0x9D80, s1  }
0x8e: {  	[tilespmem:s11], [sflag:$0x5] =	stream.linear.gather [hbm4b:s12+s28], $0x80, $0x38;
	[tilespmem:$0x1DC80] =	vst v63  }
0x8f: {  	s13 =	sadd.s32 $0x9D90, s1  }
0x90: {  	[tilespmem:s14], [sflag:$0x5] =	stream.linear.gather [hbm4b:s13+s28], $0x80, $0x38;
	[tilespmem:$0x1DC80] =	vst v63  }
0x91: {  	s12 =	sadd.s32 $0x9DA0, s1  }
0x92: {  	[tilespmem:s15], [sflag:$0x5] =	stream.linear.gather [hbm4b:s12+s28], $0x80, $0x38;
	[tilespmem:$0x1DC80] =	vst v63  }
0x93: {  	s13 =	sadd.s32 $0x9DB0, s1  }
0x94: {  	[tilespmem:s6], [sflag:$0x5] =	stream.linear.gather [hbm4b:s13+s28], $0x80, $0x38;
	[tilespmem:$0x1DC80] =	vst v63  }
0x95: {  	s12 =	sadd.s32 $0x9DC0, s1  }
0x96: {  	[tilespmem:s17], [sflag:$0x5] =	stream.linear.gather [hbm4b:s12+s28], $0x80, $0x38;
	[tilespmem:$0x1DC80] =	vst v63  }
0x97: {  	s1 =	sadd.s32 $0x9DD0, s1  }
0x98: {  	[tilespmem:s2], [sflag:$0x5] =	stream.linear.gather [hbm4b:s1+s28], $0x80, $0x38;
	[tilespmem:$0x1DC80] =	vst v63  }
0x99: {  	_ =	swait.ge [sflag:s18], $0x80  }
0x9a: {  	[sflag:s18] =	ssyncset.done $0x0  }
0x9b: {  	[sflag:s18] =	ssyncadd.s32 $0xFFFFFF80  }
0x9c: {  	_ =	swait.ge [sflag:s18], $0x80  }
0x9d: {  	[sflag:s18] =	ssyncset.done $0x0  }
0x9e: {  	[sflag:s18] =	ssyncadd.s32 $0xFFFFFF80  }
0x9f: {  	_ =	swait.ge [sflag:s18], $0x80  }
0xa0: {  	[sflag:s18] =	ssyncset.done $0x0  }
0xa1: {  	[sflag:s18] =	ssyncadd.s32 $0xFFFFFF80  }
0xa2: {  	_ =	swait.ge [sflag:s18], $0x80  }
0xa3: {  	[sflag:s18] =	ssyncset.done $0x0  }
0xa4: {  	[sflag:s18] =	ssyncadd.s32 $0xFFFFFF80  }
0xa5: {  	_ =	swait.ge [sflag:s18], $0x80  }
0xa6: {  	[sflag:s18] =	ssyncset.done $0x0  }
0xa7: {  	[sflag:s18] =	ssyncadd.s32 $0xFFFFFF80  }
0xa8: {  	_ =	swait.ge [sflag:s18], $0x80  }
0xa9: {  	[sflag:s18] =	ssyncset.done $0x0  }
0xaa: {  	[sflag:s18] =	ssyncadd.s32 $0xFFFFFF80  }
0xab: {  	_ =	swait.ge [sflag:s18], $0x80  }
0xac: {  	[sflag:s18] =	ssyncset.done $0x0  }
0xad: {  	[sflag:s18] =	ssyncadd.s32 $0xFFFFFF80  }
0xae: {  	_ =	swait.ge [sflag:s18], $0x80  }
0xaf: {  	[sflag:s18] =	ssyncset.done $0x0  }
0xb0: {  	[sflag:s18] =	ssyncadd.s32 $0xFFFFFF80  }
0xb1: {  	_ =	swait.ge [sflag:s18], $0x80  }
0xb2: {  	[sflag:s18] =	ssyncset.done $0x0  }
0xb3: {  	[sflag:s18] =	ssyncadd.s32 $0xFFFFFF80  }
0xb4: {  	_ =	swait.ge [sflag:s18], $0x80  }
0xb5: {  	[sflag:s18] =	ssyncset.done $0x0  }
0xb6: {  	[sflag:s18] =	ssyncadd.s32 $0xFFFFFF80  }
0xb7: {  	_ =	swait.ge [sflag:s18], $0x80  }
0xb8: {  	[sflag:s18] =	ssyncset.done $0x0  }
0xb9: {  	[sflag:s18] =	ssyncadd.s32 $0xFFFFFF80  }
0xba: {  	_ =	swait.ge [sflag:s18], $0x80  }
0xbb: {  	[sflag:s18] =	ssyncset.done $0x0  }
0xbc: {  	[sflag:s18] =	ssyncadd.s32 $0xFFFFFF80  }
0xbd: {  	_ =	swait.ge [sflag:s18], $0x80  }
0xbe: {  	[sflag:s18] =	ssyncset.done $0x0  }
0xbf: {  	[sflag:s18] =	ssyncadd.s32 $0xFFFFFF80  }
0xc0: {  	_ =	swait.ge [sflag:s18], $0x80  }
0xc1: {  	[sflag:s18] =	ssyncset.done $0x0  }
0xc2: {  	[sflag:s18] =	ssyncadd.s32 $0xFFFFFF80  }
0xc3: {  	_ =	swait.ge [sflag:s18], $0x80  }
0xc4: {  	[sflag:s18] =	ssyncset.done $0x0  }
0xc5: {  	[sflag:s18] =	ssyncadd.s32 $0xFFFFFF80  }
0xc6: {  	_ =	swait.ge [sflag:s18], $0x80  }
0xc7: {  	[sflag:s18] =	ssyncset.done $0x0  }
0xc8: {  	[sflag:s18] =	ssyncadd.s32 $0xFFFFFF80  }
0xc9: {  	_ =	swait.ge [sflag:s18], $0x80  }
0xca: {  	[sflag:s18] =	ssyncset.done $0x0  }
0xcb: {  	[sflag:s18] =	ssyncadd.s32 $0xFFFFFF80  }
0xcc: {  	_ =	swait.ge [sflag:s18], $0x80  }
0xcd: {  	[sflag:s18] =	ssyncset.done $0x0  }
0xce: {  	[sflag:s18] =	ssyncadd.s32 $0xFFFFFF80  }
0xcf: {  	_ =	swait.ge [sflag:s18], $0x80  }
0xd0: {  	[sflag:s18] =	ssyncset.done $0x0  }
0xd1: {  	[sflag:s18] =	ssyncadd.s32 $0xFFFFFF80  }
0xd2: {  	_ =	swait.ge [sflag:s18], $0x80  }
0xd3: {  	[sflag:s18] =	ssyncset.done $0x0  }
0xd4: {  	[sflag:s18] =	ssyncadd.s32 $0xFFFFFF80  }
0xd5: {  	_ =	swait.ge [sflag:s18], $0x80  }
0xd6: {  	[sflag:s18] =	ssyncset.done $0x0  }
0xd7: {  	[sflag:s18] =	ssyncadd.s32 $0xFFFFFF80  }
0xd8: {  	_ =	swait.ge [sflag:s18], $0x80  }
0xd9: {  	[sflag:s18] =	ssyncset.done $0x0  }
0xda: {  	[sflag:s18] =	ssyncadd.s32 $0xFFFFFF80  }
0xdb: {  	_ =	swait.ge [sflag:s18], $0x80  }
0xdc: {  	[sflag:s18] =	ssyncset.done $0x0  }
0xdd: {  	[sflag:s18] =	ssyncadd.s32 $0xFFFFFF80  }
0xde: {  	_ =	swait.ge [sflag:s18], $0x80  }
0xdf: {  	[sflag:s18] =	ssyncset.done $0x0  }
0xe0: {  	[sflag:s18] =	ssyncadd.s32 $0xFFFFFF80  }
0xe1: {  	_ =	swait.ge [sflag:s18], $0x80  }
0xe2: {  	[sflag:s18] =	ssyncset.done $0x0  }
0xe3: {  	[sflag:s18] =	ssyncadd.s32 $0xFFFFFF80  }
0xe4: {  	s30 =	sshll.u32 s0, $0x4;
	s13 =	sshll.u32 s0, $0x1;
	_ =	swait.ge [sflag:s18], $0x80  }
0xe5: {  	s31 =	sadd.s32 $0x1000, s30;
	s1 =	sand.u32 $0x1FFFFF00, s13;
	[sflag:s18] =	ssyncset.done $0x0  }
0xe6: {  	s0 =	simm.s32 $0x0;
	s1 =	sadd.s32 s5, s1;
	[sflag:s18] =	ssyncadd.s32 $0xFFFFFF80  }
0xe7: {  	[tilespmem:s19], [sflag:$0x1] =	stream.linear.gather [hbm4b:s1+s28], $0x800, $0x38;
	[tilespmem:$0x1DC80] =	vst v63  }
.LBB2_7:
0xe8: {  	s12 =	sshllo.u32 s0, $0x1  }
0xe9: {  	s1 =	sshll.u32 s12, $0xB  }
0xea: {  	_ =	swait.ge [sflag:s20], $0x800;
	s1 =	sadd.s32 s30, s1  }
0xeb: {  	[sflag:s20] =	ssyncset.done $0x0;
	s1 =	sshrl.u32 s1, $0x3  }
0xec: {  	p1 =	seq.s32 s0, $0x0;
	[sflag:s20] =	ssyncadd.s32 $0xFFFFF800;
	s1 =	sadd.s32 s5, s1  }
0xed: {  	[tilespmem:s21], [sflag:$0x2] =	stream.linear.gather [hbm4b:s1+s4], $0x800, $0x38;
	[tilespmem:$0x1DC80] =	vst v63  }
0xee: {  	s1 =	simm.s32 @!p1 $0x3  }
0xef: {  	_ =	swait.ge @!p1 [sflag:s1], $0x4000  }
0xf0: {  	[sflag:s1] =	ssyncset.done @!p1 $0x0  }
0xf1: {  	s8 =	simm.s32 $0x1BC40;
	[sflag:s1] =	ssyncadd.s32 @!p1 $0xFFFFC000  }
0xf2: {  	v2 =	vld [tilespmem:s8+$0xFFFFFFC0];
	_ =	sdelay $0x3  }
0xf3: {  	s13 =	simm.s32 $0x13E00  }
0xf4: {  	[tilespmem:s13+$0xFFFFFE00] =	vst v2  }
0xf5: {  	v2 =	vld [tilespmem:s8+$0xFFFFFFD0];
	_ =	sdelay $0x4  }
0xf6: {  	[tilespmem:s13+$0xFFFFFE80] =	vst v2  }
0xf7: {  	v2 =	vld [tilespmem:s8+$0xFFFFFFE0];
	_ =	sdelay $0x4  }
0xf8: {  	[tilespmem:s13+$0xFFFFFF00] =	vst v2  }
0xf9: {  	v2 =	vld [tilespmem:s8+$0xFFFFFFF0];
	_ =	sdelay $0x4  }
0xfa: {  	[tilespmem:s13+$0xFFFFFF80] =	vst v2  }
0xfb: {  	v2 =	vld [tilespmem:s8+$0x0];
	_ =	sdelay $0x4  }
0xfc: {  	[tilespmem:s13+$0x0] =	vst v2  }
0xfd: {  	v2 =	vld [tilespmem:s8+$0x10];
	_ =	sdelay $0x4  }
0xfe: {  	[tilespmem:s13+$0x80] =	vst v2  }
0xff: {  	v2 =	vld [tilespmem:s8+$0x20];
	_ =	sdelay $0x4  }
0x100: {  	[tilespmem:s13+$0x100] =	vst v2  }
0x101: {  	v2 =	vld [tilespmem:s8+$0x30];
	_ =	sdelay $0x4  }
0x102: {  	s1 =	simm.s32 $0x0;
	s8 =	simm.s32 $0x1BCC0;
	[tilespmem:s13+$0x180] =	vst v2  }
.LBB2_8:
0x103: {  	v2 =	vld [tilespmem:s8+$0xFFFFFFC0];
	s1 =	sadd.s32 $0x8, s1  }
0x104: {  	p1 =	slt.u32 s1, $0x78;
	_ =	sdelay $0x2  }
0x105: {  	s13 =	sadd.s32 $0x400, s13  }
0x106: {  	[tilespmem:s13+$0xFFFFFE00] =	vst v2  }
0x107: {  	v2 =	vld [tilespmem:s8+$0xFFFFFFD0];
	_ =	sdelay $0x4  }
0x108: {  	[tilespmem:s13+$0xFFFFFE80] =	vst v2  }
0x109: {  	v2 =	vld [tilespmem:s8+$0xFFFFFFE0];
	_ =	sdelay $0x4  }
0x10a: {  	[tilespmem:s13+$0xFFFFFF00] =	vst v2  }
0x10b: {  	v2 =	vld [tilespmem:s8+$0xFFFFFFF0];
	_ =	sdelay $0x4  }
0x10c: {  	[tilespmem:s13+$0xFFFFFF80] =	vst v2  }
0x10d: {  	v2 =	vld [tilespmem:s8+$0x0];
	_ =	sdelay $0x4  }
0x10e: {  	[tilespmem:s13+$0x0] =	vst v2  }
0x10f: {  	v2 =	vld [tilespmem:s8+$0x10];
	_ =	sdelay $0x4  }
0x110: {  	[tilespmem:s13+$0x80] =	vst v2  }
0x111: {  	v2 =	vld [tilespmem:s8+$0x20];
	_ =	sdelay $0x4  }
0x112: {  	[tilespmem:s13+$0x100] =	vst v2  }
0x113: {  	v2 =	vld [tilespmem:s8+$0x30]  }
.Ltmp4:
0x114: {  	(pc) =	sbr.rel @p1 .LBB2_8-.Ltmp4, $2  }
0x115: {  	_ =	sdelay $0x2  }
0x116: {  	s8 =	sadd.s32 $0x80, s8;
	[tilespmem:s13+$0x180] =	vst v2  }
0x117: {  	s1 =	sshll.u32 s0, $0x8  }
0x118: {  	s1 =	sand.u32 $0x3FFFFF00, s1  }
0x119: {  	p1 =	seq.s32 s0, $0xC;
	s1 =	sadd.s32 $0x1CC00, s1  }
0x11a: {  	[spmem:s3] =	stream.indirect.scatter.add.f32 [tilespmem:s16], [sflag:$0x3], $0x80, s1, s22, $0xb8;
	[tilespmem:$0x1DC80] =	vst v63  }
0x11b: {  	s1 =	sshll.u32 @!p1 s0, $0xC  }
0x11c: {  	p2 =	seq.s32 @!p1 s0, $0x0;
	_ =	swait.ge [sflag:s23], $0x800;
	s1 =	sadd.s32 @!p1 s1, s31  }
0x11d: {  	s8 =	simm.s32 @!p1 $0x0;
	[sflag:s23] =	ssyncset.done $0x0;
	s1 =	sshrl.u32 @!p1 s1, $0x3  }
0x11e: {  	s13 =	simm.s32 @!p1 $0x1BC00;
	[sflag:s23] =	ssyncadd.s32 $0xFFFFF800;
	s1 =	sadd.s32 @!p1 s5, s1  }
0x11f: {  	[tilespmem:s13], [sflag:$0x1] =	stream.linear.gather @!p1 [hbm4b:s1+s8], $0x800, $0x38;
	[tilespmem:$0x1DC80] =	vst v63  }
0x120: {  	p1 =	por p1, !p2  }
0x121: {  	_ =	swait.ge @p1 [sflag:s26], $0x4000  }
0x122: {  	[sflag:s26] =	ssyncset.done @p1 $0x0  }
0x123: {  	s8 =	simm.s32 $0x1C440;
	[sflag:s26] =	ssyncadd.s32 @p1 $0xFFFFC000  }
0x124: {  	v2 =	vld [tilespmem:s8+$0xFFFFFFC0];
	_ =	sdelay $0x3  }
0x125: {  	s13 =	simm.s32 $0x17E00  }
0x126: {  	[tilespmem:s13+$0xFFFFFE00] =	vst v2  }
0x127: {  	v2 =	vld [tilespmem:s8+$0xFFFFFFD0];
	_ =	sdelay $0x4  }
0x128: {  	[tilespmem:s13+$0xFFFFFE80] =	vst v2  }
0x129: {  	v2 =	vld [tilespmem:s8+$0xFFFFFFE0];
	_ =	sdelay $0x4  }
0x12a: {  	[tilespmem:s13+$0xFFFFFF00] =	vst v2  }
0x12b: {  	v2 =	vld [tilespmem:s8+$0xFFFFFFF0];
	_ =	sdelay $0x4  }
0x12c: {  	[tilespmem:s13+$0xFFFFFF80] =	vst v2  }
0x12d: {  	v2 =	vld [tilespmem:s8+$0x0];
	_ =	sdelay $0x4  }
0x12e: {  	[tilespmem:s13+$0x0] =	vst v2  }
0x12f: {  	v2 =	vld [tilespmem:s8+$0x10];
	_ =	sdelay $0x4  }
0x130: {  	[tilespmem:s13+$0x80] =	vst v2  }
0x131: {  	v2 =	vld [tilespmem:s8+$0x20];
	_ =	sdelay $0x4  }
0x132: {  	[tilespmem:s13+$0x100] =	vst v2  }
0x133: {  	v2 =	vld [tilespmem:s8+$0x30];
	_ =	sdelay $0x4  }
0x134: {  	s1 =	simm.s32 $0x0;
	s8 =	simm.s32 $0x1C4C0;
	[tilespmem:s13+$0x180] =	vst v2  }
.LBB2_10:
0x135: {  	v2 =	vld [tilespmem:s8+$0xFFFFFFC0];
	s1 =	sadd.s32 $0x8, s1  }
0x136: {  	p1 =	slt.u32 s1, $0x78;
	_ =	sdelay $0x2  }
0x137: {  	s13 =	sadd.s32 $0x400, s13  }
0x138: {  	[tilespmem:s13+$0xFFFFFE00] =	vst v2  }
0x139: {  	v2 =	vld [tilespmem:s8+$0xFFFFFFD0];
	_ =	sdelay $0x4  }
0x13a: {  	[tilespmem:s13+$0xFFFFFE80] =	vst v2  }
0x13b: {  	v2 =	vld [tilespmem:s8+$0xFFFFFFE0];
	_ =	sdelay $0x4  }
0x13c: {  	[tilespmem:s13+$0xFFFFFF00] =	vst v2  }
0x13d: {  	v2 =	vld [tilespmem:s8+$0xFFFFFFF0];
	_ =	sdelay $0x4  }
0x13e: {  	[tilespmem:s13+$0xFFFFFF80] =	vst v2  }
0x13f: {  	v2 =	vld [tilespmem:s8+$0x0];
	_ =	sdelay $0x4  }
0x140: {  	[tilespmem:s13+$0x0] =	vst v2  }
0x141: {  	v2 =	vld [tilespmem:s8+$0x10];
	_ =	sdelay $0x4  }
0x142: {  	[tilespmem:s13+$0x80] =	vst v2  }
0x143: {  	v2 =	vld [tilespmem:s8+$0x20];
	_ =	sdelay $0x4  }
0x144: {  	[tilespmem:s13+$0x100] =	vst v2  }
0x145: {  	v2 =	vld [tilespmem:s8+$0x30]  }
.Ltmp5:
0x146: {  	(pc) =	sbr.rel @p1 .LBB2_10-.Ltmp5, $2  }
0x147: {  	_ =	sdelay $0x2  }
0x148: {  	s8 =	sadd.s32 $0x80, s8;
	[tilespmem:s13+$0x180] =	vst v2  }
0x149: {  	s0 =	sadd.s32 $0x1, s0  }
0x14a: {  	p1 =	sne.s32 s0, $0xD  }
.Ltmp6:
0x14b: {  	_ = 	snop;
	(pc) =	sbr.rel @p1 .LBB2_7-.Ltmp6, $4  }
0x14c: {  	s1 =	sshll.u32 s12, $0x7  }
0x14d: {  	s1 =	sand.u32 $0x3FFFFF80, s1  }
0x14e: {  	s1 =	sadd.s32 $0x1CC00, s1  }
0x14f: {  	[spmem:s3] =	stream.indirect.scatter.add.f32 [tilespmem:s24], [sflag:$0x4], $0x80, s1, s22, $0xb8;
	[tilespmem:$0x1DC80] =	vst v63  }
0x150: {  	s29 =	sadd.s32 $0x1, s29  }
0x151: {  	_ =	swait.ge [sflag:s25], $0x4000;
	p1 =	sne.s32 s29, $0x3  }
.Ltmp7:
0x152: {  	[sflag:s25] =	ssyncset.done $0x0;
	(pc) =	sbr.rel @p1 .LBB2_6-.Ltmp7, $4  }
0x153: {  	[sflag:s25] =	ssyncadd.s32 $0xFFFFC000  }
0x154: {  	_ =	swait.ge [sflag:s26], $0x4000  }
0x155: {  	[sflag:s26] =	ssyncset.done $0x0  }
0x156: {  	[sflag:s26] =	ssyncadd.s32 $0xFFFFC000  }
.Ltmp8:
0x157: {  	(pc) =	sbr.rel @p0 .LBB2_17-.Ltmp8, $3  }
0x158: {  	_ =	sdelay $0x1  }
0x159: {  	s12 =	rddreg [dreg:$0x4]  }
0x15a: {  	s13 =	simm.s32 $0x6;
	s28 =	rddreg [dreg:$0xd]  }
0x15b: {  	s0 =	rddreg [dreg:$0x9];
	s1 =	simm.s32 $0x1DC00  }
0x15c: {  	[tilespmem:s1], [sflag:$0x6] =	stream.linear.gather [hbm4b:s0+s4], $0x80, $0x38;
	[tilespmem:$0x1DC80] =	vst v63  }
0x15d: {  	_ =	swait.ge [sflag:s13], $0x80  }
0x15e: {  	[sflag:s13] =	ssyncset.done $0x0  }
0x15f: {  	s30 =	rddreg [dreg:$0xa];
	[sflag:s13] =	ssyncadd.s32 $0xFFFFFF80  }
0x160: {  	[tilespmem:s19], [sflag:$0x6] =	stream.linear.gather [hbm4b:s30+s4], $0x800, $0x38;
	[tilespmem:$0x1DC80] =	vst v63  }
0x161: {  	_ =	swait.ge [sflag:s13], $0x800  }
0x162: {  	[sflag:s13] =	ssyncset.done $0x0  }
0x163: {  	s31 =	simm.s32 $0x1BC40;
	[sflag:s13] =	ssyncadd.s32 $0xFFFFF800  }
0x164: {  	v2 =	vld [tilespmem:s31+$0xFFFFFFC0];
	_ =	sdelay $0x3  }
0x165: {  	s0 =	simm.s32 $0x13E00  }
0x166: {  	[tilespmem:s0+$0xFFFFFE00] =	vst v2  }
0x167: {  	v2 =	vld [tilespmem:s31+$0xFFFFFFD0];
	_ =	sdelay $0x4  }
0x168: {  	[tilespmem:s0+$0xFFFFFE80] =	vst v2  }
0x169: {  	v2 =	vld [tilespmem:s31+$0xFFFFFFE0];
	_ =	sdelay $0x4  }
0x16a: {  	[tilespmem:s0+$0xFFFFFF00] =	vst v2  }
0x16b: {  	v2 =	vld [tilespmem:s31+$0xFFFFFFF0];
	_ =	sdelay $0x4  }
0x16c: {  	[tilespmem:s0+$0xFFFFFF80] =	vst v2  }
0x16d: {  	v2 =	vld [tilespmem:s31+$0x0];
	_ =	sdelay $0x4  }
0x16e: {  	[tilespmem:s0+$0x0] =	vst v2  }
0x16f: {  	v2 =	vld [tilespmem:s31+$0x10];
	_ =	sdelay $0x4  }
0x170: {  	[tilespmem:s0+$0x80] =	vst v2  }
0x171: {  	v2 =	vld [tilespmem:s31+$0x20];
	_ =	sdelay $0x4  }
0x172: {  	[tilespmem:s0+$0x100] =	vst v2  }
0x173: {  	v2 =	vld [tilespmem:s31+$0x30];
	_ =	sdelay $0x4  }
0x174: {  	s8 =	simm.s32 $0x1BCC0;
	s1 =	simm.s32 $0x0;
	[tilespmem:s0+$0x180] =	vst v2  }
.LBB2_15:
0x175: {  	v2 =	vld [tilespmem:s8+$0xFFFFFFC0];
	s1 =	sadd.s32 $0x8, s1  }
0x176: {  	p1 =	slt.u32 s1, $0x78;
	_ =	sdelay $0x2  }
0x177: {  	s0 =	sadd.s32 $0x400, s0  }
0x178: {  	[tilespmem:s0+$0xFFFFFE00] =	vst v2  }
0x179: {  	v2 =	vld [tilespmem:s8+$0xFFFFFFD0];
	_ =	sdelay $0x4  }
0x17a: {  	[tilespmem:s0+$0xFFFFFE80] =	vst v2  }
0x17b: {  	v2 =	vld [tilespmem:s8+$0xFFFFFFE0];
	_ =	sdelay $0x4  }
0x17c: {  	[tilespmem:s0+$0xFFFFFF00] =	vst v2  }
0x17d: {  	v2 =	vld [tilespmem:s8+$0xFFFFFFF0];
	_ =	sdelay $0x4  }
0x17e: {  	[tilespmem:s0+$0xFFFFFF80] =	vst v2  }
0x17f: {  	v2 =	vld [tilespmem:s8+$0x0];
	_ =	sdelay $0x4  }
0x180: {  	[tilespmem:s0+$0x0] =	vst v2  }
0x181: {  	v2 =	vld [tilespmem:s8+$0x10];
	_ =	sdelay $0x4  }
0x182: {  	[tilespmem:s0+$0x80] =	vst v2  }
0x183: {  	v2 =	vld [tilespmem:s8+$0x20];
	_ =	sdelay $0x4  }
0x184: {  	[tilespmem:s0+$0x100] =	vst v2  }
0x185: {  	v2 =	vld [tilespmem:s8+$0x30]  }
.Ltmp9:
0x186: {  	(pc) =	sbr.rel @p1 .LBB2_15-.Ltmp9, $2  }
0x187: {  	_ =	sdelay $0x2  }
0x188: {  	s8 =	sadd.s32 $0x80, s8;
	[tilespmem:s0+$0x180] =	vst v2  }
.Ltmp10:
0x189: {  	s0 =	simm.s32 $0x1DC00;
	(pc) =	sbr.rel .LBB2_17-.Ltmp10, $4  }
0x18a: {  	[spmem:s3] =	stream.indirect.scatter.add.f32 [tilespmem:s16], [sflag:$0x6], $0x80, s0, s22, $0xb8;
	[tilespmem:$0x1DC80] =	vst v63  }
0x18b: {  	_ =	swait.ge [sflag:s13], $0x4000  }
0x18c: {  	[sflag:s13] =	ssyncset.done $0x0  }
0x18d: {  	s28 =	rddreg [dreg:$0xd];
	[sflag:s13] =	ssyncadd.s32 $0xFFFFC000  }
.LBB2_18:
0x18e: {  	_ =	sfence.sel $0x180000  }
0x18f: {  	[bflag:$0x0] =	sbarrier.arrive $0xFFFF  }
0x190: {  	_ =	strace $0x90000047  }
0x191: {  	s0 =	stileid.u32;
	[bflag:$0x2] =	sbarrier.arrive $0xFFFF  }
0x192: {  	p0 =	sne.s32 s0, $0x0;
	s0 =	rddreg [dreg:$0x3]  }
0x193: {  	s0 =	sadd.s32 @!p0 $0x100000, s0  }
0x194: {  	[sflag:s0] =	ssyncadd.tile.s32 @!p0 $0x1;
	_ =	shalt  }
.Lfunc_end2:
_tile_overlayer_lowered:
.L_overlay_start_2:
0x195: {  	(tag) =	ssettag $0x2  }
0x196: {  	s0 =	rddreg [dreg:$0x0];
	s2 =	stileid.u32  }
0x197: {  	s1 =	rddreg [dreg:$0x1];
	p0 =	sne.s32 s2, $0x0  }
0x198: {  	s3 =	rddreg [dreg:$0x2];
	[bflag:$0x3] =	sbarrier.arrive $0xFFFF;
	s2 =	simm.s32 @!p0 $0x1C06  }
0x199: {  	[timem:s3], [sflag:s2] =	dma.local @!p0 [hbm:s0], s1  }
0x19a: {  	s0 =	simm.s32 @!p0 $0x6  }
0x19b: {  	_ =	swait.ge @!p0 [sflag:s0], s1  }
0x19c: {  	s1 =	ssub.s32 @!p0 $0x0, s1;
	[sflag:s0] =	ssyncset.done @!p0 $0x0  }
0x19d: {  	[sflag:s0] =	ssyncadd.s32 @!p0 s1  }
0x19e: {  	[bflag:$0x3] =	sbarrier.arrive $0xFFFF  }
0x19f: {  	_ =	shalt  }

</sc_bundles>
